<compile_context>
chip_gen: v7x
topology: tpu7x:2x2x1
jax: 0.10.2.dev20260603
libtpu: 0.0.44.dev20260713+nightly
codegen_flags: <defaults>
</compile_context>

<pallas_src>
import functools

import numpy as np
import jax
import jax.numpy as jnp
from jax import lax
from jax.experimental import pallas as pl
from jax.experimental.pallas import tpu as pltpu
from jax.experimental.pallas import tpu_sc as plsc

N = 10000
D = 128
E = 320000

NC = 2
NS = 16
NW = NC * NS

K = 128
NCH = 80
IB_DEG = 40
EPT = K * NCH
E_PAD = NW * EPT


ACC_ROWS = 10240
ZCH = ACC_ROWS // NS // K
RPT = ACC_ROWS // NS

M_BLK = 1000
GRID = N // M_BLK

K2 = 64
NCH2 = E_PAD // (NW * K2)
IB2 = 40
NBUF = 4

_PAD_N = E_PAD - E
_PAD_SRC = (np.arange(_PAD_N, dtype=np.int32) * 37) % N
_PAD_DST = N + (np.arange(_PAD_N, dtype=np.int32) % (ACC_ROWS - N))

_MESH = plsc.VectorSubcoreMesh(
    core_axis_name="c", subcore_axis_name="s", num_cores=NC, num_subcores=NS
)


def _fill2d(buf, rows, cols, val):
  vec = jnp.full((16,), val, jnp.float32)

  def body(i, carry):
    for j in range(cols // 16):
      buf[i, pl.ds(j * 16, 16)] = vec
    return carry

  lax.fori_loop(0, rows, body, 0)


@functools.partial(
    pl.kernel,
    out_type=jax.ShapeDtypeStruct((NC, ACC_ROWS, D), jnp.float32),
    mesh=_MESH,
    scratch_types=[
        pltpu.VMEM((IB_DEG, K), jnp.int32),
        pltpu.VMEM((K, D), jnp.float32),
        pltpu.VMEM_SHARED((ACC_ROWS, D), jnp.float32),
    ],
)
def _sc_degree(dst_hbm, out_hbm, dst_v, ones_v, acc_sh):
  c = lax.axis_index("c")
  s = lax.axis_index("s")
  wid = c * NS + s

  _fill2d(ones_v, K, D, 0.0)
  for t in range(ZCH):
    pltpu.sync_copy(ones_v, acc_sh.at[pl.ds(s * (ZCH * K) + t * K, K)])
  plsc.subcore_barrier()

  _fill2d(ones_v, K, D, 1.0)

  def blk(b, carry):
    pltpu.sync_copy(dst_hbm.at[wid, pl.ds(b * IB_DEG, IB_DEG)], dst_v)

    def body(j, carry2):
      pltpu.sync_copy(ones_v, acc_sh.at[dst_v.at[j]], add=True)
      return carry2

    lax.fori_loop(0, IB_DEG, body, 0)
    return carry

  lax.fori_loop(0, NCH // IB_DEG, blk, 0)
  plsc.subcore_barrier()

  pltpu.sync_copy(acc_sh.at[pl.ds(s * RPT, RPT)], out_hbm.at[c, pl.ds(s * RPT, RPT)])


@functools.partial(
    pl.kernel,
    out_type=jax.ShapeDtypeStruct((NC, ACC_ROWS, D), jnp.float32),
    mesh=_MESH,
    scratch_types=[
        pltpu.VMEM((IB2, K2), jnp.int32),
        pltpu.VMEM((IB2, K2), jnp.int32),
        [pltpu.VMEM((K2, D), jnp.float32)] * NBUF,
        [pltpu.SemaphoreType.DMA] * NBUF,
        pltpu.VMEM_SHARED((ACC_ROWS, D), jnp.float32),
    ],
)
def _sc_prop(y_hbm, src_hbm, dst_hbm, out_hbm,
             src_v, dst_v, rows, sems, acc_sh):
  c = lax.axis_index("c")
  s = lax.axis_index("s")
  wid = c * NS + s

  _fill2d(rows[0], K2, D, 0.0)
  for t in range(ACC_ROWS // NS // K2):
    pltpu.sync_copy(rows[0], acc_sh.at[pl.ds(s * RPT + t * K2, K2)])
  plsc.subcore_barrier()

  def blk(b, carry):
    pltpu.sync_copy(src_hbm.at[wid, pl.ds(b * IB2, IB2)], src_v)
    pltpu.sync_copy(dst_hbm.at[wid, pl.ds(b * IB2, IB2)], dst_v)
    for t in range(NBUF):
      pltpu.async_copy(y_hbm.at[src_v.at[t]], rows[t], sems[t])

    def body(i, carry2):
      j0 = i * NBUF
      for t in range(NBUF):
        j = j0 + t
        pltpu.make_async_copy(y_hbm.at[src_v.at[j]], rows[t], sems[t]).wait()
        pltpu.sync_copy(rows[t], acc_sh.at[dst_v.at[j]], add=True)

        @pl.when(j + NBUF < IB2)
        def _():
          pltpu.async_copy(y_hbm.at[src_v.at[j + NBUF]], rows[t], sems[t])
      return carry2

    lax.fori_loop(0, IB2 // NBUF, body, 0)
    return carry

  lax.fori_loop(0, NCH2 // IB2, blk, 0)
  plsc.subcore_barrier()

  pltpu.sync_copy(acc_sh.at[pl.ds(s * RPT, RPT)], out_hbm.at[c, pl.ds(s * RPT, RPT)])


def _dinv_block(deg_ref):
  d = deg_ref[0, :, 0:1] + deg_ref[1, :, 0:1] + 1.0
  return lax.rsqrt(jnp.maximum(d, 1.0))


def _tc_mm_body(x_ref, wp_ref, bp_ref, w1_ref, xp_ref, xw1_ref):
  x = x_ref[...]
  xp_ref[...] = jnp.maximum(
      jnp.dot(x, wp_ref[...], preferred_element_type=jnp.float32) + bp_ref[...],
      0.0)
  xw1_ref[...] = jnp.dot(x, w1_ref[...], preferred_element_type=jnp.float32)


def _tc_scale_body(xw1_ref, deg_ref, y1_ref):
  y1_ref[...] = _dinv_block(deg_ref) * xw1_ref[...]


def _tc_parts_body(xp_ref, w2a_ref, w3a_ref, p2_ref, p3a_ref):
  xp = xp_ref[...]
  p2_ref[...] = jnp.dot(xp, w2a_ref[...], preferred_element_type=jnp.float32)
  p3a_ref[...] = jnp.dot(xp, w3a_ref[...], preferred_element_type=jnp.float32)


def _tc_part3b_body(p3a_ref, h1_ref, w3b_ref, p3_ref):
  p3_ref[...] = p3a_ref[...] + jnp.dot(
      h1_ref[...], w3b_ref[...], preferred_element_type=jnp.float32)


def _tc_fuse1_body(acc_ref, y1_ref, deg_ref, b1_ref, p2_ref, w2b_ref,
                   h1_ref, y2_ref):
  dinv = _dinv_block(deg_ref)
  h1 = jnp.maximum(
      dinv * (acc_ref[0] + acc_ref[1] + y1_ref[...]) + b1_ref[...], 0.0)
  h1_ref[...] = h1
  y2_ref[...] = dinv * (p2_ref[...] + jnp.dot(
      h1, w2b_ref[...], preferred_element_type=jnp.float32))


def _tc_fuse2_body(acc_ref, y2_ref, deg_ref, b2_ref, p3_ref, w3c_ref,
                   h2_ref, y3_ref):
  dinv = _dinv_block(deg_ref)
  h2 = jnp.maximum(
      dinv * (acc_ref[0] + acc_ref[1] + y2_ref[...]) + b2_ref[...], 0.0)
  h2_ref[...] = h2
  y3_ref[...] = dinv * (p3_ref[...] + jnp.dot(
      h2, w3c_ref[...], preferred_element_type=jnp.float32))


def _tc_fuse3_body(acc_ref, y3_ref, deg_ref, b3_ref, h3_ref):
  dinv = _dinv_block(deg_ref)
  h3_ref[...] = jnp.maximum(
      dinv * (acc_ref[0] + acc_ref[1] + y3_ref[...]) + b3_ref[...], 0.0)


def _row_spec(shape_tail):
  return pl.BlockSpec((M_BLK,) + shape_tail, lambda i: (i,) + (0,) * len(shape_tail))


def _acc_spec(tail):
  return pl.BlockSpec((NC, M_BLK, tail), lambda i: (0, i, 0))


_DEG_SPEC = pl.BlockSpec((NC, M_BLK, D), lambda i: (0, i, 0))


def _full_spec(shape):
  return pl.BlockSpec(shape, lambda i: (0,) * len(shape))


_F32 = jnp.float32


def _mm2(body, ins, specs, n_out):
  return pl.pallas_call(
      body,
      grid=(GRID,),
      in_specs=specs,
      out_specs=[_row_spec((D,))] * n_out if n_out > 1 else _row_spec((D,)),
      out_shape=[jax.ShapeDtypeStruct((N, D), _F32)] * n_out if n_out > 1
      else jax.ShapeDtypeStruct((N, D), _F32),
  )(*ins)


def _tc_mm(x, W_proj, b_proj, W1):
  return _mm2(_tc_mm_body, (x, W_proj, b_proj, W1),
              [_row_spec((D,)), _full_spec((D, D)), _full_spec((1, D)),
               _full_spec((D, D))], 2)


def _tc_scale(xw1, deg2):
  return _mm2(_tc_scale_body, (xw1, deg2),
              [_row_spec((D,)), _DEG_SPEC], 1)


def _tc_parts(xp, W2a, W3a):
  return _mm2(_tc_parts_body, (xp, W2a, W3a),
              [_row_spec((D,)), _full_spec((D, D)), _full_spec((D, D))], 2)


def _tc_part3b(p3a, h1, W3b):
  return _mm2(_tc_part3b_body, (p3a, h1, W3b),
              [_row_spec((D,)), _row_spec((D,)), _full_spec((D, D))], 1)


def _tc_fuse1(acc, y1, deg2, b1, p2, W2b):
  return _mm2(_tc_fuse1_body, (acc, y1, deg2, b1, p2, W2b),
              [_acc_spec(D), _row_spec((D,)), _DEG_SPEC,
               _full_spec((1, D)), _row_spec((D,)), _full_spec((D, D))], 2)


def _tc_fuse2(acc, y2, deg2, b2, p3, W3c):
  return _mm2(_tc_fuse2_body, (acc, y2, deg2, b2, p3, W3c),
              [_acc_spec(D), _row_spec((D,)), _DEG_SPEC,
               _full_spec((1, D)), _row_spec((D,)), _full_spec((D, D))], 2)


def _tc_fuse3(acc, y3, deg2, b3):
  return _mm2(_tc_fuse3_body, (acc, y3, deg2, b3),
              [_acc_spec(D), _row_spec((D,)), _DEG_SPEC,
               _full_spec((1, D))], 1)


def kernel(x, edge_index, W_proj, b_proj, W1, b1, W2, b2, W3, b3):
  src_p = jnp.concatenate([edge_index[0], _PAD_SRC])
  dst_p = jnp.concatenate([edge_index[1], _PAD_DST])
  src3 = src_p.reshape(NW, NCH2, K2)
  dst3 = dst_p.reshape(NW, NCH2, K2)
  dst3deg = dst_p.reshape(NW, NCH, K)

  b_proj2 = b_proj.reshape(1, D)
  b1_2 = b1.reshape(1, D)
  b2_2 = b2.reshape(1, D)
  b3_2 = b3.reshape(1, D)

  deg2 = _sc_degree(dst3deg)
  xp, xw1 = _tc_mm(x, W_proj, b_proj2, W1)
  y1 = _tc_scale(xw1, deg2)
  acc1 = _sc_prop(y1, src3, dst3)
  p2, p3a = _tc_parts(xp, W2[:D], W3[:D])
  h1, y2 = _tc_fuse1(acc1, y1, deg2, b1_2, p2, W2[D:])
  acc2 = _sc_prop(y2, src3, dst3)
  p3 = _tc_part3b(p3a, h1, W3[D:2 * D])
  h2, y3 = _tc_fuse2(acc2, y2, deg2, b2_2, p3, W3[2 * D:])
  acc3 = _sc_prop(y3, src3, dst3)
  return _tc_fuse3(acc3, y3, deg2, b3_2)

# --- scband reference (transcript-rebuilt; emitter-appended) ---
"""Pipeline reference for scband-dense-gcn-13786845020601 (READ-ONLY COPY).

The authoritative reference and input builder live on the scoring server;
editing this copy changes nothing except your own understanding.
"""

import jax, jax.numpy as jnp
import numpy as np

N = 10000
E = 320000
D_IN = 128
D_OUT = 128


def setup_inputs(seed: int = 0) -> dict:
    key = jax.random.key(seed)
    ks = jax.random.split(key, 12)
    x = jax.random.normal(ks[0], (N, D_IN), dtype=jnp.float32)
    edge_index = jax.random.randint(ks[1], (2, E), 0, N, dtype=jnp.int32)

    def lin_init(kw, kb, fan_in, fan_out):
        bound = 1.0 / np.sqrt(fan_in)
        W = jax.random.uniform(kw, (fan_in, fan_out), jnp.float32, -bound, bound)
        b = jax.random.uniform(kb, (fan_out,), jnp.float32, -bound, bound)
        return W, b

    W_proj, b_proj = lin_init(ks[2], ks[3], D_IN, D_OUT)
    W1, b1 = lin_init(ks[4], ks[5], D_IN, D_OUT)
    W2, b2 = lin_init(ks[6], ks[7], 2 * D_OUT, D_OUT)
    W3, b3 = lin_init(ks[8], ks[9], 3 * D_OUT, D_OUT)
    return {
        "x": x, "edge_index": edge_index,
        "W_proj": W_proj, "b_proj": b_proj,
        "W1": W1, "b1": b1,
        "W2": W2, "b2": b2,
        "W3": W3, "b3": b3,
    }


def _gcn_conv(x, edge_index, W, b):
    # GCNConv: add self-loops, symmetric normalization D^-1/2 (A+I) D^-1/2 X W + b
    n = x.shape[0]
    loop = jnp.arange(n, dtype=edge_index.dtype)
    src = jnp.concatenate([edge_index[0], loop])
    dst = jnp.concatenate([edge_index[1], loop])
    deg = jnp.zeros((n,), dtype=x.dtype).at[dst].add(1.0)
    dinv = jax.lax.rsqrt(jnp.clip(deg, 1.0))
    norm = dinv[src] * dinv[dst]
    xw = x @ W
    msg = xw[src] * norm[:, None]
    out = jnp.zeros((n, W.shape[1]), dtype=x.dtype).at[dst].add(msg)
    return out + b


def reference(x, edge_index, W_proj, b_proj, W1, b1, W2, b2, W3, b3):
    act = jax.nn.relu
    x_p = act(x @ W_proj + b_proj)
    h1 = act(_gcn_conv(x, edge_index, W1, b1))
    in2 = jnp.concatenate([x_p, h1], axis=1)
    h2 = act(_gcn_conv(in2, edge_index, W2, b2))
    in3 = jnp.concatenate([x_p, h1, h2], axis=1)
    h3 = act(_gcn_conv(in3, edge_index, W3, b3))
    return h3

if __name__ == "__main__":
    import jax
    _d = setup_inputs()
    print(jax.jit(kernel)(*tuple(_d.values())))

</pallas_src>

<mosaic_0001>
#map = affine_map<(d0, d1) -> (0, 0)>
#map1 = affine_map<(d0, d1) -> (0, 0, 0)>
module attributes {stable_mosaic.version = 14 : i64} {
  func.func @_sc_prop(%arg0: i32, %arg1: i32, %arg2: memref<10000x128xf32, #tpu.memory_space<hbm>>, %arg3: memref<32x160x64xi32, #tpu.memory_space<hbm>>, %arg4: memref<32x160x64xi32, #tpu.memory_space<hbm>>, %arg5: memref<2x10240x128xf32, #tpu.memory_space<hbm>>, %arg6: memref<40x64xi32, #tpu.memory_space<vmem>>, %arg7: memref<40x64xi32, #tpu.memory_space<vmem>>, %arg8: memref<64x128xf32, #tpu.memory_space<vmem>>, %arg9: memref<64x128xf32, #tpu.memory_space<vmem>>, %arg10: memref<64x128xf32, #tpu.memory_space<vmem>>, %arg11: memref<64x128xf32, #tpu.memory_space<vmem>>, %arg12: memref<!tpu.dma_semaphore, #tpu.memory_space<semaphore_mem>>, %arg13: memref<!tpu.dma_semaphore, #tpu.memory_space<semaphore_mem>>, %arg14: memref<!tpu.dma_semaphore, #tpu.memory_space<semaphore_mem>>, %arg15: memref<!tpu.dma_semaphore, #tpu.memory_space<semaphore_mem>>, %arg16: memref<10240x128xf32, #tpu.memory_space<vmem_shared>>) attributes {dimension_semantics = [#tpu.dimension_semantics<core_parallel>, #tpu.dimension_semantics<subcore_parallel>], iteration_bounds = array<i64: 2, 16>, scalar_prefetch = 0 : i64, scratch_operands = 11 : i64, tpu.core_type = #tpu.core_type<sc_vector_subcore>, window_params = [{transform_indices = #map}, {transform_indices = #map1}, {transform_indices = #map1}, {transform_indices = #map1}]} {
    %mul3A = arith.constant 16 : i32
    %mul3A_0 = arith.muli %arg0, %mul3A : i32
    %add3A = arith.addi %mul3A_0, %arg1 : i32
    %broadcast_in_dim3A = arith.constant 0.000000e+00 : f32
    %broadcast_in_dim3A_1 = vector.broadcast %broadcast_in_dim3A : f32 to vector<16xf32>
    %scan3A = arith.constant 0 : i32
    %scan3A_2 = arith.constant 0 : i32
    %scan3A_3 = arith.constant 64 : i32
    %scan3A_4 = arith.addi %scan3A_2, %scan3A_3 : i32
    %scan3A_5 = arith.constant 1 : i32
    scf.for %scan3A_58 = %scan3A_2 to %scan3A_4 step %scan3A_5  : i32 {
      %swap3A = arith.index_cast %scan3A_58 : i32 to index
      %swap3A_59 = arith.constant 0 : index
      %swap3A_60 = tpu.vector_load %arg8[%swap3A, %swap3A_59] {strides = array<i32>} : memref<64x128xf32, #tpu.memory_space<vmem>>, vector<1x16xf32>,
      %swap3A_61 = vector.shape_cast %swap3A_60 : vector<1x16xf32> to vector<16xf32>
      %swap3A_62 = vector.shape_cast %broadcast_in_dim3A_1 : vector<16xf32> to vector<1x16xf32>
      tpu.vector_store %arg8[%swap3A, %swap3A_59], %swap3A_62 {strides = array<i32>} : memref<64x128xf32, #tpu.memory_space<vmem>>, vector<1x16xf32>,
      %swap3A_63 = arith.index_cast %scan3A_58 : i32 to index
      %swap3A_64 = arith.constant 16 : index
      %swap3A_65 = tpu.vector_load %arg8[%swap3A_63, %swap3A_64] {strides = array<i32>} : memref<64x128xf32, #tpu.memory_space<vmem>>, vector<1x16xf32>,
      %swap3A_66 = vector.shape_cast %swap3A_65 : vector<1x16xf32> to vector<16xf32>
      %swap3A_67 = vector.shape_cast %broadcast_in_dim3A_1 : vector<16xf32> to vector<1x16xf32>
      tpu.vector_store %arg8[%swap3A_63, %swap3A_64], %swap3A_67 {strides = array<i32>} : memref<64x128xf32, #tpu.memory_space<vmem>>, vector<1x16xf32>,
      %swap3A_68 = arith.index_cast %scan3A_58 : i32 to index
      %swap3A_69 = arith.constant 32 : index
      %swap3A_70 = tpu.vector_load %arg8[%swap3A_68, %swap3A_69] {strides = array<i32>} : memref<64x128xf32, #tpu.memory_space<vmem>>, vector<1x16xf32>,
      %swap3A_71 = vector.shape_cast %swap3A_70 : vector<1x16xf32> to vector<16xf32>
      %swap3A_72 = vector.shape_cast %broadcast_in_dim3A_1 : vector<16xf32> to vector<1x16xf32>
      tpu.vector_store %arg8[%swap3A_68, %swap3A_69], %swap3A_72 {strides = array<i32>} : memref<64x128xf32, #tpu.memory_space<vmem>>, vector<1x16xf32>,
      %swap3A_73 = arith.index_cast %scan3A_58 : i32 to index
      %swap3A_74 = arith.constant 48 : index
      %swap3A_75 = tpu.vector_load %arg8[%swap3A_73, %swap3A_74] {strides = array<i32>} : memref<64x128xf32, #tpu.memory_space<vmem>>, vector<1x16xf32>,
      %swap3A_76 = vector.shape_cast %swap3A_75 : vector<1x16xf32> to vector<16xf32>
      %swap3A_77 = vector.shape_cast %broadcast_in_dim3A_1 : vector<16xf32> to vector<1x16xf32>
      tpu.vector_store %arg8[%swap3A_73, %swap3A_74], %swap3A_77 {strides = array<i32>} : memref<64x128xf32, #tpu.memory_space<vmem>>, vector<1x16xf32>,
      %swap3A_78 = arith.index_cast %scan3A_58 : i32 to index
      %swap3A_79 = arith.constant 64 : index
      %swap3A_80 = tpu.vector_load %arg8[%swap3A_78, %swap3A_79] {strides = array<i32>} : memref<64x128xf32, #tpu.memory_space<vmem>>, vector<1x16xf32>,
      %swap3A_81 = vector.shape_cast %swap3A_80 : vector<1x16xf32> to vector<16xf32>
      %swap3A_82 = vector.shape_cast %broadcast_in_dim3A_1 : vector<16xf32> to vector<1x16xf32>
      tpu.vector_store %arg8[%swap3A_78, %swap3A_79], %swap3A_82 {strides = array<i32>} : memref<64x128xf32, #tpu.memory_space<vmem>>, vector<1x16xf32>,
      %swap3A_83 = arith.index_cast %scan3A_58 : i32 to index
      %swap3A_84 = arith.constant 80 : index
      %swap3A_85 = tpu.vector_load %arg8[%swap3A_83, %swap3A_84] {strides = array<i32>} : memref<64x128xf32, #tpu.memory_space<vmem>>, vector<1x16xf32>,
      %swap3A_86 = vector.shape_cast %swap3A_85 : vector<1x16xf32> to vector<16xf32>
      %swap3A_87 = vector.shape_cast %broadcast_in_dim3A_1 : vector<16xf32> to vector<1x16xf32>
      tpu.vector_store %arg8[%swap3A_83, %swap3A_84], %swap3A_87 {strides = array<i32>} : memref<64x128xf32, #tpu.memory_space<vmem>>, vector<1x16xf32>,
      %swap3A_88 = arith.index_cast %scan3A_58 : i32 to index
      %swap3A_89 = arith.constant 96 : index
      %swap3A_90 = tpu.vector_load %arg8[%swap3A_88, %swap3A_89] {strides = array<i32>} : memref<64x128xf32, #tpu.memory_space<vmem>>, vector<1x16xf32>,
      %swap3A_91 = vector.shape_cast %swap3A_90 : vector<1x16xf32> to vector<16xf32>
      %swap3A_92 = vector.shape_cast %broadcast_in_dim3A_1 : vector<16xf32> to vector<1x16xf32>
      tpu.vector_store %arg8[%swap3A_88, %swap3A_89], %swap3A_92 {strides = array<i32>} : memref<64x128xf32, #tpu.memory_space<vmem>>, vector<1x16xf32>,
      %swap3A_93 = arith.index_cast %scan3A_58 : i32 to index
      %swap3A_94 = arith.constant 112 : index
      %swap3A_95 = tpu.vector_load %arg8[%swap3A_93, %swap3A_94] {strides = array<i32>} : memref<64x128xf32, #tpu.memory_space<vmem>>, vector<1x16xf32>,
      %swap3A_96 = vector.shape_cast %swap3A_95 : vector<1x16xf32> to vector<16xf32>
      %swap3A_97 = vector.shape_cast %broadcast_in_dim3A_1 : vector<16xf32> to vector<1x16xf32>
      tpu.vector_store %arg8[%swap3A_93, %swap3A_94], %swap3A_97 {strides = array<i32>} : memref<64x128xf32, #tpu.memory_space<vmem>>, vector<1x16xf32>,
    }
    %scan3A_6 = arith.constant 64 : i32
    %mul3A_7 = arith.constant 640 : i32
    %mul3A_8 = arith.muli %arg1, %mul3A_7 : i32
    %add3A_9 = arith.constant 0 : i32
    %add3A_10 = arith.addi %mul3A_8, %add3A_9 : i32
    "tpu.region"() ({
      %run_scoped3A = tpu.sem_alloc : memref<!tpu.dma_semaphore, #tpu.memory_space<semaphore_mem>>
      %dma_start3A = arith.constant 0 : i32
      %dma_start3A_58 = tpu.memref_slice %arg16[%add3A_10, %dma_start3A] : memref<10240x128xf32, #tpu.memory_space<vmem_shared>> -> memref<64x128xf32, #tpu.memory_space<vmem_shared>>
      %dma_start3A_59 = arith.constant 0 : i32
      %dma_start3A_60 = tpu.memref_slice %arg16[%add3A_10, %dma_start3A_59] : memref<10240x128xf32, #tpu.memory_space<vmem_shared>> -> memref<64x128xf32, #tpu.memory_space<vmem_shared>>
      tpu.enqueue_dma source(%arg8 : memref<64x128xf32, #tpu.memory_space<vmem>>) target(%dma_start3A_60 : memref<64x128xf32, #tpu.memory_space<vmem_shared>>) target_semaphore(%run_scoped3A : memref<!tpu.dma_semaphore, #tpu.memory_space<semaphore_mem>>)
      %dma_wait3A = arith.constant 0 : i32
      %dma_wait3A_61 = tpu.memref_slice %arg16[%add3A_10, %dma_wait3A] : memref<10240x128xf32, #tpu.memory_space<vmem_shared>> -> memref<64x128xf32, #tpu.memory_space<vmem_shared>>
      %dma_wait3A_62 = arith.constant 0 : i32
      %dma_wait3A_63 = tpu.memref_slice %arg16[%add3A_10, %dma_wait3A_62] : memref<10240x128xf32, #tpu.memory_space<vmem_shared>> -> memref<64x128xf32, #tpu.memory_space<vmem_shared>>
      tpu.wait_dma2 semaphore(%run_scoped3A : memref<!tpu.dma_semaphore, #tpu.memory_space<semaphore_mem>>) src(%arg8 : memref<64x128xf32, #tpu.memory_space<vmem>>) dst(%dma_wait3A_63 : memref<64x128xf32, #tpu.memory_space<vmem_shared>>)
      tpu.yield
    }) : () -> ()
    %mul3A_11 = arith.constant 640 : i32
    %mul3A_12 = arith.muli %arg1, %mul3A_11 : i32
    %add3A_13 = arith.constant 64 : i32
    %add3A_14 = arith.addi %mul3A_12, %add3A_13 : i32
    "tpu.region"() ({
      %run_scoped3A = tpu.sem_alloc : memref<!tpu.dma_semaphore, #tpu.memory_space<semaphore_mem>>
      %dma_start3A = arith.constant 0 : i32
      %dma_start3A_58 = tpu.memref_slice %arg16[%add3A_14, %dma_start3A] : memref<10240x128xf32, #tpu.memory_space<vmem_shared>> -> memref<64x128xf32, #tpu.memory_space<vmem_shared>>
      %dma_start3A_59 = arith.constant 0 : i32
      %dma_start3A_60 = tpu.memref_slice %arg16[%add3A_14, %dma_start3A_59] : memref<10240x128xf32, #tpu.memory_space<vmem_shared>> -> memref<64x128xf32, #tpu.memory_space<vmem_shared>>
      tpu.enqueue_dma source(%arg8 : memref<64x128xf32, #tpu.memory_space<vmem>>) target(%dma_start3A_60 : memref<64x128xf32, #tpu.memory_space<vmem_shared>>) target_semaphore(%run_scoped3A : memref<!tpu.dma_semaphore, #tpu.memory_space<semaphore_mem>>)
      %dma_wait3A = arith.constant 0 : i32
      %dma_wait3A_61 = tpu.memref_slice %arg16[%add3A_14, %dma_wait3A] : memref<10240x128xf32, #tpu.memory_space<vmem_shared>> -> memref<64x128xf32, #tpu.memory_space<vmem_shared>>
      %dma_wait3A_62 = arith.constant 0 : i32
      %dma_wait3A_63 = tpu.memref_slice %arg16[%add3A_14, %dma_wait3A_62] : memref<10240x128xf32, #tpu.memory_space<vmem_shared>> -> memref<64x128xf32, #tpu.memory_space<vmem_shared>>
      tpu.wait_dma2 semaphore(%run_scoped3A : memref<!tpu.dma_semaphore, #tpu.memory_space<semaphore_mem>>) src(%arg8 : memref<64x128xf32, #tpu.memory_space<vmem>>) dst(%dma_wait3A_63 : memref<64x128xf32, #tpu.memory_space<vmem_shared>>)
      tpu.yield
    }) : () -> ()
    %mul3A_15 = arith.constant 640 : i32
    %mul3A_16 = arith.muli %arg1, %mul3A_15 : i32
    %add3A_17 = arith.constant 128 : i32
    %add3A_18 = arith.addi %mul3A_16, %add3A_17 : i32
    "tpu.region"() ({
      %run_scoped3A = tpu.sem_alloc : memref<!tpu.dma_semaphore, #tpu.memory_space<semaphore_mem>>
      %dma_start3A = arith.constant 0 : i32
      %dma_start3A_58 = tpu.memref_slice %arg16[%add3A_18, %dma_start3A] : memref<10240x128xf32, #tpu.memory_space<vmem_shared>> -> memref<64x128xf32, #tpu.memory_space<vmem_shared>>
      %dma_start3A_59 = arith.constant 0 : i32
      %dma_start3A_60 = tpu.memref_slice %arg16[%add3A_18, %dma_start3A_59] : memref<10240x128xf32, #tpu.memory_space<vmem_shared>> -> memref<64x128xf32, #tpu.memory_space<vmem_shared>>
      tpu.enqueue_dma source(%arg8 : memref<64x128xf32, #tpu.memory_space<vmem>>) target(%dma_start3A_60 : memref<64x128xf32, #tpu.memory_space<vmem_shared>>) target_semaphore(%run_scoped3A : memref<!tpu.dma_semaphore, #tpu.memory_space<semaphore_mem>>)
      %dma_wait3A = arith.constant 0 : i32
      %dma_wait3A_61 = tpu.memref_slice %arg16[%add3A_18, %dma_wait3A] : memref<10240x128xf32, #tpu.memory_space<vmem_shared>> -> memref<64x128xf32, #tpu.memory_space<vmem_shared>>
      %dma_wait3A_62 = arith.constant 0 : i32
      %dma_wait3A_63 = tpu.memref_slice %arg16[%add3A_18, %dma_wait3A_62] : memref<10240x128xf32, #tpu.memory_space<vmem_shared>> -> memref<64x128xf32, #tpu.memory_space<vmem_shared>>
      tpu.wait_dma2 semaphore(%run_scoped3A : memref<!tpu.dma_semaphore, #tpu.memory_space<semaphore_mem>>) src(%arg8 : memref<64x128xf32, #tpu.memory_space<vmem>>) dst(%dma_wait3A_63 : memref<64x128xf32, #tpu.memory_space<vmem_shared>>)
      tpu.yield
    }) : () -> ()
    %mul3A_19 = arith.constant 640 : i32
    %mul3A_20 = arith.muli %arg1, %mul3A_19 : i32
    %add3A_21 = arith.constant 192 : i32
    %add3A_22 = arith.addi %mul3A_20, %add3A_21 : i32
    "tpu.region"() ({
      %run_scoped3A = tpu.sem_alloc : memref<!tpu.dma_semaphore, #tpu.memory_space<semaphore_mem>>
      %dma_start3A = arith.constant 0 : i32
      %dma_start3A_58 = tpu.memref_slice %arg16[%add3A_22, %dma_start3A] : memref<10240x128xf32, #tpu.memory_space<vmem_shared>> -> memref<64x128xf32, #tpu.memory_space<vmem_shared>>
      %dma_start3A_59 = arith.constant 0 : i32
      %dma_start3A_60 = tpu.memref_slice %arg16[%add3A_22, %dma_start3A_59] : memref<10240x128xf32, #tpu.memory_space<vmem_shared>> -> memref<64x128xf32, #tpu.memory_space<vmem_shared>>
      tpu.enqueue_dma source(%arg8 : memref<64x128xf32, #tpu.memory_space<vmem>>) target(%dma_start3A_60 : memref<64x128xf32, #tpu.memory_space<vmem_shared>>) target_semaphore(%run_scoped3A : memref<!tpu.dma_semaphore, #tpu.memory_space<semaphore_mem>>)
      %dma_wait3A = arith.constant 0 : i32
      %dma_wait3A_61 = tpu.memref_slice %arg16[%add3A_22, %dma_wait3A] : memref<10240x128xf32, #tpu.memory_space<vmem_shared>> -> memref<64x128xf32, #tpu.memory_space<vmem_shared>>
      %dma_wait3A_62 = arith.constant 0 : i32
      %dma_wait3A_63 = tpu.memref_slice %arg16[%add3A_22, %dma_wait3A_62] : memref<10240x128xf32, #tpu.memory_space<vmem_shared>> -> memref<64x128xf32, #tpu.memory_space<vmem_shared>>
      tpu.wait_dma2 semaphore(%run_scoped3A : memref<!tpu.dma_semaphore, #tpu.memory_space<semaphore_mem>>) src(%arg8 : memref<64x128xf32, #tpu.memory_space<vmem>>) dst(%dma_wait3A_63 : memref<64x128xf32, #tpu.memory_space<vmem_shared>>)
      tpu.yield
    }) : () -> ()
    %mul3A_23 = arith.constant 640 : i32
    %mul3A_24 = arith.muli %arg1, %mul3A_23 : i32
    %add3A_25 = arith.constant 256 : i32
    %add3A_26 = arith.addi %mul3A_24, %add3A_25 : i32
    "tpu.region"() ({
      %run_scoped3A = tpu.sem_alloc : memref<!tpu.dma_semaphore, #tpu.memory_space<semaphore_mem>>
      %dma_start3A = arith.constant 0 : i32
      %dma_start3A_58 = tpu.memref_slice %arg16[%add3A_26, %dma_start3A] : memref<10240x128xf32, #tpu.memory_space<vmem_shared>> -> memref<64x128xf32, #tpu.memory_space<vmem_shared>>
      %dma_start3A_59 = arith.constant 0 : i32
      %dma_start3A_60 = tpu.memref_slice %arg16[%add3A_26, %dma_start3A_59] : memref<10240x128xf32, #tpu.memory_space<vmem_shared>> -> memref<64x128xf32, #tpu.memory_space<vmem_shared>>
      tpu.enqueue_dma source(%arg8 : memref<64x128xf32, #tpu.memory_space<vmem>>) target(%dma_start3A_60 : memref<64x128xf32, #tpu.memory_space<vmem_shared>>) target_semaphore(%run_scoped3A : memref<!tpu.dma_semaphore, #tpu.memory_space<semaphore_mem>>)
      %dma_wait3A = arith.constant 0 : i32
      %dma_wait3A_61 = tpu.memref_slice %arg16[%add3A_26, %dma_wait3A] : memref<10240x128xf32, #tpu.memory_space<vmem_shared>> -> memref<64x128xf32, #tpu.memory_space<vmem_shared>>
      %dma_wait3A_62 = arith.constant 0 : i32
      %dma_wait3A_63 = tpu.memref_slice %arg16[%add3A_26, %dma_wait3A_62] : memref<10240x128xf32, #tpu.memory_space<vmem_shared>> -> memref<64x128xf32, #tpu.memory_space<vmem_shared>>
      tpu.wait_dma2 semaphore(%run_scoped3A : memref<!tpu.dma_semaphore, #tpu.memory_space<semaphore_mem>>) src(%arg8 : memref<64x128xf32, #tpu.memory_space<vmem>>) dst(%dma_wait3A_63 : memref<64x128xf32, #tpu.memory_space<vmem_shared>>)
      tpu.yield
    }) : () -> ()
    %mul3A_27 = arith.constant 640 : i32
    %mul3A_28 = arith.muli %arg1, %mul3A_27 : i32
    %add3A_29 = arith.constant 320 : i32
    %add3A_30 = arith.addi %mul3A_28, %add3A_29 : i32
    "tpu.region"() ({
      %run_scoped3A = tpu.sem_alloc : memref<!tpu.dma_semaphore, #tpu.memory_space<semaphore_mem>>
      %dma_start3A = arith.constant 0 : i32
      %dma_start3A_58 = tpu.memref_slice %arg16[%add3A_30, %dma_start3A] : memref<10240x128xf32, #tpu.memory_space<vmem_shared>> -> memref<64x128xf32, #tpu.memory_space<vmem_shared>>
      %dma_start3A_59 = arith.constant 0 : i32
      %dma_start3A_60 = tpu.memref_slice %arg16[%add3A_30, %dma_start3A_59] : memref<10240x128xf32, #tpu.memory_space<vmem_shared>> -> memref<64x128xf32, #tpu.memory_space<vmem_shared>>
      tpu.enqueue_dma source(%arg8 : memref<64x128xf32, #tpu.memory_space<vmem>>) target(%dma_start3A_60 : memref<64x128xf32, #tpu.memory_space<vmem_shared>>) target_semaphore(%run_scoped3A : memref<!tpu.dma_semaphore, #tpu.memory_space<semaphore_mem>>)
      %dma_wait3A = arith.constant 0 : i32
      %dma_wait3A_61 = tpu.memref_slice %arg16[%add3A_30, %dma_wait3A] : memref<10240x128xf32, #tpu.memory_space<vmem_shared>> -> memref<64x128xf32, #tpu.memory_space<vmem_shared>>
      %dma_wait3A_62 = arith.constant 0 : i32
      %dma_wait3A_63 = tpu.memref_slice %arg16[%add3A_30, %dma_wait3A_62] : memref<10240x128xf32, #tpu.memory_space<vmem_shared>> -> memref<64x128xf32, #tpu.memory_space<vmem_shared>>
      tpu.wait_dma2 semaphore(%run_scoped3A : memref<!tpu.dma_semaphore, #tpu.memory_space<semaphore_mem>>) src(%arg8 : memref<64x128xf32, #tpu.memory_space<vmem>>) dst(%dma_wait3A_63 : memref<64x128xf32, #tpu.memory_space<vmem_shared>>)
      tpu.yield
    }) : () -> ()
    %mul3A_31 = arith.constant 640 : i32
    %mul3A_32 = arith.muli %arg1, %mul3A_31 : i32
    %add3A_33 = arith.constant 384 : i32
    %add3A_34 = arith.addi %mul3A_32, %add3A_33 : i32
    "tpu.region"() ({
      %run_scoped3A = tpu.sem_alloc : memref<!tpu.dma_semaphore, #tpu.memory_space<semaphore_mem>>
      %dma_start3A = arith.constant 0 : i32
      %dma_start3A_58 = tpu.memref_slice %arg16[%add3A_34, %dma_start3A] : memref<10240x128xf32, #tpu.memory_space<vmem_shared>> -> memref<64x128xf32, #tpu.memory_space<vmem_shared>>
      %dma_start3A_59 = arith.constant 0 : i32
      %dma_start3A_60 = tpu.memref_slice %arg16[%add3A_34, %dma_start3A_59] : memref<10240x128xf32, #tpu.memory_space<vmem_shared>> -> memref<64x128xf32, #tpu.memory_space<vmem_shared>>
      tpu.enqueue_dma source(%arg8 : memref<64x128xf32, #tpu.memory_space<vmem>>) target(%dma_start3A_60 : memref<64x128xf32, #tpu.memory_space<vmem_shared>>) target_semaphore(%run_scoped3A : memref<!tpu.dma_semaphore, #tpu.memory_space<semaphore_mem>>)
      %dma_wait3A = arith.constant 0 : i32
      %dma_wait3A_61 = tpu.memref_slice %arg16[%add3A_34, %dma_wait3A] : memref<10240x128xf32, #tpu.memory_space<vmem_shared>> -> memref<64x128xf32, #tpu.memory_space<vmem_shared>>
      %dma_wait3A_62 = arith.constant 0 : i32
      %dma_wait3A_63 = tpu.memref_slice %arg16[%add3A_34, %dma_wait3A_62] : memref<10240x128xf32, #tpu.memory_space<vmem_shared>> -> memref<64x128xf32, #tpu.memory_space<vmem_shared>>
      tpu.wait_dma2 semaphore(%run_scoped3A : memref<!tpu.dma_semaphore, #tpu.memory_space<semaphore_mem>>) src(%arg8 : memref<64x128xf32, #tpu.memory_space<vmem>>) dst(%dma_wait3A_63 : memref<64x128xf32, #tpu.memory_space<vmem_shared>>)
      tpu.yield
    }) : () -> ()
    %mul3A_35 = arith.constant 640 : i32
    %mul3A_36 = arith.muli %arg1, %mul3A_35 : i32
    %add3A_37 = arith.constant 448 : i32
    %add3A_38 = arith.addi %mul3A_36, %add3A_37 : i32
    "tpu.region"() ({
      %run_scoped3A = tpu.sem_alloc : memref<!tpu.dma_semaphore, #tpu.memory_space<semaphore_mem>>
      %dma_start3A = arith.constant 0 : i32
      %dma_start3A_58 = tpu.memref_slice %arg16[%add3A_38, %dma_start3A] : memref<10240x128xf32, #tpu.memory_space<vmem_shared>> -> memref<64x128xf32, #tpu.memory_space<vmem_shared>>
      %dma_start3A_59 = arith.constant 0 : i32
      %dma_start3A_60 = tpu.memref_slice %arg16[%add3A_38, %dma_start3A_59] : memref<10240x128xf32, #tpu.memory_space<vmem_shared>> -> memref<64x128xf32, #tpu.memory_space<vmem_shared>>
      tpu.enqueue_dma source(%arg8 : memref<64x128xf32, #tpu.memory_space<vmem>>) target(%dma_start3A_60 : memref<64x128xf32, #tpu.memory_space<vmem_shared>>) target_semaphore(%run_scoped3A : memref<!tpu.dma_semaphore, #tpu.memory_space<semaphore_mem>>)
      %dma_wait3A = arith.constant 0 : i32
      %dma_wait3A_61 = tpu.memref_slice %arg16[%add3A_38, %dma_wait3A] : memref<10240x128xf32, #tpu.memory_space<vmem_shared>> -> memref<64x128xf32, #tpu.memory_space<vmem_shared>>
      %dma_wait3A_62 = arith.constant 0 : i32
      %dma_wait3A_63 = tpu.memref_slice %arg16[%add3A_38, %dma_wait3A_62] : memref<10240x128xf32, #tpu.memory_space<vmem_shared>> -> memref<64x128xf32, #tpu.memory_space<vmem_shared>>
      tpu.wait_dma2 semaphore(%run_scoped3A : memref<!tpu.dma_semaphore, #tpu.memory_space<semaphore_mem>>) src(%arg8 : memref<64x128xf32, #tpu.memory_space<vmem>>) dst(%dma_wait3A_63 : memref<64x128xf32, #tpu.memory_space<vmem_shared>>)
      tpu.yield
    }) : () -> ()
    %mul3A_39 = arith.constant 640 : i32
    %mul3A_40 = arith.muli %arg1, %mul3A_39 : i32
    %add3A_41 = arith.constant 512 : i32
    %add3A_42 = arith.addi %mul3A_40, %add3A_41 : i32
    "tpu.region"() ({
      %run_scoped3A = tpu.sem_alloc : memref<!tpu.dma_semaphore, #tpu.memory_space<semaphore_mem>>
      %dma_start3A = arith.constant 0 : i32
      %dma_start3A_58 = tpu.memref_slice %arg16[%add3A_42, %dma_start3A] : memref<10240x128xf32, #tpu.memory_space<vmem_shared>> -> memref<64x128xf32, #tpu.memory_space<vmem_shared>>
      %dma_start3A_59 = arith.constant 0 : i32
      %dma_start3A_60 = tpu.memref_slice %arg16[%add3A_42, %dma_start3A_59] : memref<10240x128xf32, #tpu.memory_space<vmem_shared>> -> memref<64x128xf32, #tpu.memory_space<vmem_shared>>
      tpu.enqueue_dma source(%arg8 : memref<64x128xf32, #tpu.memory_space<vmem>>) target(%dma_start3A_60 : memref<64x128xf32, #tpu.memory_space<vmem_shared>>) target_semaphore(%run_scoped3A : memref<!tpu.dma_semaphore, #tpu.memory_space<semaphore_mem>>)
      %dma_wait3A = arith.constant 0 : i32
      %dma_wait3A_61 = tpu.memref_slice %arg16[%add3A_42, %dma_wait3A] : memref<10240x128xf32, #tpu.memory_space<vmem_shared>> -> memref<64x128xf32, #tpu.memory_space<vmem_shared>>
      %dma_wait3A_62 = arith.constant 0 : i32
      %dma_wait3A_63 = tpu.memref_slice %arg16[%add3A_42, %dma_wait3A_62] : memref<10240x128xf32, #tpu.memory_space<vmem_shared>> -> memref<64x128xf32, #tpu.memory_space<vmem_shared>>
      tpu.wait_dma2 semaphore(%run_scoped3A : memref<!tpu.dma_semaphore, #tpu.memory_space<semaphore_mem>>) src(%arg8 : memref<64x128xf32, #tpu.memory_space<vmem>>) dst(%dma_wait3A_63 : memref<64x128xf32, #tpu.memory_space<vmem_shared>>)
      tpu.yield
    }) : () -> ()
    %mul3A_43 = arith.constant 640 : i32
    %mul3A_44 = arith.muli %arg1, %mul3A_43 : i32
    %add3A_45 = arith.constant 576 : i32
    %add3A_46 = arith.addi %mul3A_44, %add3A_45 : i32
    "tpu.region"() ({
      %run_scoped3A = tpu.sem_alloc : memref<!tpu.dma_semaphore, #tpu.memory_space<semaphore_mem>>
      %dma_start3A = arith.constant 0 : i32
      %dma_start3A_58 = tpu.memref_slice %arg16[%add3A_46, %dma_start3A] : memref<10240x128xf32, #tpu.memory_space<vmem_shared>> -> memref<64x128xf32, #tpu.memory_space<vmem_shared>>
      %dma_start3A_59 = arith.constant 0 : i32
      %dma_start3A_60 = tpu.memref_slice %arg16[%add3A_46, %dma_start3A_59] : memref<10240x128xf32, #tpu.memory_space<vmem_shared>> -> memref<64x128xf32, #tpu.memory_space<vmem_shared>>
      tpu.enqueue_dma source(%arg8 : memref<64x128xf32, #tpu.memory_space<vmem>>) target(%dma_start3A_60 : memref<64x128xf32, #tpu.memory_space<vmem_shared>>) target_semaphore(%run_scoped3A : memref<!tpu.dma_semaphore, #tpu.memory_space<semaphore_mem>>)
      %dma_wait3A = arith.constant 0 : i32
      %dma_wait3A_61 = tpu.memref_slice %arg16[%add3A_46, %dma_wait3A] : memref<10240x128xf32, #tpu.memory_space<vmem_shared>> -> memref<64x128xf32, #tpu.memory_space<vmem_shared>>
      %dma_wait3A_62 = arith.constant 0 : i32
      %dma_wait3A_63 = tpu.memref_slice %arg16[%add3A_46, %dma_wait3A_62] : memref<10240x128xf32, #tpu.memory_space<vmem_shared>> -> memref<64x128xf32, #tpu.memory_space<vmem_shared>>
      tpu.wait_dma2 semaphore(%run_scoped3A : memref<!tpu.dma_semaphore, #tpu.memory_space<semaphore_mem>>) src(%arg8 : memref<64x128xf32, #tpu.memory_space<vmem>>) dst(%dma_wait3A_63 : memref<64x128xf32, #tpu.memory_space<vmem_shared>>)
      tpu.yield
    }) : () -> ()
    %barrier3A = arith.constant 0 : index
    tpu.barrier barrier_id(%barrier3A)
    %scan3A_47 = arith.constant 0 : i32
    %scan3A_48 = arith.constant 0 : i32
    %scan3A_49 = arith.constant 4 : i32
    %scan3A_50 = arith.addi %scan3A_48, %scan3A_49 : i32
    %scan3A_51 = arith.constant 1 : i32
    scf.for %scan3A_58 = %scan3A_48 to %scan3A_50 step %scan3A_51  : i32 {
      %mul3A_59 = arith.constant 40 : i32
      %mul3A_60 = arith.muli %scan3A_58, %mul3A_59 : i32
      "tpu.region"() ({
        %run_scoped3A = tpu.sem_alloc : memref<!tpu.dma_semaphore, #tpu.memory_space<semaphore_mem>>
        %dma_start3A_96 = arith.constant 0 : i32
        %dma_start3A_97 = tpu.memref_slice %arg3[%add3A, %mul3A_60, %dma_start3A_96] : memref<32x160x64xi32, #tpu.memory_space<hbm>> -> memref<1x40x64xi32, #tpu.memory_space<hbm>>
        %dma_start3A_98 = tpu.memref_squeeze %dma_start3A_97 : memref<1x40x64xi32, #tpu.memory_space<hbm>> -> memref<40x64xi32, #tpu.memory_space<hbm>>
        %dma_start3A_99 = arith.constant 0 : i32
        %dma_start3A_100 = tpu.memref_slice %arg3[%add3A, %mul3A_60, %dma_start3A_99] : memref<32x160x64xi32, #tpu.memory_space<hbm>> -> memref<1x40x64xi32, #tpu.memory_space<hbm>>
        %dma_start3A_101 = tpu.memref_squeeze %dma_start3A_100 : memref<1x40x64xi32, #tpu.memory_space<hbm>> -> memref<40x64xi32, #tpu.memory_space<hbm>>
        tpu.enqueue_dma source(%dma_start3A_101 : memref<40x64xi32, #tpu.memory_space<hbm>>) target(%arg6 : memref<40x64xi32, #tpu.memory_space<vmem>>) target_semaphore(%run_scoped3A : memref<!tpu.dma_semaphore, #tpu.memory_space<semaphore_mem>>)
        %dma_wait3A = arith.constant 0 : i32
        %dma_wait3A_102 = tpu.memref_slice %arg3[%add3A, %mul3A_60, %dma_wait3A] : memref<32x160x64xi32, #tpu.memory_space<hbm>> -> memref<1x40x64xi32, #tpu.memory_space<hbm>>
        %dma_wait3A_103 = tpu.memref_squeeze %dma_wait3A_102 : memref<1x40x64xi32, #tpu.memory_space<hbm>> -> memref<40x64xi32, #tpu.memory_space<hbm>>
        %dma_wait3A_104 = arith.constant 0 : i32
        %dma_wait3A_105 = tpu.memref_slice %arg3[%add3A, %mul3A_60, %dma_wait3A_104] : memref<32x160x64xi32, #tpu.memory_space<hbm>> -> memref<1x40x64xi32, #tpu.memory_space<hbm>>
        %dma_wait3A_106 = tpu.memref_squeeze %dma_wait3A_105 : memref<1x40x64xi32, #tpu.memory_space<hbm>> -> memref<40x64xi32, #tpu.memory_space<hbm>>
        tpu.wait_dma2 semaphore(%run_scoped3A : memref<!tpu.dma_semaphore, #tpu.memory_space<semaphore_mem>>) src(%dma_wait3A_106 : memref<40x64xi32, #tpu.memory_space<hbm>>) dst(%arg6 : memref<40x64xi32, #tpu.memory_space<vmem>>)
        tpu.yield
      }) : () -> ()
      %mul3A_61 = arith.constant 40 : i32
      %mul3A_62 = arith.muli %scan3A_58, %mul3A_61 : i32
      "tpu.region"() ({
        %run_scoped3A = tpu.sem_alloc : memref<!tpu.dma_semaphore, #tpu.memory_space<semaphore_mem>>
        %dma_start3A_96 = arith.constant 0 : i32
        %dma_start3A_97 = tpu.memref_slice %arg4[%add3A, %mul3A_62, %dma_start3A_96] : memref<32x160x64xi32, #tpu.memory_space<hbm>> -> memref<1x40x64xi32, #tpu.memory_space<hbm>>
        %dma_start3A_98 = tpu.memref_squeeze %dma_start3A_97 : memref<1x40x64xi32, #tpu.memory_space<hbm>> -> memref<40x64xi32, #tpu.memory_space<hbm>>
        %dma_start3A_99 = arith.constant 0 : i32
        %dma_start3A_100 = tpu.memref_slice %arg4[%add3A, %mul3A_62, %dma_start3A_99] : memref<32x160x64xi32, #tpu.memory_space<hbm>> -> memref<1x40x64xi32, #tpu.memory_space<hbm>>
        %dma_start3A_101 = tpu.memref_squeeze %dma_start3A_100 : memref<1x40x64xi32, #tpu.memory_space<hbm>> -> memref<40x64xi32, #tpu.memory_space<hbm>>
        tpu.enqueue_dma source(%dma_start3A_101 : memref<40x64xi32, #tpu.memory_space<hbm>>) target(%arg7 : memref<40x64xi32, #tpu.memory_space<vmem>>) target_semaphore(%run_scoped3A : memref<!tpu.dma_semaphore, #tpu.memory_space<semaphore_mem>>)
        %dma_wait3A = arith.constant 0 : i32
        %dma_wait3A_102 = tpu.memref_slice %arg4[%add3A, %mul3A_62, %dma_wait3A] : memref<32x160x64xi32, #tpu.memory_space<hbm>> -> memref<1x40x64xi32, #tpu.memory_space<hbm>>
        %dma_wait3A_103 = tpu.memref_squeeze %dma_wait3A_102 : memref<1x40x64xi32, #tpu.memory_space<hbm>> -> memref<40x64xi32, #tpu.memory_space<hbm>>
        %dma_wait3A_104 = arith.constant 0 : i32
        %dma_wait3A_105 = tpu.memref_slice %arg4[%add3A, %mul3A_62, %dma_wait3A_104] : memref<32x160x64xi32, #tpu.memory_space<hbm>> -> memref<1x40x64xi32, #tpu.memory_space<hbm>>
        %dma_wait3A_106 = tpu.memref_squeeze %dma_wait3A_105 : memref<1x40x64xi32, #tpu.memory_space<hbm>> -> memref<40x64xi32, #tpu.memory_space<hbm>>
        tpu.wait_dma2 semaphore(%run_scoped3A : memref<!tpu.dma_semaphore, #tpu.memory_space<semaphore_mem>>) src(%dma_wait3A_106 : memref<40x64xi32, #tpu.memory_space<hbm>>) dst(%arg7 : memref<40x64xi32, #tpu.memory_space<vmem>>)
        tpu.yield
      }) : () -> ()
      %dma_start3A = arith.constant 0 : i32
      %dma_start3A_63 = arith.constant 0 : i32
      %dma_start3A_64 = tpu.memref_slice %arg6[%dma_start3A, %dma_start3A_63] : memref<40x64xi32, #tpu.memory_space<vmem>> -> memref<1x64xi32, #tpu.memory_space<vmem>>
      %dma_start3A_65 = tpu.memref_squeeze %dma_start3A_64 : memref<1x64xi32, #tpu.memory_space<vmem>> -> memref<64xi32, #tpu.memory_space<vmem>>
      %dma_start3A_66 = arith.constant 0 : i32
      %dma_start3A_67 = arith.constant 0 : i32
      %dma_start3A_68 = tpu.memref_slice %arg2[%dma_start3A_66, %dma_start3A_67] : memref<10000x128xf32, #tpu.memory_space<hbm>> -> memref<10000x128xf32, #tpu.memory_space<hbm>>
      tpu.enqueue_indirect_dma source(%dma_start3A_68 : memref<10000x128xf32, #tpu.memory_space<hbm>>) target(%arg8 : memref<64x128xf32, #tpu.memory_space<vmem>>) offsets(%dma_start3A_65 : memref<64xi32, #tpu.memory_space<vmem>>) semaphore(%arg12 : memref<!tpu.dma_semaphore, #tpu.memory_space<semaphore_mem>>)
      %dma_start3A_69 = arith.constant 1 : i32
      %dma_start3A_70 = arith.constant 0 : i32
      %dma_start3A_71 = tpu.memref_slice %arg6[%dma_start3A_69, %dma_start3A_70] : memref<40x64xi32, #tpu.memory_space<vmem>> -> memref<1x64xi32, #tpu.memory_space<vmem>>
      %dma_start3A_72 = tpu.memref_squeeze %dma_start3A_71 : memref<1x64xi32, #tpu.memory_space<vmem>> -> memref<64xi32, #tpu.memory_space<vmem>>
      %dma_start3A_73 = arith.constant 0 : i32
      %dma_start3A_74 = arith.constant 0 : i32
      %dma_start3A_75 = tpu.memref_slice %arg2[%dma_start3A_73, %dma_start3A_74] : memref<10000x128xf32, #tpu.memory_space<hbm>> -> memref<10000x128xf32, #tpu.memory_space<hbm>>
      tpu.enqueue_indirect_dma source(%dma_start3A_75 : memref<10000x128xf32, #tpu.memory_space<hbm>>) target(%arg9 : memref<64x128xf32, #tpu.memory_space<vmem>>) offsets(%dma_start3A_72 : memref<64xi32, #tpu.memory_space<vmem>>) semaphore(%arg13 : memref<!tpu.dma_semaphore, #tpu.memory_space<semaphore_mem>>)
      %dma_start3A_76 = arith.constant 2 : i32
      %dma_start3A_77 = arith.constant 0 : i32
      %dma_start3A_78 = tpu.memref_slice %arg6[%dma_start3A_76, %dma_start3A_77] : memref<40x64xi32, #tpu.memory_space<vmem>> -> memref<1x64xi32, #tpu.memory_space<vmem>>
      %dma_start3A_79 = tpu.memref_squeeze %dma_start3A_78 : memref<1x64xi32, #tpu.memory_space<vmem>> -> memref<64xi32, #tpu.memory_space<vmem>>
      %dma_start3A_80 = arith.constant 0 : i32
      %dma_start3A_81 = arith.constant 0 : i32
      %dma_start3A_82 = tpu.memref_slice %arg2[%dma_start3A_80, %dma_start3A_81] : memref<10000x128xf32, #tpu.memory_space<hbm>> -> memref<10000x128xf32, #tpu.memory_space<hbm>>
      tpu.enqueue_indirect_dma source(%dma_start3A_82 : memref<10000x128xf32, #tpu.memory_space<hbm>>) target(%arg10 : memref<64x128xf32, #tpu.memory_space<vmem>>) offsets(%dma_start3A_79 : memref<64xi32, #tpu.memory_space<vmem>>) semaphore(%arg14 : memref<!tpu.dma_semaphore, #tpu.memory_space<semaphore_mem>>)
      %dma_start3A_83 = arith.constant 3 : i32
      %dma_start3A_84 = arith.constant 0 : i32
      %dma_start3A_85 = tpu.memref_slice %arg6[%dma_start3A_83, %dma_start3A_84] : memref<40x64xi32, #tpu.memory_space<vmem>> -> memref<1x64xi32, #tpu.memory_space<vmem>>
      %dma_start3A_86 = tpu.memref_squeeze %dma_start3A_85 : memref<1x64xi32, #tpu.memory_space<vmem>> -> memref<64xi32, #tpu.memory_space<vmem>>
      %dma_start3A_87 = arith.constant 0 : i32
      %dma_start3A_88 = arith.constant 0 : i32
      %dma_start3A_89 = tpu.memref_slice %arg2[%dma_start3A_87, %dma_start3A_88] : memref<10000x128xf32, #tpu.memory_space<hbm>> -> memref<10000x128xf32, #tpu.memory_space<hbm>>
      tpu.enqueue_indirect_dma source(%dma_start3A_89 : memref<10000x128xf32, #tpu.memory_space<hbm>>) target(%arg11 : memref<64x128xf32, #tpu.memory_space<vmem>>) offsets(%dma_start3A_86 : memref<64xi32, #tpu.memory_space<vmem>>) semaphore(%arg15 : memref<!tpu.dma_semaphore, #tpu.memory_space<semaphore_mem>>)
      %scan3A_90 = arith.constant 0 : i32
      %scan3A_91 = arith.constant 0 : i32
      %scan3A_92 = arith.constant 10 : i32
      %scan3A_93 = arith.addi %scan3A_91, %scan3A_92 : i32
      %scan3A_94 = arith.constant 1 : i32
      scf.for %scan3A_96 = %scan3A_91 to %scan3A_93 step %scan3A_94  : i32 {
        %mul3A_97 = arith.constant 4 : i32
        %mul3A_98 = arith.muli %scan3A_96, %mul3A_97 : i32
        %add3A_99 = arith.constant 0 : i32
        %add3A_100 = arith.addi %mul3A_98, %add3A_99 : i32
        %dma_wait3A = arith.constant 0 : i32
        %dma_wait3A_101 = tpu.memref_slice %arg6[%add3A_100, %dma_wait3A] : memref<40x64xi32, #tpu.memory_space<vmem>> -> memref<1x64xi32, #tpu.memory_space<vmem>>
        %dma_wait3A_102 = tpu.memref_squeeze %dma_wait3A_101 : memref<1x64xi32, #tpu.memory_space<vmem>> -> memref<64xi32, #tpu.memory_space<vmem>>
        %dma_wait3A_103 = arith.constant 0 : i32
        %dma_wait3A_104 = arith.constant 0 : i32
        %dma_wait3A_105 = tpu.memref_slice %arg2[%dma_wait3A_103, %dma_wait3A_104] : memref<10000x128xf32, #tpu.memory_space<hbm>> -> memref<10000x128xf32, #tpu.memory_space<hbm>>
        tpu.wait_indirect_dma semaphore(%arg12 : memref<!tpu.dma_semaphore, #tpu.memory_space<semaphore_mem>>) src(%dma_wait3A_105 : memref<10000x128xf32, #tpu.memory_space<hbm>>) dst(%arg8 : memref<64x128xf32, #tpu.memory_space<vmem>>)
        "tpu.region"() ({
          %run_scoped3A = tpu.sem_alloc : memref<!tpu.dma_semaphore, #tpu.memory_space<semaphore_mem>>
          %dma_start3A_155 = arith.constant 0 : i32
          %dma_start3A_156 = tpu.memref_slice %arg7[%add3A_100, %dma_start3A_155] : memref<40x64xi32, #tpu.memory_space<vmem>> -> memref<1x64xi32, #tpu.memory_space<vmem>>
          %dma_start3A_157 = tpu.memref_squeeze %dma_start3A_156 : memref<1x64xi32, #tpu.memory_space<vmem>> -> memref<64xi32, #tpu.memory_space<vmem>>
          %dma_start3A_158 = arith.constant 0 : i32
          %dma_start3A_159 = arith.constant 0 : i32
          %dma_start3A_160 = tpu.memref_slice %arg16[%dma_start3A_158, %dma_start3A_159] : memref<10240x128xf32, #tpu.memory_space<vmem_shared>> -> memref<10240x128xf32, #tpu.memory_space<vmem_shared>>
          tpu.enqueue_indirect_dma source(%arg8 : memref<64x128xf32, #tpu.memory_space<vmem>>) target(%dma_start3A_160 : memref<10240x128xf32, #tpu.memory_space<vmem_shared>>) offsets(%dma_start3A_157 : memref<64xi32, #tpu.memory_space<vmem>>) semaphore(%run_scoped3A : memref<!tpu.dma_semaphore, #tpu.memory_space<semaphore_mem>>) {add = true}
          %dma_wait3A_161 = arith.constant 0 : i32
          %dma_wait3A_162 = tpu.memref_slice %arg7[%add3A_100, %dma_wait3A_161] : memref<40x64xi32, #tpu.memory_space<vmem>> -> memref<1x64xi32, #tpu.memory_space<vmem>>
          %dma_wait3A_163 = tpu.memref_squeeze %dma_wait3A_162 : memref<1x64xi32, #tpu.memory_space<vmem>> -> memref<64xi32, #tpu.memory_space<vmem>>
          %dma_wait3A_164 = arith.constant 0 : i32
          %dma_wait3A_165 = arith.constant 0 : i32
          %dma_wait3A_166 = tpu.memref_slice %arg16[%dma_wait3A_164, %dma_wait3A_165] : memref<10240x128xf32, #tpu.memory_space<vmem_shared>> -> memref<10240x128xf32, #tpu.memory_space<vmem_shared>>
          tpu.wait_indirect_dma semaphore(%run_scoped3A : memref<!tpu.dma_semaphore, #tpu.memory_space<semaphore_mem>>) src(%arg8 : memref<64x128xf32, #tpu.memory_space<vmem>>) dst(%dma_wait3A_166 : memref<10240x128xf32, #tpu.memory_space<vmem_shared>>)
          tpu.yield
        }) : () -> ()
        %add3A_106 = arith.constant 4 : i32
        %add3A_107 = arith.addi %add3A_100, %add3A_106 : i32
        %lt3A = arith.constant 40 : i32
        %lt3A_108 = arith.cmpi slt, %add3A_107, %lt3A : i32
        %convert_element_type3A = arith.extui %lt3A_108 : i1 to i32
        %cond3A = arith.constant 0 : i32
        %cond3A_109 = arith.cmpi ne, %convert_element_type3A, %cond3A : i32
        scf.if %cond3A_109 {
          %add3A_155 = arith.constant 4 : i32
          %add3A_156 = arith.addi %add3A_100, %add3A_155 : i32
          %dma_start3A_157 = arith.constant 0 : i32
          %dma_start3A_158 = tpu.memref_slice %arg6[%add3A_156, %dma_start3A_157] : memref<40x64xi32, #tpu.memory_space<vmem>> -> memref<1x64xi32, #tpu.memory_space<vmem>>
          %dma_start3A_159 = tpu.memref_squeeze %dma_start3A_158 : memref<1x64xi32, #tpu.memory_space<vmem>> -> memref<64xi32, #tpu.memory_space<vmem>>
          %dma_start3A_160 = arith.constant 0 : i32
          %dma_start3A_161 = arith.constant 0 : i32
          %dma_start3A_162 = tpu.memref_slice %arg2[%dma_start3A_160, %dma_start3A_161] : memref<10000x128xf32, #tpu.memory_space<hbm>> -> memref<10000x128xf32, #tpu.memory_space<hbm>>
          tpu.enqueue_indirect_dma source(%dma_start3A_162 : memref<10000x128xf32, #tpu.memory_space<hbm>>) target(%arg8 : memref<64x128xf32, #tpu.memory_space<vmem>>) offsets(%dma_start3A_159 : memref<64xi32, #tpu.memory_space<vmem>>) semaphore(%arg12 : memref<!tpu.dma_semaphore, #tpu.memory_space<semaphore_mem>>)
        } else {
        }
        %add3A_110 = arith.constant 1 : i32
        %add3A_111 = arith.addi %mul3A_98, %add3A_110 : i32
        %dma_wait3A_112 = arith.constant 0 : i32
        %dma_wait3A_113 = tpu.memref_slice %arg6[%add3A_111, %dma_wait3A_112] : memref<40x64xi32, #tpu.memory_space<vmem>> -> memref<1x64xi32, #tpu.memory_space<vmem>>
        %dma_wait3A_114 = tpu.memref_squeeze %dma_wait3A_113 : memref<1x64xi32, #tpu.memory_space<vmem>> -> memref<64xi32, #tpu.memory_space<vmem>>
        %dma_wait3A_115 = arith.constant 0 : i32
        %dma_wait3A_116 = arith.constant 0 : i32
        %dma_wait3A_117 = tpu.memref_slice %arg2[%dma_wait3A_115, %dma_wait3A_116] : memref<10000x128xf32, #tpu.memory_space<hbm>> -> memref<10000x128xf32, #tpu.memory_space<hbm>>
        tpu.wait_indirect_dma semaphore(%arg13 : memref<!tpu.dma_semaphore, #tpu.memory_space<semaphore_mem>>) src(%dma_wait3A_117 : memref<10000x128xf32, #tpu.memory_space<hbm>>) dst(%arg9 : memref<64x128xf32, #tpu.memory_space<vmem>>)
        "tpu.region"() ({
          %run_scoped3A = tpu.sem_alloc : memref<!tpu.dma_semaphore, #tpu.memory_space<semaphore_mem>>
          %dma_start3A_155 = arith.constant 0 : i32
          %dma_start3A_156 = tpu.memref_slice %arg7[%add3A_111, %dma_start3A_155] : memref<40x64xi32, #tpu.memory_space<vmem>> -> memref<1x64xi32, #tpu.memory_space<vmem>>
          %dma_start3A_157 = tpu.memref_squeeze %dma_start3A_156 : memref<1x64xi32, #tpu.memory_space<vmem>> -> memref<64xi32, #tpu.memory_space<vmem>>
          %dma_start3A_158 = arith.constant 0 : i32
          %dma_start3A_159 = arith.constant 0 : i32
          %dma_start3A_160 = tpu.memref_slice %arg16[%dma_start3A_158, %dma_start3A_159] : memref<10240x128xf32, #tpu.memory_space<vmem_shared>> -> memref<10240x128xf32, #tpu.memory_space<vmem_shared>>
          tpu.enqueue_indirect_dma source(%arg9 : memref<64x128xf32, #tpu.memory_space<vmem>>) target(%dma_start3A_160 : memref<10240x128xf32, #tpu.memory_space<vmem_shared>>) offsets(%dma_start3A_157 : memref<64xi32, #tpu.memory_space<vmem>>) semaphore(%run_scoped3A : memref<!tpu.dma_semaphore, #tpu.memory_space<semaphore_mem>>) {add = true}
          %dma_wait3A_161 = arith.constant 0 : i32
          %dma_wait3A_162 = tpu.memref_slice %arg7[%add3A_111, %dma_wait3A_161] : memref<40x64xi32, #tpu.memory_space<vmem>> -> memref<1x64xi32, #tpu.memory_space<vmem>>
          %dma_wait3A_163 = tpu.memref_squeeze %dma_wait3A_162 : memref<1x64xi32, #tpu.memory_space<vmem>> -> memref<64xi32, #tpu.memory_space<vmem>>
          %dma_wait3A_164 = arith.constant 0 : i32
          %dma_wait3A_165 = arith.constant 0 : i32
          %dma_wait3A_166 = tpu.memref_slice %arg16[%dma_wait3A_164, %dma_wait3A_165] : memref<10240x128xf32, #tpu.memory_space<vmem_shared>> -> memref<10240x128xf32, #tpu.memory_space<vmem_shared>>
          tpu.wait_indirect_dma semaphore(%run_scoped3A : memref<!tpu.dma_semaphore, #tpu.memory_space<semaphore_mem>>) src(%arg9 : memref<64x128xf32, #tpu.memory_space<vmem>>) dst(%dma_wait3A_166 : memref<10240x128xf32, #tpu.memory_space<vmem_shared>>)
          tpu.yield
        }) : () -> ()
        %add3A_118 = arith.constant 4 : i32
        %add3A_119 = arith.addi %add3A_111, %add3A_118 : i32
        %lt3A_120 = arith.constant 40 : i32
        %lt3A_121 = arith.cmpi slt, %add3A_119, %lt3A_120 : i32
        %convert_element_type3A_122 = arith.extui %lt3A_121 : i1 to i32
        %cond3A_123 = arith.constant 0 : i32
        %cond3A_124 = arith.cmpi ne, %convert_element_type3A_122, %cond3A_123 : i32
        scf.if %cond3A_124 {
          %add3A_155 = arith.constant 4 : i32
          %add3A_156 = arith.addi %add3A_111, %add3A_155 : i32
          %dma_start3A_157 = arith.constant 0 : i32
          %dma_start3A_158 = tpu.memref_slice %arg6[%add3A_156, %dma_start3A_157] : memref<40x64xi32, #tpu.memory_space<vmem>> -> memref<1x64xi32, #tpu.memory_space<vmem>>
          %dma_start3A_159 = tpu.memref_squeeze %dma_start3A_158 : memref<1x64xi32, #tpu.memory_space<vmem>> -> memref<64xi32, #tpu.memory_space<vmem>>
          %dma_start3A_160 = arith.constant 0 : i32
          %dma_start3A_161 = arith.constant 0 : i32
          %dma_start3A_162 = tpu.memref_slice %arg2[%dma_start3A_160, %dma_start3A_161] : memref<10000x128xf32, #tpu.memory_space<hbm>> -> memref<10000x128xf32, #tpu.memory_space<hbm>>
          tpu.enqueue_indirect_dma source(%dma_start3A_162 : memref<10000x128xf32, #tpu.memory_space<hbm>>) target(%arg9 : memref<64x128xf32, #tpu.memory_space<vmem>>) offsets(%dma_start3A_159 : memref<64xi32, #tpu.memory_space<vmem>>) semaphore(%arg13 : memref<!tpu.dma_semaphore, #tpu.memory_space<semaphore_mem>>)
        } else {
        }
        %add3A_125 = arith.constant 2 : i32
        %add3A_126 = arith.addi %mul3A_98, %add3A_125 : i32
        %dma_wait3A_127 = arith.constant 0 : i32
        %dma_wait3A_128 = tpu.memref_slice %arg6[%add3A_126, %dma_wait3A_127] : memref<40x64xi32, #tpu.memory_space<vmem>> -> memref<1x64xi32, #tpu.memory_space<vmem>>
        %dma_wait3A_129 = tpu.memref_squeeze %dma_wait3A_128 : memref<1x64xi32, #tpu.memory_space<vmem>> -> memref<64xi32, #tpu.memory_space<vmem>>
        %dma_wait3A_130 = arith.constant 0 : i32
        %dma_wait3A_131 = arith.constant 0 : i32
        %dma_wait3A_132 = tpu.memref_slice %arg2[%dma_wait3A_130, %dma_wait3A_131] : memref<10000x128xf32, #tpu.memory_space<hbm>> -> memref<10000x128xf32, #tpu.memory_space<hbm>>
        tpu.wait_indirect_dma semaphore(%arg14 : memref<!tpu.dma_semaphore, #tpu.memory_space<semaphore_mem>>) src(%dma_wait3A_132 : memref<10000x128xf32, #tpu.memory_space<hbm>>) dst(%arg10 : memref<64x128xf32, #tpu.memory_space<vmem>>)
        "tpu.region"() ({
          %run_scoped3A = tpu.sem_alloc : memref<!tpu.dma_semaphore, #tpu.memory_space<semaphore_mem>>
          %dma_start3A_155 = arith.constant 0 : i32
          %dma_start3A_156 = tpu.memref_slice %arg7[%add3A_126, %dma_start3A_155] : memref<40x64xi32, #tpu.memory_space<vmem>> -> memref<1x64xi32, #tpu.memory_space<vmem>>
          %dma_start3A_157 = tpu.memref_squeeze %dma_start3A_156 : memref<1x64xi32, #tpu.memory_space<vmem>> -> memref<64xi32, #tpu.memory_space<vmem>>
          %dma_start3A_158 = arith.constant 0 : i32
          %dma_start3A_159 = arith.constant 0 : i32
          %dma_start3A_160 = tpu.memref_slice %arg16[%dma_start3A_158, %dma_start3A_159] : memref<10240x128xf32, #tpu.memory_space<vmem_shared>> -> memref<10240x128xf32, #tpu.memory_space<vmem_shared>>
          tpu.enqueue_indirect_dma source(%arg10 : memref<64x128xf32, #tpu.memory_space<vmem>>) target(%dma_start3A_160 : memref<10240x128xf32, #tpu.memory_space<vmem_shared>>) offsets(%dma_start3A_157 : memref<64xi32, #tpu.memory_space<vmem>>) semaphore(%run_scoped3A : memref<!tpu.dma_semaphore, #tpu.memory_space<semaphore_mem>>) {add = true}
          %dma_wait3A_161 = arith.constant 0 : i32
          %dma_wait3A_162 = tpu.memref_slice %arg7[%add3A_126, %dma_wait3A_161] : memref<40x64xi32, #tpu.memory_space<vmem>> -> memref<1x64xi32, #tpu.memory_space<vmem>>
          %dma_wait3A_163 = tpu.memref_squeeze %dma_wait3A_162 : memref<1x64xi32, #tpu.memory_space<vmem>> -> memref<64xi32, #tpu.memory_space<vmem>>
          %dma_wait3A_164 = arith.constant 0 : i32
          %dma_wait3A_165 = arith.constant 0 : i32
          %dma_wait3A_166 = tpu.memref_slice %arg16[%dma_wait3A_164, %dma_wait3A_165] : memref<10240x128xf32, #tpu.memory_space<vmem_shared>> -> memref<10240x128xf32, #tpu.memory_space<vmem_shared>>
          tpu.wait_indirect_dma semaphore(%run_scoped3A : memref<!tpu.dma_semaphore, #tpu.memory_space<semaphore_mem>>) src(%arg10 : memref<64x128xf32, #tpu.memory_space<vmem>>) dst(%dma_wait3A_166 : memref<10240x128xf32, #tpu.memory_space<vmem_shared>>)
          tpu.yield
        }) : () -> ()
        %add3A_133 = arith.constant 4 : i32
        %add3A_134 = arith.addi %add3A_126, %add3A_133 : i32
        %lt3A_135 = arith.constant 40 : i32
        %lt3A_136 = arith.cmpi slt, %add3A_134, %lt3A_135 : i32
        %convert_element_type3A_137 = arith.extui %lt3A_136 : i1 to i32
        %cond3A_138 = arith.constant 0 : i32
        %cond3A_139 = arith.cmpi ne, %convert_element_type3A_137, %cond3A_138 : i32
        scf.if %cond3A_139 {
          %add3A_155 = arith.constant 4 : i32
          %add3A_156 = arith.addi %add3A_126, %add3A_155 : i32
          %dma_start3A_157 = arith.constant 0 : i32
          %dma_start3A_158 = tpu.memref_slice %arg6[%add3A_156, %dma_start3A_157] : memref<40x64xi32, #tpu.memory_space<vmem>> -> memref<1x64xi32, #tpu.memory_space<vmem>>
          %dma_start3A_159 = tpu.memref_squeeze %dma_start3A_158 : memref<1x64xi32, #tpu.memory_space<vmem>> -> memref<64xi32, #tpu.memory_space<vmem>>
          %dma_start3A_160 = arith.constant 0 : i32
          %dma_start3A_161 = arith.constant 0 : i32
          %dma_start3A_162 = tpu.memref_slice %arg2[%dma_start3A_160, %dma_start3A_161] : memref<10000x128xf32, #tpu.memory_space<hbm>> -> memref<10000x128xf32, #tpu.memory_space<hbm>>
          tpu.enqueue_indirect_dma source(%dma_start3A_162 : memref<10000x128xf32, #tpu.memory_space<hbm>>) target(%arg10 : memref<64x128xf32, #tpu.memory_space<vmem>>) offsets(%dma_start3A_159 : memref<64xi32, #tpu.memory_space<vmem>>) semaphore(%arg14 : memref<!tpu.dma_semaphore, #tpu.memory_space<semaphore_mem>>)
        } else {
        }
        %add3A_140 = arith.constant 3 : i32
        %add3A_141 = arith.addi %mul3A_98, %add3A_140 : i32
        %dma_wait3A_142 = arith.constant 0 : i32
        %dma_wait3A_143 = tpu.memref_slice %arg6[%add3A_141, %dma_wait3A_142] : memref<40x64xi32, #tpu.memory_space<vmem>> -> memref<1x64xi32, #tpu.memory_space<vmem>>
        %dma_wait3A_144 = tpu.memref_squeeze %dma_wait3A_143 : memref<1x64xi32, #tpu.memory_space<vmem>> -> memref<64xi32, #tpu.memory_space<vmem>>
        %dma_wait3A_145 = arith.constant 0 : i32
        %dma_wait3A_146 = arith.constant 0 : i32
        %dma_wait3A_147 = tpu.memref_slice %arg2[%dma_wait3A_145, %dma_wait3A_146] : memref<10000x128xf32, #tpu.memory_space<hbm>> -> memref<10000x128xf32, #tpu.memory_space<hbm>>
        tpu.wait_indirect_dma semaphore(%arg15 : memref<!tpu.dma_semaphore, #tpu.memory_space<semaphore_mem>>) src(%dma_wait3A_147 : memref<10000x128xf32, #tpu.memory_space<hbm>>) dst(%arg11 : memref<64x128xf32, #tpu.memory_space<vmem>>)
        "tpu.region"() ({
          %run_scoped3A = tpu.sem_alloc : memref<!tpu.dma_semaphore, #tpu.memory_space<semaphore_mem>>
          %dma_start3A_155 = arith.constant 0 : i32
          %dma_start3A_156 = tpu.memref_slice %arg7[%add3A_141, %dma_start3A_155] : memref<40x64xi32, #tpu.memory_space<vmem>> -> memref<1x64xi32, #tpu.memory_space<vmem>>
          %dma_start3A_157 = tpu.memref_squeeze %dma_start3A_156 : memref<1x64xi32, #tpu.memory_space<vmem>> -> memref<64xi32, #tpu.memory_space<vmem>>
          %dma_start3A_158 = arith.constant 0 : i32
          %dma_start3A_159 = arith.constant 0 : i32
          %dma_start3A_160 = tpu.memref_slice %arg16[%dma_start3A_158, %dma_start3A_159] : memref<10240x128xf32, #tpu.memory_space<vmem_shared>> -> memref<10240x128xf32, #tpu.memory_space<vmem_shared>>
          tpu.enqueue_indirect_dma source(%arg11 : memref<64x128xf32, #tpu.memory_space<vmem>>) target(%dma_start3A_160 : memref<10240x128xf32, #tpu.memory_space<vmem_shared>>) offsets(%dma_start3A_157 : memref<64xi32, #tpu.memory_space<vmem>>) semaphore(%run_scoped3A : memref<!tpu.dma_semaphore, #tpu.memory_space<semaphore_mem>>) {add = true}
          %dma_wait3A_161 = arith.constant 0 : i32
          %dma_wait3A_162 = tpu.memref_slice %arg7[%add3A_141, %dma_wait3A_161] : memref<40x64xi32, #tpu.memory_space<vmem>> -> memref<1x64xi32, #tpu.memory_space<vmem>>
          %dma_wait3A_163 = tpu.memref_squeeze %dma_wait3A_162 : memref<1x64xi32, #tpu.memory_space<vmem>> -> memref<64xi32, #tpu.memory_space<vmem>>
          %dma_wait3A_164 = arith.constant 0 : i32
          %dma_wait3A_165 = arith.constant 0 : i32
          %dma_wait3A_166 = tpu.memref_slice %arg16[%dma_wait3A_164, %dma_wait3A_165] : memref<10240x128xf32, #tpu.memory_space<vmem_shared>> -> memref<10240x128xf32, #tpu.memory_space<vmem_shared>>
          tpu.wait_indirect_dma semaphore(%run_scoped3A : memref<!tpu.dma_semaphore, #tpu.memory_space<semaphore_mem>>) src(%arg11 : memref<64x128xf32, #tpu.memory_space<vmem>>) dst(%dma_wait3A_166 : memref<10240x128xf32, #tpu.memory_space<vmem_shared>>)
          tpu.yield
        }) : () -> ()
        %add3A_148 = arith.constant 4 : i32
        %add3A_149 = arith.addi %add3A_141, %add3A_148 : i32
        %lt3A_150 = arith.constant 40 : i32
        %lt3A_151 = arith.cmpi slt, %add3A_149, %lt3A_150 : i32
        %convert_element_type3A_152 = arith.extui %lt3A_151 : i1 to i32
        %cond3A_153 = arith.constant 0 : i32
        %cond3A_154 = arith.cmpi ne, %convert_element_type3A_152, %cond3A_153 : i32
        scf.if %cond3A_154 {
          %add3A_155 = arith.constant 4 : i32
          %add3A_156 = arith.addi %add3A_141, %add3A_155 : i32
          %dma_start3A_157 = arith.constant 0 : i32
          %dma_start3A_158 = tpu.memref_slice %arg6[%add3A_156, %dma_start3A_157] : memref<40x64xi32, #tpu.memory_space<vmem>> -> memref<1x64xi32, #tpu.memory_space<vmem>>
          %dma_start3A_159 = tpu.memref_squeeze %dma_start3A_158 : memref<1x64xi32, #tpu.memory_space<vmem>> -> memref<64xi32, #tpu.memory_space<vmem>>
          %dma_start3A_160 = arith.constant 0 : i32
          %dma_start3A_161 = arith.constant 0 : i32
          %dma_start3A_162 = tpu.memref_slice %arg2[%dma_start3A_160, %dma_start3A_161] : memref<10000x128xf32, #tpu.memory_space<hbm>> -> memref<10000x128xf32, #tpu.memory_space<hbm>>
          tpu.enqueue_indirect_dma source(%dma_start3A_162 : memref<10000x128xf32, #tpu.memory_space<hbm>>) target(%arg11 : memref<64x128xf32, #tpu.memory_space<vmem>>) offsets(%dma_start3A_159 : memref<64xi32, #tpu.memory_space<vmem>>) semaphore(%arg15 : memref<!tpu.dma_semaphore, #tpu.memory_space<semaphore_mem>>)
        } else {
        }
      }
      %scan3A_95 = arith.constant 10 : i32
    }
    %scan3A_52 = arith.constant 4 : i32
    %barrier3A_53 = arith.constant 0 : index
    tpu.barrier barrier_id(%barrier3A_53)
    %mul3A_54 = arith.constant 640 : i32
    %mul3A_55 = arith.muli %arg1, %mul3A_54 : i32
    %mul3A_56 = arith.constant 640 : i32
    %mul3A_57 = arith.muli %arg1, %mul3A_56 : i32
    "tpu.region"() ({
      %run_scoped3A = tpu.sem_alloc : memref<!tpu.dma_semaphore, #tpu.memory_space<semaphore_mem>>
      %dma_start3A = arith.constant 0 : i32
      %dma_start3A_58 = tpu.memref_slice %arg5[%arg0, %mul3A_57, %dma_start3A] : memref<2x10240x128xf32, #tpu.memory_space<hbm>> -> memref<1x640x128xf32, #tpu.memory_space<hbm>>
      %dma_start3A_59 = tpu.memref_squeeze %dma_start3A_58 : memref<1x640x128xf32, #tpu.memory_space<hbm>> -> memref<640x128xf32, #tpu.memory_space<hbm>>
      %dma_start3A_60 = arith.constant 0 : i32
      %dma_start3A_61 = tpu.memref_slice %arg16[%mul3A_55, %dma_start3A_60] : memref<10240x128xf32, #tpu.memory_space<vmem_shared>> -> memref<640x128xf32, #tpu.memory_space<vmem_shared>>
      tpu.enqueue_dma source(%dma_start3A_61 : memref<640x128xf32, #tpu.memory_space<vmem_shared>>) target(%dma_start3A_59 : memref<640x128xf32, #tpu.memory_space<hbm>>) target_semaphore(%run_scoped3A : memref<!tpu.dma_semaphore, #tpu.memory_space<semaphore_mem>>)
      %dma_wait3A = arith.constant 0 : i32
      %dma_wait3A_62 = tpu.memref_slice %arg5[%arg0, %mul3A_57, %dma_wait3A] : memref<2x10240x128xf32, #tpu.memory_space<hbm>> -> memref<1x640x128xf32, #tpu.memory_space<hbm>>
      %dma_wait3A_63 = tpu.memref_squeeze %dma_wait3A_62 : memref<1x640x128xf32, #tpu.memory_space<hbm>> -> memref<640x128xf32, #tpu.memory_space<hbm>>
      %dma_wait3A_64 = arith.constant 0 : i32
      %dma_wait3A_65 = tpu.memref_slice %arg16[%mul3A_55, %dma_wait3A_64] : memref<10240x128xf32, #tpu.memory_space<vmem_shared>> -> memref<640x128xf32, #tpu.memory_space<vmem_shared>>
      tpu.wait_dma2 semaphore(%run_scoped3A : memref<!tpu.dma_semaphore, #tpu.memory_space<semaphore_mem>>) src(%dma_wait3A_65 : memref<640x128xf32, #tpu.memory_space<vmem_shared>>) dst(%dma_wait3A_63 : memref<640x128xf32, #tpu.memory_space<hbm>>)
      tpu.yield
    }) : () -> ()
    return
  }
}

#map = affine_map<(d0, d1) -> (0, 0)>
#map1 = affine_map<(d0, d1) -> (0, 0, 0)>
module attributes {stable_mosaic.version = 14 : i64} {
  func.func @_sc_prop(%arg0: i32, %arg1: i32, %arg2: memref<10000x128xf32, #tpu.memory_space<hbm>>, %arg3: memref<32x160x64xi32, #tpu.memory_space<hbm>>, %arg4: memref<32x160x64xi32, #tpu.memory_space<hbm>>, %arg5: memref<2x10240x128xf32, #tpu.memory_space<hbm>>, %arg6: memref<40x64xi32, #tpu.memory_space<vmem>>, %arg7: memref<40x64xi32, #tpu.memory_space<vmem>>, %arg8: memref<64x128xf32, #tpu.memory_space<vmem>>, %arg9: memref<64x128xf32, #tpu.memory_space<vmem>>, %arg10: memref<64x128xf32, #tpu.memory_space<vmem>>, %arg11: memref<64x128xf32, #tpu.memory_space<vmem>>, %arg12: memref<!tpu.dma_semaphore, #tpu.memory_space<semaphore_mem>>, %arg13: memref<!tpu.dma_semaphore, #tpu.memory_space<semaphore_mem>>, %arg14: memref<!tpu.dma_semaphore, #tpu.memory_space<semaphore_mem>>, %arg15: memref<!tpu.dma_semaphore, #tpu.memory_space<semaphore_mem>>, %arg16: memref<10240x128xf32, #tpu.memory_space<vmem_shared>>) attributes {dimension_semantics = [#tpu.dimension_semantics<core_parallel>, #tpu.dimension_semantics<subcore_parallel>], iteration_bounds = array<i64: 2, 16>, scalar_prefetch = 0 : i64, scratch_operands = 11 : i64, tpu.core_type = #tpu.core_type<sc_vector_subcore>, window_params = [{transform_indices = #map}, {transform_indices = #map1}, {transform_indices = #map1}, {transform_indices = #map1}]} {
    %mul3A = arith.constant 16 : i32
    %mul3A_0 = arith.muli %arg0, %mul3A : i32
    %add3A = arith.addi %mul3A_0, %arg1 : i32
    %broadcast_in_dim3A = arith.constant 0.000000e+00 : f32
    %broadcast_in_dim3A_1 = vector.broadcast %broadcast_in_dim3A : f32 to vector<16xf32>
    %scan3A = arith.constant 0 : i32
    %scan3A_2 = arith.constant 0 : i32
    %scan3A_3 = arith.constant 64 : i32
    %scan3A_4 = arith.addi %scan3A_2, %scan3A_3 : i32
    %scan3A_5 = arith.constant 1 : i32
    scf.for %scan3A_58 = %scan3A_2 to %scan3A_4 step %scan3A_5  : i32 {
      %swap3A = arith.index_cast %scan3A_58 : i32 to index
      %swap3A_59 = arith.constant 0 : index
      %swap3A_60 = tpu.vector_load %arg8[%swap3A, %swap3A_59] {strides = array<i32>} : memref<64x128xf32, #tpu.memory_space<vmem>>, vector<1x16xf32>,
      %swap3A_61 = vector.shape_cast %swap3A_60 : vector<1x16xf32> to vector<16xf32>
      %swap3A_62 = vector.shape_cast %broadcast_in_dim3A_1 : vector<16xf32> to vector<1x16xf32>
      tpu.vector_store %arg8[%swap3A, %swap3A_59], %swap3A_62 {strides = array<i32>} : memref<64x128xf32, #tpu.memory_space<vmem>>, vector<1x16xf32>,
      %swap3A_63 = arith.index_cast %scan3A_58 : i32 to index
      %swap3A_64 = arith.constant 16 : index
      %swap3A_65 = tpu.vector_load %arg8[%swap3A_63, %swap3A_64] {strides = array<i32>} : memref<64x128xf32, #tpu.memory_space<vmem>>, vector<1x16xf32>,
      %swap3A_66 = vector.shape_cast %swap3A_65 : vector<1x16xf32> to vector<16xf32>
      %swap3A_67 = vector.shape_cast %broadcast_in_dim3A_1 : vector<16xf32> to vector<1x16xf32>
      tpu.vector_store %arg8[%swap3A_63, %swap3A_64], %swap3A_67 {strides = array<i32>} : memref<64x128xf32, #tpu.memory_space<vmem>>, vector<1x16xf32>,
      %swap3A_68 = arith.index_cast %scan3A_58 : i32 to index
      %swap3A_69 = arith.constant 32 : index
      %swap3A_70 = tpu.vector_load %arg8[%swap3A_68, %swap3A_69] {strides = array<i32>} : memref<64x128xf32, #tpu.memory_space<vmem>>, vector<1x16xf32>,
      %swap3A_71 = vector.shape_cast %swap3A_70 : vector<1x16xf32> to vector<16xf32>
      %swap3A_72 = vector.shape_cast %broadcast_in_dim3A_1 : vector<16xf32> to vector<1x16xf32>
      tpu.vector_store %arg8[%swap3A_68, %swap3A_69], %swap3A_72 {strides = array<i32>} : memref<64x128xf32, #tpu.memory_space<vmem>>, vector<1x16xf32>,
      %swap3A_73 = arith.index_cast %scan3A_58 : i32 to index
      %swap3A_74 = arith.constant 48 : index
      %swap3A_75 = tpu.vector_load %arg8[%swap3A_73, %swap3A_74] {strides = array<i32>} : memref<64x128xf32, #tpu.memory_space<vmem>>, vector<1x16xf32>,
      %swap3A_76 = vector.shape_cast %swap3A_75 : vector<1x16xf32> to vector<16xf32>
      %swap3A_77 = vector.shape_cast %broadcast_in_dim3A_1 : vector<16xf32> to vector<1x16xf32>
      tpu.vector_store %arg8[%swap3A_73, %swap3A_74], %swap3A_77 {strides = array<i32>} : memref<64x128xf32, #tpu.memory_space<vmem>>, vector<1x16xf32>,
      %swap3A_78 = arith.index_cast %scan3A_58 : i32 to index
      %swap3A_79 = arith.constant 64 : index
      %swap3A_80 = tpu.vector_load %arg8[%swap3A_78, %swap3A_79] {strides = array<i32>} : memref<64x128xf32, #tpu.memory_space<vmem>>, vector<1x16xf32>,
      %swap3A_81 = vector.shape_cast %swap3A_80 : vector<1x16xf32> to vector<16xf32>
      %swap3A_82 = vector.shape_cast %broadcast_in_dim3A_1 : vector<16xf32> to vector<1x16xf32>
      tpu.vector_store %arg8[%swap3A_78, %swap3A_79], %swap3A_82 {strides = array<i32>} : memref<64x128xf32, #tpu.memory_space<vmem>>, vector<1x16xf32>,
      %swap3A_83 = arith.index_cast %scan3A_58 : i32 to index
      %swap3A_84 = arith.constant 80 : index
      %swap3A_85 = tpu.vector_load %arg8[%swap3A_83, %swap3A_84] {strides = array<i32>} : memref<64x128xf32, #tpu.memory_space<vmem>>, vector<1x16xf32>,
      %swap3A_86 = vector.shape_cast %swap3A_85 : vector<1x16xf32> to vector<16xf32>
      %swap3A_87 = vector.shape_cast %broadcast_in_dim3A_1 : vector<16xf32> to vector<1x16xf32>
      tpu.vector_store %arg8[%swap3A_83, %swap3A_84], %swap3A_87 {strides = array<i32>} : memref<64x128xf32, #tpu.memory_space<vmem>>, vector<1x16xf32>,
      %swap3A_88 = arith.index_cast %scan3A_58 : i32 to index
      %swap3A_89 = arith.constant 96 : index
      %swap3A_90 = tpu.vector_load %arg8[%swap3A_88, %swap3A_89] {strides = array<i32>} : memref<64x128xf32, #tpu.memory_space<vmem>>, vector<1x16xf32>,
      %swap3A_91 = vector.shape_cast %swap3A_90 : vector<1x16xf32> to vector<16xf32>
      %swap3A_92 = vector.shape_cast %broadcast_in_dim3A_1 : vector<16xf32> to vector<1x16xf32>
      tpu.vector_store %arg8[%swap3A_88, %swap3A_89], %swap3A_92 {strides = array<i32>} : memref<64x128xf32, #tpu.memory_space<vmem>>, vector<1x16xf32>,
      %swap3A_93 = arith.index_cast %scan3A_58 : i32 to index
      %swap3A_94 = arith.constant 112 : index
      %swap3A_95 = tpu.vector_load %arg8[%swap3A_93, %swap3A_94] {strides = array<i32>} : memref<64x128xf32, #tpu.memory_space<vmem>>, vector<1x16xf32>,
      %swap3A_96 = vector.shape_cast %swap3A_95 : vector<1x16xf32> to vector<16xf32>
      %swap3A_97 = vector.shape_cast %broadcast_in_dim3A_1 : vector<16xf32> to vector<1x16xf32>
      tpu.vector_store %arg8[%swap3A_93, %swap3A_94], %swap3A_97 {strides = array<i32>} : memref<64x128xf32, #tpu.memory_space<vmem>>, vector<1x16xf32>,
    }
    %scan3A_6 = arith.constant 64 : i32
    %mul3A_7 = arith.constant 640 : i32
    %mul3A_8 = arith.muli %arg1, %mul3A_7 : i32
    %add3A_9 = arith.constant 0 : i32
    %add3A_10 = arith.addi %mul3A_8, %add3A_9 : i32
    "tpu.region"() ({
      %run_scoped3A = tpu.sem_alloc : memref<!tpu.dma_semaphore, #tpu.memory_space<semaphore_mem>>
      %dma_start3A = arith.constant 0 : i32
      %dma_start3A_58 = tpu.memref_slice %arg16[%add3A_10, %dma_start3A] : memref<10240x128xf32, #tpu.memory_space<vmem_shared>> -> memref<64x128xf32, #tpu.memory_space<vmem_shared>>
      %dma_start3A_59 = arith.constant 0 : i32
      %dma_start3A_60 = tpu.memref_slice %arg16[%add3A_10, %dma_start3A_59] : memref<10240x128xf32, #tpu.memory_space<vmem_shared>> -> memref<64x128xf32, #tpu.memory_space<vmem_shared>>
      tpu.enqueue_dma source(%arg8 : memref<64x128xf32, #tpu.memory_space<vmem>>) target(%dma_start3A_60 : memref<64x128xf32, #tpu.memory_space<vmem_shared>>) target_semaphore(%run_scoped3A : memref<!tpu.dma_semaphore, #tpu.memory_space<semaphore_mem>>)
      %dma_wait3A = arith.constant 0 : i32
      %dma_wait3A_61 = tpu.memref_slice %arg16[%add3A_10, %dma_wait3A] : memref<10240x128xf32, #tpu.memory_space<vmem_shared>> -> memref<64x128xf32, #tpu.memory_space<vmem_shared>>
      %dma_wait3A_62 = arith.constant 0 : i32
      %dma_wait3A_63 = tpu.memref_slice %arg16[%add3A_10, %dma_wait3A_62] : memref<10240x128xf32, #tpu.memory_space<vmem_shared>> -> memref<64x128xf32, #tpu.memory_space<vmem_shared>>
      tpu.wait_dma2 semaphore(%run_scoped3A : memref<!tpu.dma_semaphore, #tpu.memory_space<semaphore_mem>>) src(%arg8 : memref<64x128xf32, #tpu.memory_space<vmem>>) dst(%dma_wait3A_63 : memref<64x128xf32, #tpu.memory_space<vmem_shared>>)
      tpu.yield
    }) : () -> ()
    %mul3A_11 = arith.constant 640 : i32
    %mul3A_12 = arith.muli %arg1, %mul3A_11 : i32
    %add3A_13 = arith.constant 64 : i32
    %add3A_14 = arith.addi %mul3A_12, %add3A_13 : i32
    "tpu.region"() ({
      %run_scoped3A = tpu.sem_alloc : memref<!tpu.dma_semaphore, #tpu.memory_space<semaphore_mem>>
      %dma_start3A = arith.constant 0 : i32
      %dma_start3A_58 = tpu.memref_slice %arg16[%add3A_14, %dma_start3A] : memref<10240x128xf32, #tpu.memory_space<vmem_shared>> -> memref<64x128xf32, #tpu.memory_space<vmem_shared>>
      %dma_start3A_59 = arith.constant 0 : i32
      %dma_start3A_60 = tpu.memref_slice %arg16[%add3A_14, %dma_start3A_59] : memref<10240x128xf32, #tpu.memory_space<vmem_shared>> -> memref<64x128xf32, #tpu.memory_space<vmem_shared>>
      tpu.enqueue_dma source(%arg8 : memref<64x128xf32, #tpu.memory_space<vmem>>) target(%dma_start3A_60 : memref<64x128xf32, #tpu.memory_space<vmem_shared>>) target_semaphore(%run_scoped3A : memref<!tpu.dma_semaphore, #tpu.memory_space<semaphore_mem>>)
      %dma_wait3A = arith.constant 0 : i32
      %dma_wait3A_61 = tpu.memref_slice %arg16[%add3A_14, %dma_wait3A] : memref<10240x128xf32, #tpu.memory_space<vmem_shared>> -> memref<64x128xf32, #tpu.memory_space<vmem_shared>>
      %dma_wait3A_62 = arith.constant 0 : i32
      %dma_wait3A_63 = tpu.memref_slice %arg16[%add3A_14, %dma_wait3A_62] : memref<10240x128xf32, #tpu.memory_space<vmem_shared>> -> memref<64x128xf32, #tpu.memory_space<vmem_shared>>
      tpu.wait_dma2 semaphore(%run_scoped3A : memref<!tpu.dma_semaphore, #tpu.memory_space<semaphore_mem>>) src(%arg8 : memref<64x128xf32, #tpu.memory_space<vmem>>) dst(%dma_wait3A_63 : memref<64x128xf32, #tpu.memory_space<vmem_shared>>)
      tpu.yield
    }) : () -> ()
    %mul3A_15 = arith.constant 640 : i32
    %mul3A_16 = arith.muli %arg1, %mul3A_15 : i32
    %add3A_17 = arith.constant 128 : i32
    %add3A_18 = arith.addi %mul3A_16, %add3A_17 : i32
    "tpu.region"() ({
      %run_scoped3A = tpu.sem_alloc : memref<!tpu.dma_semaphore, #tpu.memory_space<semaphore_mem>>
      %dma_start3A = arith.constant 0 : i32
      %dma_start3A_58 = tpu.memref_slice %arg16[%add3A_18, %dma_start3A] : memref<10240x128xf32, #tpu.memory_space<vmem_shared>> -> memref<64x128xf32, #tpu.memory_space<vmem_shared>>
      %dma_start3A_59 = arith.constant 0 : i32
      %dma_start3A_60 = tpu.memref_slice %arg16[%add3A_18, %dma_start3A_59] : memref<10240x128xf32, #tpu.memory_space<vmem_shared>> -> memref<64x128xf32, #tpu.memory_space<vmem_shared>>
      tpu.enqueue_dma source(%arg8 : memref<64x128xf32, #tpu.memory_space<vmem>>) target(%dma_start3A_60 : memref<64x128xf32, #tpu.memory_space<vmem_shared>>) target_semaphore(%run_scoped3A : memref<!tpu.dma_semaphore, #tpu.memory_space<semaphore_mem>>)
      %dma_wait3A = arith.constant 0 : i32
      %dma_wait3A_61 = tpu.memref_slice %arg16[%add3A_18, %dma_wait3A] : memref<10240x128xf32, #tpu.memory_space<vmem_shared>> -> memref<64x128xf32, #tpu.memory_space<vmem_shared>>
      %dma_wait3A_62 = arith.constant 0 : i32
      %dma_wait3A_63 = tpu.memref_slice %arg16[%add3A_18, %dma_wait3A_62] : memref<10240x128xf32, #tpu.memory_space<vmem_shared>> -> memref<64x128xf32, #tpu.memory_space<vmem_shared>>
      tpu.wait_dma2 semaphore(%run_scoped3A : memref<!tpu.dma_semaphore, #tpu.memory_space<semaphore_mem>>) src(%arg8 : memref<64x128xf32, #tpu.memory_space<vmem>>) dst(%dma_wait3A_63 : memref<64x128xf32, #tpu.memory_space<vmem_shared>>)
      tpu.yield
    }) : () -> ()
    %mul3A_19 = arith.constant 640 : i32
    %mul3A_20 = arith.muli %arg1, %mul3A_19 : i32
    %add3A_21 = arith.constant 192 : i32
    %add3A_22 = arith.addi %mul3A_20, %add3A_21 : i32
    "tpu.region"() ({
      %run_scoped3A = tpu.sem_alloc : memref<!tpu.dma_semaphore, #tpu.memory_space<semaphore_mem>>
      %dma_start3A = arith.constant 0 : i32
      %dma_start3A_58 = tpu.memref_slice %arg16[%add3A_22, %dma_start3A] : memref<10240x128xf32, #tpu.memory_space<vmem_shared>> -> memref<64x128xf32, #tpu.memory_space<vmem_shared>>
      %dma_start3A_59 = arith.constant 0 : i32
      %dma_start3A_60 = tpu.memref_slice %arg16[%add3A_22, %dma_start3A_59] : memref<10240x128xf32, #tpu.memory_space<vmem_shared>> -> memref<64x128xf32, #tpu.memory_space<vmem_shared>>
      tpu.enqueue_dma source(%arg8 : memref<64x128xf32, #tpu.memory_space<vmem>>) target(%dma_start3A_60 : memref<64x128xf32, #tpu.memory_space<vmem_shared>>) target_semaphore(%run_scoped3A : memref<!tpu.dma_semaphore, #tpu.memory_space<semaphore_mem>>)
      %dma_wait3A = arith.constant 0 : i32
      %dma_wait3A_61 = tpu.memref_slice %arg16[%add3A_22, %dma_wait3A] : memref<10240x128xf32, #tpu.memory_space<vmem_shared>> -> memref<64x128xf32, #tpu.memory_space<vmem_shared>>
      %dma_wait3A_62 = arith.constant 0 : i32
      %dma_wait3A_63 = tpu.memref_slice %arg16[%add3A_22, %dma_wait3A_62] : memref<10240x128xf32, #tpu.memory_space<vmem_shared>> -> memref<64x128xf32, #tpu.memory_space<vmem_shared>>
      tpu.wait_dma2 semaphore(%run_scoped3A : memref<!tpu.dma_semaphore, #tpu.memory_space<semaphore_mem>>) src(%arg8 : memref<64x128xf32, #tpu.memory_space<vmem>>) dst(%dma_wait3A_63 : memref<64x128xf32, #tpu.memory_space<vmem_shared>>)
      tpu.yield
    }) : () -> ()
    %mul3A_23 = arith.constant 640 : i32
    %mul3A_24 = arith.muli %arg1, %mul3A_23 : i32
    %add3A_25 = arith.constant 256 : i32
    %add3A_26 = arith.addi %mul3A_24, %add3A_25 : i32
    "tpu.region"() ({
      %run_scoped3A = tpu.sem_alloc : memref<!tpu.dma_semaphore, #tpu.memory_space<semaphore_mem>>
      %dma_start3A = arith.constant 0 : i32
      %dma_start3A_58 = tpu.memref_slice %arg16[%add3A_26, %dma_start3A] : memref<10240x128xf32, #tpu.memory_space<vmem_shared>> -> memref<64x128xf32, #tpu.memory_space<vmem_shared>>
      %dma_start3A_59 = arith.constant 0 : i32
      %dma_start3A_60 = tpu.memref_slice %arg16[%add3A_26, %dma_start3A_59] : memref<10240x128xf32, #tpu.memory_space<vmem_shared>> -> memref<64x128xf32, #tpu.memory_space<vmem_shared>>
      tpu.enqueue_dma source(%arg8 : memref<64x128xf32, #tpu.memory_space<vmem>>) target(%dma_start3A_60 : memref<64x128xf32, #tpu.memory_space<vmem_shared>>) target_semaphore(%run_scoped3A : memref<!tpu.dma_semaphore, #tpu.memory_space<semaphore_mem>>)
      %dma_wait3A = arith.constant 0 : i32
      %dma_wait3A_61 = tpu.memref_slice %arg16[%add3A_26, %dma_wait3A] : memref<10240x128xf32, #tpu.memory_space<vmem_shared>> -> memref<64x128xf32, #tpu.memory_space<vmem_shared>>
      %dma_wait3A_62 = arith.constant 0 : i32
      %dma_wait3A_63 = tpu.memref_slice %arg16[%add3A_26, %dma_wait3A_62] : memref<10240x128xf32, #tpu.memory_space<vmem_shared>> -> memref<64x128xf32, #tpu.memory_space<vmem_shared>>
      tpu.wait_dma2 semaphore(%run_scoped3A : memref<!tpu.dma_semaphore, #tpu.memory_space<semaphore_mem>>) src(%arg8 : memref<64x128xf32, #tpu.memory_space<vmem>>) dst(%dma_wait3A_63 : memref<64x128xf32, #tpu.memory_space<vmem_shared>>)
      tpu.yield
    }) : () -> ()
    %mul3A_27 = arith.constant 640 : i32
    %mul3A_28 = arith.muli %arg1, %mul3A_27 : i32
    %add3A_29 = arith.constant 320 : i32
    %add3A_30 = arith.addi %mul3A_28, %add3A_29 : i32
    "tpu.region"() ({
      %run_scoped3A = tpu.sem_alloc : memref<!tpu.dma_semaphore, #tpu.memory_space<semaphore_mem>>
      %dma_start3A = arith.constant 0 : i32
      %dma_start3A_58 = tpu.memref_slice %arg16[%add3A_30, %dma_start3A] : memref<10240x128xf32, #tpu.memory_space<vmem_shared>> -> memref<64x128xf32, #tpu.memory_space<vmem_shared>>
      %dma_start3A_59 = arith.constant 0 : i32
      %dma_start3A_60 = tpu.memref_slice %arg16[%add3A_30, %dma_start3A_59] : memref<10240x128xf32, #tpu.memory_space<vmem_shared>> -> memref<64x128xf32, #tpu.memory_space<vmem_shared>>
      tpu.enqueue_dma source(%arg8 : memref<64x128xf32, #tpu.memory_space<vmem>>) target(%dma_start3A_60 : memref<64x128xf32, #tpu.memory_space<vmem_shared>>) target_semaphore(%run_scoped3A : memref<!tpu.dma_semaphore, #tpu.memory_space<semaphore_mem>>)
      %dma_wait3A = arith.constant 0 : i32
      %dma_wait3A_61 = tpu.memref_slice %arg16[%add3A_30, %dma_wait3A] : memref<10240x128xf32, #tpu.memory_space<vmem_shared>> -> memref<64x128xf32, #tpu.memory_space<vmem_shared>>
      %dma_wait3A_62 = arith.constant 0 : i32
      %dma_wait3A_63 = tpu.memref_slice %arg16[%add3A_30, %dma_wait3A_62] : memref<10240x128xf32, #tpu.memory_space<vmem_shared>> -> memref<64x128xf32, #tpu.memory_space<vmem_shared>>
      tpu.wait_dma2 semaphore(%run_scoped3A : memref<!tpu.dma_semaphore, #tpu.memory_space<semaphore_mem>>) src(%arg8 : memref<64x128xf32, #tpu.memory_space<vmem>>) dst(%dma_wait3A_63 : memref<64x128xf32, #tpu.memory_space<vmem_shared>>)
      tpu.yield
    }) : () -> ()
    %mul3A_31 = arith.constant 640 : i32
    %mul3A_32 = arith.muli %arg1, %mul3A_31 : i32
    %add3A_33 = arith.constant 384 : i32
    %add3A_34 = arith.addi %mul3A_32, %add3A_33 : i32
    "tpu.region"() ({
      %run_scoped3A = tpu.sem_alloc : memref<!tpu.dma_semaphore, #tpu.memory_space<semaphore_mem>>
      %dma_start3A = arith.constant 0 : i32
      %dma_start3A_58 = tpu.memref_slice %arg16[%add3A_34, %dma_start3A] : memref<10240x128xf32, #tpu.memory_space<vmem_shared>> -> memref<64x128xf32, #tpu.memory_space<vmem_shared>>
      %dma_start3A_59 = arith.constant 0 : i32
      %dma_start3A_60 = tpu.memref_slice %arg16[%add3A_34, %dma_start3A_59] : memref<10240x128xf32, #tpu.memory_space<vmem_shared>> -> memref<64x128xf32, #tpu.memory_space<vmem_shared>>
      tpu.enqueue_dma source(%arg8 : memref<64x128xf32, #tpu.memory_space<vmem>>) target(%dma_start3A_60 : memref<64x128xf32, #tpu.memory_space<vmem_shared>>) target_semaphore(%run_scoped3A : memref<!tpu.dma_semaphore, #tpu.memory_space<semaphore_mem>>)
      %dma_wait3A = arith.constant 0 : i32
      %dma_wait3A_61 = tpu.memref_slice %arg16[%add3A_34, %dma_wait3A] : memref<10240x128xf32, #tpu.memory_space<vmem_shared>> -> memref<64x128xf32, #tpu.memory_space<vmem_shared>>
      %dma_wait3A_62 = arith.constant 0 : i32
      %dma_wait3A_63 = tpu.memref_slice %arg16[%add3A_34, %dma_wait3A_62] : memref<10240x128xf32, #tpu.memory_space<vmem_shared>> -> memref<64x128xf32, #tpu.memory_space<vmem_shared>>
      tpu.wait_dma2 semaphore(%run_scoped3A : memref<!tpu.dma_semaphore, #tpu.memory_space<semaphore_mem>>) src(%arg8 : memref<64x128xf32, #tpu.memory_space<vmem>>) dst(%dma_wait3A_63 : memref<64x128xf32, #tpu.memory_space<vmem_shared>>)
      tpu.yield
    }) : () -> ()
    %mul3A_35 = arith.constant 640 : i32
    %mul3A_36 = arith.muli %arg1, %mul3A_35 : i32
    %add3A_37 = arith.constant 448 : i32
    %add3A_38 = arith.addi %mul3A_36, %add3A_37 : i32
    "tpu.region"() ({
      %run_scoped3A = tpu.sem_alloc : memref<!tpu.dma_semaphore, #tpu.memory_space<semaphore_mem>>
      %dma_start3A = arith.constant 0 : i32
      %dma_start3A_58 = tpu.memref_slice %arg16[%add3A_38, %dma_start3A] : memref<10240x128xf32, #tpu.memory_space<vmem_shared>> -> memref<64x128xf32, #tpu.memory_space<vmem_shared>>
      %dma_start3A_59 = arith.constant 0 : i32
      %dma_start3A_60 = tpu.memref_slice %arg16[%add3A_38, %dma_start3A_59] : memref<10240x128xf32, #tpu.memory_space<vmem_shared>> -> memref<64x128xf32, #tpu.memory_space<vmem_shared>>
      tpu.enqueue_dma source(%arg8 : memref<64x128xf32, #tpu.memory_space<vmem>>) target(%dma_start3A_60 : memref<64x128xf32, #tpu.memory_space<vmem_shared>>) target_semaphore(%run_scoped3A : memref<!tpu.dma_semaphore, #tpu.memory_space<semaphore_mem>>)
      %dma_wait3A = arith.constant 0 : i32
      %dma_wait3A_61 = tpu.memref_slice %arg16[%add3A_38, %dma_wait3A] : memref<10240x128xf32, #tpu.memory_space<vmem_shared>> -> memref<64x128xf32, #tpu.memory_space<vmem_shared>>
      %dma_wait3A_62 = arith.constant 0 : i32
      %dma_wait3A_63 = tpu.memref_slice %arg16[%add3A_38, %dma_wait3A_62] : memref<10240x128xf32, #tpu.memory_space<vmem_shared>> -> memref<64x128xf32, #tpu.memory_space<vmem_shared>>
      tpu.wait_dma2 semaphore(%run_scoped3A : memref<!tpu.dma_semaphore, #tpu.memory_space<semaphore_mem>>) src(%arg8 : memref<64x128xf32, #tpu.memory_space<vmem>>) dst(%dma_wait3A_63 : memref<64x128xf32, #tpu.memory_space<vmem_shared>>)
      tpu.yield
    }) : () -> ()
    %mul3A_39 = arith.constant 640 : i32
    %mul3A_40 = arith.muli %arg1, %mul3A_39 : i32
    %add3A_41 = arith.constant 512 : i32
    %add3A_42 = arith.addi %mul3A_40, %add3A_41 : i32
    "tpu.region"() ({
      %run_scoped3A = tpu.sem_alloc : memref<!tpu.dma_semaphore, #tpu.memory_space<semaphore_mem>>
      %dma_start3A = arith.constant 0 : i32
      %dma_start3A_58 = tpu.memref_slice %arg16[%add3A_42, %dma_start3A] : memref<10240x128xf32, #tpu.memory_space<vmem_shared>> -> memref<64x128xf32, #tpu.memory_space<vmem_shared>>
      %dma_start3A_59 = arith.constant 0 : i32
      %dma_start3A_60 = tpu.memref_slice %arg16[%add3A_42, %dma_start3A_59] : memref<10240x128xf32, #tpu.memory_space<vmem_shared>> -> memref<64x128xf32, #tpu.memory_space<vmem_shared>>
      tpu.enqueue_dma source(%arg8 : memref<64x128xf32, #tpu.memory_space<vmem>>) target(%dma_start3A_60 : memref<64x128xf32, #tpu.memory_space<vmem_shared>>) target_semaphore(%run_scoped3A : memref<!tpu.dma_semaphore, #tpu.memory_space<semaphore_mem>>)
      %dma_wait3A = arith.constant 0 : i32
      %dma_wait3A_61 = tpu.memref_slice %arg16[%add3A_42, %dma_wait3A] : memref<10240x128xf32, #tpu.memory_space<vmem_shared>> -> memref<64x128xf32, #tpu.memory_space<vmem_shared>>
      %dma_wait3A_62 = arith.constant 0 : i32
      %dma_wait3A_63 = tpu.memref_slice %arg16[%add3A_42, %dma_wait3A_62] : memref<10240x128xf32, #tpu.memory_space<vmem_shared>> -> memref<64x128xf32, #tpu.memory_space<vmem_shared>>
      tpu.wait_dma2 semaphore(%run_scoped3A : memref<!tpu.dma_semaphore, #tpu.memory_space<semaphore_mem>>) src(%arg8 : memref<64x128xf32, #tpu.memory_space<vmem>>) dst(%dma_wait3A_63 : memref<64x128xf32, #tpu.memory_space<vmem_shared>>)
      tpu.yield
    }) : () -> ()
    %mul3A_43 = arith.constant 640 : i32
    %mul3A_44 = arith.muli %arg1, %mul3A_43 : i32
    %add3A_45 = arith.constant 576 : i32
    %add3A_46 = arith.addi %mul3A_44, %add3A_45 : i32
    "tpu.region"() ({
      %run_scoped3A = tpu.sem_alloc : memref<!tpu.dma_semaphore, #tpu.memory_space<semaphore_mem>>
      %dma_start3A = arith.constant 0 : i32
      %dma_start3A_58 = tpu.memref_slice %arg16[%add3A_46, %dma_start3A] : memref<10240x128xf32, #tpu.memory_space<vmem_shared>> -> memref<64x128xf32, #tpu.memory_space<vmem_shared>>
      %dma_start3A_59 = arith.constant 0 : i32
      %dma_start3A_60 = tpu.memref_slice %arg16[%add3A_46, %dma_start3A_59] : memref<10240x128xf32, #tpu.memory_space<vmem_shared>> -> memref<64x128xf32, #tpu.memory_space<vmem_shared>>
      tpu.enqueue_dma source(%arg8 : memref<64x128xf32, #tpu.memory_space<vmem>>) target(%dma_start3A_60 : memref<64x128xf32, #tpu.memory_space<vmem_shared>>) target_semaphore(%run_scoped3A : memref<!tpu.dma_semaphore, #tpu.memory_space<semaphore_mem>>)
      %dma_wait3A = arith.constant 0 : i32
      %dma_wait3A_61 = tpu.memref_slice %arg16[%add3A_46, %dma_wait3A] : memref<10240x128xf32, #tpu.memory_space<vmem_shared>> -> memref<64x128xf32, #tpu.memory_space<vmem_shared>>
      %dma_wait3A_62 = arith.constant 0 : i32
      %dma_wait3A_63 = tpu.memref_slice %arg16[%add3A_46, %dma_wait3A_62] : memref<10240x128xf32, #tpu.memory_space<vmem_shared>> -> memref<64x128xf32, #tpu.memory_space<vmem_shared>>
      tpu.wait_dma2 semaphore(%run_scoped3A : memref<!tpu.dma_semaphore, #tpu.memory_space<semaphore_mem>>) src(%arg8 : memref<64x128xf32, #tpu.memory_space<vmem>>) dst(%dma_wait3A_63 : memref<64x128xf32, #tpu.memory_space<vmem_shared>>)
      tpu.yield
    }) : () -> ()
    %barrier3A = arith.constant 0 : index
    tpu.barrier barrier_id(%barrier3A)
    %scan3A_47 = arith.constant 0 : i32
    %scan3A_48 = arith.constant 0 : i32
    %scan3A_49 = arith.constant 4 : i32
    %scan3A_50 = arith.addi %scan3A_48, %scan3A_49 : i32
    %scan3A_51 = arith.constant 1 : i32
    scf.for %scan3A_58 = %scan3A_48 to %scan3A_50 step %scan3A_51  : i32 {
      %mul3A_59 = arith.constant 40 : i32
      %mul3A_60 = arith.muli %scan3A_58, %mul3A_59 : i32
      "tpu.region"() ({
        %run_scoped3A = tpu.sem_alloc : memref<!tpu.dma_semaphore, #tpu.memory_space<semaphore_mem>>
        %dma_start3A_96 = arith.constant 0 : i32
        %dma_start3A_97 = tpu.memref_slice %arg3[%add3A, %mul3A_60, %dma_start3A_96] : memref<32x160x64xi32, #tpu.memory_space<hbm>> -> memref<1x40x64xi32, #tpu.memory_space<hbm>>
        %dma_start3A_98 = tpu.memref_squeeze %dma_start3A_97 : memref<1x40x64xi32, #tpu.memory_space<hbm>> -> memref<40x64xi32, #tpu.memory_space<hbm>>
        %dma_start3A_99 = arith.constant 0 : i32
        %dma_start3A_100 = tpu.memref_slice %arg3[%add3A, %mul3A_60, %dma_start3A_99] : memref<32x160x64xi32, #tpu.memory_space<hbm>> -> memref<1x40x64xi32, #tpu.memory_space<hbm>>
        %dma_start3A_101 = tpu.memref_squeeze %dma_start3A_100 : memref<1x40x64xi32, #tpu.memory_space<hbm>> -> memref<40x64xi32, #tpu.memory_space<hbm>>
        tpu.enqueue_dma source(%dma_start3A_101 : memref<40x64xi32, #tpu.memory_space<hbm>>) target(%arg6 : memref<40x64xi32, #tpu.memory_space<vmem>>) target_semaphore(%run_scoped3A : memref<!tpu.dma_semaphore, #tpu.memory_space<semaphore_mem>>)
        %dma_wait3A = arith.constant 0 : i32
        %dma_wait3A_102 = tpu.memref_slice %arg3[%add3A, %mul3A_60, %dma_wait3A] : memref<32x160x64xi32, #tpu.memory_space<hbm>> -> memref<1x40x64xi32, #tpu.memory_space<hbm>>
        %dma_wait3A_103 = tpu.memref_squeeze %dma_wait3A_102 : memref<1x40x64xi32, #tpu.memory_space<hbm>> -> memref<40x64xi32, #tpu.memory_space<hbm>>
        %dma_wait3A_104 = arith.constant 0 : i32
        %dma_wait3A_105 = tpu.memref_slice %arg3[%add3A, %mul3A_60, %dma_wait3A_104] : memref<32x160x64xi32, #tpu.memory_space<hbm>> -> memref<1x40x64xi32, #tpu.memory_space<hbm>>
        %dma_wait3A_106 = tpu.memref_squeeze %dma_wait3A_105 : memref<1x40x64xi32, #tpu.memory_space<hbm>> -> memref<40x64xi32, #tpu.memory_space<hbm>>
        tpu.wait_dma2 semaphore(%run_scoped3A : memref<!tpu.dma_semaphore, #tpu.memory_space<semaphore_mem>>) src(%dma_wait3A_106 : memref<40x64xi32, #tpu.memory_space<hbm>>) dst(%arg6 : memref<40x64xi32, #tpu.memory_space<vmem>>)
        tpu.yield
      }) : () -> ()
      %mul3A_61 = arith.constant 40 : i32
      %mul3A_62 = arith.muli %scan3A_58, %mul3A_61 : i32
      "tpu.region"() ({
        %run_scoped3A = tpu.sem_alloc : memref<!tpu.dma_semaphore, #tpu.memory_space<semaphore_mem>>
        %dma_start3A_96 = arith.constant 0 : i32
        %dma_start3A_97 = tpu.memref_slice %arg4[%add3A, %mul3A_62, %dma_start3A_96] : memref<32x160x64xi32, #tpu.memory_space<hbm>> -> memref<1x40x64xi32, #tpu.memory_space<hbm>>
        %dma_start3A_98 = tpu.memref_squeeze %dma_start3A_97 : memref<1x40x64xi32, #tpu.memory_space<hbm>> -> memref<40x64xi32, #tpu.memory_space<hbm>>
        %dma_start3A_99 = arith.constant 0 : i32
        %dma_start3A_100 = tpu.memref_slice %arg4[%add3A, %mul3A_62, %dma_start3A_99] : memref<32x160x64xi32, #tpu.memory_space<hbm>> -> memref<1x40x64xi32, #tpu.memory_space<hbm>>
        %dma_start3A_101 = tpu.memref_squeeze %dma_start3A_100 : memref<1x40x64xi32, #tpu.memory_space<hbm>> -> memref<40x64xi32, #tpu.memory_space<hbm>>
        tpu.enqueue_dma source(%dma_start3A_101 : memref<40x64xi32, #tpu.memory_space<hbm>>) target(%arg7 : memref<40x64xi32, #tpu.memory_space<vmem>>) target_semaphore(%run_scoped3A : memref<!tpu.dma_semaphore, #tpu.memory_space<semaphore_mem>>)
        %dma_wait3A = arith.constant 0 : i32
        %dma_wait3A_102 = tpu.memref_slice %arg4[%add3A, %mul3A_62, %dma_wait3A] : memref<32x160x64xi32, #tpu.memory_space<hbm>> -> memref<1x40x64xi32, #tpu.memory_space<hbm>>
        %dma_wait3A_103 = tpu.memref_squeeze %dma_wait3A_102 : memref<1x40x64xi32, #tpu.memory_space<hbm>> -> memref<40x64xi32, #tpu.memory_space<hbm>>
        %dma_wait3A_104 = arith.constant 0 : i32
        %dma_wait3A_105 = tpu.memref_slice %arg4[%add3A, %mul3A_62, %dma_wait3A_104] : memref<32x160x64xi32, #tpu.memory_space<hbm>> -> memref<1x40x64xi32, #tpu.memory_space<hbm>>
        %dma_wait3A_106 = tpu.memref_squeeze %dma_wait3A_105 : memref<1x40x64xi32, #tpu.memory_space<hbm>> -> memref<40x64xi32, #tpu.memory_space<hbm>>
        tpu.wait_dma2 semaphore(%run_scoped3A : memref<!tpu.dma_semaphore, #tpu.memory_space<semaphore_mem>>) src(%dma_wait3A_106 : memref<40x64xi32, #tpu.memory_space<hbm>>) dst(%arg7 : memref<40x64xi32, #tpu.memory_space<vmem>>)
        tpu.yield
      }) : () -> ()
      %dma_start3A = arith.constant 0 : i32
      %dma_start3A_63 = arith.constant 0 : i32
      %dma_start3A_64 = tpu.memref_slice %arg6[%dma_start3A, %dma_start3A_63] : memref<40x64xi32, #tpu.memory_space<vmem>> -> memref<1x64xi32, #tpu.memory_space<vmem>>
      %dma_start3A_65 = tpu.memref_squeeze %dma_start3A_64 : memref<1x64xi32, #tpu.memory_space<vmem>> -> memref<64xi32, #tpu.memory_space<vmem>>
      %dma_start3A_66 = arith.constant 0 : i32
      %dma_start3A_67 = arith.constant 0 : i32
      %dma_start3A_68 = tpu.memref_slice %arg2[%dma_start3A_66, %dma_start3A_67] : memref<10000x128xf32, #tpu.memory_space<hbm>> -> memref<10000x128xf32, #tpu.memory_space<hbm>>
      tpu.enqueue_indirect_dma source(%dma_start3A_68 : memref<10000x128xf32, #tpu.memory_space<hbm>>) target(%arg8 : memref<64x128xf32, #tpu.memory_space<vmem>>) offsets(%dma_start3A_65 : memref<64xi32, #tpu.memory_space<vmem>>) semaphore(%arg12 : memref<!tpu.dma_semaphore, #tpu.memory_space<semaphore_mem>>)
      %dma_start3A_69 = arith.constant 1 : i32
      %dma_start3A_70 = arith.constant 0 : i32
      %dma_start3A_71 = tpu.memref_slice %arg6[%dma_start3A_69, %dma_start3A_70] : memref<40x64xi32, #tpu.memory_space<vmem>> -> memref<1x64xi32, #tpu.memory_space<vmem>>
      %dma_start3A_72 = tpu.memref_squeeze %dma_start3A_71 : memref<1x64xi32, #tpu.memory_space<vmem>> -> memref<64xi32, #tpu.memory_space<vmem>>
      %dma_start3A_73 = arith.constant 0 : i32
      %dma_start3A_74 = arith.constant 0 : i32
      %dma_start3A_75 = tpu.memref_slice %arg2[%dma_start3A_73, %dma_start3A_74] : memref<10000x128xf32, #tpu.memory_space<hbm>> -> memref<10000x128xf32, #tpu.memory_space<hbm>>
      tpu.enqueue_indirect_dma source(%dma_start3A_75 : memref<10000x128xf32, #tpu.memory_space<hbm>>) target(%arg9 : memref<64x128xf32, #tpu.memory_space<vmem>>) offsets(%dma_start3A_72 : memref<64xi32, #tpu.memory_space<vmem>>) semaphore(%arg13 : memref<!tpu.dma_semaphore, #tpu.memory_space<semaphore_mem>>)
      %dma_start3A_76 = arith.constant 2 : i32
      %dma_start3A_77 = arith.constant 0 : i32
      %dma_start3A_78 = tpu.memref_slice %arg6[%dma_start3A_76, %dma_start3A_77] : memref<40x64xi32, #tpu.memory_space<vmem>> -> memref<1x64xi32, #tpu.memory_space<vmem>>
      %dma_start3A_79 = tpu.memref_squeeze %dma_start3A_78 : memref<1x64xi32, #tpu.memory_space<vmem>> -> memref<64xi32, #tpu.memory_space<vmem>>
      %dma_start3A_80 = arith.constant 0 : i32
      %dma_start3A_81 = arith.constant 0 : i32
      %dma_start3A_82 = tpu.memref_slice %arg2[%dma_start3A_80, %dma_start3A_81] : memref<10000x128xf32, #tpu.memory_space<hbm>> -> memref<10000x128xf32, #tpu.memory_space<hbm>>
      tpu.enqueue_indirect_dma source(%dma_start3A_82 : memref<10000x128xf32, #tpu.memory_space<hbm>>) target(%arg10 : memref<64x128xf32, #tpu.memory_space<vmem>>) offsets(%dma_start3A_79 : memref<64xi32, #tpu.memory_space<vmem>>) semaphore(%arg14 : memref<!tpu.dma_semaphore, #tpu.memory_space<semaphore_mem>>)
      %dma_start3A_83 = arith.constant 3 : i32
      %dma_start3A_84 = arith.constant 0 : i32
      %dma_start3A_85 = tpu.memref_slice %arg6[%dma_start3A_83, %dma_start3A_84] : memref<40x64xi32, #tpu.memory_space<vmem>> -> memref<1x64xi32, #tpu.memory_space<vmem>>
      %dma_start3A_86 = tpu.memref_squeeze %dma_start3A_85 : memref<1x64xi32, #tpu.memory_space<vmem>> -> memref<64xi32, #tpu.memory_space<vmem>>
      %dma_start3A_87 = arith.constant 0 : i32
      %dma_start3A_88 = arith.constant 0 : i32
      %dma_start3A_89 = tpu.memref_slice %arg2[%dma_start3A_87, %dma_start3A_88] : memref<10000x128xf32, #tpu.memory_space<hbm>> -> memref<10000x128xf32, #tpu.memory_space<hbm>>
      tpu.enqueue_indirect_dma source(%dma_start3A_89 : memref<10000x128xf32, #tpu.memory_space<hbm>>) target(%arg11 : memref<64x128xf32, #tpu.memory_space<vmem>>) offsets(%dma_start3A_86 : memref<64xi32, #tpu.memory_space<vmem>>) semaphore(%arg15 : memref<!tpu.dma_semaphore, #tpu.memory_space<semaphore_mem>>)
      %scan3A_90 = arith.constant 0 : i32
      %scan3A_91 = arith.constant 0 : i32
      %scan3A_92 = arith.constant 10 : i32
      %scan3A_93 = arith.addi %scan3A_91, %scan3A_92 : i32
      %scan3A_94 = arith.constant 1 : i32
      scf.for %scan3A_96 = %scan3A_91 to %scan3A_93 step %scan3A_94  : i32 {
        %mul3A_97 = arith.constant 4 : i32
        %mul3A_98 = arith.muli %scan3A_96, %mul3A_97 : i32
        %add3A_99 = arith.constant 0 : i32
        %add3A_100 = arith.addi %mul3A_98, %add3A_99 : i32
        %dma_wait3A = arith.constant 0 : i32
        %dma_wait3A_101 = tpu.memref_slice %arg6[%add3A_100, %dma_wait3A] : memref<40x64xi32, #tpu.memory_space<vmem>> -> memref<1x64xi32, #tpu.memory_space<vmem>>
        %dma_wait3A_102 = tpu.memref_squeeze %dma_wait3A_101 : memref<1x64xi32, #tpu.memory_space<vmem>> -> memref<64xi32, #tpu.memory_space<vmem>>
        %dma_wait3A_103 = arith.constant 0 : i32
        %dma_wait3A_104 = arith.constant 0 : i32
        %dma_wait3A_105 = tpu.memref_slice %arg2[%dma_wait3A_103, %dma_wait3A_104] : memref<10000x128xf32, #tpu.memory_space<hbm>> -> memref<10000x128xf32, #tpu.memory_space<hbm>>
        tpu.wait_indirect_dma semaphore(%arg12 : memref<!tpu.dma_semaphore, #tpu.memory_space<semaphore_mem>>) src(%dma_wait3A_105 : memref<10000x128xf32, #tpu.memory_space<hbm>>) dst(%arg8 : memref<64x128xf32, #tpu.memory_space<vmem>>)
        "tpu.region"() ({
          %run_scoped3A = tpu.sem_alloc : memref<!tpu.dma_semaphore, #tpu.memory_space<semaphore_mem>>
          %dma_start3A_155 = arith.constant 0 : i32
          %dma_start3A_156 = tpu.memref_slice %arg7[%add3A_100, %dma_start3A_155] : memref<40x64xi32, #tpu.memory_space<vmem>> -> memref<1x64xi32, #tpu.memory_space<vmem>>
          %dma_start3A_157 = tpu.memref_squeeze %dma_start3A_156 : memref<1x64xi32, #tpu.memory_space<vmem>> -> memref<64xi32, #tpu.memory_space<vmem>>
          %dma_start3A_158 = arith.constant 0 : i32
          %dma_start3A_159 = arith.constant 0 : i32
          %dma_start3A_160 = tpu.memref_slice %arg16[%dma_start3A_158, %dma_start3A_159] : memref<10240x128xf32, #tpu.memory_space<vmem_shared>> -> memref<10240x128xf32, #tpu.memory_space<vmem_shared>>
          tpu.enqueue_indirect_dma source(%arg8 : memref<64x128xf32, #tpu.memory_space<vmem>>) target(%dma_start3A_160 : memref<10240x128xf32, #tpu.memory_space<vmem_shared>>) offsets(%dma_start3A_157 : memref<64xi32, #tpu.memory_space<vmem>>) semaphore(%run_scoped3A : memref<!tpu.dma_semaphore, #tpu.memory_space<semaphore_mem>>) {add = true}
          %dma_wait3A_161 = arith.constant 0 : i32
          %dma_wait3A_162 = tpu.memref_slice %arg7[%add3A_100, %dma_wait3A_161] : memref<40x64xi32, #tpu.memory_space<vmem>> -> memref<1x64xi32, #tpu.memory_space<vmem>>
          %dma_wait3A_163 = tpu.memref_squeeze %dma_wait3A_162 : memref<1x64xi32, #tpu.memory_space<vmem>> -> memref<64xi32, #tpu.memory_space<vmem>>
          %dma_wait3A_164 = arith.constant 0 : i32
          %dma_wait3A_165 = arith.constant 0 : i32
          %dma_wait3A_166 = tpu.memref_slice %arg16[%dma_wait3A_164, %dma_wait3A_165] : memref<10240x128xf32, #tpu.memory_space<vmem_shared>> -> memref<10240x128xf32, #tpu.memory_space<vmem_shared>>
          tpu.wait_indirect_dma semaphore(%run_scoped3A : memref<!tpu.dma_semaphore, #tpu.memory_space<semaphore_mem>>) src(%arg8 : memref<64x128xf32, #tpu.memory_space<vmem>>) dst(%dma_wait3A_166 : memref<10240x128xf32, #tpu.memory_space<vmem_shared>>)
          tpu.yield
        }) : () -> ()
        %add3A_106 = arith.constant 4 : i32
        %add3A_107 = arith.addi %add3A_100, %add3A_106 : i32
        %lt3A = arith.constant 40 : i32
        %lt3A_108 = arith.cmpi slt, %add3A_107, %lt3A : i32
        %convert_element_type3A = arith.extui %lt3A_108 : i1 to i32
        %cond3A = arith.constant 0 : i32
        %cond3A_109 = arith.cmpi ne, %convert_element_type3A, %cond3A : i32
        scf.if %cond3A_109 {
          %add3A_155 = arith.constant 4 : i32
          %add3A_156 = arith.addi %add3A_100, %add3A_155 : i32
          %dma_start3A_157 = arith.constant 0 : i32
          %dma_start3A_158 = tpu.memref_slice %arg6[%add3A_156, %dma_start3A_157] : memref<40x64xi32, #tpu.memory_space<vmem>> -> memref<1x64xi32, #tpu.memory_space<vmem>>
          %dma_start3A_159 = tpu.memref_squeeze %dma_start3A_158 : memref<1x64xi32, #tpu.memory_space<vmem>> -> memref<64xi32, #tpu.memory_space<vmem>>
          %dma_start3A_160 = arith.constant 0 : i32
          %dma_start3A_161 = arith.constant 0 : i32
          %dma_start3A_162 = tpu.memref_slice %arg2[%dma_start3A_160, %dma_start3A_161] : memref<10000x128xf32, #tpu.memory_space<hbm>> -> memref<10000x128xf32, #tpu.memory_space<hbm>>
          tpu.enqueue_indirect_dma source(%dma_start3A_162 : memref<10000x128xf32, #tpu.memory_space<hbm>>) target(%arg8 : memref<64x128xf32, #tpu.memory_space<vmem>>) offsets(%dma_start3A_159 : memref<64xi32, #tpu.memory_space<vmem>>) semaphore(%arg12 : memref<!tpu.dma_semaphore, #tpu.memory_space<semaphore_mem>>)
        } else {
        }
        %add3A_110 = arith.constant 1 : i32
        %add3A_111 = arith.addi %mul3A_98, %add3A_110 : i32
        %dma_wait3A_112 = arith.constant 0 : i32
        %dma_wait3A_113 = tpu.memref_slice %arg6[%add3A_111, %dma_wait3A_112] : memref<40x64xi32, #tpu.memory_space<vmem>> -> memref<1x64xi32, #tpu.memory_space<vmem>>
        %dma_wait3A_114 = tpu.memref_squeeze %dma_wait3A_113 : memref<1x64xi32, #tpu.memory_space<vmem>> -> memref<64xi32, #tpu.memory_space<vmem>>
        %dma_wait3A_115 = arith.constant 0 : i32
        %dma_wait3A_116 = arith.constant 0 : i32
        %dma_wait3A_117 = tpu.memref_slice %arg2[%dma_wait3A_115, %dma_wait3A_116] : memref<10000x128xf32, #tpu.memory_space<hbm>> -> memref<10000x128xf32, #tpu.memory_space<hbm>>
        tpu.wait_indirect_dma semaphore(%arg13 : memref<!tpu.dma_semaphore, #tpu.memory_space<semaphore_mem>>) src(%dma_wait3A_117 : memref<10000x128xf32, #tpu.memory_space<hbm>>) dst(%arg9 : memref<64x128xf32, #tpu.memory_space<vmem>>)
        "tpu.region"() ({
          %run_scoped3A = tpu.sem_alloc : memref<!tpu.dma_semaphore, #tpu.memory_space<semaphore_mem>>
          %dma_start3A_155 = arith.constant 0 : i32
          %dma_start3A_156 = tpu.memref_slice %arg7[%add3A_111, %dma_start3A_155] : memref<40x64xi32, #tpu.memory_space<vmem>> -> memref<1x64xi32, #tpu.memory_space<vmem>>
          %dma_start3A_157 = tpu.memref_squeeze %dma_start3A_156 : memref<1x64xi32, #tpu.memory_space<vmem>> -> memref<64xi32, #tpu.memory_space<vmem>>
          %dma_start3A_158 = arith.constant 0 : i32
          %dma_start3A_159 = arith.constant 0 : i32
          %dma_start3A_160 = tpu.memref_slice %arg16[%dma_start3A_158, %dma_start3A_159] : memref<10240x128xf32, #tpu.memory_space<vmem_shared>> -> memref<10240x128xf32, #tpu.memory_space<vmem_shared>>
          tpu.enqueue_indirect_dma source(%arg9 : memref<64x128xf32, #tpu.memory_space<vmem>>) target(%dma_start3A_160 : memref<10240x128xf32, #tpu.memory_space<vmem_shared>>) offsets(%dma_start3A_157 : memref<64xi32, #tpu.memory_space<vmem>>) semaphore(%run_scoped3A : memref<!tpu.dma_semaphore, #tpu.memory_space<semaphore_mem>>) {add = true}
          %dma_wait3A_161 = arith.constant 0 : i32
          %dma_wait3A_162 = tpu.memref_slice %arg7[%add3A_111, %dma_wait3A_161] : memref<40x64xi32, #tpu.memory_space<vmem>> -> memref<1x64xi32, #tpu.memory_space<vmem>>
          %dma_wait3A_163 = tpu.memref_squeeze %dma_wait3A_162 : memref<1x64xi32, #tpu.memory_space<vmem>> -> memref<64xi32, #tpu.memory_space<vmem>>
          %dma_wait3A_164 = arith.constant 0 : i32
          %dma_wait3A_165 = arith.constant 0 : i32
          %dma_wait3A_166 = tpu.memref_slice %arg16[%dma_wait3A_164, %dma_wait3A_165] : memref<10240x128xf32, #tpu.memory_space<vmem_shared>> -> memref<10240x128xf32, #tpu.memory_space<vmem_shared>>
          tpu.wait_indirect_dma semaphore(%run_scoped3A : memref<!tpu.dma_semaphore, #tpu.memory_space<semaphore_mem>>) src(%arg9 : memref<64x128xf32, #tpu.memory_space<vmem>>) dst(%dma_wait3A_166 : memref<10240x128xf32, #tpu.memory_space<vmem_shared>>)
          tpu.yield
        }) : () -> ()
        %add3A_118 = arith.constant 4 : i32
        %add3A_119 = arith.addi %add3A_111, %add3A_118 : i32
        %lt3A_120 = arith.constant 40 : i32
        %lt3A_121 = arith.cmpi slt, %add3A_119, %lt3A_120 : i32
        %convert_element_type3A_122 = arith.extui %lt3A_121 : i1 to i32
        %cond3A_123 = arith.constant 0 : i32
        %cond3A_124 = arith.cmpi ne, %convert_element_type3A_122, %cond3A_123 : i32
        scf.if %cond3A_124 {
          %add3A_155 = arith.constant 4 : i32
          %add3A_156 = arith.addi %add3A_111, %add3A_155 : i32
          %dma_start3A_157 = arith.constant 0 : i32
          %dma_start3A_158 = tpu.memref_slice %arg6[%add3A_156, %dma_start3A_157] : memref<40x64xi32, #tpu.memory_space<vmem>> -> memref<1x64xi32, #tpu.memory_space<vmem>>
          %dma_start3A_159 = tpu.memref_squeeze %dma_start3A_158 : memref<1x64xi32, #tpu.memory_space<vmem>> -> memref<64xi32, #tpu.memory_space<vmem>>
          %dma_start3A_160 = arith.constant 0 : i32
          %dma_start3A_161 = arith.constant 0 : i32
          %dma_start3A_162 = tpu.memref_slice %arg2[%dma_start3A_160, %dma_start3A_161] : memref<10000x128xf32, #tpu.memory_space<hbm>> -> memref<10000x128xf32, #tpu.memory_space<hbm>>
          tpu.enqueue_indirect_dma source(%dma_start3A_162 : memref<10000x128xf32, #tpu.memory_space<hbm>>) target(%arg9 : memref<64x128xf32, #tpu.memory_space<vmem>>) offsets(%dma_start3A_159 : memref<64xi32, #tpu.memory_space<vmem>>) semaphore(%arg13 : memref<!tpu.dma_semaphore, #tpu.memory_space<semaphore_mem>>)
        } else {
        }
        %add3A_125 = arith.constant 2 : i32
        %add3A_126 = arith.addi %mul3A_98, %add3A_125 : i32
        %dma_wait3A_127 = arith.constant 0 : i32
        %dma_wait3A_128 = tpu.memref_slice %arg6[%add3A_126, %dma_wait3A_127] : memref<40x64xi32, #tpu.memory_space<vmem>> -> memref<1x64xi32, #tpu.memory_space<vmem>>
        %dma_wait3A_129 = tpu.memref_squeeze %dma_wait3A_128 : memref<1x64xi32, #tpu.memory_space<vmem>> -> memref<64xi32, #tpu.memory_space<vmem>>
        %dma_wait3A_130 = arith.constant 0 : i32
        %dma_wait3A_131 = arith.constant 0 : i32
        %dma_wait3A_132 = tpu.memref_slice %arg2[%dma_wait3A_130, %dma_wait3A_131] : memref<10000x128xf32, #tpu.memory_space<hbm>> -> memref<10000x128xf32, #tpu.memory_space<hbm>>
        tpu.wait_indirect_dma semaphore(%arg14 : memref<!tpu.dma_semaphore, #tpu.memory_space<semaphore_mem>>) src(%dma_wait3A_132 : memref<10000x128xf32, #tpu.memory_space<hbm>>) dst(%arg10 : memref<64x128xf32, #tpu.memory_space<vmem>>)
        "tpu.region"() ({
          %run_scoped3A = tpu.sem_alloc : memref<!tpu.dma_semaphore, #tpu.memory_space<semaphore_mem>>
          %dma_start3A_155 = arith.constant 0 : i32
          %dma_start3A_156 = tpu.memref_slice %arg7[%add3A_126, %dma_start3A_155] : memref<40x64xi32, #tpu.memory_space<vmem>> -> memref<1x64xi32, #tpu.memory_space<vmem>>
          %dma_start3A_157 = tpu.memref_squeeze %dma_start3A_156 : memref<1x64xi32, #tpu.memory_space<vmem>> -> memref<64xi32, #tpu.memory_space<vmem>>
          %dma_start3A_158 = arith.constant 0 : i32
          %dma_start3A_159 = arith.constant 0 : i32
          %dma_start3A_160 = tpu.memref_slice %arg16[%dma_start3A_158, %dma_start3A_159] : memref<10240x128xf32, #tpu.memory_space<vmem_shared>> -> memref<10240x128xf32, #tpu.memory_space<vmem_shared>>
          tpu.enqueue_indirect_dma source(%arg10 : memref<64x128xf32, #tpu.memory_space<vmem>>) target(%dma_start3A_160 : memref<10240x128xf32, #tpu.memory_space<vmem_shared>>) offsets(%dma_start3A_157 : memref<64xi32, #tpu.memory_space<vmem>>) semaphore(%run_scoped3A : memref<!tpu.dma_semaphore, #tpu.memory_space<semaphore_mem>>) {add = true}
          %dma_wait3A_161 = arith.constant 0 : i32
          %dma_wait3A_162 = tpu.memref_slice %arg7[%add3A_126, %dma_wait3A_161] : memref<40x64xi32, #tpu.memory_space<vmem>> -> memref<1x64xi32, #tpu.memory_space<vmem>>
          %dma_wait3A_163 = tpu.memref_squeeze %dma_wait3A_162 : memref<1x64xi32, #tpu.memory_space<vmem>> -> memref<64xi32, #tpu.memory_space<vmem>>
          %dma_wait3A_164 = arith.constant 0 : i32
          %dma_wait3A_165 = arith.constant 0 : i32
          %dma_wait3A_166 = tpu.memref_slice %arg16[%dma_wait3A_164, %dma_wait3A_165] : memref<10240x128xf32, #tpu.memory_space<vmem_shared>> -> memref<10240x128xf32, #tpu.memory_space<vmem_shared>>
          tpu.wait_indirect_dma semaphore(%run_scoped3A : memref<!tpu.dma_semaphore, #tpu.memory_space<semaphore_mem>>) src(%arg10 : memref<64x128xf32, #tpu.memory_space<vmem>>) dst(%dma_wait3A_166 : memref<10240x128xf32, #tpu.memory_space<vmem_shared>>)
          tpu.yield
        }) : () -> ()
        %add3A_133 = arith.constant 4 : i32
        %add3A_134 = arith.addi %add3A_126, %add3A_133 : i32
        %lt3A_135 = arith.constant 40 : i32
        %lt3A_136 = arith.cmpi slt, %add3A_134, %lt3A_135 : i32
        %convert_element_type3A_137 = arith.extui %lt3A_136 : i1 to i32
        %cond3A_138 = arith.constant 0 : i32
        %cond3A_139 = arith.cmpi ne, %convert_element_type3A_137, %cond3A_138 : i32
        scf.if %cond3A_139 {
          %add3A_155 = arith.constant 4 : i32
          %add3A_156 = arith.addi %add3A_126, %add3A_155 : i32
          %dma_start3A_157 = arith.constant 0 : i32
          %dma_start3A_158 = tpu.memref_slice %arg6[%add3A_156, %dma_start3A_157] : memref<40x64xi32, #tpu.memory_space<vmem>> -> memref<1x64xi32, #tpu.memory_space<vmem>>
          %dma_start3A_159 = tpu.memref_squeeze %dma_start3A_158 : memref<1x64xi32, #tpu.memory_space<vmem>> -> memref<64xi32, #tpu.memory_space<vmem>>
          %dma_start3A_160 = arith.constant 0 : i32
          %dma_start3A_161 = arith.constant 0 : i32
          %dma_start3A_162 = tpu.memref_slice %arg2[%dma_start3A_160, %dma_start3A_161] : memref<10000x128xf32, #tpu.memory_space<hbm>> -> memref<10000x128xf32, #tpu.memory_space<hbm>>
          tpu.enqueue_indirect_dma source(%dma_start3A_162 : memref<10000x128xf32, #tpu.memory_space<hbm>>) target(%arg10 : memref<64x128xf32, #tpu.memory_space<vmem>>) offsets(%dma_start3A_159 : memref<64xi32, #tpu.memory_space<vmem>>) semaphore(%arg14 : memref<!tpu.dma_semaphore, #tpu.memory_space<semaphore_mem>>)
        } else {
        }
        %add3A_140 = arith.constant 3 : i32
        %add3A_141 = arith.addi %mul3A_98, %add3A_140 : i32
        %dma_wait3A_142 = arith.constant 0 : i32
        %dma_wait3A_143 = tpu.memref_slice %arg6[%add3A_141, %dma_wait3A_142] : memref<40x64xi32, #tpu.memory_space<vmem>> -> memref<1x64xi32, #tpu.memory_space<vmem>>
        %dma_wait3A_144 = tpu.memref_squeeze %dma_wait3A_143 : memref<1x64xi32, #tpu.memory_space<vmem>> -> memref<64xi32, #tpu.memory_space<vmem>>
        %dma_wait3A_145 = arith.constant 0 : i32
        %dma_wait3A_146 = arith.constant 0 : i32
        %dma_wait3A_147 = tpu.memref_slice %arg2[%dma_wait3A_145, %dma_wait3A_146] : memref<10000x128xf32, #tpu.memory_space<hbm>> -> memref<10000x128xf32, #tpu.memory_space<hbm>>
        tpu.wait_indirect_dma semaphore(%arg15 : memref<!tpu.dma_semaphore, #tpu.memory_space<semaphore_mem>>) src(%dma_wait3A_147 : memref<10000x128xf32, #tpu.memory_space<hbm>>) dst(%arg11 : memref<64x128xf32, #tpu.memory_space<vmem>>)
        "tpu.region"() ({
          %run_scoped3A = tpu.sem_alloc : memref<!tpu.dma_semaphore, #tpu.memory_space<semaphore_mem>>
          %dma_start3A_155 = arith.constant 0 : i32
          %dma_start3A_156 = tpu.memref_slice %arg7[%add3A_141, %dma_start3A_155] : memref<40x64xi32, #tpu.memory_space<vmem>> -> memref<1x64xi32, #tpu.memory_space<vmem>>
          %dma_start3A_157 = tpu.memref_squeeze %dma_start3A_156 : memref<1x64xi32, #tpu.memory_space<vmem>> -> memref<64xi32, #tpu.memory_space<vmem>>
          %dma_start3A_158 = arith.constant 0 : i32
          %dma_start3A_159 = arith.constant 0 : i32
          %dma_start3A_160 = tpu.memref_slice %arg16[%dma_start3A_158, %dma_start3A_159] : memref<10240x128xf32, #tpu.memory_space<vmem_shared>> -> memref<10240x128xf32, #tpu.memory_space<vmem_shared>>
          tpu.enqueue_indirect_dma source(%arg11 : memref<64x128xf32, #tpu.memory_space<vmem>>) target(%dma_start3A_160 : memref<10240x128xf32, #tpu.memory_space<vmem_shared>>) offsets(%dma_start3A_157 : memref<64xi32, #tpu.memory_space<vmem>>) semaphore(%run_scoped3A : memref<!tpu.dma_semaphore, #tpu.memory_space<semaphore_mem>>) {add = true}
          %dma_wait3A_161 = arith.constant 0 : i32
          %dma_wait3A_162 = tpu.memref_slice %arg7[%add3A_141, %dma_wait3A_161] : memref<40x64xi32, #tpu.memory_space<vmem>> -> memref<1x64xi32, #tpu.memory_space<vmem>>
          %dma_wait3A_163 = tpu.memref_squeeze %dma_wait3A_162 : memref<1x64xi32, #tpu.memory_space<vmem>> -> memref<64xi32, #tpu.memory_space<vmem>>
          %dma_wait3A_164 = arith.constant 0 : i32
          %dma_wait3A_165 = arith.constant 0 : i32
          %dma_wait3A_166 = tpu.memref_slice %arg16[%dma_wait3A_164, %dma_wait3A_165] : memref<10240x128xf32, #tpu.memory_space<vmem_shared>> -> memref<10240x128xf32, #tpu.memory_space<vmem_shared>>
          tpu.wait_indirect_dma semaphore(%run_scoped3A : memref<!tpu.dma_semaphore, #tpu.memory_space<semaphore_mem>>) src(%arg11 : memref<64x128xf32, #tpu.memory_space<vmem>>) dst(%dma_wait3A_166 : memref<10240x128xf32, #tpu.memory_space<vmem_shared>>)
          tpu.yield
        }) : () -> ()
        %add3A_148 = arith.constant 4 : i32
        %add3A_149 = arith.addi %add3A_141, %add3A_148 : i32
        %lt3A_150 = arith.constant 40 : i32
        %lt3A_151 = arith.cmpi slt, %add3A_149, %lt3A_150 : i32
        %convert_element_type3A_152 = arith.extui %lt3A_151 : i1 to i32
        %cond3A_153 = arith.constant 0 : i32
        %cond3A_154 = arith.cmpi ne, %convert_element_type3A_152, %cond3A_153 : i32
        scf.if %cond3A_154 {
          %add3A_155 = arith.constant 4 : i32
          %add3A_156 = arith.addi %add3A_141, %add3A_155 : i32
          %dma_start3A_157 = arith.constant 0 : i32
          %dma_start3A_158 = tpu.memref_slice %arg6[%add3A_156, %dma_start3A_157] : memref<40x64xi32, #tpu.memory_space<vmem>> -> memref<1x64xi32, #tpu.memory_space<vmem>>
          %dma_start3A_159 = tpu.memref_squeeze %dma_start3A_158 : memref<1x64xi32, #tpu.memory_space<vmem>> -> memref<64xi32, #tpu.memory_space<vmem>>
          %dma_start3A_160 = arith.constant 0 : i32
          %dma_start3A_161 = arith.constant 0 : i32
          %dma_start3A_162 = tpu.memref_slice %arg2[%dma_start3A_160, %dma_start3A_161] : memref<10000x128xf32, #tpu.memory_space<hbm>> -> memref<10000x128xf32, #tpu.memory_space<hbm>>
          tpu.enqueue_indirect_dma source(%dma_start3A_162 : memref<10000x128xf32, #tpu.memory_space<hbm>>) target(%arg11 : memref<64x128xf32, #tpu.memory_space<vmem>>) offsets(%dma_start3A_159 : memref<64xi32, #tpu.memory_space<vmem>>) semaphore(%arg15 : memref<!tpu.dma_semaphore, #tpu.memory_space<semaphore_mem>>)
        } else {
        }
      }
      %scan3A_95 = arith.constant 10 : i32
    }
    %scan3A_52 = arith.constant 4 : i32
    %barrier3A_53 = arith.constant 0 : index
    tpu.barrier barrier_id(%barrier3A_53)
    %mul3A_54 = arith.constant 640 : i32
    %mul3A_55 = arith.muli %arg1, %mul3A_54 : i32
    %mul3A_56 = arith.constant 640 : i32
    %mul3A_57 = arith.muli %arg1, %mul3A_56 : i32
    "tpu.region"() ({
      %run_scoped3A = tpu.sem_alloc : memref<!tpu.dma_semaphore, #tpu.memory_space<semaphore_mem>>
      %dma_start3A = arith.constant 0 : i32
      %dma_start3A_58 = tpu.memref_slice %arg5[%arg0, %mul3A_57, %dma_start3A] : memref<2x10240x128xf32, #tpu.memory_space<hbm>> -> memref<1x640x128xf32, #tpu.memory_space<hbm>>
      %dma_start3A_59 = tpu.memref_squeeze %dma_start3A_58 : memref<1x640x128xf32, #tpu.memory_space<hbm>> -> memref<640x128xf32, #tpu.memory_space<hbm>>
      %dma_start3A_60 = arith.constant 0 : i32
      %dma_start3A_61 = tpu.memref_slice %arg16[%mul3A_55, %dma_start3A_60] : memref<10240x128xf32, #tpu.memory_space<vmem_shared>> -> memref<640x128xf32, #tpu.memory_space<vmem_shared>>
      tpu.enqueue_dma source(%dma_start3A_61 : memref<640x128xf32, #tpu.memory_space<vmem_shared>>) target(%dma_start3A_59 : memref<640x128xf32, #tpu.memory_space<hbm>>) target_semaphore(%run_scoped3A : memref<!tpu.dma_semaphore, #tpu.memory_space<semaphore_mem>>)
      %dma_wait3A = arith.constant 0 : i32
      %dma_wait3A_62 = tpu.memref_slice %arg5[%arg0, %mul3A_57, %dma_wait3A] : memref<2x10240x128xf32, #tpu.memory_space<hbm>> -> memref<1x640x128xf32, #tpu.memory_space<hbm>>
      %dma_wait3A_63 = tpu.memref_squeeze %dma_wait3A_62 : memref<1x640x128xf32, #tpu.memory_space<hbm>> -> memref<640x128xf32, #tpu.memory_space<hbm>>
      %dma_wait3A_64 = arith.constant 0 : i32
      %dma_wait3A_65 = tpu.memref_slice %arg16[%mul3A_55, %dma_wait3A_64] : memref<10240x128xf32, #tpu.memory_space<vmem_shared>> -> memref<640x128xf32, #tpu.memory_space<vmem_shared>>
      tpu.wait_dma2 semaphore(%run_scoped3A : memref<!tpu.dma_semaphore, #tpu.memory_space<semaphore_mem>>) src(%dma_wait3A_65 : memref<640x128xf32, #tpu.memory_space<vmem_shared>>) dst(%dma_wait3A_63 : memref<640x128xf32, #tpu.memory_space<hbm>>)
      tpu.yield
    }) : () -> ()
    return
  }
}

#map = affine_map<(d0, d1) -> (0, 0, 0)>
module attributes {stable_mosaic.version = 14 : i64} {
  func.func @_sc_degree(%arg0: i32, %arg1: i32, %arg2: memref<32x80x128xi32, #tpu.memory_space<hbm>>, %arg3: memref<2x10240x128xf32, #tpu.memory_space<hbm>>, %arg4: memref<40x128xi32, #tpu.memory_space<vmem>>, %arg5: memref<128x128xf32, #tpu.memory_space<vmem>>, %arg6: memref<10240x128xf32, #tpu.memory_space<vmem_shared>>) attributes {dimension_semantics = [#tpu.dimension_semantics<core_parallel>, #tpu.dimension_semantics<subcore_parallel>], iteration_bounds = array<i64: 2, 16>, scalar_prefetch = 0 : i64, scratch_operands = 3 : i64, tpu.core_type = #tpu.core_type<sc_vector_subcore>, window_params = [{transform_indices = #map}, {transform_indices = #map}]} {
    %mul3A = arith.constant 16 : i32
    %mul3A_0 = arith.muli %arg0, %mul3A : i32
    %add3A = arith.addi %mul3A_0, %arg1 : i32
    %broadcast_in_dim3A = arith.constant 0.000000e+00 : f32
    %broadcast_in_dim3A_1 = vector.broadcast %broadcast_in_dim3A : f32 to vector<16xf32>
    %scan3A = arith.constant 0 : i32
    %scan3A_2 = arith.constant 0 : i32
    %scan3A_3 = arith.constant 128 : i32
    %scan3A_4 = arith.addi %scan3A_2, %scan3A_3 : i32
    %scan3A_5 = arith.constant 1 : i32
    scf.for %scan3A_46 = %scan3A_2 to %scan3A_4 step %scan3A_5  : i32 {
      %swap3A = arith.index_cast %scan3A_46 : i32 to index
      %swap3A_47 = arith.constant 0 : index
      %swap3A_48 = tpu.vector_load %arg5[%swap3A, %swap3A_47] {strides = array<i32>} : memref<128x128xf32, #tpu.memory_space<vmem>>, vector<1x16xf32>,
      %swap3A_49 = vector.shape_cast %swap3A_48 : vector<1x16xf32> to vector<16xf32>
      %swap3A_50 = vector.shape_cast %broadcast_in_dim3A_1 : vector<16xf32> to vector<1x16xf32>
      tpu.vector_store %arg5[%swap3A, %swap3A_47], %swap3A_50 {strides = array<i32>} : memref<128x128xf32, #tpu.memory_space<vmem>>, vector<1x16xf32>,
      %swap3A_51 = arith.index_cast %scan3A_46 : i32 to index
      %swap3A_52 = arith.constant 16 : index
      %swap3A_53 = tpu.vector_load %arg5[%swap3A_51, %swap3A_52] {strides = array<i32>} : memref<128x128xf32, #tpu.memory_space<vmem>>, vector<1x16xf32>,
      %swap3A_54 = vector.shape_cast %swap3A_53 : vector<1x16xf32> to vector<16xf32>
      %swap3A_55 = vector.shape_cast %broadcast_in_dim3A_1 : vector<16xf32> to vector<1x16xf32>
      tpu.vector_store %arg5[%swap3A_51, %swap3A_52], %swap3A_55 {strides = array<i32>} : memref<128x128xf32, #tpu.memory_space<vmem>>, vector<1x16xf32>,
      %swap3A_56 = arith.index_cast %scan3A_46 : i32 to index
      %swap3A_57 = arith.constant 32 : index
      %swap3A_58 = tpu.vector_load %arg5[%swap3A_56, %swap3A_57] {strides = array<i32>} : memref<128x128xf32, #tpu.memory_space<vmem>>, vector<1x16xf32>,
      %swap3A_59 = vector.shape_cast %swap3A_58 : vector<1x16xf32> to vector<16xf32>
      %swap3A_60 = vector.shape_cast %broadcast_in_dim3A_1 : vector<16xf32> to vector<1x16xf32>
      tpu.vector_store %arg5[%swap3A_56, %swap3A_57], %swap3A_60 {strides = array<i32>} : memref<128x128xf32, #tpu.memory_space<vmem>>, vector<1x16xf32>,
      %swap3A_61 = arith.index_cast %scan3A_46 : i32 to index
      %swap3A_62 = arith.constant 48 : index
      %swap3A_63 = tpu.vector_load %arg5[%swap3A_61, %swap3A_62] {strides = array<i32>} : memref<128x128xf32, #tpu.memory_space<vmem>>, vector<1x16xf32>,
      %swap3A_64 = vector.shape_cast %swap3A_63 : vector<1x16xf32> to vector<16xf32>
      %swap3A_65 = vector.shape_cast %broadcast_in_dim3A_1 : vector<16xf32> to vector<1x16xf32>
      tpu.vector_store %arg5[%swap3A_61, %swap3A_62], %swap3A_65 {strides = array<i32>} : memref<128x128xf32, #tpu.memory_space<vmem>>, vector<1x16xf32>,
      %swap3A_66 = arith.index_cast %scan3A_46 : i32 to index
      %swap3A_67 = arith.constant 64 : index
      %swap3A_68 = tpu.vector_load %arg5[%swap3A_66, %swap3A_67] {strides = array<i32>} : memref<128x128xf32, #tpu.memory_space<vmem>>, vector<1x16xf32>,
      %swap3A_69 = vector.shape_cast %swap3A_68 : vector<1x16xf32> to vector<16xf32>
      %swap3A_70 = vector.shape_cast %broadcast_in_dim3A_1 : vector<16xf32> to vector<1x16xf32>
      tpu.vector_store %arg5[%swap3A_66, %swap3A_67], %swap3A_70 {strides = array<i32>} : memref<128x128xf32, #tpu.memory_space<vmem>>, vector<1x16xf32>,
      %swap3A_71 = arith.index_cast %scan3A_46 : i32 to index
      %swap3A_72 = arith.constant 80 : index
      %swap3A_73 = tpu.vector_load %arg5[%swap3A_71, %swap3A_72] {strides = array<i32>} : memref<128x128xf32, #tpu.memory_space<vmem>>, vector<1x16xf32>,
      %swap3A_74 = vector.shape_cast %swap3A_73 : vector<1x16xf32> to vector<16xf32>
      %swap3A_75 = vector.shape_cast %broadcast_in_dim3A_1 : vector<16xf32> to vector<1x16xf32>
      tpu.vector_store %arg5[%swap3A_71, %swap3A_72], %swap3A_75 {strides = array<i32>} : memref<128x128xf32, #tpu.memory_space<vmem>>, vector<1x16xf32>,
      %swap3A_76 = arith.index_cast %scan3A_46 : i32 to index
      %swap3A_77 = arith.constant 96 : index
      %swap3A_78 = tpu.vector_load %arg5[%swap3A_76, %swap3A_77] {strides = array<i32>} : memref<128x128xf32, #tpu.memory_space<vmem>>, vector<1x16xf32>,
      %swap3A_79 = vector.shape_cast %swap3A_78 : vector<1x16xf32> to vector<16xf32>
      %swap3A_80 = vector.shape_cast %broadcast_in_dim3A_1 : vector<16xf32> to vector<1x16xf32>
      tpu.vector_store %arg5[%swap3A_76, %swap3A_77], %swap3A_80 {strides = array<i32>} : memref<128x128xf32, #tpu.memory_space<vmem>>, vector<1x16xf32>,
      %swap3A_81 = arith.index_cast %scan3A_46 : i32 to index
      %swap3A_82 = arith.constant 112 : index
      %swap3A_83 = tpu.vector_load %arg5[%swap3A_81, %swap3A_82] {strides = array<i32>} : memref<128x128xf32, #tpu.memory_space<vmem>>, vector<1x16xf32>,
      %swap3A_84 = vector.shape_cast %swap3A_83 : vector<1x16xf32> to vector<16xf32>
      %swap3A_85 = vector.shape_cast %broadcast_in_dim3A_1 : vector<16xf32> to vector<1x16xf32>
      tpu.vector_store %arg5[%swap3A_81, %swap3A_82], %swap3A_85 {strides = array<i32>} : memref<128x128xf32, #tpu.memory_space<vmem>>, vector<1x16xf32>,
    }
    %scan3A_6 = arith.constant 128 : i32
    %mul3A_7 = arith.constant 640 : i32
    %mul3A_8 = arith.muli %arg1, %mul3A_7 : i32
    %add3A_9 = arith.constant 0 : i32
    %add3A_10 = arith.addi %mul3A_8, %add3A_9 : i32
    "tpu.region"() ({
      %run_scoped3A = tpu.sem_alloc : memref<!tpu.dma_semaphore, #tpu.memory_space<semaphore_mem>>
      %dma_start3A = arith.constant 0 : i32
      %dma_start3A_46 = tpu.memref_slice %arg6[%add3A_10, %dma_start3A] : memref<10240x128xf32, #tpu.memory_space<vmem_shared>> -> memref<128x128xf32, #tpu.memory_space<vmem_shared>>
      %dma_start3A_47 = arith.constant 0 : i32
      %dma_start3A_48 = tpu.memref_slice %arg6[%add3A_10, %dma_start3A_47] : memref<10240x128xf32, #tpu.memory_space<vmem_shared>> -> memref<128x128xf32, #tpu.memory_space<vmem_shared>>
      tpu.enqueue_dma source(%arg5 : memref<128x128xf32, #tpu.memory_space<vmem>>) target(%dma_start3A_48 : memref<128x128xf32, #tpu.memory_space<vmem_shared>>) target_semaphore(%run_scoped3A : memref<!tpu.dma_semaphore, #tpu.memory_space<semaphore_mem>>)
      %dma_wait3A = arith.constant 0 : i32
      %dma_wait3A_49 = tpu.memref_slice %arg6[%add3A_10, %dma_wait3A] : memref<10240x128xf32, #tpu.memory_space<vmem_shared>> -> memref<128x128xf32, #tpu.memory_space<vmem_shared>>
      %dma_wait3A_50 = arith.constant 0 : i32
      %dma_wait3A_51 = tpu.memref_slice %arg6[%add3A_10, %dma_wait3A_50] : memref<10240x128xf32, #tpu.memory_space<vmem_shared>> -> memref<128x128xf32, #tpu.memory_space<vmem_shared>>
      tpu.wait_dma2 semaphore(%run_scoped3A : memref<!tpu.dma_semaphore, #tpu.memory_space<semaphore_mem>>) src(%arg5 : memref<128x128xf32, #tpu.memory_space<vmem>>) dst(%dma_wait3A_51 : memref<128x128xf32, #tpu.memory_space<vmem_shared>>)
      tpu.yield
    }) : () -> ()
    %mul3A_11 = arith.constant 640 : i32
    %mul3A_12 = arith.muli %arg1, %mul3A_11 : i32
    %add3A_13 = arith.constant 128 : i32
    %add3A_14 = arith.addi %mul3A_12, %add3A_13 : i32
    "tpu.region"() ({
      %run_scoped3A = tpu.sem_alloc : memref<!tpu.dma_semaphore, #tpu.memory_space<semaphore_mem>>
      %dma_start3A = arith.constant 0 : i32
      %dma_start3A_46 = tpu.memref_slice %arg6[%add3A_14, %dma_start3A] : memref<10240x128xf32, #tpu.memory_space<vmem_shared>> -> memref<128x128xf32, #tpu.memory_space<vmem_shared>>
      %dma_start3A_47 = arith.constant 0 : i32
      %dma_start3A_48 = tpu.memref_slice %arg6[%add3A_14, %dma_start3A_47] : memref<10240x128xf32, #tpu.memory_space<vmem_shared>> -> memref<128x128xf32, #tpu.memory_space<vmem_shared>>
      tpu.enqueue_dma source(%arg5 : memref<128x128xf32, #tpu.memory_space<vmem>>) target(%dma_start3A_48 : memref<128x128xf32, #tpu.memory_space<vmem_shared>>) target_semaphore(%run_scoped3A : memref<!tpu.dma_semaphore, #tpu.memory_space<semaphore_mem>>)
      %dma_wait3A = arith.constant 0 : i32
      %dma_wait3A_49 = tpu.memref_slice %arg6[%add3A_14, %dma_wait3A] : memref<10240x128xf32, #tpu.memory_space<vmem_shared>> -> memref<128x128xf32, #tpu.memory_space<vmem_shared>>
      %dma_wait3A_50 = arith.constant 0 : i32
      %dma_wait3A_51 = tpu.memref_slice %arg6[%add3A_14, %dma_wait3A_50] : memref<10240x128xf32, #tpu.memory_space<vmem_shared>> -> memref<128x128xf32, #tpu.memory_space<vmem_shared>>
      tpu.wait_dma2 semaphore(%run_scoped3A : memref<!tpu.dma_semaphore, #tpu.memory_space<semaphore_mem>>) src(%arg5 : memref<128x128xf32, #tpu.memory_space<vmem>>) dst(%dma_wait3A_51 : memref<128x128xf32, #tpu.memory_space<vmem_shared>>)
      tpu.yield
    }) : () -> ()
    %mul3A_15 = arith.constant 640 : i32
    %mul3A_16 = arith.muli %arg1, %mul3A_15 : i32
    %add3A_17 = arith.constant 256 : i32
    %add3A_18 = arith.addi %mul3A_16, %add3A_17 : i32
    "tpu.region"() ({
      %run_scoped3A = tpu.sem_alloc : memref<!tpu.dma_semaphore, #tpu.memory_space<semaphore_mem>>
      %dma_start3A = arith.constant 0 : i32
      %dma_start3A_46 = tpu.memref_slice %arg6[%add3A_18, %dma_start3A] : memref<10240x128xf32, #tpu.memory_space<vmem_shared>> -> memref<128x128xf32, #tpu.memory_space<vmem_shared>>
      %dma_start3A_47 = arith.constant 0 : i32
      %dma_start3A_48 = tpu.memref_slice %arg6[%add3A_18, %dma_start3A_47] : memref<10240x128xf32, #tpu.memory_space<vmem_shared>> -> memref<128x128xf32, #tpu.memory_space<vmem_shared>>
      tpu.enqueue_dma source(%arg5 : memref<128x128xf32, #tpu.memory_space<vmem>>) target(%dma_start3A_48 : memref<128x128xf32, #tpu.memory_space<vmem_shared>>) target_semaphore(%run_scoped3A : memref<!tpu.dma_semaphore, #tpu.memory_space<semaphore_mem>>)
      %dma_wait3A = arith.constant 0 : i32
      %dma_wait3A_49 = tpu.memref_slice %arg6[%add3A_18, %dma_wait3A] : memref<10240x128xf32, #tpu.memory_space<vmem_shared>> -> memref<128x128xf32, #tpu.memory_space<vmem_shared>>
      %dma_wait3A_50 = arith.constant 0 : i32
      %dma_wait3A_51 = tpu.memref_slice %arg6[%add3A_18, %dma_wait3A_50] : memref<10240x128xf32, #tpu.memory_space<vmem_shared>> -> memref<128x128xf32, #tpu.memory_space<vmem_shared>>
      tpu.wait_dma2 semaphore(%run_scoped3A : memref<!tpu.dma_semaphore, #tpu.memory_space<semaphore_mem>>) src(%arg5 : memref<128x128xf32, #tpu.memory_space<vmem>>) dst(%dma_wait3A_51 : memref<128x128xf32, #tpu.memory_space<vmem_shared>>)
      tpu.yield
    }) : () -> ()
    %mul3A_19 = arith.constant 640 : i32
    %mul3A_20 = arith.muli %arg1, %mul3A_19 : i32
    %add3A_21 = arith.constant 384 : i32
    %add3A_22 = arith.addi %mul3A_20, %add3A_21 : i32
    "tpu.region"() ({
      %run_scoped3A = tpu.sem_alloc : memref<!tpu.dma_semaphore, #tpu.memory_space<semaphore_mem>>
      %dma_start3A = arith.constant 0 : i32
      %dma_start3A_46 = tpu.memref_slice %arg6[%add3A_22, %dma_start3A] : memref<10240x128xf32, #tpu.memory_space<vmem_shared>> -> memref<128x128xf32, #tpu.memory_space<vmem_shared>>
      %dma_start3A_47 = arith.constant 0 : i32
      %dma_start3A_48 = tpu.memref_slice %arg6[%add3A_22, %dma_start3A_47] : memref<10240x128xf32, #tpu.memory_space<vmem_shared>> -> memref<128x128xf32, #tpu.memory_space<vmem_shared>>
      tpu.enqueue_dma source(%arg5 : memref<128x128xf32, #tpu.memory_space<vmem>>) target(%dma_start3A_48 : memref<128x128xf32, #tpu.memory_space<vmem_shared>>) target_semaphore(%run_scoped3A : memref<!tpu.dma_semaphore, #tpu.memory_space<semaphore_mem>>)
      %dma_wait3A = arith.constant 0 : i32
      %dma_wait3A_49 = tpu.memref_slice %arg6[%add3A_22, %dma_wait3A] : memref<10240x128xf32, #tpu.memory_space<vmem_shared>> -> memref<128x128xf32, #tpu.memory_space<vmem_shared>>
      %dma_wait3A_50 = arith.constant 0 : i32
      %dma_wait3A_51 = tpu.memref_slice %arg6[%add3A_22, %dma_wait3A_50] : memref<10240x128xf32, #tpu.memory_space<vmem_shared>> -> memref<128x128xf32, #tpu.memory_space<vmem_shared>>
      tpu.wait_dma2 semaphore(%run_scoped3A : memref<!tpu.dma_semaphore, #tpu.memory_space<semaphore_mem>>) src(%arg5 : memref<128x128xf32, #tpu.memory_space<vmem>>) dst(%dma_wait3A_51 : memref<128x128xf32, #tpu.memory_space<vmem_shared>>)
      tpu.yield
    }) : () -> ()
    %mul3A_23 = arith.constant 640 : i32
    %mul3A_24 = arith.muli %arg1, %mul3A_23 : i32
    %add3A_25 = arith.constant 512 : i32
    %add3A_26 = arith.addi %mul3A_24, %add3A_25 : i32
    "tpu.region"() ({
      %run_scoped3A = tpu.sem_alloc : memref<!tpu.dma_semaphore, #tpu.memory_space<semaphore_mem>>
      %dma_start3A = arith.constant 0 : i32
      %dma_start3A_46 = tpu.memref_slice %arg6[%add3A_26, %dma_start3A] : memref<10240x128xf32, #tpu.memory_space<vmem_shared>> -> memref<128x128xf32, #tpu.memory_space<vmem_shared>>
      %dma_start3A_47 = arith.constant 0 : i32
      %dma_start3A_48 = tpu.memref_slice %arg6[%add3A_26, %dma_start3A_47] : memref<10240x128xf32, #tpu.memory_space<vmem_shared>> -> memref<128x128xf32, #tpu.memory_space<vmem_shared>>
      tpu.enqueue_dma source(%arg5 : memref<128x128xf32, #tpu.memory_space<vmem>>) target(%dma_start3A_48 : memref<128x128xf32, #tpu.memory_space<vmem_shared>>) target_semaphore(%run_scoped3A : memref<!tpu.dma_semaphore, #tpu.memory_space<semaphore_mem>>)
      %dma_wait3A = arith.constant 0 : i32
      %dma_wait3A_49 = tpu.memref_slice %arg6[%add3A_26, %dma_wait3A] : memref<10240x128xf32, #tpu.memory_space<vmem_shared>> -> memref<128x128xf32, #tpu.memory_space<vmem_shared>>
      %dma_wait3A_50 = arith.constant 0 : i32
      %dma_wait3A_51 = tpu.memref_slice %arg6[%add3A_26, %dma_wait3A_50] : memref<10240x128xf32, #tpu.memory_space<vmem_shared>> -> memref<128x128xf32, #tpu.memory_space<vmem_shared>>
      tpu.wait_dma2 semaphore(%run_scoped3A : memref<!tpu.dma_semaphore, #tpu.memory_space<semaphore_mem>>) src(%arg5 : memref<128x128xf32, #tpu.memory_space<vmem>>) dst(%dma_wait3A_51 : memref<128x128xf32, #tpu.memory_space<vmem_shared>>)
      tpu.yield
    }) : () -> ()
    %barrier3A = arith.constant 0 : index
    tpu.barrier barrier_id(%barrier3A)
    %broadcast_in_dim3A_27 = arith.constant 1.000000e+00 : f32
    %broadcast_in_dim3A_28 = vector.broadcast %broadcast_in_dim3A_27 : f32 to vector<16xf32>
    %scan3A_29 = arith.constant 0 : i32
    %scan3A_30 = arith.constant 0 : i32
    %scan3A_31 = arith.constant 128 : i32
    %scan3A_32 = arith.addi %scan3A_30, %scan3A_31 : i32
    %scan3A_33 = arith.constant 1 : i32
    scf.for %scan3A_46 = %scan3A_30 to %scan3A_32 step %scan3A_33  : i32 {
      %swap3A = arith.index_cast %scan3A_46 : i32 to index
      %swap3A_47 = arith.constant 0 : index
      %swap3A_48 = tpu.vector_load %arg5[%swap3A, %swap3A_47] {strides = array<i32>} : memref<128x128xf32, #tpu.memory_space<vmem>>, vector<1x16xf32>,
      %swap3A_49 = vector.shape_cast %swap3A_48 : vector<1x16xf32> to vector<16xf32>
      %swap3A_50 = vector.shape_cast %broadcast_in_dim3A_28 : vector<16xf32> to vector<1x16xf32>
      tpu.vector_store %arg5[%swap3A, %swap3A_47], %swap3A_50 {strides = array<i32>} : memref<128x128xf32, #tpu.memory_space<vmem>>, vector<1x16xf32>,
      %swap3A_51 = arith.index_cast %scan3A_46 : i32 to index
      %swap3A_52 = arith.constant 16 : index
      %swap3A_53 = tpu.vector_load %arg5[%swap3A_51, %swap3A_52] {strides = array<i32>} : memref<128x128xf32, #tpu.memory_space<vmem>>, vector<1x16xf32>,
      %swap3A_54 = vector.shape_cast %swap3A_53 : vector<1x16xf32> to vector<16xf32>
      %swap3A_55 = vector.shape_cast %broadcast_in_dim3A_28 : vector<16xf32> to vector<1x16xf32>
      tpu.vector_store %arg5[%swap3A_51, %swap3A_52], %swap3A_55 {strides = array<i32>} : memref<128x128xf32, #tpu.memory_space<vmem>>, vector<1x16xf32>,
      %swap3A_56 = arith.index_cast %scan3A_46 : i32 to index
      %swap3A_57 = arith.constant 32 : index
      %swap3A_58 = tpu.vector_load %arg5[%swap3A_56, %swap3A_57] {strides = array<i32>} : memref<128x128xf32, #tpu.memory_space<vmem>>, vector<1x16xf32>,
      %swap3A_59 = vector.shape_cast %swap3A_58 : vector<1x16xf32> to vector<16xf32>
      %swap3A_60 = vector.shape_cast %broadcast_in_dim3A_28 : vector<16xf32> to vector<1x16xf32>
      tpu.vector_store %arg5[%swap3A_56, %swap3A_57], %swap3A_60 {strides = array<i32>} : memref<128x128xf32, #tpu.memory_space<vmem>>, vector<1x16xf32>,
      %swap3A_61 = arith.index_cast %scan3A_46 : i32 to index
      %swap3A_62 = arith.constant 48 : index
      %swap3A_63 = tpu.vector_load %arg5[%swap3A_61, %swap3A_62] {strides = array<i32>} : memref<128x128xf32, #tpu.memory_space<vmem>>, vector<1x16xf32>,
      %swap3A_64 = vector.shape_cast %swap3A_63 : vector<1x16xf32> to vector<16xf32>
      %swap3A_65 = vector.shape_cast %broadcast_in_dim3A_28 : vector<16xf32> to vector<1x16xf32>
      tpu.vector_store %arg5[%swap3A_61, %swap3A_62], %swap3A_65 {strides = array<i32>} : memref<128x128xf32, #tpu.memory_space<vmem>>, vector<1x16xf32>,
      %swap3A_66 = arith.index_cast %scan3A_46 : i32 to index
      %swap3A_67 = arith.constant 64 : index
      %swap3A_68 = tpu.vector_load %arg5[%swap3A_66, %swap3A_67] {strides = array<i32>} : memref<128x128xf32, #tpu.memory_space<vmem>>, vector<1x16xf32>,
      %swap3A_69 = vector.shape_cast %swap3A_68 : vector<1x16xf32> to vector<16xf32>
      %swap3A_70 = vector.shape_cast %broadcast_in_dim3A_28 : vector<16xf32> to vector<1x16xf32>
      tpu.vector_store %arg5[%swap3A_66, %swap3A_67], %swap3A_70 {strides = array<i32>} : memref<128x128xf32, #tpu.memory_space<vmem>>, vector<1x16xf32>,
      %swap3A_71 = arith.index_cast %scan3A_46 : i32 to index
      %swap3A_72 = arith.constant 80 : index
      %swap3A_73 = tpu.vector_load %arg5[%swap3A_71, %swap3A_72] {strides = array<i32>} : memref<128x128xf32, #tpu.memory_space<vmem>>, vector<1x16xf32>,
      %swap3A_74 = vector.shape_cast %swap3A_73 : vector<1x16xf32> to vector<16xf32>
      %swap3A_75 = vector.shape_cast %broadcast_in_dim3A_28 : vector<16xf32> to vector<1x16xf32>
      tpu.vector_store %arg5[%swap3A_71, %swap3A_72], %swap3A_75 {strides = array<i32>} : memref<128x128xf32, #tpu.memory_space<vmem>>, vector<1x16xf32>,
      %swap3A_76 = arith.index_cast %scan3A_46 : i32 to index
      %swap3A_77 = arith.constant 96 : index
      %swap3A_78 = tpu.vector_load %arg5[%swap3A_76, %swap3A_77] {strides = array<i32>} : memref<128x128xf32, #tpu.memory_space<vmem>>, vector<1x16xf32>,
      %swap3A_79 = vector.shape_cast %swap3A_78 : vector<1x16xf32> to vector<16xf32>
      %swap3A_80 = vector.shape_cast %broadcast_in_dim3A_28 : vector<16xf32> to vector<1x16xf32>
      tpu.vector_store %arg5[%swap3A_76, %swap3A_77], %swap3A_80 {strides = array<i32>} : memref<128x128xf32, #tpu.memory_space<vmem>>, vector<1x16xf32>,
      %swap3A_81 = arith.index_cast %scan3A_46 : i32 to index
      %swap3A_82 = arith.constant 112 : index
      %swap3A_83 = tpu.vector_load %arg5[%swap3A_81, %swap3A_82] {strides = array<i32>} : memref<128x128xf32, #tpu.memory_space<vmem>>, vector<1x16xf32>,
      %swap3A_84 = vector.shape_cast %swap3A_83 : vector<1x16xf32> to vector<16xf32>
      %swap3A_85 = vector.shape_cast %broadcast_in_dim3A_28 : vector<16xf32> to vector<1x16xf32>
      tpu.vector_store %arg5[%swap3A_81, %swap3A_82], %swap3A_85 {strides = array<i32>} : memref<128x128xf32, #tpu.memory_space<vmem>>, vector<1x16xf32>,
    }
    %scan3A_34 = arith.constant 128 : i32
    %scan3A_35 = arith.constant 0 : i32
    %scan3A_36 = arith.constant 0 : i32
    %scan3A_37 = arith.constant 2 : i32
    %scan3A_38 = arith.addi %scan3A_36, %scan3A_37 : i32
    %scan3A_39 = arith.constant 1 : i32
    scf.for %scan3A_46 = %scan3A_36 to %scan3A_38 step %scan3A_39  : i32 {
      %mul3A_47 = arith.constant 40 : i32
      %mul3A_48 = arith.muli %scan3A_46, %mul3A_47 : i32
      "tpu.region"() ({
        %run_scoped3A = tpu.sem_alloc : memref<!tpu.dma_semaphore, #tpu.memory_space<semaphore_mem>>
        %dma_start3A = arith.constant 0 : i32
        %dma_start3A_55 = tpu.memref_slice %arg2[%add3A, %mul3A_48, %dma_start3A] : memref<32x80x128xi32, #tpu.memory_space<hbm>> -> memref<1x40x128xi32, #tpu.memory_space<hbm>>
        %dma_start3A_56 = tpu.memref_squeeze %dma_start3A_55 : memref<1x40x128xi32, #tpu.memory_space<hbm>> -> memref<40x128xi32, #tpu.memory_space<hbm>>
        %dma_start3A_57 = arith.constant 0 : i32
        %dma_start3A_58 = tpu.memref_slice %arg2[%add3A, %mul3A_48, %dma_start3A_57] : memref<32x80x128xi32, #tpu.memory_space<hbm>> -> memref<1x40x128xi32, #tpu.memory_space<hbm>>
        %dma_start3A_59 = tpu.memref_squeeze %dma_start3A_58 : memref<1x40x128xi32, #tpu.memory_space<hbm>> -> memref<40x128xi32, #tpu.memory_space<hbm>>
        tpu.enqueue_dma source(%dma_start3A_59 : memref<40x128xi32, #tpu.memory_space<hbm>>) target(%arg4 : memref<40x128xi32, #tpu.memory_space<vmem>>) target_semaphore(%run_scoped3A : memref<!tpu.dma_semaphore, #tpu.memory_space<semaphore_mem>>)
        %dma_wait3A = arith.constant 0 : i32
        %dma_wait3A_60 = tpu.memref_slice %arg2[%add3A, %mul3A_48, %dma_wait3A] : memref<32x80x128xi32, #tpu.memory_space<hbm>> -> memref<1x40x128xi32, #tpu.memory_space<hbm>>
        %dma_wait3A_61 = tpu.memref_squeeze %dma_wait3A_60 : memref<1x40x128xi32, #tpu.memory_space<hbm>> -> memref<40x128xi32, #tpu.memory_space<hbm>>
        %dma_wait3A_62 = arith.constant 0 : i32
        %dma_wait3A_63 = tpu.memref_slice %arg2[%add3A, %mul3A_48, %dma_wait3A_62] : memref<32x80x128xi32, #tpu.memory_space<hbm>> -> memref<1x40x128xi32, #tpu.memory_space<hbm>>
        %dma_wait3A_64 = tpu.memref_squeeze %dma_wait3A_63 : memref<1x40x128xi32, #tpu.memory_space<hbm>> -> memref<40x128xi32, #tpu.memory_space<hbm>>
        tpu.wait_dma2 semaphore(%run_scoped3A : memref<!tpu.dma_semaphore, #tpu.memory_space<semaphore_mem>>) src(%dma_wait3A_64 : memref<40x128xi32, #tpu.memory_space<hbm>>) dst(%arg4 : memref<40x128xi32, #tpu.memory_space<vmem>>)
        tpu.yield
      }) : () -> ()
      %scan3A_49 = arith.constant 0 : i32
      %scan3A_50 = arith.constant 0 : i32
      %scan3A_51 = arith.constant 40 : i32
      %scan3A_52 = arith.addi %scan3A_50, %scan3A_51 : i32
      %scan3A_53 = arith.constant 1 : i32
      scf.for %scan3A_55 = %scan3A_50 to %scan3A_52 step %scan3A_53  : i32 {
        "tpu.region"() ({
          %run_scoped3A = tpu.sem_alloc : memref<!tpu.dma_semaphore, #tpu.memory_space<semaphore_mem>>
          %dma_start3A = arith.constant 0 : i32
          %dma_start3A_56 = tpu.memref_slice %arg4[%scan3A_55, %dma_start3A] : memref<40x128xi32, #tpu.memory_space<vmem>> -> memref<1x128xi32, #tpu.memory_space<vmem>>
          %dma_start3A_57 = tpu.memref_squeeze %dma_start3A_56 : memref<1x128xi32, #tpu.memory_space<vmem>> -> memref<128xi32, #tpu.memory_space<vmem>>
          %dma_start3A_58 = arith.constant 0 : i32
          %dma_start3A_59 = arith.constant 0 : i32
          %dma_start3A_60 = tpu.memref_slice %arg6[%dma_start3A_58, %dma_start3A_59] : memref<10240x128xf32, #tpu.memory_space<vmem_shared>> -> memref<10240x128xf32, #tpu.memory_space<vmem_shared>>
          tpu.enqueue_indirect_dma source(%arg5 : memref<128x128xf32, #tpu.memory_space<vmem>>) target(%dma_start3A_60 : memref<10240x128xf32, #tpu.memory_space<vmem_shared>>) offsets(%dma_start3A_57 : memref<128xi32, #tpu.memory_space<vmem>>) semaphore(%run_scoped3A : memref<!tpu.dma_semaphore, #tpu.memory_space<semaphore_mem>>) {add = true}
          %dma_wait3A = arith.constant 0 : i32
          %dma_wait3A_61 = tpu.memref_slice %arg4[%scan3A_55, %dma_wait3A] : memref<40x128xi32, #tpu.memory_space<vmem>> -> memref<1x128xi32, #tpu.memory_space<vmem>>
          %dma_wait3A_62 = tpu.memref_squeeze %dma_wait3A_61 : memref<1x128xi32, #tpu.memory_space<vmem>> -> memref<128xi32, #tpu.memory_space<vmem>>
          %dma_wait3A_63 = arith.constant 0 : i32
          %dma_wait3A_64 = arith.constant 0 : i32
          %dma_wait3A_65 = tpu.memref_slice %arg6[%dma_wait3A_63, %dma_wait3A_64] : memref<10240x128xf32, #tpu.memory_space<vmem_shared>> -> memref<10240x128xf32, #tpu.memory_space<vmem_shared>>
          tpu.wait_indirect_dma semaphore(%run_scoped3A : memref<!tpu.dma_semaphore, #tpu.memory_space<semaphore_mem>>) src(%arg5 : memref<128x128xf32, #tpu.memory_space<vmem>>) dst(%dma_wait3A_65 : memref<10240x128xf32, #tpu.memory_space<vmem_shared>>)
          tpu.yield
        }) : () -> ()
      }
      %scan3A_54 = arith.constant 40 : i32
    }
    %scan3A_40 = arith.constant 2 : i32
    %barrier3A_41 = arith.constant 0 : index
    tpu.barrier barrier_id(%barrier3A_41)
    %mul3A_42 = arith.constant 640 : i32
    %mul3A_43 = arith.muli %arg1, %mul3A_42 : i32
    %mul3A_44 = arith.constant 640 : i32
    %mul3A_45 = arith.muli %arg1, %mul3A_44 : i32
    "tpu.region"() ({
      %run_scoped3A = tpu.sem_alloc : memref<!tpu.dma_semaphore, #tpu.memory_space<semaphore_mem>>
      %dma_start3A = arith.constant 0 : i32
      %dma_start3A_46 = tpu.memref_slice %arg3[%arg0, %mul3A_45, %dma_start3A] : memref<2x10240x128xf32, #tpu.memory_space<hbm>> -> memref<1x640x128xf32, #tpu.memory_space<hbm>>
      %dma_start3A_47 = tpu.memref_squeeze %dma_start3A_46 : memref<1x640x128xf32, #tpu.memory_space<hbm>> -> memref<640x128xf32, #tpu.memory_space<hbm>>
      %dma_start3A_48 = arith.constant 0 : i32
      %dma_start3A_49 = tpu.memref_slice %arg6[%mul3A_43, %dma_start3A_48] : memref<10240x128xf32, #tpu.memory_space<vmem_shared>> -> memref<640x128xf32, #tpu.memory_space<vmem_shared>>
      tpu.enqueue_dma source(%dma_start3A_49 : memref<640x128xf32, #tpu.memory_space<vmem_shared>>) target(%dma_start3A_47 : memref<640x128xf32, #tpu.memory_space<hbm>>) target_semaphore(%run_scoped3A : memref<!tpu.dma_semaphore, #tpu.memory_space<semaphore_mem>>)
      %dma_wait3A = arith.constant 0 : i32
      %dma_wait3A_50 = tpu.memref_slice %arg3[%arg0, %mul3A_45, %dma_wait3A] : memref<2x10240x128xf32, #tpu.memory_space<hbm>> -> memref<1x640x128xf32, #tpu.memory_space<hbm>>
      %dma_wait3A_51 = tpu.memref_squeeze %dma_wait3A_50 : memref<1x640x128xf32, #tpu.memory_space<hbm>> -> memref<640x128xf32, #tpu.memory_space<hbm>>
      %dma_wait3A_52 = arith.constant 0 : i32
      %dma_wait3A_53 = tpu.memref_slice %arg6[%mul3A_43, %dma_wait3A_52] : memref<10240x128xf32, #tpu.memory_space<vmem_shared>> -> memref<640x128xf32, #tpu.memory_space<vmem_shared>>
      tpu.wait_dma2 semaphore(%run_scoped3A : memref<!tpu.dma_semaphore, #tpu.memory_space<semaphore_mem>>) src(%dma_wait3A_53 : memref<640x128xf32, #tpu.memory_space<vmem_shared>>) dst(%dma_wait3A_51 : memref<640x128xf32, #tpu.memory_space<hbm>>)
      tpu.yield
    }) : () -> ()
    return
  }
}

#map = affine_map<(d0, d1) -> (0, 0)>
#map1 = affine_map<(d0, d1) -> (0, 0, 0)>
module attributes {stable_mosaic.version = 14 : i64} {
  func.func @_sc_prop(%arg0: i32, %arg1: i32, %arg2: memref<10000x128xf32, #tpu.memory_space<hbm>>, %arg3: memref<32x160x64xi32, #tpu.memory_space<hbm>>, %arg4: memref<32x160x64xi32, #tpu.memory_space<hbm>>, %arg5: memref<2x10240x128xf32, #tpu.memory_space<hbm>>, %arg6: memref<40x64xi32, #tpu.memory_space<vmem>>, %arg7: memref<40x64xi32, #tpu.memory_space<vmem>>, %arg8: memref<64x128xf32, #tpu.memory_space<vmem>>, %arg9: memref<64x128xf32, #tpu.memory_space<vmem>>, %arg10: memref<64x128xf32, #tpu.memory_space<vmem>>, %arg11: memref<64x128xf32, #tpu.memory_space<vmem>>, %arg12: memref<!tpu.dma_semaphore, #tpu.memory_space<semaphore_mem>>, %arg13: memref<!tpu.dma_semaphore, #tpu.memory_space<semaphore_mem>>, %arg14: memref<!tpu.dma_semaphore, #tpu.memory_space<semaphore_mem>>, %arg15: memref<!tpu.dma_semaphore, #tpu.memory_space<semaphore_mem>>, %arg16: memref<10240x128xf32, #tpu.memory_space<vmem_shared>>) attributes {dimension_semantics = [#tpu.dimension_semantics<core_parallel>, #tpu.dimension_semantics<subcore_parallel>], iteration_bounds = array<i64: 2, 16>, scalar_prefetch = 0 : i64, scratch_operands = 11 : i64, tpu.core_type = #tpu.core_type<sc_vector_subcore>, window_params = [{transform_indices = #map}, {transform_indices = #map1}, {transform_indices = #map1}, {transform_indices = #map1}]} {
    %mul3A = arith.constant 16 : i32
    %mul3A_0 = arith.muli %arg0, %mul3A : i32
    %add3A = arith.addi %mul3A_0, %arg1 : i32
    %broadcast_in_dim3A = arith.constant 0.000000e+00 : f32
    %broadcast_in_dim3A_1 = vector.broadcast %broadcast_in_dim3A : f32 to vector<16xf32>
    %scan3A = arith.constant 0 : i32
    %scan3A_2 = arith.constant 0 : i32
    %scan3A_3 = arith.constant 64 : i32
    %scan3A_4 = arith.addi %scan3A_2, %scan3A_3 : i32
    %scan3A_5 = arith.constant 1 : i32
    scf.for %scan3A_58 = %scan3A_2 to %scan3A_4 step %scan3A_5  : i32 {
      %swap3A = arith.index_cast %scan3A_58 : i32 to index
      %swap3A_59 = arith.constant 0 : index
      %swap3A_60 = tpu.vector_load %arg8[%swap3A, %swap3A_59] {strides = array<i32>} : memref<64x128xf32, #tpu.memory_space<vmem>>, vector<1x16xf32>,
      %swap3A_61 = vector.shape_cast %swap3A_60 : vector<1x16xf32> to vector<16xf32>
      %swap3A_62 = vector.shape_cast %broadcast_in_dim3A_1 : vector<16xf32> to vector<1x16xf32>
      tpu.vector_store %arg8[%swap3A, %swap3A_59], %swap3A_62 {strides = array<i32>} : memref<64x128xf32, #tpu.memory_space<vmem>>, vector<1x16xf32>,
      %swap3A_63 = arith.index_cast %scan3A_58 : i32 to index
      %swap3A_64 = arith.constant 16 : index
      %swap3A_65 = tpu.vector_load %arg8[%swap3A_63, %swap3A_64] {strides = array<i32>} : memref<64x128xf32, #tpu.memory_space<vmem>>, vector<1x16xf32>,
      %swap3A_66 = vector.shape_cast %swap3A_65 : vector<1x16xf32> to vector<16xf32>
      %swap3A_67 = vector.shape_cast %broadcast_in_dim3A_1 : vector<16xf32> to vector<1x16xf32>
      tpu.vector_store %arg8[%swap3A_63, %swap3A_64], %swap3A_67 {strides = array<i32>} : memref<64x128xf32, #tpu.memory_space<vmem>>, vector<1x16xf32>,
      %swap3A_68 = arith.index_cast %scan3A_58 : i32 to index
      %swap3A_69 = arith.constant 32 : index
      %swap3A_70 = tpu.vector_load %arg8[%swap3A_68, %swap3A_69] {strides = array<i32>} : memref<64x128xf32, #tpu.memory_space<vmem>>, vector<1x16xf32>,
      %swap3A_71 = vector.shape_cast %swap3A_70 : vector<1x16xf32> to vector<16xf32>
      %swap3A_72 = vector.shape_cast %broadcast_in_dim3A_1 : vector<16xf32> to vector<1x16xf32>
      tpu.vector_store %arg8[%swap3A_68, %swap3A_69], %swap3A_72 {strides = array<i32>} : memref<64x128xf32, #tpu.memory_space<vmem>>, vector<1x16xf32>,
      %swap3A_73 = arith.index_cast %scan3A_58 : i32 to index
      %swap3A_74 = arith.constant 48 : index
      %swap3A_75 = tpu.vector_load %arg8[%swap3A_73, %swap3A_74] {strides = array<i32>} : memref<64x128xf32, #tpu.memory_space<vmem>>, vector<1x16xf32>,
      %swap3A_76 = vector.shape_cast %swap3A_75 : vector<1x16xf32> to vector<16xf32>
      %swap3A_77 = vector.shape_cast %broadcast_in_dim3A_1 : vector<16xf32> to vector<1x16xf32>
      tpu.vector_store %arg8[%swap3A_73, %swap3A_74], %swap3A_77 {strides = array<i32>} : memref<64x128xf32, #tpu.memory_space<vmem>>, vector<1x16xf32>,
      %swap3A_78 = arith.index_cast %scan3A_58 : i32 to index
      %swap3A_79 = arith.constant 64 : index
      %swap3A_80 = tpu.vector_load %arg8[%swap3A_78, %swap3A_79] {strides = array<i32>} : memref<64x128xf32, #tpu.memory_space<vmem>>, vector<1x16xf32>,
      %swap3A_81 = vector.shape_cast %swap3A_80 : vector<1x16xf32> to vector<16xf32>
      %swap3A_82 = vector.shape_cast %broadcast_in_dim3A_1 : vector<16xf32> to vector<1x16xf32>
      tpu.vector_store %arg8[%swap3A_78, %swap3A_79], %swap3A_82 {strides = array<i32>} : memref<64x128xf32, #tpu.memory_space<vmem>>, vector<1x16xf32>,
      %swap3A_83 = arith.index_cast %scan3A_58 : i32 to index
      %swap3A_84 = arith.constant 80 : index
      %swap3A_85 = tpu.vector_load %arg8[%swap3A_83, %swap3A_84] {strides = array<i32>} : memref<64x128xf32, #tpu.memory_space<vmem>>, vector<1x16xf32>,
      %swap3A_86 = vector.shape_cast %swap3A_85 : vector<1x16xf32> to vector<16xf32>
      %swap3A_87 = vector.shape_cast %broadcast_in_dim3A_1 : vector<16xf32> to vector<1x16xf32>
      tpu.vector_store %arg8[%swap3A_83, %swap3A_84], %swap3A_87 {strides = array<i32>} : memref<64x128xf32, #tpu.memory_space<vmem>>, vector<1x16xf32>,
      %swap3A_88 = arith.index_cast %scan3A_58 : i32 to index
      %swap3A_89 = arith.constant 96 : index
      %swap3A_90 = tpu.vector_load %arg8[%swap3A_88, %swap3A_89] {strides = array<i32>} : memref<64x128xf32, #tpu.memory_space<vmem>>, vector<1x16xf32>,
      %swap3A_91 = vector.shape_cast %swap3A_90 : vector<1x16xf32> to vector<16xf32>
      %swap3A_92 = vector.shape_cast %broadcast_in_dim3A_1 : vector<16xf32> to vector<1x16xf32>
      tpu.vector_store %arg8[%swap3A_88, %swap3A_89], %swap3A_92 {strides = array<i32>} : memref<64x128xf32, #tpu.memory_space<vmem>>, vector<1x16xf32>,
      %swap3A_93 = arith.index_cast %scan3A_58 : i32 to index
      %swap3A_94 = arith.constant 112 : index
      %swap3A_95 = tpu.vector_load %arg8[%swap3A_93, %swap3A_94] {strides = array<i32>} : memref<64x128xf32, #tpu.memory_space<vmem>>, vector<1x16xf32>,
      %swap3A_96 = vector.shape_cast %swap3A_95 : vector<1x16xf32> to vector<16xf32>
      %swap3A_97 = vector.shape_cast %broadcast_in_dim3A_1 : vector<16xf32> to vector<1x16xf32>
      tpu.vector_store %arg8[%swap3A_93, %swap3A_94], %swap3A_97 {strides = array<i32>} : memref<64x128xf32, #tpu.memory_space<vmem>>, vector<1x16xf32>,
    }
    %scan3A_6 = arith.constant 64 : i32
    %mul3A_7 = arith.constant 640 : i32
    %mul3A_8 = arith.muli %arg1, %mul3A_7 : i32
    %add3A_9 = arith.constant 0 : i32
    %add3A_10 = arith.addi %mul3A_8, %add3A_9 : i32
    "tpu.region"() ({
      %run_scoped3A = tpu.sem_alloc : memref<!tpu.dma_semaphore, #tpu.memory_space<semaphore_mem>>
      %dma_start3A = arith.constant 0 : i32
      %dma_start3A_58 = tpu.memref_slice %arg16[%add3A_10, %dma_start3A] : memref<10240x128xf32, #tpu.memory_space<vmem_shared>> -> memref<64x128xf32, #tpu.memory_space<vmem_shared>>
      %dma_start3A_59 = arith.constant 0 : i32
      %dma_start3A_60 = tpu.memref_slice %arg16[%add3A_10, %dma_start3A_59] : memref<10240x128xf32, #tpu.memory_space<vmem_shared>> -> memref<64x128xf32, #tpu.memory_space<vmem_shared>>
      tpu.enqueue_dma source(%arg8 : memref<64x128xf32, #tpu.memory_space<vmem>>) target(%dma_start3A_60 : memref<64x128xf32, #tpu.memory_space<vmem_shared>>) target_semaphore(%run_scoped3A : memref<!tpu.dma_semaphore, #tpu.memory_space<semaphore_mem>>)
      %dma_wait3A = arith.constant 0 : i32
      %dma_wait3A_61 = tpu.memref_slice %arg16[%add3A_10, %dma_wait3A] : memref<10240x128xf32, #tpu.memory_space<vmem_shared>> -> memref<64x128xf32, #tpu.memory_space<vmem_shared>>
      %dma_wait3A_62 = arith.constant 0 : i32
      %dma_wait3A_63 = tpu.memref_slice %arg16[%add3A_10, %dma_wait3A_62] : memref<10240x128xf32, #tpu.memory_space<vmem_shared>> -> memref<64x128xf32, #tpu.memory_space<vmem_shared>>
      tpu.wait_dma2 semaphore(%run_scoped3A : memref<!tpu.dma_semaphore, #tpu.memory_space<semaphore_mem>>) src(%arg8 : memref<64x128xf32, #tpu.memory_space<vmem>>) dst(%dma_wait3A_63 : memref<64x128xf32, #tpu.memory_space<vmem_shared>>)
      tpu.yield
    }) : () -> ()
    %mul3A_11 = arith.constant 640 : i32
    %mul3A_12 = arith.muli %arg1, %mul3A_11 : i32
    %add3A_13 = arith.constant 64 : i32
    %add3A_14 = arith.addi %mul3A_12, %add3A_13 : i32
    "tpu.region"() ({
      %run_scoped3A = tpu.sem_alloc : memref<!tpu.dma_semaphore, #tpu.memory_space<semaphore_mem>>
      %dma_start3A = arith.constant 0 : i32
      %dma_start3A_58 = tpu.memref_slice %arg16[%add3A_14, %dma_start3A] : memref<10240x128xf32, #tpu.memory_space<vmem_shared>> -> memref<64x128xf32, #tpu.memory_space<vmem_shared>>
      %dma_start3A_59 = arith.constant 0 : i32
      %dma_start3A_60 = tpu.memref_slice %arg16[%add3A_14, %dma_start3A_59] : memref<10240x128xf32, #tpu.memory_space<vmem_shared>> -> memref<64x128xf32, #tpu.memory_space<vmem_shared>>
      tpu.enqueue_dma source(%arg8 : memref<64x128xf32, #tpu.memory_space<vmem>>) target(%dma_start3A_60 : memref<64x128xf32, #tpu.memory_space<vmem_shared>>) target_semaphore(%run_scoped3A : memref<!tpu.dma_semaphore, #tpu.memory_space<semaphore_mem>>)
      %dma_wait3A = arith.constant 0 : i32
      %dma_wait3A_61 = tpu.memref_slice %arg16[%add3A_14, %dma_wait3A] : memref<10240x128xf32, #tpu.memory_space<vmem_shared>> -> memref<64x128xf32, #tpu.memory_space<vmem_shared>>
      %dma_wait3A_62 = arith.constant 0 : i32
      %dma_wait3A_63 = tpu.memref_slice %arg16[%add3A_14, %dma_wait3A_62] : memref<10240x128xf32, #tpu.memory_space<vmem_shared>> -> memref<64x128xf32, #tpu.memory_space<vmem_shared>>
      tpu.wait_dma2 semaphore(%run_scoped3A : memref<!tpu.dma_semaphore, #tpu.memory_space<semaphore_mem>>) src(%arg8 : memref<64x128xf32, #tpu.memory_space<vmem>>) dst(%dma_wait3A_63 : memref<64x128xf32, #tpu.memory_space<vmem_shared>>)
      tpu.yield
    }) : () -> ()
    %mul3A_15 = arith.constant 640 : i32
    %mul3A_16 = arith.muli %arg1, %mul3A_15 : i32
    %add3A_17 = arith.constant 128 : i32
    %add3A_18 = arith.addi %mul3A_16, %add3A_17 : i32
    "tpu.region"() ({
      %run_scoped3A = tpu.sem_alloc : memref<!tpu.dma_semaphore, #tpu.memory_space<semaphore_mem>>
      %dma_start3A = arith.constant 0 : i32
      %dma_start3A_58 = tpu.memref_slice %arg16[%add3A_18, %dma_start3A] : memref<10240x128xf32, #tpu.memory_space<vmem_shared>> -> memref<64x128xf32, #tpu.memory_space<vmem_shared>>
      %dma_start3A_59 = arith.constant 0 : i32
      %dma_start3A_60 = tpu.memref_slice %arg16[%add3A_18, %dma_start3A_59] : memref<10240x128xf32, #tpu.memory_space<vmem_shared>> -> memref<64x128xf32, #tpu.memory_space<vmem_shared>>
      tpu.enqueue_dma source(%arg8 : memref<64x128xf32, #tpu.memory_space<vmem>>) target(%dma_start3A_60 : memref<64x128xf32, #tpu.memory_space<vmem_shared>>) target_semaphore(%run_scoped3A : memref<!tpu.dma_semaphore, #tpu.memory_space<semaphore_mem>>)
      %dma_wait3A = arith.constant 0 : i32
      %dma_wait3A_61 = tpu.memref_slice %arg16[%add3A_18, %dma_wait3A] : memref<10240x128xf32, #tpu.memory_space<vmem_shared>> -> memref<64x128xf32, #tpu.memory_space<vmem_shared>>
      %dma_wait3A_62 = arith.constant 0 : i32
      %dma_wait3A_63 = tpu.memref_slice %arg16[%add3A_18, %dma_wait3A_62] : memref<10240x128xf32, #tpu.memory_space<vmem_shared>> -> memref<64x128xf32, #tpu.memory_space<vmem_shared>>
      tpu.wait_dma2 semaphore(%run_scoped3A : memref<!tpu.dma_semaphore, #tpu.memory_space<semaphore_mem>>) src(%arg8 : memref<64x128xf32, #tpu.memory_space<vmem>>) dst(%dma_wait3A_63 : memref<64x128xf32, #tpu.memory_space<vmem_shared>>)
      tpu.yield
    }) : () -> ()
    %mul3A_19 = arith.constant 640 : i32
    %mul3A_20 = arith.muli %arg1, %mul3A_19 : i32
    %add3A_21 = arith.constant 192 : i32
    %add3A_22 = arith.addi %mul3A_20, %add3A_21 : i32
    "tpu.region"() ({
      %run_scoped3A = tpu.sem_alloc : memref<!tpu.dma_semaphore, #tpu.memory_space<semaphore_mem>>
      %dma_start3A = arith.constant 0 : i32
      %dma_start3A_58 = tpu.memref_slice %arg16[%add3A_22, %dma_start3A] : memref<10240x128xf32, #tpu.memory_space<vmem_shared>> -> memref<64x128xf32, #tpu.memory_space<vmem_shared>>
      %dma_start3A_59 = arith.constant 0 : i32
      %dma_start3A_60 = tpu.memref_slice %arg16[%add3A_22, %dma_start3A_59] : memref<10240x128xf32, #tpu.memory_space<vmem_shared>> -> memref<64x128xf32, #tpu.memory_space<vmem_shared>>
      tpu.enqueue_dma source(%arg8 : memref<64x128xf32, #tpu.memory_space<vmem>>) target(%dma_start3A_60 : memref<64x128xf32, #tpu.memory_space<vmem_shared>>) target_semaphore(%run_scoped3A : memref<!tpu.dma_semaphore, #tpu.memory_space<semaphore_mem>>)
      %dma_wait3A = arith.constant 0 : i32
      %dma_wait3A_61 = tpu.memref_slice %arg16[%add3A_22, %dma_wait3A] : memref<10240x128xf32, #tpu.memory_space<vmem_shared>> -> memref<64x128xf32, #tpu.memory_space<vmem_shared>>
      %dma_wait3A_62 = arith.constant 0 : i32
      %dma_wait3A_63 = tpu.memref_slice %arg16[%add3A_22, %dma_wait3A_62] : memref<10240x128xf32, #tpu.memory_space<vmem_shared>> -> memref<64x128xf32, #tpu.memory_space<vmem_shared>>
      tpu.wait_dma2 semaphore(%run_scoped3A : memref<!tpu.dma_semaphore, #tpu.memory_space<semaphore_mem>>) src(%arg8 : memref<64x128xf32, #tpu.memory_space<vmem>>) dst(%dma_wait3A_63 : memref<64x128xf32, #tpu.memory_space<vmem_shared>>)
      tpu.yield
    }) : () -> ()
    %mul3A_23 = arith.constant 640 : i32
    %mul3A_24 = arith.muli %arg1, %mul3A_23 : i32
    %add3A_25 = arith.constant 256 : i32
    %add3A_26 = arith.addi %mul3A_24, %add3A_25 : i32
    "tpu.region"() ({
      %run_scoped3A = tpu.sem_alloc : memref<!tpu.dma_semaphore, #tpu.memory_space<semaphore_mem>>
      %dma_start3A = arith.constant 0 : i32
      %dma_start3A_58 = tpu.memref_slice %arg16[%add3A_26, %dma_start3A] : memref<10240x128xf32, #tpu.memory_space<vmem_shared>> -> memref<64x128xf32, #tpu.memory_space<vmem_shared>>
      %dma_start3A_59 = arith.constant 0 : i32
      %dma_start3A_60 = tpu.memref_slice %arg16[%add3A_26, %dma_start3A_59] : memref<10240x128xf32, #tpu.memory_space<vmem_shared>> -> memref<64x128xf32, #tpu.memory_space<vmem_shared>>
      tpu.enqueue_dma source(%arg8 : memref<64x128xf32, #tpu.memory_space<vmem>>) target(%dma_start3A_60 : memref<64x128xf32, #tpu.memory_space<vmem_shared>>) target_semaphore(%run_scoped3A : memref<!tpu.dma_semaphore, #tpu.memory_space<semaphore_mem>>)
      %dma_wait3A = arith.constant 0 : i32
      %dma_wait3A_61 = tpu.memref_slice %arg16[%add3A_26, %dma_wait3A] : memref<10240x128xf32, #tpu.memory_space<vmem_shared>> -> memref<64x128xf32, #tpu.memory_space<vmem_shared>>
      %dma_wait3A_62 = arith.constant 0 : i32
      %dma_wait3A_63 = tpu.memref_slice %arg16[%add3A_26, %dma_wait3A_62] : memref<10240x128xf32, #tpu.memory_space<vmem_shared>> -> memref<64x128xf32, #tpu.memory_space<vmem_shared>>
      tpu.wait_dma2 semaphore(%run_scoped3A : memref<!tpu.dma_semaphore, #tpu.memory_space<semaphore_mem>>) src(%arg8 : memref<64x128xf32, #tpu.memory_space<vmem>>) dst(%dma_wait3A_63 : memref<64x128xf32, #tpu.memory_space<vmem_shared>>)
      tpu.yield
    }) : () -> ()
    %mul3A_27 = arith.constant 640 : i32
    %mul3A_28 = arith.muli %arg1, %mul3A_27 : i32
    %add3A_29 = arith.constant 320 : i32
    %add3A_30 = arith.addi %mul3A_28, %add3A_29 : i32
    "tpu.region"() ({
      %run_scoped3A = tpu.sem_alloc : memref<!tpu.dma_semaphore, #tpu.memory_space<semaphore_mem>>
      %dma_start3A = arith.constant 0 : i32
      %dma_start3A_58 = tpu.memref_slice %arg16[%add3A_30, %dma_start3A] : memref<10240x128xf32, #tpu.memory_space<vmem_shared>> -> memref<64x128xf32, #tpu.memory_space<vmem_shared>>
      %dma_start3A_59 = arith.constant 0 : i32
      %dma_start3A_60 = tpu.memref_slice %arg16[%add3A_30, %dma_start3A_59] : memref<10240x128xf32, #tpu.memory_space<vmem_shared>> -> memref<64x128xf32, #tpu.memory_space<vmem_shared>>
      tpu.enqueue_dma source(%arg8 : memref<64x128xf32, #tpu.memory_space<vmem>>) target(%dma_start3A_60 : memref<64x128xf32, #tpu.memory_space<vmem_shared>>) target_semaphore(%run_scoped3A : memref<!tpu.dma_semaphore, #tpu.memory_space<semaphore_mem>>)
      %dma_wait3A = arith.constant 0 : i32
      %dma_wait3A_61 = tpu.memref_slice %arg16[%add3A_30, %dma_wait3A] : memref<10240x128xf32, #tpu.memory_space<vmem_shared>> -> memref<64x128xf32, #tpu.memory_space<vmem_shared>>
      %dma_wait3A_62 = arith.constant 0 : i32
      %dma_wait3A_63 = tpu.memref_slice %arg16[%add3A_30, %dma_wait3A_62] : memref<10240x128xf32, #tpu.memory_space<vmem_shared>> -> memref<64x128xf32, #tpu.memory_space<vmem_shared>>
      tpu.wait_dma2 semaphore(%run_scoped3A : memref<!tpu.dma_semaphore, #tpu.memory_space<semaphore_mem>>) src(%arg8 : memref<64x128xf32, #tpu.memory_space<vmem>>) dst(%dma_wait3A_63 : memref<64x128xf32, #tpu.memory_space<vmem_shared>>)
      tpu.yield
    }) : () -> ()
    %mul3A_31 = arith.constant 640 : i32
    %mul3A_32 = arith.muli %arg1, %mul3A_31 : i32
    %add3A_33 = arith.constant 384 : i32
    %add3A_34 = arith.addi %mul3A_32, %add3A_33 : i32
    "tpu.region"() ({
      %run_scoped3A = tpu.sem_alloc : memref<!tpu.dma_semaphore, #tpu.memory_space<semaphore_mem>>
      %dma_start3A = arith.constant 0 : i32
      %dma_start3A_58 = tpu.memref_slice %arg16[%add3A_34, %dma_start3A] : memref<10240x128xf32, #tpu.memory_space<vmem_shared>> -> memref<64x128xf32, #tpu.memory_space<vmem_shared>>
      %dma_start3A_59 = arith.constant 0 : i32
      %dma_start3A_60 = tpu.memref_slice %arg16[%add3A_34, %dma_start3A_59] : memref<10240x128xf32, #tpu.memory_space<vmem_shared>> -> memref<64x128xf32, #tpu.memory_space<vmem_shared>>
      tpu.enqueue_dma source(%arg8 : memref<64x128xf32, #tpu.memory_space<vmem>>) target(%dma_start3A_60 : memref<64x128xf32, #tpu.memory_space<vmem_shared>>) target_semaphore(%run_scoped3A : memref<!tpu.dma_semaphore, #tpu.memory_space<semaphore_mem>>)
      %dma_wait3A = arith.constant 0 : i32
      %dma_wait3A_61 = tpu.memref_slice %arg16[%add3A_34, %dma_wait3A] : memref<10240x128xf32, #tpu.memory_space<vmem_shared>> -> memref<64x128xf32, #tpu.memory_space<vmem_shared>>
      %dma_wait3A_62 = arith.constant 0 : i32
      %dma_wait3A_63 = tpu.memref_slice %arg16[%add3A_34, %dma_wait3A_62] : memref<10240x128xf32, #tpu.memory_space<vmem_shared>> -> memref<64x128xf32, #tpu.memory_space<vmem_shared>>
      tpu.wait_dma2 semaphore(%run_scoped3A : memref<!tpu.dma_semaphore, #tpu.memory_space<semaphore_mem>>) src(%arg8 : memref<64x128xf32, #tpu.memory_space<vmem>>) dst(%dma_wait3A_63 : memref<64x128xf32, #tpu.memory_space<vmem_shared>>)
      tpu.yield
    }) : () -> ()
    %mul3A_35 = arith.constant 640 : i32
    %mul3A_36 = arith.muli %arg1, %mul3A_35 : i32
    %add3A_37 = arith.constant 448 : i32
    %add3A_38 = arith.addi %mul3A_36, %add3A_37 : i32
    "tpu.region"() ({
      %run_scoped3A = tpu.sem_alloc : memref<!tpu.dma_semaphore, #tpu.memory_space<semaphore_mem>>
      %dma_start3A = arith.constant 0 : i32
      %dma_start3A_58 = tpu.memref_slice %arg16[%add3A_38, %dma_start3A] : memref<10240x128xf32, #tpu.memory_space<vmem_shared>> -> memref<64x128xf32, #tpu.memory_space<vmem_shared>>
      %dma_start3A_59 = arith.constant 0 : i32
      %dma_start3A_60 = tpu.memref_slice %arg16[%add3A_38, %dma_start3A_59] : memref<10240x128xf32, #tpu.memory_space<vmem_shared>> -> memref<64x128xf32, #tpu.memory_space<vmem_shared>>
      tpu.enqueue_dma source(%arg8 : memref<64x128xf32, #tpu.memory_space<vmem>>) target(%dma_start3A_60 : memref<64x128xf32, #tpu.memory_space<vmem_shared>>) target_semaphore(%run_scoped3A : memref<!tpu.dma_semaphore, #tpu.memory_space<semaphore_mem>>)
      %dma_wait3A = arith.constant 0 : i32
      %dma_wait3A_61 = tpu.memref_slice %arg16[%add3A_38, %dma_wait3A] : memref<10240x128xf32, #tpu.memory_space<vmem_shared>> -> memref<64x128xf32, #tpu.memory_space<vmem_shared>>
      %dma_wait3A_62 = arith.constant 0 : i32
      %dma_wait3A_63 = tpu.memref_slice %arg16[%add3A_38, %dma_wait3A_62] : memref<10240x128xf32, #tpu.memory_space<vmem_shared>> -> memref<64x128xf32, #tpu.memory_space<vmem_shared>>
      tpu.wait_dma2 semaphore(%run_scoped3A : memref<!tpu.dma_semaphore, #tpu.memory_space<semaphore_mem>>) src(%arg8 : memref<64x128xf32, #tpu.memory_space<vmem>>) dst(%dma_wait3A_63 : memref<64x128xf32, #tpu.memory_space<vmem_shared>>)
      tpu.yield
    }) : () -> ()
    %mul3A_39 = arith.constant 640 : i32
    %mul3A_40 = arith.muli %arg1, %mul3A_39 : i32
    %add3A_41 = arith.constant 512 : i32
    %add3A_42 = arith.addi %mul3A_40, %add3A_41 : i32
    "tpu.region"() ({
      %run_scoped3A = tpu.sem_alloc : memref<!tpu.dma_semaphore, #tpu.memory_space<semaphore_mem>>
      %dma_start3A = arith.constant 0 : i32
      %dma_start3A_58 = tpu.memref_slice %arg16[%add3A_42, %dma_start3A] : memref<10240x128xf32, #tpu.memory_space<vmem_shared>> -> memref<64x128xf32, #tpu.memory_space<vmem_shared>>
      %dma_start3A_59 = arith.constant 0 : i32
      %dma_start3A_60 = tpu.memref_slice %arg16[%add3A_42, %dma_start3A_59] : memref<10240x128xf32, #tpu.memory_space<vmem_shared>> -> memref<64x128xf32, #tpu.memory_space<vmem_shared>>
      tpu.enqueue_dma source(%arg8 : memref<64x128xf32, #tpu.memory_space<vmem>>) target(%dma_start3A_60 : memref<64x128xf32, #tpu.memory_space<vmem_shared>>) target_semaphore(%run_scoped3A : memref<!tpu.dma_semaphore, #tpu.memory_space<semaphore_mem>>)
      %dma_wait3A = arith.constant 0 : i32
      %dma_wait3A_61 = tpu.memref_slice %arg16[%add3A_42, %dma_wait3A] : memref<10240x128xf32, #tpu.memory_space<vmem_shared>> -> memref<64x128xf32, #tpu.memory_space<vmem_shared>>
      %dma_wait3A_62 = arith.constant 0 : i32
      %dma_wait3A_63 = tpu.memref_slice %arg16[%add3A_42, %dma_wait3A_62] : memref<10240x128xf32, #tpu.memory_space<vmem_shared>> -> memref<64x128xf32, #tpu.memory_space<vmem_shared>>
      tpu.wait_dma2 semaphore(%run_scoped3A : memref<!tpu.dma_semaphore, #tpu.memory_space<semaphore_mem>>) src(%arg8 : memref<64x128xf32, #tpu.memory_space<vmem>>) dst(%dma_wait3A_63 : memref<64x128xf32, #tpu.memory_space<vmem_shared>>)
      tpu.yield
    }) : () -> ()
    %mul3A_43 = arith.constant 640 : i32
    %mul3A_44 = arith.muli %arg1, %mul3A_43 : i32
    %add3A_45 = arith.constant 576 : i32
    %add3A_46 = arith.addi %mul3A_44, %add3A_45 : i32
    "tpu.region"() ({
      %run_scoped3A = tpu.sem_alloc : memref<!tpu.dma_semaphore, #tpu.memory_space<semaphore_mem>>
      %dma_start3A = arith.constant 0 : i32
      %dma_start3A_58 = tpu.memref_slice %arg16[%add3A_46, %dma_start3A] : memref<10240x128xf32, #tpu.memory_space<vmem_shared>> -> memref<64x128xf32, #tpu.memory_space<vmem_shared>>
      %dma_start3A_59 = arith.constant 0 : i32
      %dma_start3A_60 = tpu.memref_slice %arg16[%add3A_46, %dma_start3A_59] : memref<10240x128xf32, #tpu.memory_space<vmem_shared>> -> memref<64x128xf32, #tpu.memory_space<vmem_shared>>
      tpu.enqueue_dma source(%arg8 : memref<64x128xf32, #tpu.memory_space<vmem>>) target(%dma_start3A_60 : memref<64x128xf32, #tpu.memory_space<vmem_shared>>) target_semaphore(%run_scoped3A : memref<!tpu.dma_semaphore, #tpu.memory_space<semaphore_mem>>)
      %dma_wait3A = arith.constant 0 : i32
      %dma_wait3A_61 = tpu.memref_slice %arg16[%add3A_46, %dma_wait3A] : memref<10240x128xf32, #tpu.memory_space<vmem_shared>> -> memref<64x128xf32, #tpu.memory_space<vmem_shared>>
      %dma_wait3A_62 = arith.constant 0 : i32
      %dma_wait3A_63 = tpu.memref_slice %arg16[%add3A_46, %dma_wait3A_62] : memref<10240x128xf32, #tpu.memory_space<vmem_shared>> -> memref<64x128xf32, #tpu.memory_space<vmem_shared>>
      tpu.wait_dma2 semaphore(%run_scoped3A : memref<!tpu.dma_semaphore, #tpu.memory_space<semaphore_mem>>) src(%arg8 : memref<64x128xf32, #tpu.memory_space<vmem>>) dst(%dma_wait3A_63 : memref<64x128xf32, #tpu.memory_space<vmem_shared>>)
      tpu.yield
    }) : () -> ()
    %barrier3A = arith.constant 0 : index
    tpu.barrier barrier_id(%barrier3A)
    %scan3A_47 = arith.constant 0 : i32
    %scan3A_48 = arith.constant 0 : i32
    %scan3A_49 = arith.constant 4 : i32
    %scan3A_50 = arith.addi %scan3A_48, %scan3A_49 : i32
    %scan3A_51 = arith.constant 1 : i32
    scf.for %scan3A_58 = %scan3A_48 to %scan3A_50 step %scan3A_51  : i32 {
      %mul3A_59 = arith.constant 40 : i32
      %mul3A_60 = arith.muli %scan3A_58, %mul3A_59 : i32
      "tpu.region"() ({
        %run_scoped3A = tpu.sem_alloc : memref<!tpu.dma_semaphore, #tpu.memory_space<semaphore_mem>>
        %dma_start3A_96 = arith.constant 0 : i32
        %dma_start3A_97 = tpu.memref_slice %arg3[%add3A, %mul3A_60, %dma_start3A_96] : memref<32x160x64xi32, #tpu.memory_space<hbm>> -> memref<1x40x64xi32, #tpu.memory_space<hbm>>
        %dma_start3A_98 = tpu.memref_squeeze %dma_start3A_97 : memref<1x40x64xi32, #tpu.memory_space<hbm>> -> memref<40x64xi32, #tpu.memory_space<hbm>>
        %dma_start3A_99 = arith.constant 0 : i32
        %dma_start3A_100 = tpu.memref_slice %arg3[%add3A, %mul3A_60, %dma_start3A_99] : memref<32x160x64xi32, #tpu.memory_space<hbm>> -> memref<1x40x64xi32, #tpu.memory_space<hbm>>
        %dma_start3A_101 = tpu.memref_squeeze %dma_start3A_100 : memref<1x40x64xi32, #tpu.memory_space<hbm>> -> memref<40x64xi32, #tpu.memory_space<hbm>>
        tpu.enqueue_dma source(%dma_start3A_101 : memref<40x64xi32, #tpu.memory_space<hbm>>) target(%arg6 : memref<40x64xi32, #tpu.memory_space<vmem>>) target_semaphore(%run_scoped3A : memref<!tpu.dma_semaphore, #tpu.memory_space<semaphore_mem>>)
        %dma_wait3A = arith.constant 0 : i32
        %dma_wait3A_102 = tpu.memref_slice %arg3[%add3A, %mul3A_60, %dma_wait3A] : memref<32x160x64xi32, #tpu.memory_space<hbm>> -> memref<1x40x64xi32, #tpu.memory_space<hbm>>
        %dma_wait3A_103 = tpu.memref_squeeze %dma_wait3A_102 : memref<1x40x64xi32, #tpu.memory_space<hbm>> -> memref<40x64xi32, #tpu.memory_space<hbm>>
        %dma_wait3A_104 = arith.constant 0 : i32
        %dma_wait3A_105 = tpu.memref_slice %arg3[%add3A, %mul3A_60, %dma_wait3A_104] : memref<32x160x64xi32, #tpu.memory_space<hbm>> -> memref<1x40x64xi32, #tpu.memory_space<hbm>>
        %dma_wait3A_106 = tpu.memref_squeeze %dma_wait3A_105 : memref<1x40x64xi32, #tpu.memory_space<hbm>> -> memref<40x64xi32, #tpu.memory_space<hbm>>
        tpu.wait_dma2 semaphore(%run_scoped3A : memref<!tpu.dma_semaphore, #tpu.memory_space<semaphore_mem>>) src(%dma_wait3A_106 : memref<40x64xi32, #tpu.memory_space<hbm>>) dst(%arg6 : memref<40x64xi32, #tpu.memory_space<vmem>>)
        tpu.yield
      }) : () -> ()
      %mul3A_61 = arith.constant 40 : i32
      %mul3A_62 = arith.muli %scan3A_58, %mul3A_61 : i32
      "tpu.region"() ({
        %run_scoped3A = tpu.sem_alloc : memref<!tpu.dma_semaphore, #tpu.memory_space<semaphore_mem>>
        %dma_start3A_96 = arith.constant 0 : i32
        %dma_start3A_97 = tpu.memref_slice %arg4[%add3A, %mul3A_62, %dma_start3A_96] : memref<32x160x64xi32, #tpu.memory_space<hbm>> -> memref<1x40x64xi32, #tpu.memory_space<hbm>>
        %dma_start3A_98 = tpu.memref_squeeze %dma_start3A_97 : memref<1x40x64xi32, #tpu.memory_space<hbm>> -> memref<40x64xi32, #tpu.memory_space<hbm>>
        %dma_start3A_99 = arith.constant 0 : i32
        %dma_start3A_100 = tpu.memref_slice %arg4[%add3A, %mul3A_62, %dma_start3A_99] : memref<32x160x64xi32, #tpu.memory_space<hbm>> -> memref<1x40x64xi32, #tpu.memory_space<hbm>>
        %dma_start3A_101 = tpu.memref_squeeze %dma_start3A_100 : memref<1x40x64xi32, #tpu.memory_space<hbm>> -> memref<40x64xi32, #tpu.memory_space<hbm>>
        tpu.enqueue_dma source(%dma_start3A_101 : memref<40x64xi32, #tpu.memory_space<hbm>>) target(%arg7 : memref<40x64xi32, #tpu.memory_space<vmem>>) target_semaphore(%run_scoped3A : memref<!tpu.dma_semaphore, #tpu.memory_space<semaphore_mem>>)
        %dma_wait3A = arith.constant 0 : i32
        %dma_wait3A_102 = tpu.memref_slice %arg4[%add3A, %mul3A_62, %dma_wait3A] : memref<32x160x64xi32, #tpu.memory_space<hbm>> -> memref<1x40x64xi32, #tpu.memory_space<hbm>>
        %dma_wait3A_103 = tpu.memref_squeeze %dma_wait3A_102 : memref<1x40x64xi32, #tpu.memory_space<hbm>> -> memref<40x64xi32, #tpu.memory_space<hbm>>
        %dma_wait3A_104 = arith.constant 0 : i32
        %dma_wait3A_105 = tpu.memref_slice %arg4[%add3A, %mul3A_62, %dma_wait3A_104] : memref<32x160x64xi32, #tpu.memory_space<hbm>> -> memref<1x40x64xi32, #tpu.memory_space<hbm>>
        %dma_wait3A_106 = tpu.memref_squeeze %dma_wait3A_105 : memref<1x40x64xi32, #tpu.memory_space<hbm>> -> memref<40x64xi32, #tpu.memory_space<hbm>>
        tpu.wait_dma2 semaphore(%run_scoped3A : memref<!tpu.dma_semaphore, #tpu.memory_space<semaphore_mem>>) src(%dma_wait3A_106 : memref<40x64xi32, #tpu.memory_space<hbm>>) dst(%arg7 : memref<40x64xi32, #tpu.memory_space<vmem>>)
        tpu.yield
      }) : () -> ()
      %dma_start3A = arith.constant 0 : i32
      %dma_start3A_63 = arith.constant 0 : i32
      %dma_start3A_64 = tpu.memref_slice %arg6[%dma_start3A, %dma_start3A_63] : memref<40x64xi32, #tpu.memory_space<vmem>> -> memref<1x64xi32, #tpu.memory_space<vmem>>
      %dma_start3A_65 = tpu.memref_squeeze %dma_start3A_64 : memref<1x64xi32, #tpu.memory_space<vmem>> -> memref<64xi32, #tpu.memory_space<vmem>>
      %dma_start3A_66 = arith.constant 0 : i32
      %dma_start3A_67 = arith.constant 0 : i32
      %dma_start3A_68 = tpu.memref_slice %arg2[%dma_start3A_66, %dma_start3A_67] : memref<10000x128xf32, #tpu.memory_space<hbm>> -> memref<10000x128xf32, #tpu.memory_space<hbm>>
      tpu.enqueue_indirect_dma source(%dma_start3A_68 : memref<10000x128xf32, #tpu.memory_space<hbm>>) target(%arg8 : memref<64x128xf32, #tpu.memory_space<vmem>>) offsets(%dma_start3A_65 : memref<64xi32, #tpu.memory_space<vmem>>) semaphore(%arg12 : memref<!tpu.dma_semaphore, #tpu.memory_space<semaphore_mem>>)
      %dma_start3A_69 = arith.constant 1 : i32
      %dma_start3A_70 = arith.constant 0 : i32
      %dma_start3A_71 = tpu.memref_slice %arg6[%dma_start3A_69, %dma_start3A_70] : memref<40x64xi32, #tpu.memory_space<vmem>> -> memref<1x64xi32, #tpu.memory_space<vmem>>
      %dma_start3A_72 = tpu.memref_squeeze %dma_start3A_71 : memref<1x64xi32, #tpu.memory_space<vmem>> -> memref<64xi32, #tpu.memory_space<vmem>>
      %dma_start3A_73 = arith.constant 0 : i32
      %dma_start3A_74 = arith.constant 0 : i32
      %dma_start3A_75 = tpu.memref_slice %arg2[%dma_start3A_73, %dma_start3A_74] : memref<10000x128xf32, #tpu.memory_space<hbm>> -> memref<10000x128xf32, #tpu.memory_space<hbm>>
      tpu.enqueue_indirect_dma source(%dma_start3A_75 : memref<10000x128xf32, #tpu.memory_space<hbm>>) target(%arg9 : memref<64x128xf32, #tpu.memory_space<vmem>>) offsets(%dma_start3A_72 : memref<64xi32, #tpu.memory_space<vmem>>) semaphore(%arg13 : memref<!tpu.dma_semaphore, #tpu.memory_space<semaphore_mem>>)
      %dma_start3A_76 = arith.constant 2 : i32
      %dma_start3A_77 = arith.constant 0 : i32
      %dma_start3A_78 = tpu.memref_slice %arg6[%dma_start3A_76, %dma_start3A_77] : memref<40x64xi32, #tpu.memory_space<vmem>> -> memref<1x64xi32, #tpu.memory_space<vmem>>
      %dma_start3A_79 = tpu.memref_squeeze %dma_start3A_78 : memref<1x64xi32, #tpu.memory_space<vmem>> -> memref<64xi32, #tpu.memory_space<vmem>>
      %dma_start3A_80 = arith.constant 0 : i32
      %dma_start3A_81 = arith.constant 0 : i32
      %dma_start3A_82 = tpu.memref_slice %arg2[%dma_start3A_80, %dma_start3A_81] : memref<10000x128xf32, #tpu.memory_space<hbm>> -> memref<10000x128xf32, #tpu.memory_space<hbm>>
      tpu.enqueue_indirect_dma source(%dma_start3A_82 : memref<10000x128xf32, #tpu.memory_space<hbm>>) target(%arg10 : memref<64x128xf32, #tpu.memory_space<vmem>>) offsets(%dma_start3A_79 : memref<64xi32, #tpu.memory_space<vmem>>) semaphore(%arg14 : memref<!tpu.dma_semaphore, #tpu.memory_space<semaphore_mem>>)
      %dma_start3A_83 = arith.constant 3 : i32
      %dma_start3A_84 = arith.constant 0 : i32
      %dma_start3A_85 = tpu.memref_slice %arg6[%dma_start3A_83, %dma_start3A_84] : memref<40x64xi32, #tpu.memory_space<vmem>> -> memref<1x64xi32, #tpu.memory_space<vmem>>
      %dma_start3A_86 = tpu.memref_squeeze %dma_start3A_85 : memref<1x64xi32, #tpu.memory_space<vmem>> -> memref<64xi32, #tpu.memory_space<vmem>>
      %dma_start3A_87 = arith.constant 0 : i32
      %dma_start3A_88 = arith.constant 0 : i32
      %dma_start3A_89 = tpu.memref_slice %arg2[%dma_start3A_87, %dma_start3A_88] : memref<10000x128xf32, #tpu.memory_space<hbm>> -> memref<10000x128xf32, #tpu.memory_space<hbm>>
      tpu.enqueue_indirect_dma source(%dma_start3A_89 : memref<10000x128xf32, #tpu.memory_space<hbm>>) target(%arg11 : memref<64x128xf32, #tpu.memory_space<vmem>>) offsets(%dma_start3A_86 : memref<64xi32, #tpu.memory_space<vmem>>) semaphore(%arg15 : memref<!tpu.dma_semaphore, #tpu.memory_space<semaphore_mem>>)
      %scan3A_90 = arith.constant 0 : i32
      %scan3A_91 = arith.constant 0 : i32
      %scan3A_92 = arith.constant 10 : i32
      %scan3A_93 = arith.addi %scan3A_91, %scan3A_92 : i32
      %scan3A_94 = arith.constant 1 : i32
      scf.for %scan3A_96 = %scan3A_91 to %scan3A_93 step %scan3A_94  : i32 {
        %mul3A_97 = arith.constant 4 : i32
        %mul3A_98 = arith.muli %scan3A_96, %mul3A_97 : i32
        %add3A_99 = arith.constant 0 : i32
        %add3A_100 = arith.addi %mul3A_98, %add3A_99 : i32
        %dma_wait3A = arith.constant 0 : i32
        %dma_wait3A_101 = tpu.memref_slice %arg6[%add3A_100, %dma_wait3A] : memref<40x64xi32, #tpu.memory_space<vmem>> -> memref<1x64xi32, #tpu.memory_space<vmem>>
        %dma_wait3A_102 = tpu.memref_squeeze %dma_wait3A_101 : memref<1x64xi32, #tpu.memory_space<vmem>> -> memref<64xi32, #tpu.memory_space<vmem>>
        %dma_wait3A_103 = arith.constant 0 : i32
        %dma_wait3A_104 = arith.constant 0 : i32
        %dma_wait3A_105 = tpu.memref_slice %arg2[%dma_wait3A_103, %dma_wait3A_104] : memref<10000x128xf32, #tpu.memory_space<hbm>> -> memref<10000x128xf32, #tpu.memory_space<hbm>>
        tpu.wait_indirect_dma semaphore(%arg12 : memref<!tpu.dma_semaphore, #tpu.memory_space<semaphore_mem>>) src(%dma_wait3A_105 : memref<10000x128xf32, #tpu.memory_space<hbm>>) dst(%arg8 : memref<64x128xf32, #tpu.memory_space<vmem>>)
        "tpu.region"() ({
          %run_scoped3A = tpu.sem_alloc : memref<!tpu.dma_semaphore, #tpu.memory_space<semaphore_mem>>
          %dma_start3A_155 = arith.constant 0 : i32
          %dma_start3A_156 = tpu.memref_slice %arg7[%add3A_100, %dma_start3A_155] : memref<40x64xi32, #tpu.memory_space<vmem>> -> memref<1x64xi32, #tpu.memory_space<vmem>>
          %dma_start3A_157 = tpu.memref_squeeze %dma_start3A_156 : memref<1x64xi32, #tpu.memory_space<vmem>> -> memref<64xi32, #tpu.memory_space<vmem>>
          %dma_start3A_158 = arith.constant 0 : i32
          %dma_start3A_159 = arith.constant 0 : i32
          %dma_start3A_160 = tpu.memref_slice %arg16[%dma_start3A_158, %dma_start3A_159] : memref<10240x128xf32, #tpu.memory_space<vmem_shared>> -> memref<10240x128xf32, #tpu.memory_space<vmem_shared>>
          tpu.enqueue_indirect_dma source(%arg8 : memref<64x128xf32, #tpu.memory_space<vmem>>) target(%dma_start3A_160 : memref<10240x128xf32, #tpu.memory_space<vmem_shared>>) offsets(%dma_start3A_157 : memref<64xi32, #tpu.memory_space<vmem>>) semaphore(%run_scoped3A : memref<!tpu.dma_semaphore, #tpu.memory_space<semaphore_mem>>) {add = true}
          %dma_wait3A_161 = arith.constant 0 : i32
          %dma_wait3A_162 = tpu.memref_slice %arg7[%add3A_100, %dma_wait3A_161] : memref<40x64xi32, #tpu.memory_space<vmem>> -> memref<1x64xi32, #tpu.memory_space<vmem>>
          %dma_wait3A_163 = tpu.memref_squeeze %dma_wait3A_162 : memref<1x64xi32, #tpu.memory_space<vmem>> -> memref<64xi32, #tpu.memory_space<vmem>>
          %dma_wait3A_164 = arith.constant 0 : i32
          %dma_wait3A_165 = arith.constant 0 : i32
          %dma_wait3A_166 = tpu.memref_slice %arg16[%dma_wait3A_164, %dma_wait3A_165] : memref<10240x128xf32, #tpu.memory_space<vmem_shared>> -> memref<10240x128xf32, #tpu.memory_space<vmem_shared>>
          tpu.wait_indirect_dma semaphore(%run_scoped3A : memref<!tpu.dma_semaphore, #tpu.memory_space<semaphore_mem>>) src(%arg8 : memref<64x128xf32, #tpu.memory_space<vmem>>) dst(%dma_wait3A_166 : memref<10240x128xf32, #tpu.memory_space<vmem_shared>>)
          tpu.yield
        }) : () -> ()
        %add3A_106 = arith.constant 4 : i32
        %add3A_107 = arith.addi %add3A_100, %add3A_106 : i32
        %lt3A = arith.constant 40 : i32
        %lt3A_108 = arith.cmpi slt, %add3A_107, %lt3A : i32
        %convert_element_type3A = arith.extui %lt3A_108 : i1 to i32
        %cond3A = arith.constant 0 : i32
        %cond3A_109 = arith.cmpi ne, %convert_element_type3A, %cond3A : i32
        scf.if %cond3A_109 {
          %add3A_155 = arith.constant 4 : i32
          %add3A_156 = arith.addi %add3A_100, %add3A_155 : i32
          %dma_start3A_157 = arith.constant 0 : i32
          %dma_start3A_158 = tpu.memref_slice %arg6[%add3A_156, %dma_start3A_157] : memref<40x64xi32, #tpu.memory_space<vmem>> -> memref<1x64xi32, #tpu.memory_space<vmem>>
          %dma_start3A_159 = tpu.memref_squeeze %dma_start3A_158 : memref<1x64xi32, #tpu.memory_space<vmem>> -> memref<64xi32, #tpu.memory_space<vmem>>
          %dma_start3A_160 = arith.constant 0 : i32
          %dma_start3A_161 = arith.constant 0 : i32
          %dma_start3A_162 = tpu.memref_slice %arg2[%dma_start3A_160, %dma_start3A_161] : memref<10000x128xf32, #tpu.memory_space<hbm>> -> memref<10000x128xf32, #tpu.memory_space<hbm>>
          tpu.enqueue_indirect_dma source(%dma_start3A_162 : memref<10000x128xf32, #tpu.memory_space<hbm>>) target(%arg8 : memref<64x128xf32, #tpu.memory_space<vmem>>) offsets(%dma_start3A_159 : memref<64xi32, #tpu.memory_space<vmem>>) semaphore(%arg12 : memref<!tpu.dma_semaphore, #tpu.memory_space<semaphore_mem>>)
        } else {
        }
        %add3A_110 = arith.constant 1 : i32
        %add3A_111 = arith.addi %mul3A_98, %add3A_110 : i32
        %dma_wait3A_112 = arith.constant 0 : i32
        %dma_wait3A_113 = tpu.memref_slice %arg6[%add3A_111, %dma_wait3A_112] : memref<40x64xi32, #tpu.memory_space<vmem>> -> memref<1x64xi32, #tpu.memory_space<vmem>>
        %dma_wait3A_114 = tpu.memref_squeeze %dma_wait3A_113 : memref<1x64xi32, #tpu.memory_space<vmem>> -> memref<64xi32, #tpu.memory_space<vmem>>
        %dma_wait3A_115 = arith.constant 0 : i32
        %dma_wait3A_116 = arith.constant 0 : i32
        %dma_wait3A_117 = tpu.memref_slice %arg2[%dma_wait3A_115, %dma_wait3A_116] : memref<10000x128xf32, #tpu.memory_space<hbm>> -> memref<10000x128xf32, #tpu.memory_space<hbm>>
        tpu.wait_indirect_dma semaphore(%arg13 : memref<!tpu.dma_semaphore, #tpu.memory_space<semaphore_mem>>) src(%dma_wait3A_117 : memref<10000x128xf32, #tpu.memory_space<hbm>>) dst(%arg9 : memref<64x128xf32, #tpu.memory_space<vmem>>)
        "tpu.region"() ({
          %run_scoped3A = tpu.sem_alloc : memref<!tpu.dma_semaphore, #tpu.memory_space<semaphore_mem>>
          %dma_start3A_155 = arith.constant 0 : i32
          %dma_start3A_156 = tpu.memref_slice %arg7[%add3A_111, %dma_start3A_155] : memref<40x64xi32, #tpu.memory_space<vmem>> -> memref<1x64xi32, #tpu.memory_space<vmem>>
          %dma_start3A_157 = tpu.memref_squeeze %dma_start3A_156 : memref<1x64xi32, #tpu.memory_space<vmem>> -> memref<64xi32, #tpu.memory_space<vmem>>
          %dma_start3A_158 = arith.constant 0 : i32
          %dma_start3A_159 = arith.constant 0 : i32
          %dma_start3A_160 = tpu.memref_slice %arg16[%dma_start3A_158, %dma_start3A_159] : memref<10240x128xf32, #tpu.memory_space<vmem_shared>> -> memref<10240x128xf32, #tpu.memory_space<vmem_shared>>
          tpu.enqueue_indirect_dma source(%arg9 : memref<64x128xf32, #tpu.memory_space<vmem>>) target(%dma_start3A_160 : memref<10240x128xf32, #tpu.memory_space<vmem_shared>>) offsets(%dma_start3A_157 : memref<64xi32, #tpu.memory_space<vmem>>) semaphore(%run_scoped3A : memref<!tpu.dma_semaphore, #tpu.memory_space<semaphore_mem>>) {add = true}
          %dma_wait3A_161 = arith.constant 0 : i32
          %dma_wait3A_162 = tpu.memref_slice %arg7[%add3A_111, %dma_wait3A_161] : memref<40x64xi32, #tpu.memory_space<vmem>> -> memref<1x64xi32, #tpu.memory_space<vmem>>
          %dma_wait3A_163 = tpu.memref_squeeze %dma_wait3A_162 : memref<1x64xi32, #tpu.memory_space<vmem>> -> memref<64xi32, #tpu.memory_space<vmem>>
          %dma_wait3A_164 = arith.constant 0 : i32
          %dma_wait3A_165 = arith.constant 0 : i32
          %dma_wait3A_166 = tpu.memref_slice %arg16[%dma_wait3A_164, %dma_wait3A_165] : memref<10240x128xf32, #tpu.memory_space<vmem_shared>> -> memref<10240x128xf32, #tpu.memory_space<vmem_shared>>
          tpu.wait_indirect_dma semaphore(%run_scoped3A : memref<!tpu.dma_semaphore, #tpu.memory_space<semaphore_mem>>) src(%arg9 : memref<64x128xf32, #tpu.memory_space<vmem>>) dst(%dma_wait3A_166 : memref<10240x128xf32, #tpu.memory_space<vmem_shared>>)
          tpu.yield
        }) : () -> ()
        %add3A_118 = arith.constant 4 : i32
        %add3A_119 = arith.addi %add3A_111, %add3A_118 : i32
        %lt3A_120 = arith.constant 40 : i32
        %lt3A_121 = arith.cmpi slt, %add3A_119, %lt3A_120 : i32
        %convert_element_type3A_122 = arith.extui %lt3A_121 : i1 to i32
        %cond3A_123 = arith.constant 0 : i32
        %cond3A_124 = arith.cmpi ne, %convert_element_type3A_122, %cond3A_123 : i32
        scf.if %cond3A_124 {
          %add3A_155 = arith.constant 4 : i32
          %add3A_156 = arith.addi %add3A_111, %add3A_155 : i32
          %dma_start3A_157 = arith.constant 0 : i32
          %dma_start3A_158 = tpu.memref_slice %arg6[%add3A_156, %dma_start3A_157] : memref<40x64xi32, #tpu.memory_space<vmem>> -> memref<1x64xi32, #tpu.memory_space<vmem>>
          %dma_start3A_159 = tpu.memref_squeeze %dma_start3A_158 : memref<1x64xi32, #tpu.memory_space<vmem>> -> memref<64xi32, #tpu.memory_space<vmem>>
          %dma_start3A_160 = arith.constant 0 : i32
          %dma_start3A_161 = arith.constant 0 : i32
          %dma_start3A_162 = tpu.memref_slice %arg2[%dma_start3A_160, %dma_start3A_161] : memref<10000x128xf32, #tpu.memory_space<hbm>> -> memref<10000x128xf32, #tpu.memory_space<hbm>>
          tpu.enqueue_indirect_dma source(%dma_start3A_162 : memref<10000x128xf32, #tpu.memory_space<hbm>>) target(%arg9 : memref<64x128xf32, #tpu.memory_space<vmem>>) offsets(%dma_start3A_159 : memref<64xi32, #tpu.memory_space<vmem>>) semaphore(%arg13 : memref<!tpu.dma_semaphore, #tpu.memory_space<semaphore_mem>>)
        } else {
        }
        %add3A_125 = arith.constant 2 : i32
        %add3A_126 = arith.addi %mul3A_98, %add3A_125 : i32
        %dma_wait3A_127 = arith.constant 0 : i32
        %dma_wait3A_128 = tpu.memref_slice %arg6[%add3A_126, %dma_wait3A_127] : memref<40x64xi32, #tpu.memory_space<vmem>> -> memref<1x64xi32, #tpu.memory_space<vmem>>
        %dma_wait3A_129 = tpu.memref_squeeze %dma_wait3A_128 : memref<1x64xi32, #tpu.memory_space<vmem>> -> memref<64xi32, #tpu.memory_space<vmem>>
        %dma_wait3A_130 = arith.constant 0 : i32
        %dma_wait3A_131 = arith.constant 0 : i32
        %dma_wait3A_132 = tpu.memref_slice %arg2[%dma_wait3A_130, %dma_wait3A_131] : memref<10000x128xf32, #tpu.memory_space<hbm>> -> memref<10000x128xf32, #tpu.memory_space<hbm>>
        tpu.wait_indirect_dma semaphore(%arg14 : memref<!tpu.dma_semaphore, #tpu.memory_space<semaphore_mem>>) src(%dma_wait3A_132 : memref<10000x128xf32, #tpu.memory_space<hbm>>) dst(%arg10 : memref<64x128xf32, #tpu.memory_space<vmem>>)
        "tpu.region"() ({
          %run_scoped3A = tpu.sem_alloc : memref<!tpu.dma_semaphore, #tpu.memory_space<semaphore_mem>>
          %dma_start3A_155 = arith.constant 0 : i32
          %dma_start3A_156 = tpu.memref_slice %arg7[%add3A_126, %dma_start3A_155] : memref<40x64xi32, #tpu.memory_space<vmem>> -> memref<1x64xi32, #tpu.memory_space<vmem>>
          %dma_start3A_157 = tpu.memref_squeeze %dma_start3A_156 : memref<1x64xi32, #tpu.memory_space<vmem>> -> memref<64xi32, #tpu.memory_space<vmem>>
          %dma_start3A_158 = arith.constant 0 : i32
          %dma_start3A_159 = arith.constant 0 : i32
          %dma_start3A_160 = tpu.memref_slice %arg16[%dma_start3A_158, %dma_start3A_159] : memref<10240x128xf32, #tpu.memory_space<vmem_shared>> -> memref<10240x128xf32, #tpu.memory_space<vmem_shared>>
          tpu.enqueue_indirect_dma source(%arg10 : memref<64x128xf32, #tpu.memory_space<vmem>>) target(%dma_start3A_160 : memref<10240x128xf32, #tpu.memory_space<vmem_shared>>) offsets(%dma_start3A_157 : memref<64xi32, #tpu.memory_space<vmem>>) semaphore(%run_scoped3A : memref<!tpu.dma_semaphore, #tpu.memory_space<semaphore_mem>>) {add = true}
          %dma_wait3A_161 = arith.constant 0 : i32
          %dma_wait3A_162 = tpu.memref_slice %arg7[%add3A_126, %dma_wait3A_161] : memref<40x64xi32, #tpu.memory_space<vmem>> -> memref<1x64xi32, #tpu.memory_space<vmem>>
          %dma_wait3A_163 = tpu.memref_squeeze %dma_wait3A_162 : memref<1x64xi32, #tpu.memory_space<vmem>> -> memref<64xi32, #tpu.memory_space<vmem>>
          %dma_wait3A_164 = arith.constant 0 : i32
          %dma_wait3A_165 = arith.constant 0 : i32
          %dma_wait3A_166 = tpu.memref_slice %arg16[%dma_wait3A_164, %dma_wait3A_165] : memref<10240x128xf32, #tpu.memory_space<vmem_shared>> -> memref<10240x128xf32, #tpu.memory_space<vmem_shared>>
          tpu.wait_indirect_dma semaphore(%run_scoped3A : memref<!tpu.dma_semaphore, #tpu.memory_space<semaphore_mem>>) src(%arg10 : memref<64x128xf32, #tpu.memory_space<vmem>>) dst(%dma_wait3A_166 : memref<10240x128xf32, #tpu.memory_space<vmem_shared>>)
          tpu.yield
        }) : () -> ()
        %add3A_133 = arith.constant 4 : i32
        %add3A_134 = arith.addi %add3A_126, %add3A_133 : i32
        %lt3A_135 = arith.constant 40 : i32
        %lt3A_136 = arith.cmpi slt, %add3A_134, %lt3A_135 : i32
        %convert_element_type3A_137 = arith.extui %lt3A_136 : i1 to i32
        %cond3A_138 = arith.constant 0 : i32
        %cond3A_139 = arith.cmpi ne, %convert_element_type3A_137, %cond3A_138 : i32
        scf.if %cond3A_139 {
          %add3A_155 = arith.constant 4 : i32
          %add3A_156 = arith.addi %add3A_126, %add3A_155 : i32
          %dma_start3A_157 = arith.constant 0 : i32
          %dma_start3A_158 = tpu.memref_slice %arg6[%add3A_156, %dma_start3A_157] : memref<40x64xi32, #tpu.memory_space<vmem>> -> memref<1x64xi32, #tpu.memory_space<vmem>>
          %dma_start3A_159 = tpu.memref_squeeze %dma_start3A_158 : memref<1x64xi32, #tpu.memory_space<vmem>> -> memref<64xi32, #tpu.memory_space<vmem>>
          %dma_start3A_160 = arith.constant 0 : i32
          %dma_start3A_161 = arith.constant 0 : i32
          %dma_start3A_162 = tpu.memref_slice %arg2[%dma_start3A_160, %dma_start3A_161] : memref<10000x128xf32, #tpu.memory_space<hbm>> -> memref<10000x128xf32, #tpu.memory_space<hbm>>
          tpu.enqueue_indirect_dma source(%dma_start3A_162 : memref<10000x128xf32, #tpu.memory_space<hbm>>) target(%arg10 : memref<64x128xf32, #tpu.memory_space<vmem>>) offsets(%dma_start3A_159 : memref<64xi32, #tpu.memory_space<vmem>>) semaphore(%arg14 : memref<!tpu.dma_semaphore, #tpu.memory_space<semaphore_mem>>)
        } else {
        }
        %add3A_140 = arith.constant 3 : i32
        %add3A_141 = arith.addi %mul3A_98, %add3A_140 : i32
        %dma_wait3A_142 = arith.constant 0 : i32
        %dma_wait3A_143 = tpu.memref_slice %arg6[%add3A_141, %dma_wait3A_142] : memref<40x64xi32, #tpu.memory_space<vmem>> -> memref<1x64xi32, #tpu.memory_space<vmem>>
        %dma_wait3A_144 = tpu.memref_squeeze %dma_wait3A_143 : memref<1x64xi32, #tpu.memory_space<vmem>> -> memref<64xi32, #tpu.memory_space<vmem>>
        %dma_wait3A_145 = arith.constant 0 : i32
        %dma_wait3A_146 = arith.constant 0 : i32
        %dma_wait3A_147 = tpu.memref_slice %arg2[%dma_wait3A_145, %dma_wait3A_146] : memref<10000x128xf32, #tpu.memory_space<hbm>> -> memref<10000x128xf32, #tpu.memory_space<hbm>>
        tpu.wait_indirect_dma semaphore(%arg15 : memref<!tpu.dma_semaphore, #tpu.memory_space<semaphore_mem>>) src(%dma_wait3A_147 : memref<10000x128xf32, #tpu.memory_space<hbm>>) dst(%arg11 : memref<64x128xf32, #tpu.memory_space<vmem>>)
        "tpu.region"() ({
          %run_scoped3A = tpu.sem_alloc : memref<!tpu.dma_semaphore, #tpu.memory_space<semaphore_mem>>
          %dma_start3A_155 = arith.constant 0 : i32
          %dma_start3A_156 = tpu.memref_slice %arg7[%add3A_141, %dma_start3A_155] : memref<40x64xi32, #tpu.memory_space<vmem>> -> memref<1x64xi32, #tpu.memory_space<vmem>>
          %dma_start3A_157 = tpu.memref_squeeze %dma_start3A_156 : memref<1x64xi32, #tpu.memory_space<vmem>> -> memref<64xi32, #tpu.memory_space<vmem>>
          %dma_start3A_158 = arith.constant 0 : i32
          %dma_start3A_159 = arith.constant 0 : i32
          %dma_start3A_160 = tpu.memref_slice %arg16[%dma_start3A_158, %dma_start3A_159] : memref<10240x128xf32, #tpu.memory_space<vmem_shared>> -> memref<10240x128xf32, #tpu.memory_space<vmem_shared>>
          tpu.enqueue_indirect_dma source(%arg11 : memref<64x128xf32, #tpu.memory_space<vmem>>) target(%dma_start3A_160 : memref<10240x128xf32, #tpu.memory_space<vmem_shared>>) offsets(%dma_start3A_157 : memref<64xi32, #tpu.memory_space<vmem>>) semaphore(%run_scoped3A : memref<!tpu.dma_semaphore, #tpu.memory_space<semaphore_mem>>) {add = true}
          %dma_wait3A_161 = arith.constant 0 : i32
          %dma_wait3A_162 = tpu.memref_slice %arg7[%add3A_141, %dma_wait3A_161] : memref<40x64xi32, #tpu.memory_space<vmem>> -> memref<1x64xi32, #tpu.memory_space<vmem>>
          %dma_wait3A_163 = tpu.memref_squeeze %dma_wait3A_162 : memref<1x64xi32, #tpu.memory_space<vmem>> -> memref<64xi32, #tpu.memory_space<vmem>>
          %dma_wait3A_164 = arith.constant 0 : i32
          %dma_wait3A_165 = arith.constant 0 : i32
          %dma_wait3A_166 = tpu.memref_slice %arg16[%dma_wait3A_164, %dma_wait3A_165] : memref<10240x128xf32, #tpu.memory_space<vmem_shared>> -> memref<10240x128xf32, #tpu.memory_space<vmem_shared>>
          tpu.wait_indirect_dma semaphore(%run_scoped3A : memref<!tpu.dma_semaphore, #tpu.memory_space<semaphore_mem>>) src(%arg11 : memref<64x128xf32, #tpu.memory_space<vmem>>) dst(%dma_wait3A_166 : memref<10240x128xf32, #tpu.memory_space<vmem_shared>>)
          tpu.yield
        }) : () -> ()
        %add3A_148 = arith.constant 4 : i32
        %add3A_149 = arith.addi %add3A_141, %add3A_148 : i32
        %lt3A_150 = arith.constant 40 : i32
        %lt3A_151 = arith.cmpi slt, %add3A_149, %lt3A_150 : i32
        %convert_element_type3A_152 = arith.extui %lt3A_151 : i1 to i32
        %cond3A_153 = arith.constant 0 : i32
        %cond3A_154 = arith.cmpi ne, %convert_element_type3A_152, %cond3A_153 : i32
        scf.if %cond3A_154 {
          %add3A_155 = arith.constant 4 : i32
          %add3A_156 = arith.addi %add3A_141, %add3A_155 : i32
          %dma_start3A_157 = arith.constant 0 : i32
          %dma_start3A_158 = tpu.memref_slice %arg6[%add3A_156, %dma_start3A_157] : memref<40x64xi32, #tpu.memory_space<vmem>> -> memref<1x64xi32, #tpu.memory_space<vmem>>
          %dma_start3A_159 = tpu.memref_squeeze %dma_start3A_158 : memref<1x64xi32, #tpu.memory_space<vmem>> -> memref<64xi32, #tpu.memory_space<vmem>>
          %dma_start3A_160 = arith.constant 0 : i32
          %dma_start3A_161 = arith.constant 0 : i32
          %dma_start3A_162 = tpu.memref_slice %arg2[%dma_start3A_160, %dma_start3A_161] : memref<10000x128xf32, #tpu.memory_space<hbm>> -> memref<10000x128xf32, #tpu.memory_space<hbm>>
          tpu.enqueue_indirect_dma source(%dma_start3A_162 : memref<10000x128xf32, #tpu.memory_space<hbm>>) target(%arg11 : memref<64x128xf32, #tpu.memory_space<vmem>>) offsets(%dma_start3A_159 : memref<64xi32, #tpu.memory_space<vmem>>) semaphore(%arg15 : memref<!tpu.dma_semaphore, #tpu.memory_space<semaphore_mem>>)
        } else {
        }
      }
      %scan3A_95 = arith.constant 10 : i32
    }
    %scan3A_52 = arith.constant 4 : i32
    %barrier3A_53 = arith.constant 0 : index
    tpu.barrier barrier_id(%barrier3A_53)
    %mul3A_54 = arith.constant 640 : i32
    %mul3A_55 = arith.muli %arg1, %mul3A_54 : i32
    %mul3A_56 = arith.constant 640 : i32
    %mul3A_57 = arith.muli %arg1, %mul3A_56 : i32
    "tpu.region"() ({
      %run_scoped3A = tpu.sem_alloc : memref<!tpu.dma_semaphore, #tpu.memory_space<semaphore_mem>>
      %dma_start3A = arith.constant 0 : i32
      %dma_start3A_58 = tpu.memref_slice %arg5[%arg0, %mul3A_57, %dma_start3A] : memref<2x10240x128xf32, #tpu.memory_space<hbm>> -> memref<1x640x128xf32, #tpu.memory_space<hbm>>
      %dma_start3A_59 = tpu.memref_squeeze %dma_start3A_58 : memref<1x640x128xf32, #tpu.memory_space<hbm>> -> memref<640x128xf32, #tpu.memory_space<hbm>>
      %dma_start3A_60 = arith.constant 0 : i32
      %dma_start3A_61 = tpu.memref_slice %arg16[%mul3A_55, %dma_start3A_60] : memref<10240x128xf32, #tpu.memory_space<vmem_shared>> -> memref<640x128xf32, #tpu.memory_space<vmem_shared>>
      tpu.enqueue_dma source(%dma_start3A_61 : memref<640x128xf32, #tpu.memory_space<vmem_shared>>) target(%dma_start3A_59 : memref<640x128xf32, #tpu.memory_space<hbm>>) target_semaphore(%run_scoped3A : memref<!tpu.dma_semaphore, #tpu.memory_space<semaphore_mem>>)
      %dma_wait3A = arith.constant 0 : i32
      %dma_wait3A_62 = tpu.memref_slice %arg5[%arg0, %mul3A_57, %dma_wait3A] : memref<2x10240x128xf32, #tpu.memory_space<hbm>> -> memref<1x640x128xf32, #tpu.memory_space<hbm>>
      %dma_wait3A_63 = tpu.memref_squeeze %dma_wait3A_62 : memref<1x640x128xf32, #tpu.memory_space<hbm>> -> memref<640x128xf32, #tpu.memory_space<hbm>>
      %dma_wait3A_64 = arith.constant 0 : i32
      %dma_wait3A_65 = tpu.memref_slice %arg16[%mul3A_55, %dma_wait3A_64] : memref<10240x128xf32, #tpu.memory_space<vmem_shared>> -> memref<640x128xf32, #tpu.memory_space<vmem_shared>>
      tpu.wait_dma2 semaphore(%run_scoped3A : memref<!tpu.dma_semaphore, #tpu.memory_space<semaphore_mem>>) src(%dma_wait3A_65 : memref<640x128xf32, #tpu.memory_space<vmem_shared>>) dst(%dma_wait3A_63 : memref<640x128xf32, #tpu.memory_space<hbm>>)
      tpu.yield
    }) : () -> ()
    return
  }
}

module attributes {stable_mosaic.version = 14 : i64} {
  func.func @_tc_mm_body(%arg0: i32, %arg1: memref<1000x128xf32, #tpu.memory_space<vmem>>, %arg2: memref<128x128xf32, #tpu.memory_space<vmem>>, %arg3: memref<1x128xf32, #tpu.memory_space<vmem>>, %arg4: memref<128x128xf32, #tpu.memory_space<vmem>>, %arg5: memref<1000x128xf32, #tpu.memory_space<vmem>>, %arg6: memref<1000x128xf32, #tpu.memory_space<vmem>>) attributes {dimension_semantics = [#tpu.dimension_semantics<arbitrary>], iteration_bounds = array<i64: 10>, scalar_prefetch = 0 : i64, scratch_operands = 0 : i64, tpu.core_type = #tpu.core_type<tc>, window_params = [{transform_indices = @transform_0, window_bounds = array<i64: 1000, 128>}, {pipeline_mode = #tpu.pipeline_mode<synchronous>, transform_indices = @transform_1, window_bounds = array<i64: 128, 128>}, {pipeline_mode = #tpu.pipeline_mode<synchronous>, transform_indices = @transform_2, window_bounds = array<i64: 1, 128>}, {pipeline_mode = #tpu.pipeline_mode<synchronous>, transform_indices = @transform_3, window_bounds = array<i64: 128, 128>}, {transform_indices = @transform_4, window_bounds = array<i64: 1000, 128>}, {transform_indices = @transform_5, window_bounds = array<i64: 1000, 128>}]} {
    %get3A = arith.constant 0 : index
    %get3A_0 = arith.constant 0 : index
    %get3A_1 = vector.load %arg1[%get3A, %get3A_0] : memref<1000x128xf32, #tpu.memory_space<vmem>>, vector<1000x128xf32>
    %get3A_2 = arith.constant 0 : index
    %get3A_3 = arith.constant 0 : index
    %get3A_4 = vector.load %arg2[%get3A_2, %get3A_3] : memref<128x128xf32, #tpu.memory_space<vmem>>, vector<128x128xf32>
    %dot_general3A = arith.constant dense<0.000000e+00> : vector<1000x128xf32>
    %dot_general3A_5 = tpu.matmul %get3A_1, %get3A_4, %dot_general3A {dimension_numbers = #tpu.dot_dimension_numbers<[1], [0], [0], [1], [0, 0, 1, 1], [], []>, transpose_lhs_hint = false} : vector<1000x128xf32>, vector<128x128xf32>, vector<1000x128xf32> -> vector<1000x128xf32>
    %get3A_6 = arith.constant 0 : index
    %get3A_7 = arith.constant 0 : index
    %get3A_8 = vector.load %arg3[%get3A_6, %get3A_7] : memref<1x128xf32, #tpu.memory_space<vmem>>, vector<1x128xf32>
    %add3A = vector.broadcast %get3A_8 : vector<1x128xf32> to vector<1000x128xf32>
    %add3A_9 = arith.addf %dot_general3A_5, %add3A : vector<1000x128xf32>
    %max3A = arith.constant 0.000000e+00 : f32
    %max3A_10 = vector.broadcast %max3A : f32 to vector<1000x128xf32>
    %max3A_11 = arith.maximumf %add3A_9, %max3A_10 : vector<1000x128xf32>
    %swap3A = arith.constant 0 : index
    %swap3A_12 = arith.constant 0 : index
    %swap3A_13 = vector.load %arg5[%swap3A, %swap3A_12] : memref<1000x128xf32, #tpu.memory_space<vmem>>, vector<1000x128xf32>
    tpu.vector_store %arg5[%swap3A, %swap3A_12], %max3A_11 {strides = array<i32>} : memref<1000x128xf32, #tpu.memory_space<vmem>>, vector<1000x128xf32>,
    %get3A_14 = arith.constant 0 : index
    %get3A_15 = arith.constant 0 : index
    %get3A_16 = vector.load %arg4[%get3A_14, %get3A_15] : memref<128x128xf32, #tpu.memory_space<vmem>>, vector<128x128xf32>
    %dot_general3A_17 = arith.constant dense<0.000000e+00> : vector<1000x128xf32>
    %dot_general3A_18 = tpu.matmul %get3A_1, %get3A_16, %dot_general3A_17 {dimension_numbers = #tpu.dot_dimension_numbers<[1], [0], [0], [1], [0, 0, 1, 1], [], []>, transpose_lhs_hint = false} : vector<1000x128xf32>, vector<128x128xf32>, vector<1000x128xf32> -> vector<1000x128xf32>
    %swap3A_19 = arith.constant 0 : index
    %swap3A_20 = arith.constant 0 : index
    %swap3A_21 = vector.load %arg6[%swap3A_19, %swap3A_20] : memref<1000x128xf32, #tpu.memory_space<vmem>>, vector<1000x128xf32>
    tpu.vector_store %arg6[%swap3A_19, %swap3A_20], %dot_general3A_18 {strides = array<i32>} : memref<1000x128xf32, #tpu.memory_space<vmem>>, vector<1000x128xf32>,
    return
  }
  func.func @transform_0(%arg0: i32) -> (i32, i32) {
    %c0_i32 = arith.constant 0 : i32
    %c0_i32_0 = arith.constant 0 : i32
    return %arg0, %c0_i32 : i32, i32
  }
  func.func @transform_1(%arg0: i32) -> (i32, i32) {
    %c0_i32 = arith.constant 0 : i32
    %c0_i32_0 = arith.constant 0 : i32
    %c0_i32_1 = arith.constant 0 : i32
    return %c0_i32, %c0_i32_0 : i32, i32
  }
  func.func @transform_2(%arg0: i32) -> (i32, i32) {
    %c0_i32 = arith.constant 0 : i32
    %c0_i32_0 = arith.constant 0 : i32
    %c0_i32_1 = arith.constant 0 : i32
    return %c0_i32, %c0_i32_0 : i32, i32
  }
  func.func @transform_3(%arg0: i32) -> (i32, i32) {
    %c0_i32 = arith.constant 0 : i32
    %c0_i32_0 = arith.constant 0 : i32
    %c0_i32_1 = arith.constant 0 : i32
    return %c0_i32, %c0_i32_0 : i32, i32
  }
  func.func @transform_4(%arg0: i32) -> (i32, i32) {
    %c0_i32 = arith.constant 0 : i32
    %c0_i32_0 = arith.constant 0 : i32
    return %arg0, %c0_i32 : i32, i32
  }
  func.func @transform_5(%arg0: i32) -> (i32, i32) {
    %c0_i32 = arith.constant 0 : i32
    %c0_i32_0 = arith.constant 0 : i32
    return %arg0, %c0_i32 : i32, i32
  }
}

module attributes {stable_mosaic.version = 14 : i64} {
  func.func @_tc_scale_body(%arg0: i32, %arg1: memref<1000x128xf32, #tpu.memory_space<vmem>>, %arg2: memref<2x1000x128xf32, #tpu.memory_space<vmem>>, %arg3: memref<1000x128xf32, #tpu.memory_space<vmem>>) attributes {dimension_semantics = [#tpu.dimension_semantics<arbitrary>], iteration_bounds = array<i64: 10>, scalar_prefetch = 0 : i64, scratch_operands = 0 : i64, tpu.core_type = #tpu.core_type<tc>, window_params = [{transform_indices = @transform_0, window_bounds = array<i64: 1000, 128>}, {transform_indices = @transform_1, window_bounds = array<i64: 2, 1000, 128>}, {transform_indices = @transform_2, window_bounds = array<i64: 1000, 128>}]} {
    %get3A = arith.constant 0 : index
    %get3A_0 = arith.constant 0 : index
    %get3A_1 = arith.constant 0 : index
    %get3A_2 = vector.load %arg2[%get3A, %get3A_0, %get3A_1] : memref<2x1000x128xf32, #tpu.memory_space<vmem>>, vector<1x1000x1xf32>
    %get3A_3 = vector.shape_cast %get3A_2 : vector<1x1000x1xf32> to vector<1000x1xf32>
    %get3A_4 = arith.constant 1 : index
    %get3A_5 = arith.constant 0 : index
    %get3A_6 = arith.constant 0 : index
    %get3A_7 = vector.load %arg2[%get3A_4, %get3A_5, %get3A_6] : memref<2x1000x128xf32, #tpu.memory_space<vmem>>, vector<1x1000x1xf32>
    %get3A_8 = vector.shape_cast %get3A_7 : vector<1x1000x1xf32> to vector<1000x1xf32>
    %add3A = arith.addf %get3A_3, %get3A_8 : vector<1000x1xf32>
    %add3A_9 = arith.constant 1.000000e+00 : f32
    %add3A_10 = vector.broadcast %add3A_9 : f32 to vector<1000x1xf32>
    %add3A_11 = arith.addf %add3A, %add3A_10 : vector<1000x1xf32>
    %max3A = arith.constant 1.000000e+00 : f32
    %max3A_12 = vector.broadcast %max3A : f32 to vector<1000x1xf32>
    %max3A_13 = arith.maximumf %add3A_11, %max3A_12 : vector<1000x1xf32>
    %rsqrt3A = math.rsqrt %max3A_13 : vector<1000x1xf32>
    %get3A_14 = arith.constant 0 : index
    %get3A_15 = arith.constant 0 : index
    %get3A_16 = vector.load %arg1[%get3A_14, %get3A_15] : memref<1000x128xf32, #tpu.memory_space<vmem>>, vector<1000x128xf32>
    %mul3A = vector.broadcast %rsqrt3A : vector<1000x1xf32> to vector<1000x128xf32>
    %mul3A_17 = arith.mulf %mul3A, %get3A_16 : vector<1000x128xf32>
    %swap3A = arith.constant 0 : index
    %swap3A_18 = arith.constant 0 : index
    %swap3A_19 = vector.load %arg3[%swap3A, %swap3A_18] : memref<1000x128xf32, #tpu.memory_space<vmem>>, vector<1000x128xf32>
    tpu.vector_store %arg3[%swap3A, %swap3A_18], %mul3A_17 {strides = array<i32>} : memref<1000x128xf32, #tpu.memory_space<vmem>>, vector<1000x128xf32>,
    return
  }
  func.func @transform_0(%arg0: i32) -> (i32, i32) {
    %c0_i32 = arith.constant 0 : i32
    %c0_i32_0 = arith.constant 0 : i32
    return %arg0, %c0_i32 : i32, i32
  }
  func.func @transform_1(%arg0: i32) -> (i32, i32, i32) {
    %c0_i32 = arith.constant 0 : i32
    %c0_i32_0 = arith.constant 0 : i32
    %c0_i32_1 = arith.constant 0 : i32
    return %c0_i32, %arg0, %c0_i32_0 : i32, i32, i32
  }
  func.func @transform_2(%arg0: i32) -> (i32, i32) {
    %c0_i32 = arith.constant 0 : i32
    %c0_i32_0 = arith.constant 0 : i32
    return %arg0, %c0_i32 : i32, i32
  }
}

module attributes {stable_mosaic.version = 14 : i64} {
  func.func @_tc_fuse1_body(%arg0: i32, %arg1: memref<2x1000x128xf32, #tpu.memory_space<vmem>>, %arg2: memref<1000x128xf32, #tpu.memory_space<vmem>>, %arg3: memref<2x1000x128xf32, #tpu.memory_space<vmem>>, %arg4: memref<1x128xf32, #tpu.memory_space<vmem>>, %arg5: memref<1000x128xf32, #tpu.memory_space<vmem>>, %arg6: memref<128x128xf32, #tpu.memory_space<vmem>>, %arg7: memref<1000x128xf32, #tpu.memory_space<vmem>>, %arg8: memref<1000x128xf32, #tpu.memory_space<vmem>>) attributes {dimension_semantics = [#tpu.dimension_semantics<arbitrary>], iteration_bounds = array<i64: 10>, scalar_prefetch = 0 : i64, scratch_operands = 0 : i64, tpu.core_type = #tpu.core_type<tc>, window_params = [{transform_indices = @transform_0, window_bounds = array<i64: 2, 1000, 128>}, {transform_indices = @transform_1, window_bounds = array<i64: 1000, 128>}, {transform_indices = @transform_2, window_bounds = array<i64: 2, 1000, 128>}, {pipeline_mode = #tpu.pipeline_mode<synchronous>, transform_indices = @transform_3, window_bounds = array<i64: 1, 128>}, {transform_indices = @transform_4, window_bounds = array<i64: 1000, 128>}, {pipeline_mode = #tpu.pipeline_mode<synchronous>, transform_indices = @transform_5, window_bounds = array<i64: 128, 128>}, {transform_indices = @transform_6, window_bounds = array<i64: 1000, 128>}, {transform_indices = @transform_7, window_bounds = array<i64: 1000, 128>}]} {
    %get3A = arith.constant 0 : index
    %get3A_0 = arith.constant 0 : index
    %get3A_1 = arith.constant 0 : index
    %get3A_2 = vector.load %arg3[%get3A, %get3A_0, %get3A_1] : memref<2x1000x128xf32, #tpu.memory_space<vmem>>, vector<1x1000x1xf32>
    %get3A_3 = vector.shape_cast %get3A_2 : vector<1x1000x1xf32> to vector<1000x1xf32>
    %get3A_4 = arith.constant 1 : index
    %get3A_5 = arith.constant 0 : index
    %get3A_6 = arith.constant 0 : index
    %get3A_7 = vector.load %arg3[%get3A_4, %get3A_5, %get3A_6] : memref<2x1000x128xf32, #tpu.memory_space<vmem>>, vector<1x1000x1xf32>
    %get3A_8 = vector.shape_cast %get3A_7 : vector<1x1000x1xf32> to vector<1000x1xf32>
    %add3A = arith.addf %get3A_3, %get3A_8 : vector<1000x1xf32>
    %add3A_9 = arith.constant 1.000000e+00 : f32
    %add3A_10 = vector.broadcast %add3A_9 : f32 to vector<1000x1xf32>
    %add3A_11 = arith.addf %add3A, %add3A_10 : vector<1000x1xf32>
    %max3A = arith.constant 1.000000e+00 : f32
    %max3A_12 = vector.broadcast %max3A : f32 to vector<1000x1xf32>
    %max3A_13 = arith.maximumf %add3A_11, %max3A_12 : vector<1000x1xf32>
    %rsqrt3A = math.rsqrt %max3A_13 : vector<1000x1xf32>
    %get3A_14 = arith.constant 0 : index
    %get3A_15 = arith.constant 0 : index
    %get3A_16 = arith.constant 0 : index
    %get3A_17 = vector.load %arg1[%get3A_14, %get3A_15, %get3A_16] : memref<2x1000x128xf32, #tpu.memory_space<vmem>>, vector<1x1000x128xf32>
    %get3A_18 = vector.shape_cast %get3A_17 : vector<1x1000x128xf32> to vector<1000x128xf32>
    %get3A_19 = arith.constant 1 : index
    %get3A_20 = arith.constant 0 : index
    %get3A_21 = arith.constant 0 : index
    %get3A_22 = vector.load %arg1[%get3A_19, %get3A_20, %get3A_21] : memref<2x1000x128xf32, #tpu.memory_space<vmem>>, vector<1x1000x128xf32>
    %get3A_23 = vector.shape_cast %get3A_22 : vector<1x1000x128xf32> to vector<1000x128xf32>
    %add3A_24 = arith.addf %get3A_18, %get3A_23 : vector<1000x128xf32>
    %get3A_25 = arith.constant 0 : index
    %get3A_26 = arith.constant 0 : index
    %get3A_27 = vector.load %arg2[%get3A_25, %get3A_26] : memref<1000x128xf32, #tpu.memory_space<vmem>>, vector<1000x128xf32>
    %add3A_28 = arith.addf %add3A_24, %get3A_27 : vector<1000x128xf32>
    %mul3A = vector.broadcast %rsqrt3A : vector<1000x1xf32> to vector<1000x128xf32>
    %mul3A_29 = arith.mulf %mul3A, %add3A_28 : vector<1000x128xf32>
    %get3A_30 = arith.constant 0 : index
    %get3A_31 = arith.constant 0 : index
    %get3A_32 = vector.load %arg4[%get3A_30, %get3A_31] : memref<1x128xf32, #tpu.memory_space<vmem>>, vector<1x128xf32>
    %add3A_33 = vector.broadcast %get3A_32 : vector<1x128xf32> to vector<1000x128xf32>
    %add3A_34 = arith.addf %mul3A_29, %add3A_33 : vector<1000x128xf32>
    %max3A_35 = arith.constant 0.000000e+00 : f32
    %max3A_36 = vector.broadcast %max3A_35 : f32 to vector<1000x128xf32>
    %max3A_37 = arith.maximumf %add3A_34, %max3A_36 : vector<1000x128xf32>
    %swap3A = arith.constant 0 : index
    %swap3A_38 = arith.constant 0 : index
    %swap3A_39 = vector.load %arg7[%swap3A, %swap3A_38] : memref<1000x128xf32, #tpu.memory_space<vmem>>, vector<1000x128xf32>
    tpu.vector_store %arg7[%swap3A, %swap3A_38], %max3A_37 {strides = array<i32>} : memref<1000x128xf32, #tpu.memory_space<vmem>>, vector<1000x128xf32>,
    %get3A_40 = arith.constant 0 : index
    %get3A_41 = arith.constant 0 : index
    %get3A_42 = vector.load %arg5[%get3A_40, %get3A_41] : memref<1000x128xf32, #tpu.memory_space<vmem>>, vector<1000x128xf32>
    %get3A_43 = arith.constant 0 : index
    %get3A_44 = arith.constant 0 : index
    %get3A_45 = vector.load %arg6[%get3A_43, %get3A_44] : memref<128x128xf32, #tpu.memory_space<vmem>>, vector<128x128xf32>
    %dot_general3A = arith.constant dense<0.000000e+00> : vector<1000x128xf32>
    %dot_general3A_46 = tpu.matmul %max3A_37, %get3A_45, %dot_general3A {dimension_numbers = #tpu.dot_dimension_numbers<[1], [0], [0], [1], [0, 0, 1, 1], [], []>, transpose_lhs_hint = false} : vector<1000x128xf32>, vector<128x128xf32>, vector<1000x128xf32> -> vector<1000x128xf32>
    %add3A_47 = arith.addf %get3A_42, %dot_general3A_46 : vector<1000x128xf32>
    %mul3A_48 = vector.broadcast %rsqrt3A : vector<1000x1xf32> to vector<1000x128xf32>
    %mul3A_49 = arith.mulf %mul3A_48, %add3A_47 : vector<1000x128xf32>
    %swap3A_50 = arith.constant 0 : index
    %swap3A_51 = arith.constant 0 : index
    %swap3A_52 = vector.load %arg8[%swap3A_50, %swap3A_51] : memref<1000x128xf32, #tpu.memory_space<vmem>>, vector<1000x128xf32>
    tpu.vector_store %arg8[%swap3A_50, %swap3A_51], %mul3A_49 {strides = array<i32>} : memref<1000x128xf32, #tpu.memory_space<vmem>>, vector<1000x128xf32>,
    return
  }
  func.func @transform_0(%arg0: i32) -> (i32, i32, i32) {
    %c0_i32 = arith.constant 0 : i32
    %c0_i32_0 = arith.constant 0 : i32
    %c0_i32_1 = arith.constant 0 : i32
    return %c0_i32, %arg0, %c0_i32_0 : i32, i32, i32
  }
  func.func @transform_1(%arg0: i32) -> (i32, i32) {
    %c0_i32 = arith.constant 0 : i32
    %c0_i32_0 = arith.constant 0 : i32
    return %arg0, %c0_i32 : i32, i32
  }
  func.func @transform_2(%arg0: i32) -> (i32, i32, i32) {
    %c0_i32 = arith.constant 0 : i32
    %c0_i32_0 = arith.constant 0 : i32
    %c0_i32_1 = arith.constant 0 : i32
    return %c0_i32, %arg0, %c0_i32_0 : i32, i32, i32
  }
  func.func @transform_3(%arg0: i32) -> (i32, i32) {
    %c0_i32 = arith.constant 0 : i32
    %c0_i32_0 = arith.constant 0 : i32
    %c0_i32_1 = arith.constant 0 : i32
    return %c0_i32, %c0_i32_0 : i32, i32
  }
  func.func @transform_4(%arg0: i32) -> (i32, i32) {
    %c0_i32 = arith.constant 0 : i32
    %c0_i32_0 = arith.constant 0 : i32
    return %arg0, %c0_i32 : i32, i32
  }
  func.func @transform_5(%arg0: i32) -> (i32, i32) {
    %c0_i32 = arith.constant 0 : i32
    %c0_i32_0 = arith.constant 0 : i32
    %c0_i32_1 = arith.constant 0 : i32
    return %c0_i32, %c0_i32_0 : i32, i32
  }
  func.func @transform_6(%arg0: i32) -> (i32, i32) {
    %c0_i32 = arith.constant 0 : i32
    %c0_i32_0 = arith.constant 0 : i32
    return %arg0, %c0_i32 : i32, i32
  }
  func.func @transform_7(%arg0: i32) -> (i32, i32) {
    %c0_i32 = arith.constant 0 : i32
    %c0_i32_0 = arith.constant 0 : i32
    return %arg0, %c0_i32 : i32, i32
  }
}

module attributes {stable_mosaic.version = 14 : i64} {
  func.func @_tc_parts_body(%arg0: i32, %arg1: memref<1000x128xf32, #tpu.memory_space<vmem>>, %arg2: memref<128x128xf32, #tpu.memory_space<vmem>>, %arg3: memref<128x128xf32, #tpu.memory_space<vmem>>, %arg4: memref<1000x128xf32, #tpu.memory_space<vmem>>, %arg5: memref<1000x128xf32, #tpu.memory_space<vmem>>) attributes {dimension_semantics = [#tpu.dimension_semantics<arbitrary>], iteration_bounds = array<i64: 10>, scalar_prefetch = 0 : i64, scratch_operands = 0 : i64, tpu.core_type = #tpu.core_type<tc>, window_params = [{transform_indices = @transform_0, window_bounds = array<i64: 1000, 128>}, {pipeline_mode = #tpu.pipeline_mode<synchronous>, transform_indices = @transform_1, window_bounds = array<i64: 128, 128>}, {pipeline_mode = #tpu.pipeline_mode<synchronous>, transform_indices = @transform_2, window_bounds = array<i64: 128, 128>}, {transform_indices = @transform_3, window_bounds = array<i64: 1000, 128>}, {transform_indices = @transform_4, window_bounds = array<i64: 1000, 128>}]} {
    %get3A = arith.constant 0 : index
    %get3A_0 = arith.constant 0 : index
    %get3A_1 = vector.load %arg1[%get3A, %get3A_0] : memref<1000x128xf32, #tpu.memory_space<vmem>>, vector<1000x128xf32>
    %get3A_2 = arith.constant 0 : index
    %get3A_3 = arith.constant 0 : index
    %get3A_4 = vector.load %arg2[%get3A_2, %get3A_3] : memref<128x128xf32, #tpu.memory_space<vmem>>, vector<128x128xf32>
    %dot_general3A = arith.constant dense<0.000000e+00> : vector<1000x128xf32>
    %dot_general3A_5 = tpu.matmul %get3A_1, %get3A_4, %dot_general3A {dimension_numbers = #tpu.dot_dimension_numbers<[1], [0], [0], [1], [0, 0, 1, 1], [], []>, transpose_lhs_hint = false} : vector<1000x128xf32>, vector<128x128xf32>, vector<1000x128xf32> -> vector<1000x128xf32>
    %swap3A = arith.constant 0 : index
    %swap3A_6 = arith.constant 0 : index
    %swap3A_7 = vector.load %arg4[%swap3A, %swap3A_6] : memref<1000x128xf32, #tpu.memory_space<vmem>>, vector<1000x128xf32>
    tpu.vector_store %arg4[%swap3A, %swap3A_6], %dot_general3A_5 {strides = array<i32>} : memref<1000x128xf32, #tpu.memory_space<vmem>>, vector<1000x128xf32>,
    %get3A_8 = arith.constant 0 : index
    %get3A_9 = arith.constant 0 : index
    %get3A_10 = vector.load %arg3[%get3A_8, %get3A_9] : memref<128x128xf32, #tpu.memory_space<vmem>>, vector<128x128xf32>
    %dot_general3A_11 = arith.constant dense<0.000000e+00> : vector<1000x128xf32>
    %dot_general3A_12 = tpu.matmul %get3A_1, %get3A_10, %dot_general3A_11 {dimension_numbers = #tpu.dot_dimension_numbers<[1], [0], [0], [1], [0, 0, 1, 1], [], []>, transpose_lhs_hint = false} : vector<1000x128xf32>, vector<128x128xf32>, vector<1000x128xf32> -> vector<1000x128xf32>
    %swap3A_13 = arith.constant 0 : index
    %swap3A_14 = arith.constant 0 : index
    %swap3A_15 = vector.load %arg5[%swap3A_13, %swap3A_14] : memref<1000x128xf32, #tpu.memory_space<vmem>>, vector<1000x128xf32>
    tpu.vector_store %arg5[%swap3A_13, %swap3A_14], %dot_general3A_12 {strides = array<i32>} : memref<1000x128xf32, #tpu.memory_space<vmem>>, vector<1000x128xf32>,
    return
  }
  func.func @transform_0(%arg0: i32) -> (i32, i32) {
    %c0_i32 = arith.constant 0 : i32
    %c0_i32_0 = arith.constant 0 : i32
    return %arg0, %c0_i32 : i32, i32
  }
  func.func @transform_1(%arg0: i32) -> (i32, i32) {
    %c0_i32 = arith.constant 0 : i32
    %c0_i32_0 = arith.constant 0 : i32
    %c0_i32_1 = arith.constant 0 : i32
    return %c0_i32, %c0_i32_0 : i32, i32
  }
  func.func @transform_2(%arg0: i32) -> (i32, i32) {
    %c0_i32 = arith.constant 0 : i32
    %c0_i32_0 = arith.constant 0 : i32
    %c0_i32_1 = arith.constant 0 : i32
    return %c0_i32, %c0_i32_0 : i32, i32
  }
  func.func @transform_3(%arg0: i32) -> (i32, i32) {
    %c0_i32 = arith.constant 0 : i32
    %c0_i32_0 = arith.constant 0 : i32
    return %arg0, %c0_i32 : i32, i32
  }
  func.func @transform_4(%arg0: i32) -> (i32, i32) {
    %c0_i32 = arith.constant 0 : i32
    %c0_i32_0 = arith.constant 0 : i32
    return %arg0, %c0_i32 : i32, i32
  }
}

module attributes {stable_mosaic.version = 14 : i64} {
  func.func @_tc_part3b_body(%arg0: i32, %arg1: memref<1000x128xf32, #tpu.memory_space<vmem>>, %arg2: memref<1000x128xf32, #tpu.memory_space<vmem>>, %arg3: memref<128x128xf32, #tpu.memory_space<vmem>>, %arg4: memref<1000x128xf32, #tpu.memory_space<vmem>>) attributes {dimension_semantics = [#tpu.dimension_semantics<arbitrary>], iteration_bounds = array<i64: 10>, scalar_prefetch = 0 : i64, scratch_operands = 0 : i64, tpu.core_type = #tpu.core_type<tc>, window_params = [{transform_indices = @transform_0, window_bounds = array<i64: 1000, 128>}, {transform_indices = @transform_1, window_bounds = array<i64: 1000, 128>}, {pipeline_mode = #tpu.pipeline_mode<synchronous>, transform_indices = @transform_2, window_bounds = array<i64: 128, 128>}, {transform_indices = @transform_3, window_bounds = array<i64: 1000, 128>}]} {
    %get3A = arith.constant 0 : index
    %get3A_0 = arith.constant 0 : index
    %get3A_1 = vector.load %arg1[%get3A, %get3A_0] : memref<1000x128xf32, #tpu.memory_space<vmem>>, vector<1000x128xf32>
    %get3A_2 = arith.constant 0 : index
    %get3A_3 = arith.constant 0 : index
    %get3A_4 = vector.load %arg2[%get3A_2, %get3A_3] : memref<1000x128xf32, #tpu.memory_space<vmem>>, vector<1000x128xf32>
    %get3A_5 = arith.constant 0 : index
    %get3A_6 = arith.constant 0 : index
    %get3A_7 = vector.load %arg3[%get3A_5, %get3A_6] : memref<128x128xf32, #tpu.memory_space<vmem>>, vector<128x128xf32>
    %dot_general3A = arith.constant dense<0.000000e+00> : vector<1000x128xf32>
    %dot_general3A_8 = tpu.matmul %get3A_4, %get3A_7, %dot_general3A {dimension_numbers = #tpu.dot_dimension_numbers<[1], [0], [0], [1], [0, 0, 1, 1], [], []>, transpose_lhs_hint = false} : vector<1000x128xf32>, vector<128x128xf32>, vector<1000x128xf32> -> vector<1000x128xf32>
    %add3A = arith.addf %get3A_1, %dot_general3A_8 : vector<1000x128xf32>
    %swap3A = arith.constant 0 : index
    %swap3A_9 = arith.constant 0 : index
    %swap3A_10 = vector.load %arg4[%swap3A, %swap3A_9] : memref<1000x128xf32, #tpu.memory_space<vmem>>, vector<1000x128xf32>
    tpu.vector_store %arg4[%swap3A, %swap3A_9], %add3A {strides = array<i32>} : memref<1000x128xf32, #tpu.memory_space<vmem>>, vector<1000x128xf32>,
    return
  }
  func.func @transform_0(%arg0: i32) -> (i32, i32) {
    %c0_i32 = arith.constant 0 : i32
    %c0_i32_0 = arith.constant 0 : i32
    return %arg0, %c0_i32 : i32, i32
  }
  func.func @transform_1(%arg0: i32) -> (i32, i32) {
    %c0_i32 = arith.constant 0 : i32
    %c0_i32_0 = arith.constant 0 : i32
    return %arg0, %c0_i32 : i32, i32
  }
  func.func @transform_2(%arg0: i32) -> (i32, i32) {
    %c0_i32 = arith.constant 0 : i32
    %c0_i32_0 = arith.constant 0 : i32
    %c0_i32_1 = arith.constant 0 : i32
    return %c0_i32, %c0_i32_0 : i32, i32
  }
  func.func @transform_3(%arg0: i32) -> (i32, i32) {
    %c0_i32 = arith.constant 0 : i32
    %c0_i32_0 = arith.constant 0 : i32
    return %arg0, %c0_i32 : i32, i32
  }
}

module attributes {stable_mosaic.version = 14 : i64} {
  func.func @_tc_fuse2_body(%arg0: i32, %arg1: memref<2x1000x128xf32, #tpu.memory_space<vmem>>, %arg2: memref<1000x128xf32, #tpu.memory_space<vmem>>, %arg3: memref<2x1000x128xf32, #tpu.memory_space<vmem>>, %arg4: memref<1x128xf32, #tpu.memory_space<vmem>>, %arg5: memref<1000x128xf32, #tpu.memory_space<vmem>>, %arg6: memref<128x128xf32, #tpu.memory_space<vmem>>, %arg7: memref<1000x128xf32, #tpu.memory_space<vmem>>, %arg8: memref<1000x128xf32, #tpu.memory_space<vmem>>) attributes {dimension_semantics = [#tpu.dimension_semantics<arbitrary>], iteration_bounds = array<i64: 10>, scalar_prefetch = 0 : i64, scratch_operands = 0 : i64, tpu.core_type = #tpu.core_type<tc>, window_params = [{transform_indices = @transform_0, window_bounds = array<i64: 2, 1000, 128>}, {transform_indices = @transform_1, window_bounds = array<i64: 1000, 128>}, {transform_indices = @transform_2, window_bounds = array<i64: 2, 1000, 128>}, {pipeline_mode = #tpu.pipeline_mode<synchronous>, transform_indices = @transform_3, window_bounds = array<i64: 1, 128>}, {transform_indices = @transform_4, window_bounds = array<i64: 1000, 128>}, {pipeline_mode = #tpu.pipeline_mode<synchronous>, transform_indices = @transform_5, window_bounds = array<i64: 128, 128>}, {transform_indices = @transform_6, window_bounds = array<i64: 1000, 128>}, {transform_indices = @transform_7, window_bounds = array<i64: 1000, 128>}]} {
    %get3A = arith.constant 0 : index
    %get3A_0 = arith.constant 0 : index
    %get3A_1 = arith.constant 0 : index
    %get3A_2 = vector.load %arg3[%get3A, %get3A_0, %get3A_1] : memref<2x1000x128xf32, #tpu.memory_space<vmem>>, vector<1x1000x1xf32>
    %get3A_3 = vector.shape_cast %get3A_2 : vector<1x1000x1xf32> to vector<1000x1xf32>
    %get3A_4 = arith.constant 1 : index
    %get3A_5 = arith.constant 0 : index
    %get3A_6 = arith.constant 0 : index
    %get3A_7 = vector.load %arg3[%get3A_4, %get3A_5, %get3A_6] : memref<2x1000x128xf32, #tpu.memory_space<vmem>>, vector<1x1000x1xf32>
    %get3A_8 = vector.shape_cast %get3A_7 : vector<1x1000x1xf32> to vector<1000x1xf32>
    %add3A = arith.addf %get3A_3, %get3A_8 : vector<1000x1xf32>
    %add3A_9 = arith.constant 1.000000e+00 : f32
    %add3A_10 = vector.broadcast %add3A_9 : f32 to vector<1000x1xf32>
    %add3A_11 = arith.addf %add3A, %add3A_10 : vector<1000x1xf32>
    %max3A = arith.constant 1.000000e+00 : f32
    %max3A_12 = vector.broadcast %max3A : f32 to vector<1000x1xf32>
    %max3A_13 = arith.maximumf %add3A_11, %max3A_12 : vector<1000x1xf32>
    %rsqrt3A = math.rsqrt %max3A_13 : vector<1000x1xf32>
    %get3A_14 = arith.constant 0 : index
    %get3A_15 = arith.constant 0 : index
    %get3A_16 = arith.constant 0 : index
    %get3A_17 = vector.load %arg1[%get3A_14, %get3A_15, %get3A_16] : memref<2x1000x128xf32, #tpu.memory_space<vmem>>, vector<1x1000x128xf32>
    %get3A_18 = vector.shape_cast %get3A_17 : vector<1x1000x128xf32> to vector<1000x128xf32>
    %get3A_19 = arith.constant 1 : index
    %get3A_20 = arith.constant 0 : index
    %get3A_21 = arith.constant 0 : index
    %get3A_22 = vector.load %arg1[%get3A_19, %get3A_20, %get3A_21] : memref<2x1000x128xf32, #tpu.memory_space<vmem>>, vector<1x1000x128xf32>
    %get3A_23 = vector.shape_cast %get3A_22 : vector<1x1000x128xf32> to vector<1000x128xf32>
    %add3A_24 = arith.addf %get3A_18, %get3A_23 : vector<1000x128xf32>
    %get3A_25 = arith.constant 0 : index
    %get3A_26 = arith.constant 0 : index
    %get3A_27 = vector.load %arg2[%get3A_25, %get3A_26] : memref<1000x128xf32, #tpu.memory_space<vmem>>, vector<1000x128xf32>
    %add3A_28 = arith.addf %add3A_24, %get3A_27 : vector<1000x128xf32>
    %mul3A = vector.broadcast %rsqrt3A : vector<1000x1xf32> to vector<1000x128xf32>
    %mul3A_29 = arith.mulf %mul3A, %add3A_28 : vector<1000x128xf32>
    %get3A_30 = arith.constant 0 : index
    %get3A_31 = arith.constant 0 : index
    %get3A_32 = vector.load %arg4[%get3A_30, %get3A_31] : memref<1x128xf32, #tpu.memory_space<vmem>>, vector<1x128xf32>
    %add3A_33 = vector.broadcast %get3A_32 : vector<1x128xf32> to vector<1000x128xf32>
    %add3A_34 = arith.addf %mul3A_29, %add3A_33 : vector<1000x128xf32>
    %max3A_35 = arith.constant 0.000000e+00 : f32
    %max3A_36 = vector.broadcast %max3A_35 : f32 to vector<1000x128xf32>
    %max3A_37 = arith.maximumf %add3A_34, %max3A_36 : vector<1000x128xf32>
    %swap3A = arith.constant 0 : index
    %swap3A_38 = arith.constant 0 : index
    %swap3A_39 = vector.load %arg7[%swap3A, %swap3A_38] : memref<1000x128xf32, #tpu.memory_space<vmem>>, vector<1000x128xf32>
    tpu.vector_store %arg7[%swap3A, %swap3A_38], %max3A_37 {strides = array<i32>} : memref<1000x128xf32, #tpu.memory_space<vmem>>, vector<1000x128xf32>,
    %get3A_40 = arith.constant 0 : index
    %get3A_41 = arith.constant 0 : index
    %get3A_42 = vector.load %arg5[%get3A_40, %get3A_41] : memref<1000x128xf32, #tpu.memory_space<vmem>>, vector<1000x128xf32>
    %get3A_43 = arith.constant 0 : index
    %get3A_44 = arith.constant 0 : index
    %get3A_45 = vector.load %arg6[%get3A_43, %get3A_44] : memref<128x128xf32, #tpu.memory_space<vmem>>, vector<128x128xf32>
    %dot_general3A = arith.constant dense<0.000000e+00> : vector<1000x128xf32>
    %dot_general3A_46 = tpu.matmul %max3A_37, %get3A_45, %dot_general3A {dimension_numbers = #tpu.dot_dimension_numbers<[1], [0], [0], [1], [0, 0, 1, 1], [], []>, transpose_lhs_hint = false} : vector<1000x128xf32>, vector<128x128xf32>, vector<1000x128xf32> -> vector<1000x128xf32>
    %add3A_47 = arith.addf %get3A_42, %dot_general3A_46 : vector<1000x128xf32>
    %mul3A_48 = vector.broadcast %rsqrt3A : vector<1000x1xf32> to vector<1000x128xf32>
    %mul3A_49 = arith.mulf %mul3A_48, %add3A_47 : vector<1000x128xf32>
    %swap3A_50 = arith.constant 0 : index
    %swap3A_51 = arith.constant 0 : index
    %swap3A_52 = vector.load %arg8[%swap3A_50, %swap3A_51] : memref<1000x128xf32, #tpu.memory_space<vmem>>, vector<1000x128xf32>
    tpu.vector_store %arg8[%swap3A_50, %swap3A_51], %mul3A_49 {strides = array<i32>} : memref<1000x128xf32, #tpu.memory_space<vmem>>, vector<1000x128xf32>,
    return
  }
  func.func @transform_0(%arg0: i32) -> (i32, i32, i32) {
    %c0_i32 = arith.constant 0 : i32
    %c0_i32_0 = arith.constant 0 : i32
    %c0_i32_1 = arith.constant 0 : i32
    return %c0_i32, %arg0, %c0_i32_0 : i32, i32, i32
  }
  func.func @transform_1(%arg0: i32) -> (i32, i32) {
    %c0_i32 = arith.constant 0 : i32
    %c0_i32_0 = arith.constant 0 : i32
    return %arg0, %c0_i32 : i32, i32
  }
  func.func @transform_2(%arg0: i32) -> (i32, i32, i32) {
    %c0_i32 = arith.constant 0 : i32
    %c0_i32_0 = arith.constant 0 : i32
    %c0_i32_1 = arith.constant 0 : i32
    return %c0_i32, %arg0, %c0_i32_0 : i32, i32, i32
  }
  func.func @transform_3(%arg0: i32) -> (i32, i32) {
    %c0_i32 = arith.constant 0 : i32
    %c0_i32_0 = arith.constant 0 : i32
    %c0_i32_1 = arith.constant 0 : i32
    return %c0_i32, %c0_i32_0 : i32, i32
  }
  func.func @transform_4(%arg0: i32) -> (i32, i32) {
    %c0_i32 = arith.constant 0 : i32
    %c0_i32_0 = arith.constant 0 : i32
    return %arg0, %c0_i32 : i32, i32
  }
  func.func @transform_5(%arg0: i32) -> (i32, i32) {
    %c0_i32 = arith.constant 0 : i32
    %c0_i32_0 = arith.constant 0 : i32
    %c0_i32_1 = arith.constant 0 : i32
    return %c0_i32, %c0_i32_0 : i32, i32
  }
  func.func @transform_6(%arg0: i32) -> (i32, i32) {
    %c0_i32 = arith.constant 0 : i32
    %c0_i32_0 = arith.constant 0 : i32
    return %arg0, %c0_i32 : i32, i32
  }
  func.func @transform_7(%arg0: i32) -> (i32, i32) {
    %c0_i32 = arith.constant 0 : i32
    %c0_i32_0 = arith.constant 0 : i32
    return %arg0, %c0_i32 : i32, i32
  }
}

module attributes {stable_mosaic.version = 14 : i64} {
  func.func @_tc_fuse3_body(%arg0: i32, %arg1: memref<2x1000x128xf32, #tpu.memory_space<vmem>>, %arg2: memref<1000x128xf32, #tpu.memory_space<vmem>>, %arg3: memref<2x1000x128xf32, #tpu.memory_space<vmem>>, %arg4: memref<1x128xf32, #tpu.memory_space<vmem>>, %arg5: memref<1000x128xf32, #tpu.memory_space<vmem>>) attributes {dimension_semantics = [#tpu.dimension_semantics<arbitrary>], iteration_bounds = array<i64: 10>, scalar_prefetch = 0 : i64, scratch_operands = 0 : i64, tpu.core_type = #tpu.core_type<tc>, window_params = [{transform_indices = @transform_0, window_bounds = array<i64: 2, 1000, 128>}, {transform_indices = @transform_1, window_bounds = array<i64: 1000, 128>}, {transform_indices = @transform_2, window_bounds = array<i64: 2, 1000, 128>}, {pipeline_mode = #tpu.pipeline_mode<synchronous>, transform_indices = @transform_3, window_bounds = array<i64: 1, 128>}, {transform_indices = @transform_4, window_bounds = array<i64: 1000, 128>}]} {
    %get3A = arith.constant 0 : index
    %get3A_0 = arith.constant 0 : index
    %get3A_1 = arith.constant 0 : index
    %get3A_2 = vector.load %arg3[%get3A, %get3A_0, %get3A_1] : memref<2x1000x128xf32, #tpu.memory_space<vmem>>, vector<1x1000x1xf32>
    %get3A_3 = vector.shape_cast %get3A_2 : vector<1x1000x1xf32> to vector<1000x1xf32>
    %get3A_4 = arith.constant 1 : index
    %get3A_5 = arith.constant 0 : index
    %get3A_6 = arith.constant 0 : index
    %get3A_7 = vector.load %arg3[%get3A_4, %get3A_5, %get3A_6] : memref<2x1000x128xf32, #tpu.memory_space<vmem>>, vector<1x1000x1xf32>
    %get3A_8 = vector.shape_cast %get3A_7 : vector<1x1000x1xf32> to vector<1000x1xf32>
    %add3A = arith.addf %get3A_3, %get3A_8 : vector<1000x1xf32>
    %add3A_9 = arith.constant 1.000000e+00 : f32
    %add3A_10 = vector.broadcast %add3A_9 : f32 to vector<1000x1xf32>
    %add3A_11 = arith.addf %add3A, %add3A_10 : vector<1000x1xf32>
    %max3A = arith.constant 1.000000e+00 : f32
    %max3A_12 = vector.broadcast %max3A : f32 to vector<1000x1xf32>
    %max3A_13 = arith.maximumf %add3A_11, %max3A_12 : vector<1000x1xf32>
    %rsqrt3A = math.rsqrt %max3A_13 : vector<1000x1xf32>
    %get3A_14 = arith.constant 0 : index
    %get3A_15 = arith.constant 0 : index
    %get3A_16 = arith.constant 0 : index
    %get3A_17 = vector.load %arg1[%get3A_14, %get3A_15, %get3A_16] : memref<2x1000x128xf32, #tpu.memory_space<vmem>>, vector<1x1000x128xf32>
    %get3A_18 = vector.shape_cast %get3A_17 : vector<1x1000x128xf32> to vector<1000x128xf32>
    %get3A_19 = arith.constant 1 : index
    %get3A_20 = arith.constant 0 : index
    %get3A_21 = arith.constant 0 : index
    %get3A_22 = vector.load %arg1[%get3A_19, %get3A_20, %get3A_21] : memref<2x1000x128xf32, #tpu.memory_space<vmem>>, vector<1x1000x128xf32>
    %get3A_23 = vector.shape_cast %get3A_22 : vector<1x1000x128xf32> to vector<1000x128xf32>
    %add3A_24 = arith.addf %get3A_18, %get3A_23 : vector<1000x128xf32>
    %get3A_25 = arith.constant 0 : index
    %get3A_26 = arith.constant 0 : index
    %get3A_27 = vector.load %arg2[%get3A_25, %get3A_26] : memref<1000x128xf32, #tpu.memory_space<vmem>>, vector<1000x128xf32>
    %add3A_28 = arith.addf %add3A_24, %get3A_27 : vector<1000x128xf32>
    %mul3A = vector.broadcast %rsqrt3A : vector<1000x1xf32> to vector<1000x128xf32>
    %mul3A_29 = arith.mulf %mul3A, %add3A_28 : vector<1000x128xf32>
    %get3A_30 = arith.constant 0 : index
    %get3A_31 = arith.constant 0 : index
    %get3A_32 = vector.load %arg4[%get3A_30, %get3A_31] : memref<1x128xf32, #tpu.memory_space<vmem>>, vector<1x128xf32>
    %add3A_33 = vector.broadcast %get3A_32 : vector<1x128xf32> to vector<1000x128xf32>
    %add3A_34 = arith.addf %mul3A_29, %add3A_33 : vector<1000x128xf32>
    %max3A_35 = arith.constant 0.000000e+00 : f32
    %max3A_36 = vector.broadcast %max3A_35 : f32 to vector<1000x128xf32>
    %max3A_37 = arith.maximumf %add3A_34, %max3A_36 : vector<1000x128xf32>
    %swap3A = arith.constant 0 : index
    %swap3A_38 = arith.constant 0 : index
    %swap3A_39 = vector.load %arg5[%swap3A, %swap3A_38] : memref<1000x128xf32, #tpu.memory_space<vmem>>, vector<1000x128xf32>
    tpu.vector_store %arg5[%swap3A, %swap3A_38], %max3A_37 {strides = array<i32>} : memref<1000x128xf32, #tpu.memory_space<vmem>>, vector<1000x128xf32>,
    return
  }
  func.func @transform_0(%arg0: i32) -> (i32, i32, i32) {
    %c0_i32 = arith.constant 0 : i32
    %c0_i32_0 = arith.constant 0 : i32
    %c0_i32_1 = arith.constant 0 : i32
    return %c0_i32, %arg0, %c0_i32_0 : i32, i32, i32
  }
  func.func @transform_1(%arg0: i32) -> (i32, i32) {
    %c0_i32 = arith.constant 0 : i32
    %c0_i32_0 = arith.constant 0 : i32
    return %arg0, %c0_i32 : i32, i32
  }
  func.func @transform_2(%arg0: i32) -> (i32, i32, i32) {
    %c0_i32 = arith.constant 0 : i32
    %c0_i32_0 = arith.constant 0 : i32
    %c0_i32_1 = arith.constant 0 : i32
    return %c0_i32, %arg0, %c0_i32_0 : i32, i32, i32
  }
  func.func @transform_3(%arg0: i32) -> (i32, i32) {
    %c0_i32 = arith.constant 0 : i32
    %c0_i32_0 = arith.constant 0 : i32
    %c0_i32_1 = arith.constant 0 : i32
    return %c0_i32, %c0_i32_0 : i32, i32
  }
  func.func @transform_4(%arg0: i32) -> (i32, i32) {
    %c0_i32 = arith.constant 0 : i32
    %c0_i32_0 = arith.constant 0 : i32
    return %arg0, %c0_i32 : i32, i32
  }
}

</mosaic_0001>

<sc_bundles>
// kernel: kernel.13.cloned.1.call-start
scs
__scs_entry_jumppad:
0x0: {  	(pc) =	sbr.rel $0x88, $3  }
0x1: {  	(tag) =	ssettag $0x0;
	lr =	simm.s32 $0x1  }
0x2: {  	[smem:$0x3F97] =	sst lr;
	_ =	strace $0xD0000000  }
0x3: {  	_ = 	snop  }
0x4: {  	_ = 	snop  }
0x5: {  	_ = 	snop  }
0x6: {  	_ = 	snop  }
0x7: {  	_ = 	snop  }
__scs_overlays_trampoline_lowered:
0x8: {  	[smem:$0x3FA6] =	sst s0  }
0x9: {  	[smem:$0x3FA7] =	sst s1  }
0xa: {  	[smem:$0x3FA8] =	sst s2  }
0xb: {  	[smem:$0x3FA9] =	sst s3  }
0xc: {  	[smem:$0x3FAA] =	sst s4  }
0xd: {  	[smem:$0x3FAB] =	sst s5  }
0xe: {  	[smem:$0x3FAC] =	sst s6  }
0xf: {  	[smem:$0x3FAD] =	sst s7  }
0x10: {  	[smem:$0x3FAE] =	sst s8  }
0x11: {  	[smem:$0x3FAF] =	sst s9;
	s0 =	simm.s32 @!p0 $0x0  }
0x12: {  	s1 =	sld [smem:$0x3F95];
	s0 =	simm.s32 @p0 $0x1  }
0x13: {  	[smem:$0x3FB0] =	sst s0;
	s0 =	simm.s32 @!p1 $0x0  }
0x14: {  	s2 =	sld [smem:$0x3F94];
	s0 =	simm.s32 @p1 $0x1  }
0x15: {  	[smem:$0x3FB1] =	sst s0;
	s0 =	simm.s32 @!p2 $0x0  }
0x16: {  	s3 =	sld [smem:$0x3FDB];
	s0 =	simm.s32 @p2 $0x1  }
0x17: {  	s4 =	simm.s32 $0x1BF5;
	[smem:$0x3FB3] =	sst s0  }
0x18: {  	s0 =	sld [smem:$0x3F96];
	_ =	swait.ge [sflag:s4], $0x0  }
0x19: {  	s7 =	sld [smem:$0x3F97]  }
0x1a: {  	s8 =	sadd.s32 $0xFFFFE003, lr  }
0x1b: {  	s9 =	sadd.s32 $0xFFFFFEF7, lr;
	s5 =	simm.s32 $0xFFFFFFFF;
	p2 =	slt.u32 s8, $0xFFFFF086  }
0x1c: {  	p1 =	slt.u32 s9, $0xF7A;
	s5 =	simm.s32 @!p2 $0x0  }
0x1d: {  	s5 =	simm.s32 @p1 $0x1;
	p0 =	seq.s32 s7, s2  }
0x1e: {  	s7 =	smul.u32 @!p0 $0xF7A, s2;
	p2 =	seq.s32 @!p0 s5, $0x0  }
0x1f: {  	s9 =	smul.u32 $0xF7A, s1;
	s8 =	simm.s32 @!p0 $0x1BF5;
	p2 =	por !p2, p0  }
0x20: {  	[sflag:s8] =	ssyncset.s32 @!p0 $0xFFFFF086;
	s6 =	sadd.s32 @!p0 s3, s7;
	s7 =	simm.s32 @!p0 $0x108  }
0x21: {  	s3 =	sadd.s32 s3, s9;
	s6 =	sadd.s32 @!p0 $0x88, s6;
	s7 =	simm.s32 @p2 $0x1082  }
0x22: {  	[simem:s7], [sflag:s8] =	dma.local @!p0 [hbm:s6], $0xF7A  }
0x23: {  	s9 =	sor.u32 $0xD0000000, s2;
	s6 =	simm.s32 $0x108;
	_ =	swait.ge @!p0 [sflag:s8], $0x0  }
0x24: {  	s3 =	sadd.s32 $0x88, s3;
	s6 =	simm.s32 @!p1 $0x1082;
	[sflag:s4] =	ssyncset.s32 $0xFFFFF086  }
0x25: {  	[simem:s6], [sflag:s4] =	dma.local [hbm:s3], $0xF7A  }
0x26: {  	[smem:$0x3F97] =	sst s1;
	(tag) =	ssettag s2;
	_ =	strace s9  }
0x27: {  	s1 =	sld [smem:$0x3FA7]  }
0x28: {  	s2 =	sld [smem:$0x3FA8]  }
0x29: {  	s4 =	sld [smem:$0x3FAA]  }
0x2a: {  	p0 =	seq.s32 s5, $0x0;
	s5 =	sld [smem:$0x3FAB]  }
0x2b: {  	s6 =	sld [smem:$0x3FAC]  }
0x2c: {  	s7 =	sld [smem:$0x3FAD]  }
0x2d: {  	s3 =	simm.s32 $0x108;
	s8 =	sld [smem:$0x3FAE]  }
0x2e: {  	s3 =	simm.s32 @!p0 $0x1082;
	s9 =	sld [smem:$0x3FAF]  }
0x2f: {  	lr =	sadd.s32 s0, s3;
	s0 =	sld [smem:$0x3FA6]  }
0x30: {  	s3 =	sld [smem:$0x3FA9]  }
0x31: {  	[smem:$0x3FB2] =	sst s10  }
0x32: {  	s10 =	sld [smem:$0x3FB0];
	_ =	sdelay $0x3  }
0x33: {  	p0 =	seq.s32 s10, $0x1;
	s10 =	sld [smem:$0x3FB2];
	_ =	sdelay $0x3  }
0x34: {  	[smem:$0x3FB2] =	sst s10  }
0x35: {  	s10 =	sld [smem:$0x3FB1];
	_ =	sdelay $0x3  }
0x36: {  	p1 =	seq.s32 s10, $0x1;
	s10 =	sld [smem:$0x3FB2];
	_ =	sdelay $0x3  }
0x37: {  	[smem:$0x3FB2] =	sst s10  }
0x38: {  	s10 =	sld [smem:$0x3FB3]  }
0x39: {  	_ = 	snop;
	(pc) =	sbr.ind lr, $3  }
0x3a: {  	_ = 	snop  }
0x3b: {  	_ = 	snop  }
0x3c: {  	p2 =	seq.s32 s10, $0x1;
	s10 =	sld [smem:$0x3FB2]  }
0x3d: {  	_ =	shalt  }
0x3e: {  	_ =	shalt  }
0x3f: {  	_ =	shalt  }
0x40: {  	_ =	shalt  }
0x41: {  	_ =	shalt  }
0x42: {  	_ =	shalt  }
0x43: {  	_ =	shalt  }
0x44: {  	_ =	shalt  }
0x45: {  	_ =	shalt  }
0x46: {  	_ =	shalt  }
0x47: {  	_ =	shalt  }
0x48: {  	_ =	shalt  }
0x49: {  	_ =	shalt  }
0x4a: {  	_ =	shalt  }
0x4b: {  	_ =	shalt  }
0x4c: {  	_ =	shalt  }
0x4d: {  	_ =	shalt  }
0x4e: {  	_ =	shalt  }
0x4f: {  	_ =	shalt  }
0x50: {  	_ =	shalt  }
0x51: {  	_ =	shalt  }
0x52: {  	_ =	shalt  }
0x53: {  	_ =	shalt  }
0x54: {  	_ =	shalt  }
0x55: {  	_ =	shalt  }
0x56: {  	_ =	shalt  }
0x57: {  	_ =	shalt  }
0x58: {  	_ =	shalt  }
0x59: {  	_ =	shalt  }
0x5a: {  	_ =	shalt  }
0x5b: {  	_ =	shalt  }
0x5c: {  	_ =	shalt  }
0x5d: {  	_ =	shalt  }
0x5e: {  	_ =	shalt  }
0x5f: {  	_ =	shalt  }
0x60: {  	_ =	shalt  }
0x61: {  	_ =	shalt  }
0x62: {  	_ =	shalt  }
0x63: {  	_ =	shalt  }
0x64: {  	_ =	shalt  }
0x65: {  	_ =	shalt  }
0x66: {  	_ =	shalt  }
0x67: {  	_ =	shalt  }
0x68: {  	_ =	shalt  }
0x69: {  	_ =	shalt  }
0x6a: {  	_ =	shalt  }
0x6b: {  	_ =	shalt  }
0x6c: {  	_ =	shalt  }
0x6d: {  	_ =	shalt  }
0x6e: {  	_ =	shalt  }
0x6f: {  	_ =	shalt  }
0x70: {  	_ =	shalt  }
0x71: {  	_ =	shalt  }
0x72: {  	_ =	shalt  }
0x73: {  	_ =	shalt  }
0x74: {  	_ =	shalt  }
0x75: {  	_ =	shalt  }
0x76: {  	_ =	shalt  }
0x77: {  	_ =	shalt  }
0x78: {  	_ =	shalt  }
0x79: {  	_ =	shalt  }
0x7a: {  	_ =	shalt  }
0x7b: {  	_ =	shalt  }
0x7c: {  	_ =	shalt  }
0x7d: {  	_ =	shalt  }
0x7e: {  	_ =	shalt  }
0x7f: {  	_ =	shalt  }
0x80: {  	_ =	shalt  }
0x81: {  	_ =	shalt  }
0x82: {  	_ =	shalt  }
0x83: {  	_ =	shalt  }
0x84: {  	_ =	shalt  }
0x85: {  	_ =	shalt  }
0x86: {  	_ =	shalt  }
0x87: {  	_ =	shalt  }
.Lfunc_end0:
.L_simem_size_0:
called_computation_lowered:
.L_overlay_start_0:
0x88: {  	s2 =	sld [smem:$0x3FD9]  }
0x89: {  	s3 =	sld [smem:$0x3FFE];
	_ =	sdelay $0x1  }
0x8a: {  	s1 =	srdreg.scid  }
0x8b: {  	s0 =	sand.u32 $0x1, s1  }
0x8c: {  	s17 =	sshll.u32 s0, $0xA;
	s2 =	sadd.s32 s3, s2  }
0x8d: {  	s2 =	sadd.s32 s2, s17  }
0x8e: {  	[smem:$0x3FBE] =	sst s2  }
0x8f: {  	_ = 	snop  }
0x90: {  	s2 =	sld [smem:$0x3FD0];
	(tm) =	ssettm $0x1  }
0x91: {  	s18 =	sld [smem:$0x3FFB];
	_ =	sdelay $0x3  }
0x92: {  	_ =	strace s18  }
0x93: {  	s3 =	sld [smem:$0x3FFC];
	_ =	sdelay $0x3  }
0x94: {  	_ =	strace s3  }
0x95: {  	s3 =	sld [smem:$0x3FFD];
	_ =	sdelay $0x3  }
0x96: {  	_ =	strace s3  }
0x97: {  	_ =	strace $0x8FFFFFFF  }
0x98: {  	s19 =	sld [smem:$0x3FDB];
	_ =	sdelay $0x1  }
0x99: {  	s4 =	simm.s32 $_scs_section_size  }
0x9a: {  	s5 =	simm.s32 $_size__tile_overlayer_lowered;
	s6 =	simm.s32 $_tile_overlayer_lowered  }
0x9b: {  	s22 =	simm.s32 $0x1BFF;
	s21 =	sshll.u32 s6, $0x1;
	s3 =	sadd.s32 s4, s19  }
0x9c: {  	s7 =	simm.s32 $0x0;
	s20 =	sshll.u32 s5, $0x1;
	s5 =	sadd.s32 s21, s3  }
0x9d: {  	[timem:s7], [sflag:s22] =	dma.local [hbm:s5], s20  }
0x9e: {  	_ =	swait.ge [sflag:s22], s20  }
0x9f: {  	s4 =	ssub.s32 $0x0, s20;
	[sflag:s22] =	ssyncset.done $0x0  }
0xa0: {  	[sflag:s22] =	ssyncadd.s32 s4;
	_ =	sdelay $0x1  }
0xa1: {  	s23 =	simm.s32 $0x1B8B  }
0xa2: {  	_ =	swait.ge [sflag:s23], $0x1  }
0xa3: {  	[sflag:s23] =	ssyncset.done $0x0  }
0xa4: {  	s25 =	simm.s32 $0x1B8E;
	s24 =	sld [smem:$0x3FFE];
	[sflag:s23] =	ssyncadd.s32 $0xFFFFFFFF  }
0xa5: {  	s26 =	simm.s32 $execute0_lowered;
	[smem:$0x3FD2] =	sst s25  }
0xa6: {  	s5 =	sshll.u32 s26, $0x1;
	_ =	strace $0x80000046;
	[dreg:$0x1] =	wrdreg $0xFFFFFFFF  }
0xa7: {  	s28 =	simm.s32 $_size_execute0_lowered;
	s3 =	sadd.s32 s3, s5;
	[dreg:$0x0] =	wrdreg $0x0  }
0xa8: {  	s5 =	sshll.u32 s28, $0x1;
	[dreg:$0x2] =	wrdreg s3  }
0xa9: {  	[dreg:$0x3] =	wrdreg s5  }
0xaa: {  	[dreg:$0x4] =	wrdreg $0xC0  }
0xab: {  	_ =	task [dreg:s7], $0x5FFFF  }
0xac: {  	[dreg:$0x1] =	wrdreg $0xFFFFFFFF  }
0xad: {  	[dreg:$0x0] =	wrdreg $0x60  }
0xae: {  	[dreg:$0x2] =	wrdreg s2  }
0xaf: {  	[dreg:$0x3] =	wrdreg s24  }
0xb0: {  	[dreg:$0x4] =	wrdreg $0x54000  }
0xb1: {  	[dreg:$0x5] =	wrdreg $0x9  }
0xb2: {  	_ =	task.clear_ibuf [dreg:s7], $0x6FFFF;
	_ =	strace $0x90000046  }
0xb3: {  	s29 =	simm.s32 $0x9;
	_ =	strace $0x80000048  }
0xb4: {  	_ =	swait.ge [sflag:s29], $0x1  }
0xb5: {  	[sflag:s29] =	ssyncadd.s32 $0xFFFFFFFF  }
0xb6: {  	_ =	strace $0x90000048  }
0xb7: {  	_ =	sfence  }
0xb8: {  	s30 =	sld [smem:$0x0];
	_ =	sdelay $0x2  }
0xb9: {  	s31 =	sshll.u32 s1, $0xD;
	s1 =	sshrl.u32 s1, $0x2  }
0xba: {  	s3 =	sand.u32 $0x4000, s31;
	s1 =	sadd.s32 s1, s30  }
0xbb: {  	s0 =	sor.u32 s3, s0;
	s1 =	sshll.u32 s1, $0x11  }
0xbc: {  	s0 =	sor.u32 s1, s0  }
0xbd: {  	s0 =	sadd.s32 $0x8F2B, s0  }
0xbe: {  	[sflag:s0] =	ssyncadd.remote.s32 $0x1  }
0xbf: {  	_ =	sfence.sel $0xFFFF  }
0xc0: {  	[dreg:$0x0] =	wrdreg $0xFFFFFFFF;
	(pc) =	sbr.abs _section_cstart, $3  }
0xc1: {  	[dreg:$0x1] =	wrdreg $0xFFFFFFFF  }
0xc2: {  	_ =	task.clear_ibuf [dreg:s7], $0x2FFFF;
	_ =	strace $0x9FFFFFFF  }
0xc3: {  	(tm) =	ssettm $0x7FFFFFFF  }
tec
execute0_lowered:
.L_overlay_start_1:
0x0: {  	(tag) =	ssettag $0x1  }
0x1: {  	s9 =	rddreg [dreg:$0x0]  }
0x2: {  	s4 =	rddreg [dreg:$0x1]  }
0x3: {  	s1 =	rddreg [dreg:$0x2]  }
0x4: {  	s2 =	srdreg.scid;
	s0 =	rddreg [dreg:$0x3];
	s3 =	simm.s32 $0x0  }
0x5: {  	s13 =	simm.s32 $0x1400;
	s5 =	sand.u32 $0x1, s2;
	s2 =	stileid.u32  }
0x6: {  	s14 =	simm.s32 $0x1;
	[smem:$0x7FF] =	sst s3;
	s6 =	smul.u32 $0x140000, s5  }
0x7: {  	s15 =	simm.s32 $0x80;
	s7 =	smul.u32 $0x14000, s2;
	_ =	strace $0x80000047  }
0x8: {  	s30 =	sshll.u32 s5, $0x4;
	s8 =	smul.u32 $0x50000, s2;
	s5 =	ssub.s32 $0x2, s5  }
0x9: {  	s16 =	sshll.u32 s2, $0x6;
	s10 =	sshrl.u32 s5, $0x1;
	s6 =	sadd.s32 s7, s6  }
0xa: {  	s7 =	sor.u32 s2, s30;
	s8 =	sshrl.u32 s8, $0x2;
	s6 =	sshrl.u32 s6, $0x3  }
0xb: {  	s7 =	smul.u32 $0x2800, s7;
	s11 =	sadd.s32 s6, s4;
	s4 =	sadd.s32 s8, s1  }
0xc: {  	s16 =	sor.u32 $0x1C01, s16;
	s12 =	ssub.s32 s5, s10;
	s5 =	sadd.s32 $0x4000, s4  }
0xd: {  	s6 =	sadd.s32 $0x8000, s4;
	s31 =	sshrl.u32 s7, $0x3;
	s7 =	sadd.s32 $0xC000, s4  }
0xe: {  	s8 =	sadd.s32 $0x10000, s4;
	s10 =	sadd.s32 $0x5800, s11;
	s9 =	sadd.s32 s9, s31  }
0xf: {  	v0 =	vimm.f32 $0.0e+00;
	v1 =	vimm.f32 $1.000000000e+00;
	s11 =	smax.u32 s12, $0x1;
	s17 =	sshrl.u32 s4, $0x3;
	s12 =	sadd.s32 $0x280, s9  }
.LBB2_1:
0x10: {  	s18 =	simm.s32 $0x0;
	s19 =	simm.s32 $0x200  }
.LBB2_2:
0x11: {  	p0 =	sne.s32 s19, $0xFE00;
	[tilespmem:s18+$0x1470] =	vst v0  }
0x12: {  	[tilespmem:s18+$0x1400] =	vst v0  }
0x13: {  	[tilespmem:s18+$0x1410] =	vst v0  }
.Ltmp0:
0x14: {  	[tilespmem:s18+$0x1420] =	vst v0;
	(pc) =	sbr.rel @p0 .LBB2_2-.Ltmp0, $4  }
0x15: {  	[tilespmem:s18+$0x1430] =	vst v0  }
0x16: {  	[tilespmem:s18+$0x1440] =	vst v0  }
0x17: {  	[tilespmem:s18+$0x1450] =	vst v0  }
0x18: {  	[tilespmem:s18+$0x1460] =	vst v0;
	s18 =	sshra.s32 s19, $0x2;
	s19 =	sadd.s32 $0x200, s19  }
0x19: {  	[tilespmem:s18+$0x1470] =	vst v0  }
0x1a: {  	[tilespmem:s18+$0x1400] =	vst v0  }
0x1b: {  	[tilespmem:s18+$0x1410] =	vst v0  }
0x1c: {  	[tilespmem:s18+$0x1420] =	vst v0  }
0x1d: {  	[tilespmem:s18+$0x1430] =	vst v0  }
0x1e: {  	[tilespmem:s18+$0x1440] =	vst v0  }
0x1f: {  	[tilespmem:s18+$0x1450] =	vst v0  }
0x20: {  	[tilespmem:s18+$0x1460] =	vst v0  }
0x21: {  	[spmem:s4] =	stream.linear.scatter [tilespmem:s13], [sflag:$0x1], $0x4000, $0x38;
	[tilespmem:$0x19400] =	vst v63  }
0x22: {  	_ =	swait.ge [sflag:s14], $0x4000  }
0x23: {  	[sflag:s14] =	ssyncset.done $0x0  }
0x24: {  	[sflag:s14] =	ssyncadd.s32 $0xFFFFC000  }
0x25: {  	[spmem:s5] =	stream.linear.scatter [tilespmem:s13], [sflag:$0x1], $0x4000, $0x38;
	[tilespmem:$0x19400] =	vst v63  }
0x26: {  	_ =	swait.ge [sflag:s14], $0x4000  }
0x27: {  	[sflag:s14] =	ssyncset.done $0x0  }
0x28: {  	[sflag:s14] =	ssyncadd.s32 $0xFFFFC000  }
0x29: {  	[spmem:s6] =	stream.linear.scatter [tilespmem:s13], [sflag:$0x1], $0x4000, $0x38;
	[tilespmem:$0x19400] =	vst v63  }
0x2a: {  	_ =	swait.ge [sflag:s14], $0x4000  }
0x2b: {  	[sflag:s14] =	ssyncset.done $0x0  }
0x2c: {  	[sflag:s14] =	ssyncadd.s32 $0xFFFFC000  }
0x2d: {  	[spmem:s7] =	stream.linear.scatter [tilespmem:s13], [sflag:$0x1], $0x4000, $0x38;
	[tilespmem:$0x19400] =	vst v63  }
0x2e: {  	_ =	swait.ge [sflag:s14], $0x4000  }
0x2f: {  	[sflag:s14] =	ssyncset.done $0x0  }
0x30: {  	[sflag:s14] =	ssyncadd.s32 $0xFFFFC000  }
0x31: {  	[spmem:s8] =	stream.linear.scatter [tilespmem:s13], [sflag:$0x1], $0x4000, $0x38;
	[tilespmem:$0x19400] =	vst v63  }
0x32: {  	_ =	swait.ge [sflag:s14], $0x4000  }
0x33: {  	[sflag:s14] =	ssyncset.done $0x0  }
0x34: {  	[sflag:s14] =	ssyncadd.s32 $0xFFFFC000  }
0x35: {  	s18 =	simm.s32 $0x0;
	s19 =	simm.s32 $0x200;
	[bflag:$0x0] =	sbarrier.arrive $0xFFFF  }
.LBB2_4:
0x36: {  	p0 =	sne.s32 s19, $0xFE00;
	[tilespmem:s18+$0x1470] =	vst v1  }
0x37: {  	[tilespmem:s18+$0x1400] =	vst v1  }
0x38: {  	[tilespmem:s18+$0x1410] =	vst v1  }
.Ltmp1:
0x39: {  	[tilespmem:s18+$0x1420] =	vst v1;
	(pc) =	sbr.rel @p0 .LBB2_4-.Ltmp1, $4  }
0x3a: {  	[tilespmem:s18+$0x1430] =	vst v1  }
0x3b: {  	[tilespmem:s18+$0x1440] =	vst v1  }
0x3c: {  	[tilespmem:s18+$0x1450] =	vst v1  }
0x3d: {  	[tilespmem:s18+$0x1460] =	vst v1;
	s18 =	sshra.s32 s19, $0x2;
	s19 =	sadd.s32 $0x200, s19  }
0x3e: {  	[tilespmem:s18+$0x1470] =	vst v1  }
0x3f: {  	[tilespmem:s18+$0x1400] =	vst v1  }
0x40: {  	[tilespmem:s18+$0x1410] =	vst v1  }
0x41: {  	[tilespmem:s18+$0x1420] =	vst v1  }
0x42: {  	[tilespmem:s18+$0x1430] =	vst v1  }
0x43: {  	[tilespmem:s18+$0x1440] =	vst v1  }
0x44: {  	[tilespmem:s18+$0x1450] =	vst v1  }
0x45: {  	[tilespmem:s18+$0x1460] =	vst v1;
	s30 =	simm.s32 $0x0  }
0x46: {  	[tilespmem:s30], [sflag:$0x1] =	stream.linear.gather [hbm4b:s9+s30], $0x1400, $0x38;
	[tilespmem:$0x19400] =	vst v63  }
0x47: {  	_ =	swait.ge [sflag:s14], $0x1400  }
0x48: {  	[sflag:s14] =	ssyncset.done $0x0  }
0x49: {  	s31 =	simm.s32 $0x0;
	[sflag:s14] =	ssyncadd.s32 $0xFFFFEC00  }
0x4a: {  	[spmem:s1] =	stream.indirect.scatter.add.f32 [tilespmem:s13], [sflag:$0x1], $0x80, s31, s15, $0xb8;
	[tilespmem:$0x19400] =	vst v63  }
0x4b: {  	_ =	swait.ge [sflag:s14], $0x4000  }
0x4c: {  	s18 =	simm.s32 $0x200;
	[sflag:s14] =	ssyncset.done $0x0  }
.LBB2_6:
0x4d: {  	s19 =	sshra.s32 s18, $0x2;
	[sflag:s14] =	ssyncadd.s32 $0xFFFFC000;
	p0 =	sne.s32 s18, $0x4E00  }
0x4e: {  	[spmem:s1] =	stream.indirect.scatter.add.f32 [tilespmem:s13], [sflag:$0x1], $0x80, s19, s15, $0xb8;
	[tilespmem:$0x19400] =	vst v63  }
.Ltmp2:
0x4f: {  	_ = 	snop;
	(pc) =	sbr.rel @p0 .LBB2_6-.Ltmp2, $4  }
0x50: {  	_ = 	snop  }
0x51: {  	s18 =	sadd.s32 $0x200, s18  }
0x52: {  	_ =	swait.ge [sflag:s14], $0x4000  }
0x53: {  	[sflag:s14] =	ssyncset.done $0x0  }
0x54: {  	[sflag:s14] =	ssyncadd.s32 $0xFFFFC000;
	s18 =	simm.s32 $0x0  }
0x55: {  	[tilespmem:s18], [sflag:$0x1] =	stream.linear.gather [hbm4b:s12+s18], $0x1400, $0x38;
	[tilespmem:$0x19400] =	vst v63  }
0x56: {  	_ =	swait.ge [sflag:s14], $0x1400  }
0x57: {  	[sflag:s14] =	ssyncset.done $0x0  }
0x58: {  	s31 =	simm.s32 $0x0;
	[sflag:s14] =	ssyncadd.s32 $0xFFFFEC00  }
0x59: {  	[spmem:s1] =	stream.indirect.scatter.add.f32 [tilespmem:s13], [sflag:$0x1], $0x80, s31, s15, $0xb8;
	[tilespmem:$0x19400] =	vst v63  }
0x5a: {  	_ =	swait.ge [sflag:s14], $0x4000  }
0x5b: {  	s18 =	simm.s32 $0x200;
	[sflag:s14] =	ssyncset.done $0x0  }
.LBB2_8:
0x5c: {  	s19 =	sshra.s32 s18, $0x2;
	[sflag:s14] =	ssyncadd.s32 $0xFFFFC000;
	p0 =	sne.s32 s18, $0x4E00  }
0x5d: {  	[spmem:s1] =	stream.indirect.scatter.add.f32 [tilespmem:s13], [sflag:$0x1], $0x80, s19, s15, $0xb8;
	[tilespmem:$0x19400] =	vst v63  }
.Ltmp3:
0x5e: {  	_ = 	snop;
	(pc) =	sbr.rel @p0 .LBB2_8-.Ltmp3, $4  }
0x5f: {  	_ = 	snop  }
0x60: {  	s18 =	sadd.s32 $0x200, s18  }
0x61: {  	_ =	swait.ge [sflag:s14], $0x4000  }
0x62: {  	[sflag:s14] =	ssyncset.done $0x0  }
0x63: {  	s3 =	sadd.s32 $0x1, s3  }
0x64: {  	[sflag:s14] =	ssyncadd.s32 $0xFFFFC000;
	p0 =	sne.s32 s3, s11  }
.Ltmp4:
0x65: {  	[bflag:$0x0] =	sbarrier.arrive $0xFFFF;
	(pc) =	sbr.rel @p0 .LBB2_1-.Ltmp4, $4  }
0x66: {  	[hbm:s10], [sflag:s16] =	dma.local [spmem:s17], $0x2800  }
0x67: {  	_ =	swait.ge [sflag:s14], $0x2800  }
0x68: {  	[sflag:s14] =	ssyncset.done $0x0  }
0x69: {  	[sflag:s14] =	ssyncadd.s32 $0xFFFFD800  }
0x6a: {  	_ =	sfence.sel $0x180000  }
0x6b: {  	[bflag:$0x0] =	sbarrier.arrive $0xFFFF  }
0x6c: {  	p0 =	sne.s32 s2, $0x0;
	_ =	strace $0x90000047  }
0x6d: {  	s0 =	sadd.s32 @!p0 $0x100000, s0;
	[bflag:$0x2] =	sbarrier.arrive $0xFFFF  }
0x6e: {  	[sflag:s0] =	ssyncadd.tile.s32 @!p0 $0x1;
	_ =	shalt  }
.Lfunc_end2:
_tile_overlayer_lowered:
.L_overlay_start_2:
0x6f: {  	(tag) =	ssettag $0x2  }
0x70: {  	s0 =	rddreg [dreg:$0x0];
	s2 =	stileid.u32  }
0x71: {  	s1 =	rddreg [dreg:$0x1];
	p0 =	sne.s32 s2, $0x0  }
0x72: {  	s3 =	rddreg [dreg:$0x2];
	[bflag:$0x3] =	sbarrier.arrive $0xFFFF;
	s2 =	simm.s32 @!p0 $0x1C01  }
0x73: {  	[timem:s3], [sflag:s2] =	dma.local @!p0 [hbm:s0], s1  }
0x74: {  	s0 =	simm.s32 @!p0 $0x1  }
0x75: {  	_ =	swait.ge @!p0 [sflag:s0], s1  }
0x76: {  	s1 =	ssub.s32 @!p0 $0x0, s1;
	[sflag:s0] =	ssyncset.done @!p0 $0x0  }
0x77: {  	[sflag:s0] =	ssyncadd.s32 @!p0 s1  }
0x78: {  	[bflag:$0x3] =	sbarrier.arrive $0xFFFF  }
0x79: {  	_ =	shalt  }

// kernel: kernel.16.cloned.1.call-start
scs
__scs_entry_jumppad:
0x0: {  	(pc) =	sbr.rel $0x88, $3  }
0x1: {  	(tag) =	ssettag $0x0;
	lr =	simm.s32 $0x1  }
0x2: {  	[smem:$0x3F97] =	sst lr;
	_ =	strace $0xD0000000  }
0x3: {  	_ = 	snop  }
0x4: {  	_ = 	snop  }
0x5: {  	_ = 	snop  }
0x6: {  	_ = 	snop  }
0x7: {  	_ = 	snop  }
__scs_overlays_trampoline_lowered:
0x8: {  	[smem:$0x3FA6] =	sst s0  }
0x9: {  	[smem:$0x3FA7] =	sst s1  }
0xa: {  	[smem:$0x3FA8] =	sst s2  }
0xb: {  	[smem:$0x3FA9] =	sst s3  }
0xc: {  	[smem:$0x3FAA] =	sst s4  }
0xd: {  	[smem:$0x3FAB] =	sst s5  }
0xe: {  	[smem:$0x3FAC] =	sst s6  }
0xf: {  	[smem:$0x3FAD] =	sst s7  }
0x10: {  	[smem:$0x3FAE] =	sst s8  }
0x11: {  	[smem:$0x3FAF] =	sst s9;
	s0 =	simm.s32 @!p0 $0x0  }
0x12: {  	s1 =	sld [smem:$0x3F95];
	s0 =	simm.s32 @p0 $0x1  }
0x13: {  	[smem:$0x3FB0] =	sst s0;
	s0 =	simm.s32 @!p1 $0x0  }
0x14: {  	s2 =	sld [smem:$0x3F94];
	s0 =	simm.s32 @p1 $0x1  }
0x15: {  	[smem:$0x3FB1] =	sst s0;
	s0 =	simm.s32 @!p2 $0x0  }
0x16: {  	s3 =	sld [smem:$0x3FDB];
	s0 =	simm.s32 @p2 $0x1  }
0x17: {  	s4 =	simm.s32 $0x1BF5;
	[smem:$0x3FB3] =	sst s0  }
0x18: {  	s0 =	sld [smem:$0x3F96];
	_ =	swait.ge [sflag:s4], $0x0  }
0x19: {  	s7 =	sld [smem:$0x3F97]  }
0x1a: {  	s8 =	sadd.s32 $0xFFFFE003, lr  }
0x1b: {  	s9 =	sadd.s32 $0xFFFFFEF7, lr;
	s5 =	simm.s32 $0xFFFFFFFF;
	p2 =	slt.u32 s8, $0xFFFFF086  }
0x1c: {  	p1 =	slt.u32 s9, $0xF7A;
	s5 =	simm.s32 @!p2 $0x0  }
0x1d: {  	s5 =	simm.s32 @p1 $0x1;
	p0 =	seq.s32 s7, s2  }
0x1e: {  	s7 =	smul.u32 @!p0 $0xF7A, s2;
	p2 =	seq.s32 @!p0 s5, $0x0  }
0x1f: {  	s9 =	smul.u32 $0xF7A, s1;
	s8 =	simm.s32 @!p0 $0x1BF5;
	p2 =	por !p2, p0  }
0x20: {  	[sflag:s8] =	ssyncset.s32 @!p0 $0xFFFFF086;
	s6 =	sadd.s32 @!p0 s3, s7;
	s7 =	simm.s32 @!p0 $0x108  }
0x21: {  	s3 =	sadd.s32 s3, s9;
	s6 =	sadd.s32 @!p0 $0x88, s6;
	s7 =	simm.s32 @p2 $0x1082  }
0x22: {  	[simem:s7], [sflag:s8] =	dma.local @!p0 [hbm:s6], $0xF7A  }
0x23: {  	s9 =	sor.u32 $0xD0000000, s2;
	s6 =	simm.s32 $0x108;
	_ =	swait.ge @!p0 [sflag:s8], $0x0  }
0x24: {  	s3 =	sadd.s32 $0x88, s3;
	s6 =	simm.s32 @!p1 $0x1082;
	[sflag:s4] =	ssyncset.s32 $0xFFFFF086  }
0x25: {  	[simem:s6], [sflag:s4] =	dma.local [hbm:s3], $0xF7A  }
0x26: {  	[smem:$0x3F97] =	sst s1;
	(tag) =	ssettag s2;
	_ =	strace s9  }
0x27: {  	s1 =	sld [smem:$0x3FA7]  }
0x28: {  	s2 =	sld [smem:$0x3FA8]  }
0x29: {  	s4 =	sld [smem:$0x3FAA]  }
0x2a: {  	p0 =	seq.s32 s5, $0x0;
	s5 =	sld [smem:$0x3FAB]  }
0x2b: {  	s6 =	sld [smem:$0x3FAC]  }
0x2c: {  	s7 =	sld [smem:$0x3FAD]  }
0x2d: {  	s3 =	simm.s32 $0x108;
	s8 =	sld [smem:$0x3FAE]  }
0x2e: {  	s3 =	simm.s32 @!p0 $0x1082;
	s9 =	sld [smem:$0x3FAF]  }
0x2f: {  	lr =	sadd.s32 s0, s3;
	s0 =	sld [smem:$0x3FA6]  }
0x30: {  	s3 =	sld [smem:$0x3FA9]  }
0x31: {  	[smem:$0x3FB2] =	sst s10  }
0x32: {  	s10 =	sld [smem:$0x3FB0];
	_ =	sdelay $0x3  }
0x33: {  	p0 =	seq.s32 s10, $0x1;
	s10 =	sld [smem:$0x3FB2];
	_ =	sdelay $0x3  }
0x34: {  	[smem:$0x3FB2] =	sst s10  }
0x35: {  	s10 =	sld [smem:$0x3FB1];
	_ =	sdelay $0x3  }
0x36: {  	p1 =	seq.s32 s10, $0x1;
	s10 =	sld [smem:$0x3FB2];
	_ =	sdelay $0x3  }
0x37: {  	[smem:$0x3FB2] =	sst s10  }
0x38: {  	s10 =	sld [smem:$0x3FB3]  }
0x39: {  	_ = 	snop;
	(pc) =	sbr.ind lr, $3  }
0x3a: {  	_ = 	snop  }
0x3b: {  	_ = 	snop  }
0x3c: {  	p2 =	seq.s32 s10, $0x1;
	s10 =	sld [smem:$0x3FB2]  }
0x3d: {  	_ =	shalt  }
0x3e: {  	_ =	shalt  }
0x3f: {  	_ =	shalt  }
0x40: {  	_ =	shalt  }
0x41: {  	_ =	shalt  }
0x42: {  	_ =	shalt  }
0x43: {  	_ =	shalt  }
0x44: {  	_ =	shalt  }
0x45: {  	_ =	shalt  }
0x46: {  	_ =	shalt  }
0x47: {  	_ =	shalt  }
0x48: {  	_ =	shalt  }
0x49: {  	_ =	shalt  }
0x4a: {  	_ =	shalt  }
0x4b: {  	_ =	shalt  }
0x4c: {  	_ =	shalt  }
0x4d: {  	_ =	shalt  }
0x4e: {  	_ =	shalt  }
0x4f: {  	_ =	shalt  }
0x50: {  	_ =	shalt  }
0x51: {  	_ =	shalt  }
0x52: {  	_ =	shalt  }
0x53: {  	_ =	shalt  }
0x54: {  	_ =	shalt  }
0x55: {  	_ =	shalt  }
0x56: {  	_ =	shalt  }
0x57: {  	_ =	shalt  }
0x58: {  	_ =	shalt  }
0x59: {  	_ =	shalt  }
0x5a: {  	_ =	shalt  }
0x5b: {  	_ =	shalt  }
0x5c: {  	_ =	shalt  }
0x5d: {  	_ =	shalt  }
0x5e: {  	_ =	shalt  }
0x5f: {  	_ =	shalt  }
0x60: {  	_ =	shalt  }
0x61: {  	_ =	shalt  }
0x62: {  	_ =	shalt  }
0x63: {  	_ =	shalt  }
0x64: {  	_ =	shalt  }
0x65: {  	_ =	shalt  }
0x66: {  	_ =	shalt  }
0x67: {  	_ =	shalt  }
0x68: {  	_ =	shalt  }
0x69: {  	_ =	shalt  }
0x6a: {  	_ =	shalt  }
0x6b: {  	_ =	shalt  }
0x6c: {  	_ =	shalt  }
0x6d: {  	_ =	shalt  }
0x6e: {  	_ =	shalt  }
0x6f: {  	_ =	shalt  }
0x70: {  	_ =	shalt  }
0x71: {  	_ =	shalt  }
0x72: {  	_ =	shalt  }
0x73: {  	_ =	shalt  }
0x74: {  	_ =	shalt  }
0x75: {  	_ =	shalt  }
0x76: {  	_ =	shalt  }
0x77: {  	_ =	shalt  }
0x78: {  	_ =	shalt  }
0x79: {  	_ =	shalt  }
0x7a: {  	_ =	shalt  }
0x7b: {  	_ =	shalt  }
0x7c: {  	_ =	shalt  }
0x7d: {  	_ =	shalt  }
0x7e: {  	_ =	shalt  }
0x7f: {  	_ =	shalt  }
0x80: {  	_ =	shalt  }
0x81: {  	_ =	shalt  }
0x82: {  	_ =	shalt  }
0x83: {  	_ =	shalt  }
0x84: {  	_ =	shalt  }
0x85: {  	_ =	shalt  }
0x86: {  	_ =	shalt  }
0x87: {  	_ =	shalt  }
.Lfunc_end0:
.L_simem_size_0:
called_computation.1_lowered:
.L_overlay_start_0:
0x88: {  	s2 =	sld [smem:$0x3FD9]  }
0x89: {  	s3 =	sld [smem:$0x3FFE];
	_ =	sdelay $0x1  }
0x8a: {  	s1 =	srdreg.scid  }
0x8b: {  	s0 =	sand.u32 $0x1, s1  }
0x8c: {  	s17 =	sshll.u32 s0, $0xA;
	s2 =	sadd.s32 s3, s2  }
0x8d: {  	s2 =	sadd.s32 s2, s17  }
0x8e: {  	[smem:$0x3FBE] =	sst s2  }
0x8f: {  	_ = 	snop  }
0x90: {  	s2 =	sld [smem:$0x3FD0];
	(tm) =	ssettm $0x1  }
0x91: {  	s18 =	sld [smem:$0x3FFB];
	_ =	sdelay $0x3  }
0x92: {  	_ =	strace s18  }
0x93: {  	s3 =	sld [smem:$0x3FFC];
	_ =	sdelay $0x3  }
0x94: {  	_ =	strace s3  }
0x95: {  	s3 =	sld [smem:$0x3FFD];
	_ =	sdelay $0x3  }
0x96: {  	_ =	strace s3  }
0x97: {  	_ =	strace $0x8FFFFFFF  }
0x98: {  	s19 =	sld [smem:$0x3FDB];
	_ =	sdelay $0x1  }
0x99: {  	s4 =	simm.s32 $_scs_section_size  }
0x9a: {  	s5 =	simm.s32 $_size__tile_overlayer_lowered;
	s6 =	simm.s32 $_tile_overlayer_lowered  }
0x9b: {  	s22 =	simm.s32 $0x1BFF;
	s21 =	sshll.u32 s6, $0x1;
	s3 =	sadd.s32 s4, s19  }
0x9c: {  	s7 =	simm.s32 $0x0;
	s20 =	sshll.u32 s5, $0x1;
	s5 =	sadd.s32 s21, s3  }
0x9d: {  	[timem:s7], [sflag:s22] =	dma.local [hbm:s5], s20  }
0x9e: {  	_ =	swait.ge [sflag:s22], s20  }
0x9f: {  	s4 =	ssub.s32 $0x0, s20;
	[sflag:s22] =	ssyncset.done $0x0  }
0xa0: {  	[sflag:s22] =	ssyncadd.s32 s4;
	_ =	sdelay $0x1  }
0xa1: {  	s23 =	simm.s32 $0x1B8B  }
0xa2: {  	_ =	swait.ge [sflag:s23], $0x1  }
0xa3: {  	[sflag:s23] =	ssyncset.done $0x0  }
0xa4: {  	s25 =	simm.s32 $0x1B8E;
	s24 =	sld [smem:$0x3FFE];
	[sflag:s23] =	ssyncadd.s32 $0xFFFFFFFF  }
0xa5: {  	s26 =	simm.s32 $execute0_lowered;
	[smem:$0x3FD2] =	sst s25  }
0xa6: {  	s5 =	sshll.u32 s26, $0x1;
	_ =	strace $0x80000049;
	[dreg:$0x1] =	wrdreg $0xFFFFFFFF  }
0xa7: {  	s28 =	simm.s32 $_size_execute0_lowered;
	s3 =	sadd.s32 s3, s5;
	[dreg:$0x0] =	wrdreg $0x0  }
0xa8: {  	s5 =	sshll.u32 s28, $0x1;
	[dreg:$0x2] =	wrdreg s3  }
0xa9: {  	[dreg:$0x3] =	wrdreg s5  }
0xaa: {  	[dreg:$0x4] =	wrdreg $0xC0  }
0xab: {  	_ =	task [dreg:s7], $0x5FFFF  }
0xac: {  	[dreg:$0x1] =	wrdreg $0xFFFFFFFF  }
0xad: {  	[dreg:$0x0] =	wrdreg $0x60  }
0xae: {  	[dreg:$0x2] =	wrdreg s2  }
0xaf: {  	[dreg:$0x3] =	wrdreg s24  }
0xb0: {  	[dreg:$0x4] =	wrdreg $0xA8000  }
0xb1: {  	[dreg:$0x5] =	wrdreg $0x9  }
0xb2: {  	_ =	task.clear_ibuf [dreg:s7], $0x6FFFF;
	_ =	strace $0x90000049  }
0xb3: {  	s29 =	simm.s32 $0x9;
	_ =	strace $0x8000004B  }
0xb4: {  	_ =	swait.ge [sflag:s29], $0x1  }
0xb5: {  	[sflag:s29] =	ssyncadd.s32 $0xFFFFFFFF  }
0xb6: {  	_ =	strace $0x9000004B  }
0xb7: {  	_ =	sfence  }
0xb8: {  	s30 =	sld [smem:$0x0];
	_ =	sdelay $0x2  }
0xb9: {  	s31 =	sshll.u32 s1, $0xD;
	s1 =	sshrl.u32 s1, $0x2  }
0xba: {  	s3 =	sand.u32 $0x4000, s31;
	s1 =	sadd.s32 s1, s30  }
0xbb: {  	s0 =	sor.u32 s3, s0;
	s1 =	sshll.u32 s1, $0x11  }
0xbc: {  	s0 =	sor.u32 s1, s0  }
0xbd: {  	s0 =	sadd.s32 $0x8F2B, s0  }
0xbe: {  	[sflag:s0] =	ssyncadd.remote.s32 $0x1  }
0xbf: {  	_ =	sfence.sel $0xFFFF  }
0xc0: {  	[dreg:$0x0] =	wrdreg $0xFFFFFFFF;
	(pc) =	sbr.abs _section_cstart, $3  }
0xc1: {  	[dreg:$0x1] =	wrdreg $0xFFFFFFFF  }
0xc2: {  	_ =	task.clear_ibuf [dreg:s7], $0x2FFFF;
	_ =	strace $0x9FFFFFFF  }
0xc3: {  	(tm) =	ssettm $0x7FFFFFFF  }
tec
execute0_lowered:
.L_overlay_start_1:
0x0: {  	(tag) =	ssettag $0x1  }
0x1: {  	s0 =	rddreg [dreg:$0x0]  }
0x2: {  	s1 =	rddreg [dreg:$0x1]  }
0x3: {  	s2 =	srdreg.scid;
	s10 =	stileid.u32  }
0x4: {  	s3 =	rddreg [dreg:$0x2];
	s2 =	sand.u32 $0x1, s2;
	s6 =	smul.u32 $0x14000, s10  }
0x5: {  	s4 =	simm.s32 $0x0;
	s28 =	simm.s32 $0x6800;
	s5 =	smul.u32 $0x140000, s2  }
0x6: {  	s29 =	simm.s32 $0x180;
	s30 =	simm.s32 $0x8800;
	s8 =	smul.u32 $0x50000, s10  }
0x7: {  	s31 =	simm.s32 $0x1;
	s11 =	simm.s32 $0x2700;
	s6 =	sadd.s32 s6, s5  }
0x8: {  	s8 =	sshrl.u32 s8, $0x2;
	s5 =	sadd.s32 $0x69800, s1;
	s7 =	sshrl.u32 s6, $0x3  }
0x9: {  	s6 =	sadd.s32 $0x55800, s1;
	s1 =	sadd.s32 s7, s1;
	s7 =	sadd.s32 s8, s3  }
0xa: {  	s12 =	simm.s32 $0x2780;
	[smem:$0x7FF] =	sst s4;
	s8 =	sadd.s32 $0x2000, s7  }
0xb: {  	_ =	strace $0x8000004A;
	s19 =	sadd.s32 $0x4000, s7;
	[dreg:$0x4] =	wrdreg s8  }
0xc: {  	s18 =	ssub.s32 $0x2, s2;
	s20 =	sadd.s32 $0x6000, s7;
	[dreg:$0x5] =	wrdreg s19  }
0xd: {  	s2 =	sshll.u32 s2, $0x4;
	s21 =	sadd.s32 $0x8000, s7;
	[dreg:$0x6] =	wrdreg s20  }
0xe: {  	s9 =	sshrl.u32 s18, $0x1;
	s22 =	sadd.s32 $0xA000, s7;
	[dreg:$0x7] =	wrdreg s21  }
0xf: {  	s2 =	sor.u32 s10, s2;
	s23 =	sadd.s32 $0xC000, s7;
	[dreg:$0x8] =	wrdreg s22  }
0x10: {  	s10 =	simm.s32 $0x2680;
	s24 =	sadd.s32 $0xE000, s7;
	[dreg:$0x9] =	wrdreg s23  }
0x11: {  	s9 =	ssub.s32 s18, s9;
	s25 =	sadd.s32 $0x10000, s7;
	[dreg:$0xa] =	wrdreg s24  }
0x12: {  	s17 =	smul.u32 $0x5000, s2;
	s26 =	sadd.s32 $0x12000, s7;
	[dreg:$0xb] =	wrdreg s25  }
0x13: {  	s2 =	simm.s32 $0x3;
	s1 =	sadd.s32 $0x7D800, s1;
	[dreg:$0xc] =	wrdreg s26  }
0x14: {  	[dreg:$0xd] =	wrdreg s1;
	s19 =	smax.u32 s9, $0x1;
	s20 =	simm.s32 $0x2800  }
0x15: {  	s21 =	simm.s32 $0x5;
	s22 =	simm.s32 $0x1400;
	s23 =	simm.s32 $0x40  }
0x16: {  	s24 =	simm.s32 $0x80;
	s25 =	simm.s32 $0x4800;
	s26 =	simm.s32 $0x100  }
0x17: {  	v0 =	vimm.f32 $0.0e+00;
	s1 =	simm.s32 $0x2;
	s8 =	simm.s32 $0x4;
	s9 =	simm.s32 $0x2600  }
.LBB2_1:
0x18: {  	s13 =	simm.s32 $0x0;
	s14 =	simm.s32 $0x200  }
.LBB2_2:
0x19: {  	p0 =	sne.s32 s14, $0x7E00;
	[tilespmem:s13+$0x2870] =	vst v0  }
0x1a: {  	[tilespmem:s13+$0x2800] =	vst v0  }
0x1b: {  	[tilespmem:s13+$0x2810] =	vst v0  }
.Ltmp0:
0x1c: {  	[tilespmem:s13+$0x2820] =	vst v0;
	(pc) =	sbr.rel @p0 .LBB2_2-.Ltmp0, $4  }
0x1d: {  	[tilespmem:s13+$0x2830] =	vst v0  }
0x1e: {  	[tilespmem:s13+$0x2840] =	vst v0  }
0x1f: {  	[tilespmem:s13+$0x2850] =	vst v0  }
0x20: {  	[tilespmem:s13+$0x2860] =	vst v0;
	s13 =	sshra.s32 s14, $0x2;
	s14 =	sadd.s32 $0x200, s14  }
0x21: {  	[tilespmem:s13+$0x2870] =	vst v0  }
0x22: {  	[tilespmem:s13+$0x2800] =	vst v0  }
0x23: {  	[tilespmem:s13+$0x2810] =	vst v0  }
0x24: {  	[tilespmem:s13+$0x2820] =	vst v0  }
0x25: {  	[tilespmem:s13+$0x2830] =	vst v0  }
0x26: {  	[tilespmem:s13+$0x2840] =	vst v0  }
0x27: {  	[tilespmem:s13+$0x2850] =	vst v0  }
0x28: {  	[tilespmem:s13+$0x2860] =	vst v0  }
0x29: {  	[spmem:s7] =	stream.linear.scatter [tilespmem:s20], [sflag:$0x5], $0x2000, $0x38;
	[tilespmem:$0x1E800] =	vst v63  }
0x2a: {  	_ =	swait.ge [sflag:s21], $0x2000  }
0x2b: {  	[sflag:s21] =	ssyncset.done $0x0  }
0x2c: {  	s18 =	rddreg [dreg:$0x4];
	[sflag:s21] =	ssyncadd.s32 $0xFFFFE000  }
0x2d: {  	[spmem:s18] =	stream.linear.scatter [tilespmem:s20], [sflag:$0x5], $0x2000, $0x38;
	[tilespmem:$0x1E800] =	vst v63  }
0x2e: {  	_ =	swait.ge [sflag:s21], $0x2000  }
0x2f: {  	[sflag:s21] =	ssyncset.done $0x0  }
0x30: {  	s14 =	rddreg [dreg:$0x5];
	[sflag:s21] =	ssyncadd.s32 $0xFFFFE000  }
0x31: {  	[spmem:s14] =	stream.linear.scatter [tilespmem:s20], [sflag:$0x5], $0x2000, $0x38;
	[tilespmem:$0x1E800] =	vst v63  }
0x32: {  	_ =	swait.ge [sflag:s21], $0x2000  }
0x33: {  	[sflag:s21] =	ssyncset.done $0x0  }
0x34: {  	s15 =	rddreg [dreg:$0x6];
	[sflag:s21] =	ssyncadd.s32 $0xFFFFE000  }
0x35: {  	[spmem:s15] =	stream.linear.scatter [tilespmem:s20], [sflag:$0x5], $0x2000, $0x38;
	[tilespmem:$0x1E800] =	vst v63  }
0x36: {  	_ =	swait.ge [sflag:s21], $0x2000  }
0x37: {  	[sflag:s21] =	ssyncset.done $0x0  }
0x38: {  	s16 =	rddreg [dreg:$0x7];
	[sflag:s21] =	ssyncadd.s32 $0xFFFFE000  }
0x39: {  	[spmem:s16] =	stream.linear.scatter [tilespmem:s20], [sflag:$0x5], $0x2000, $0x38;
	[tilespmem:$0x1E800] =	vst v63  }
0x3a: {  	_ =	swait.ge [sflag:s21], $0x2000  }
0x3b: {  	[sflag:s21] =	ssyncset.done $0x0  }
0x3c: {  	s18 =	rddreg [dreg:$0x8];
	[sflag:s21] =	ssyncadd.s32 $0xFFFFE000  }
0x3d: {  	[spmem:s18] =	stream.linear.scatter [tilespmem:s20], [sflag:$0x5], $0x2000, $0x38;
	[tilespmem:$0x1E800] =	vst v63  }
0x3e: {  	_ =	swait.ge [sflag:s21], $0x2000  }
0x3f: {  	[sflag:s21] =	ssyncset.done $0x0  }
0x40: {  	s14 =	rddreg [dreg:$0x9];
	[sflag:s21] =	ssyncadd.s32 $0xFFFFE000  }
0x41: {  	[spmem:s14] =	stream.linear.scatter [tilespmem:s20], [sflag:$0x5], $0x2000, $0x38;
	[tilespmem:$0x1E800] =	vst v63  }
0x42: {  	_ =	swait.ge [sflag:s21], $0x2000  }
0x43: {  	[sflag:s21] =	ssyncset.done $0x0  }
0x44: {  	s15 =	rddreg [dreg:$0xa];
	[sflag:s21] =	ssyncadd.s32 $0xFFFFE000  }
0x45: {  	[spmem:s15] =	stream.linear.scatter [tilespmem:s20], [sflag:$0x5], $0x2000, $0x38;
	[tilespmem:$0x1E800] =	vst v63  }
0x46: {  	_ =	swait.ge [sflag:s21], $0x2000  }
0x47: {  	[sflag:s21] =	ssyncset.done $0x0  }
0x48: {  	s16 =	rddreg [dreg:$0xb];
	[sflag:s21] =	ssyncadd.s32 $0xFFFFE000  }
0x49: {  	[spmem:s16] =	stream.linear.scatter [tilespmem:s20], [sflag:$0x5], $0x2000, $0x38;
	[tilespmem:$0x1E800] =	vst v63  }
0x4a: {  	_ =	swait.ge [sflag:s21], $0x2000  }
0x4b: {  	[sflag:s21] =	ssyncset.done $0x0  }
0x4c: {  	s18 =	rddreg [dreg:$0xc];
	[sflag:s21] =	ssyncadd.s32 $0xFFFFE000  }
0x4d: {  	[spmem:s18] =	stream.linear.scatter [tilespmem:s20], [sflag:$0x5], $0x2000, $0x38;
	[tilespmem:$0x1E800] =	vst v63  }
0x4e: {  	_ =	swait.ge [sflag:s21], $0x2000  }
0x4f: {  	[sflag:s21] =	ssyncset.done $0x0  }
0x50: {  	[sflag:s21] =	ssyncadd.s32 $0xFFFFE000  }
0x51: {  	s13 =	simm.s32 $0x0;
	s14 =	simm.s32 $0x0;
	[bflag:$0x0] =	sbarrier.arrive $0xFFFF  }
.LBB2_4:
0x52: {  	s15 =	smul.u32 $0x1400, s14;
	_ =	sdelay $0x1  }
0x53: {  	s15 =	sadd.s32 s17, s15  }
0x54: {  	s15 =	sshrl.u32 s15, $0x3  }
0x55: {  	s16 =	sadd.s32 s5, s15  }
0x56: {  	[tilespmem:s13], [sflag:$0x5] =	stream.linear.gather [hbm4b:s16+s13], $0x1400, $0x38;
	[tilespmem:$0x1E800] =	vst v63  }
0x57: {  	_ =	swait.ge [sflag:s21], $0x1400  }
0x58: {  	[sflag:s21] =	ssyncset.done $0x0  }
0x59: {  	s15 =	sadd.s32 s6, s15;
	[sflag:s21] =	ssyncadd.s32 $0xFFFFEC00  }
0x5a: {  	[tilespmem:s22], [sflag:$0x5] =	stream.linear.gather [hbm4b:s15+s13], $0x1400, $0x38;
	[tilespmem:$0x1E800] =	vst v63  }
0x5b: {  	_ =	swait.ge [sflag:s21], $0x1400  }
0x5c: {  	[sflag:s21] =	ssyncset.done $0x0  }
0x5d: {  	[sflag:s21] =	ssyncadd.s32 $0xFFFFEC00  }
0x5e: {  	[tilespmem:s20], [sflag:$0x1] =	stream.indirect.gather [hbm4b:s0+s23], $0x80, s13, s23, $0xb8;
	[tilespmem:$0x1E800] =	vst v63  }
0x5f: {  	_ = 	snop  }
0x60: {  	[tilespmem:s25], [sflag:$0x2] =	stream.indirect.gather [hbm4b:s0+s23], $0x80, s24, s23, $0xb8;
	[tilespmem:$0x1E800] =	vst v63  }
0x61: {  	_ = 	snop  }
0x62: {  	[tilespmem:s28], [sflag:$0x3] =	stream.indirect.gather [hbm4b:s0+s23], $0x80, s26, s23, $0xb8;
	[tilespmem:$0x1E800] =	vst v63  }
0x63: {  	_ = 	snop  }
0x64: {  	[tilespmem:s30], [sflag:$0x4] =	stream.indirect.gather [hbm4b:s0+s23], $0x80, s29, s23, $0xb8;
	[tilespmem:$0x1E800] =	vst v63  }
0x65: {  	_ =	swait.ge [sflag:s31], $0x2000  }
0x66: {  	[sflag:s31] =	ssyncset.done $0x0  }
0x67: {  	s18 =	simm.s32 $0x1400;
	[sflag:s31] =	ssyncadd.s32 $0xFFFFE000  }
0x68: {  	[spmem:s3] =	stream.indirect.scatter.add.f32 [tilespmem:s20], [sflag:$0x5], $0x80, s18, s23, $0xb8;
	[tilespmem:$0x1E800] =	vst v63  }
0x69: {  	_ =	swait.ge [sflag:s21], $0x2000  }
0x6a: {  	[sflag:s21] =	ssyncset.done $0x0  }
0x6b: {  	s16 =	simm.s32 $0x200;
	[sflag:s21] =	ssyncadd.s32 $0xFFFFE000  }
0x6c: {  	[tilespmem:s20], [sflag:$0x1] =	stream.indirect.gather [hbm4b:s0+s23], $0x80, s16, s23, $0xb8;
	[tilespmem:$0x1E800] =	vst v63  }
0x6d: {  	_ =	swait.ge [sflag:s1], $0x2000  }
0x6e: {  	[sflag:s1] =	ssyncset.done $0x0  }
0x6f: {  	s18 =	simm.s32 $0x1480;
	[sflag:s1] =	ssyncadd.s32 $0xFFFFE000  }
0x70: {  	[spmem:s3] =	stream.indirect.scatter.add.f32 [tilespmem:s25], [sflag:$0x5], $0x80, s18, s23, $0xb8;
	[tilespmem:$0x1E800] =	vst v63  }
0x71: {  	_ =	swait.ge [sflag:s21], $0x2000  }
0x72: {  	[sflag:s21] =	ssyncset.done $0x0  }
0x73: {  	s16 =	simm.s32 $0x280;
	[sflag:s21] =	ssyncadd.s32 $0xFFFFE000  }
0x74: {  	[tilespmem:s25], [sflag:$0x2] =	stream.indirect.gather [hbm4b:s0+s23], $0x80, s16, s23, $0xb8;
	[tilespmem:$0x1E800] =	vst v63  }
0x75: {  	_ =	swait.ge [sflag:s2], $0x2000  }
0x76: {  	[sflag:s2] =	ssyncset.done $0x0  }
0x77: {  	s18 =	simm.s32 $0x1500;
	[sflag:s2] =	ssyncadd.s32 $0xFFFFE000  }
0x78: {  	[spmem:s3] =	stream.indirect.scatter.add.f32 [tilespmem:s28], [sflag:$0x5], $0x80, s18, s23, $0xb8;
	[tilespmem:$0x1E800] =	vst v63  }
0x79: {  	_ =	swait.ge [sflag:s21], $0x2000  }
0x7a: {  	[sflag:s21] =	ssyncset.done $0x0  }
0x7b: {  	s16 =	simm.s32 $0x300;
	[sflag:s21] =	ssyncadd.s32 $0xFFFFE000  }
0x7c: {  	[tilespmem:s28], [sflag:$0x3] =	stream.indirect.gather [hbm4b:s0+s23], $0x80, s16, s23, $0xb8;
	[tilespmem:$0x1E800] =	vst v63  }
0x7d: {  	_ =	swait.ge [sflag:s8], $0x2000  }
0x7e: {  	[sflag:s8] =	ssyncset.done $0x0  }
0x7f: {  	s18 =	simm.s32 $0x1580;
	[sflag:s8] =	ssyncadd.s32 $0xFFFFE000  }
0x80: {  	[spmem:s3] =	stream.indirect.scatter.add.f32 [tilespmem:s30], [sflag:$0x5], $0x80, s18, s23, $0xb8;
	[tilespmem:$0x1E800] =	vst v63  }
0x81: {  	_ =	swait.ge [sflag:s21], $0x2000  }
0x82: {  	[sflag:s21] =	ssyncset.done $0x0  }
0x83: {  	s15 =	simm.s32 $0x800;
	s16 =	simm.s32 $0x380;
	[sflag:s21] =	ssyncadd.s32 $0xFFFFE000  }
.LBB2_5:
0x84: {  	[tilespmem:s30], [sflag:$0x4] =	stream.indirect.gather [hbm4b:s0+s23], $0x80, s16, s23, $0xb8;
	[tilespmem:$0x1E800] =	vst v63  }
0x85: {  	s16 =	smov.u32 s15  }
0x86: {  	p0 =	sne.s32 s15, $0x4000;
	s15 =	sadd.s32 $0x800, s15;
	_ =	swait.ge [sflag:s31], $0x2000  }
0x87: {  	s16 =	sshra.s32 s16, $0x2;
	[sflag:s31] =	ssyncset.done $0x0  }
0x88: {  	s18 =	sadd.s32 $0x1400, s16;
	[sflag:s31] =	ssyncadd.s32 $0xFFFFE000  }
0x89: {  	[spmem:s3] =	stream.indirect.scatter.add.f32 [tilespmem:s20], [sflag:$0x5], $0x80, s18, s23, $0xb8;
	[tilespmem:$0x1E800] =	vst v63  }
0x8a: {  	_ =	swait.ge [sflag:s21], $0x2000  }
0x8b: {  	[sflag:s21] =	ssyncset.done $0x0  }
0x8c: {  	s18 =	sadd.s32 $0x200, s16;
	[sflag:s21] =	ssyncadd.s32 $0xFFFFE000  }
0x8d: {  	[tilespmem:s20], [sflag:$0x1] =	stream.indirect.gather [hbm4b:s0+s23], $0x80, s18, s23, $0xb8;
	[tilespmem:$0x1E800] =	vst v63  }
0x8e: {  	_ =	swait.ge [sflag:s1], $0x2000  }
0x8f: {  	[sflag:s1] =	ssyncset.done $0x0  }
0x90: {  	s18 =	sadd.s32 $0x1480, s16;
	[sflag:s1] =	ssyncadd.s32 $0xFFFFE000  }
0x91: {  	[spmem:s3] =	stream.indirect.scatter.add.f32 [tilespmem:s25], [sflag:$0x5], $0x80, s18, s23, $0xb8;
	[tilespmem:$0x1E800] =	vst v63  }
0x92: {  	_ =	swait.ge [sflag:s21], $0x2000  }
0x93: {  	[sflag:s21] =	ssyncset.done $0x0  }
0x94: {  	s18 =	sadd.s32 $0x280, s16;
	[sflag:s21] =	ssyncadd.s32 $0xFFFFE000  }
0x95: {  	[tilespmem:s25], [sflag:$0x2] =	stream.indirect.gather [hbm4b:s0+s23], $0x80, s18, s23, $0xb8;
	[tilespmem:$0x1E800] =	vst v63  }
0x96: {  	_ =	swait.ge [sflag:s2], $0x2000  }
0x97: {  	[sflag:s2] =	ssyncset.done $0x0  }
0x98: {  	s18 =	sadd.s32 $0x1500, s16;
	[sflag:s2] =	ssyncadd.s32 $0xFFFFE000  }
0x99: {  	[spmem:s3] =	stream.indirect.scatter.add.f32 [tilespmem:s28], [sflag:$0x5], $0x80, s18, s23, $0xb8;
	[tilespmem:$0x1E800] =	vst v63  }
0x9a: {  	_ =	swait.ge [sflag:s21], $0x2000  }
0x9b: {  	[sflag:s21] =	ssyncset.done $0x0  }
0x9c: {  	s18 =	sadd.s32 $0x300, s16;
	[sflag:s21] =	ssyncadd.s32 $0xFFFFE000  }
0x9d: {  	[tilespmem:s28], [sflag:$0x3] =	stream.indirect.gather [hbm4b:s0+s23], $0x80, s18, s23, $0xb8;
	[tilespmem:$0x1E800] =	vst v63  }
0x9e: {  	_ =	swait.ge [sflag:s8], $0x2000  }
0x9f: {  	[sflag:s8] =	ssyncset.done $0x0  }
.Ltmp1:
0xa0: {  	s18 =	sadd.s32 $0x1580, s16;
	[sflag:s8] =	ssyncadd.s32 $0xFFFFE000;
	(pc) =	sbr.rel @p0 .LBB2_5-.Ltmp1, $4  }
0xa1: {  	[spmem:s3] =	stream.indirect.scatter.add.f32 [tilespmem:s30], [sflag:$0x5], $0x80, s18, s23, $0xb8;
	[tilespmem:$0x1E800] =	vst v63  }
0xa2: {  	_ =	swait.ge [sflag:s21], $0x2000  }
0xa3: {  	[sflag:s21] =	ssyncset.done $0x0  }
0xa4: {  	s16 =	sadd.s32 $0x380, s16;
	[sflag:s21] =	ssyncadd.s32 $0xFFFFE000  }
0xa5: {  	[tilespmem:s30], [sflag:$0x4] =	stream.indirect.gather [hbm4b:s0+s23], $0x80, s16, s23, $0xb8;
	[tilespmem:$0x1E800] =	vst v63  }
0xa6: {  	_ =	swait.ge [sflag:s31], $0x2000  }
0xa7: {  	[sflag:s31] =	ssyncset.done $0x0  }
0xa8: {  	[sflag:s31] =	ssyncadd.s32 $0xFFFFE000  }
0xa9: {  	[spmem:s3] =	stream.indirect.scatter.add.f32 [tilespmem:s20], [sflag:$0x5], $0x80, s9, s23, $0xb8;
	[tilespmem:$0x1E800] =	vst v63  }
0xaa: {  	_ =	swait.ge [sflag:s21], $0x2000  }
0xab: {  	[sflag:s21] =	ssyncset.done $0x0  }
0xac: {  	[sflag:s21] =	ssyncadd.s32 $0xFFFFE000  }
0xad: {  	_ =	swait.ge [sflag:s1], $0x2000  }
0xae: {  	[sflag:s1] =	ssyncset.done $0x0  }
0xaf: {  	[sflag:s1] =	ssyncadd.s32 $0xFFFFE000  }
0xb0: {  	[spmem:s3] =	stream.indirect.scatter.add.f32 [tilespmem:s25], [sflag:$0x5], $0x80, s10, s23, $0xb8;
	[tilespmem:$0x1E800] =	vst v63  }
0xb1: {  	_ =	swait.ge [sflag:s21], $0x2000  }
0xb2: {  	[sflag:s21] =	ssyncset.done $0x0  }
0xb3: {  	[sflag:s21] =	ssyncadd.s32 $0xFFFFE000  }
0xb4: {  	_ =	swait.ge [sflag:s2], $0x2000  }
0xb5: {  	[sflag:s2] =	ssyncset.done $0x0  }
0xb6: {  	[sflag:s2] =	ssyncadd.s32 $0xFFFFE000  }
0xb7: {  	[spmem:s3] =	stream.indirect.scatter.add.f32 [tilespmem:s28], [sflag:$0x5], $0x80, s11, s23, $0xb8;
	[tilespmem:$0x1E800] =	vst v63  }
0xb8: {  	_ =	swait.ge [sflag:s21], $0x2000  }
0xb9: {  	[sflag:s21] =	ssyncset.done $0x0  }
0xba: {  	[sflag:s21] =	ssyncadd.s32 $0xFFFFE000  }
0xbb: {  	s14 =	sadd.s32 $0x1, s14;
	_ =	swait.ge [sflag:s8], $0x2000  }
0xbc: {  	p0 =	sne.s32 s14, $0x4;
	[sflag:s8] =	ssyncset.done $0x0  }
.Ltmp2:
0xbd: {  	[sflag:s8] =	ssyncadd.s32 $0xFFFFE000;
	(pc) =	sbr.rel @p0 .LBB2_4-.Ltmp2, $4  }
0xbe: {  	[spmem:s3] =	stream.indirect.scatter.add.f32 [tilespmem:s30], [sflag:$0x5], $0x80, s12, s23, $0xb8;
	[tilespmem:$0x1E800] =	vst v63  }
0xbf: {  	_ =	swait.ge [sflag:s21], $0x2000  }
0xc0: {  	[sflag:s21] =	ssyncset.done $0x0  }
0xc1: {  	[sflag:s21] =	ssyncadd.s32 $0xFFFFE000  }
0xc2: {  	s13 =	stileid.u32;
	[bflag:$0x0] =	sbarrier.arrive $0xFFFF;
	s4 =	sadd.s32 $0x1, s4  }
0xc3: {  	s14 =	sshrl.u32 s7, $0x3;
	s13 =	sshll.u32 s13, $0x6;
	p0 =	sne.s32 s4, s19  }
.Ltmp3:
0xc4: {  	s15 =	rddreg [dreg:$0xd];
	s13 =	sor.u32 $0x1C05, s13;
	(pc) =	sbr.rel @p0 .LBB2_1-.Ltmp3, $4  }
0xc5: {  	[hbm:s15], [sflag:s13] =	dma.local [spmem:s14], $0x2800  }
0xc6: {  	_ =	swait.ge [sflag:s21], $0x2800  }
0xc7: {  	[sflag:s21] =	ssyncset.done $0x0  }
0xc8: {  	[sflag:s21] =	ssyncadd.s32 $0xFFFFD800  }
0xc9: {  	_ =	sfence.sel $0x180000  }
0xca: {  	[bflag:$0x0] =	sbarrier.arrive $0xFFFF  }
0xcb: {  	_ =	strace $0x9000004A  }
0xcc: {  	s0 =	stileid.u32;
	[bflag:$0x2] =	sbarrier.arrive $0xFFFF  }
0xcd: {  	p0 =	sne.s32 s0, $0x0;
	s0 =	rddreg [dreg:$0x3]  }
0xce: {  	s0 =	sadd.s32 @!p0 $0x100000, s0  }
0xcf: {  	[sflag:s0] =	ssyncadd.tile.s32 @!p0 $0x1;
	_ =	shalt  }
.Lfunc_end2:
_tile_overlayer_lowered:
.L_overlay_start_2:
0xd0: {  	(tag) =	ssettag $0x2  }
0xd1: {  	s0 =	rddreg [dreg:$0x0];
	s2 =	stileid.u32  }
0xd2: {  	s1 =	rddreg [dreg:$0x1];
	p0 =	sne.s32 s2, $0x0  }
0xd3: {  	s3 =	rddreg [dreg:$0x2];
	[bflag:$0x3] =	sbarrier.arrive $0xFFFF;
	s2 =	simm.s32 @!p0 $0x1C05  }
0xd4: {  	[timem:s3], [sflag:s2] =	dma.local @!p0 [hbm:s0], s1  }
0xd5: {  	s0 =	simm.s32 @!p0 $0x5  }
0xd6: {  	_ =	swait.ge @!p0 [sflag:s0], s1  }
0xd7: {  	s1 =	ssub.s32 @!p0 $0x0, s1;
	[sflag:s0] =	ssyncset.done @!p0 $0x0  }
0xd8: {  	[sflag:s0] =	ssyncadd.s32 @!p0 s1  }
0xd9: {  	[bflag:$0x3] =	sbarrier.arrive $0xFFFF  }
0xda: {  	_ =	shalt  }

// kernel: kernel.19.cloned.1.call-start
scs
__scs_entry_jumppad:
0x0: {  	(pc) =	sbr.rel $0x88, $3  }
0x1: {  	(tag) =	ssettag $0x0;
	lr =	simm.s32 $0x1  }
0x2: {  	[smem:$0x3F97] =	sst lr;
	_ =	strace $0xD0000000  }
0x3: {  	_ = 	snop  }
0x4: {  	_ = 	snop  }
0x5: {  	_ = 	snop  }
0x6: {  	_ = 	snop  }
0x7: {  	_ = 	snop  }
__scs_overlays_trampoline_lowered:
0x8: {  	[smem:$0x3FA6] =	sst s0  }
0x9: {  	[smem:$0x3FA7] =	sst s1  }
0xa: {  	[smem:$0x3FA8] =	sst s2  }
0xb: {  	[smem:$0x3FA9] =	sst s3  }
0xc: {  	[smem:$0x3FAA] =	sst s4  }
0xd: {  	[smem:$0x3FAB] =	sst s5  }
0xe: {  	[smem:$0x3FAC] =	sst s6  }
0xf: {  	[smem:$0x3FAD] =	sst s7  }
0x10: {  	[smem:$0x3FAE] =	sst s8  }
0x11: {  	[smem:$0x3FAF] =	sst s9;
	s0 =	simm.s32 @!p0 $0x0  }
0x12: {  	s1 =	sld [smem:$0x3F95];
	s0 =	simm.s32 @p0 $0x1  }
0x13: {  	[smem:$0x3FB0] =	sst s0;
	s0 =	simm.s32 @!p1 $0x0  }
0x14: {  	s2 =	sld [smem:$0x3F94];
	s0 =	simm.s32 @p1 $0x1  }
0x15: {  	[smem:$0x3FB1] =	sst s0;
	s0 =	simm.s32 @!p2 $0x0  }
0x16: {  	s3 =	sld [smem:$0x3FDB];
	s0 =	simm.s32 @p2 $0x1  }
0x17: {  	s4 =	simm.s32 $0x1BF5;
	[smem:$0x3FB3] =	sst s0  }
0x18: {  	s0 =	sld [smem:$0x3F96];
	_ =	swait.ge [sflag:s4], $0x0  }
0x19: {  	s7 =	sld [smem:$0x3F97]  }
0x1a: {  	s8 =	sadd.s32 $0xFFFFE003, lr  }
0x1b: {  	s9 =	sadd.s32 $0xFFFFFEF7, lr;
	s5 =	simm.s32 $0xFFFFFFFF;
	p2 =	slt.u32 s8, $0xFFFFF086  }
0x1c: {  	p1 =	slt.u32 s9, $0xF7A;
	s5 =	simm.s32 @!p2 $0x0  }
0x1d: {  	s5 =	simm.s32 @p1 $0x1;
	p0 =	seq.s32 s7, s2  }
0x1e: {  	s7 =	smul.u32 @!p0 $0xF7A, s2;
	p2 =	seq.s32 @!p0 s5, $0x0  }
0x1f: {  	s9 =	smul.u32 $0xF7A, s1;
	s8 =	simm.s32 @!p0 $0x1BF5;
	p2 =	por !p2, p0  }
0x20: {  	[sflag:s8] =	ssyncset.s32 @!p0 $0xFFFFF086;
	s6 =	sadd.s32 @!p0 s3, s7;
	s7 =	simm.s32 @!p0 $0x108  }
0x21: {  	s3 =	sadd.s32 s3, s9;
	s6 =	sadd.s32 @!p0 $0x88, s6;
	s7 =	simm.s32 @p2 $0x1082  }
0x22: {  	[simem:s7], [sflag:s8] =	dma.local @!p0 [hbm:s6], $0xF7A  }
0x23: {  	s9 =	sor.u32 $0xD0000000, s2;
	s6 =	simm.s32 $0x108;
	_ =	swait.ge @!p0 [sflag:s8], $0x0  }
0x24: {  	s3 =	sadd.s32 $0x88, s3;
	s6 =	simm.s32 @!p1 $0x1082;
	[sflag:s4] =	ssyncset.s32 $0xFFFFF086  }
0x25: {  	[simem:s6], [sflag:s4] =	dma.local [hbm:s3], $0xF7A  }
0x26: {  	[smem:$0x3F97] =	sst s1;
	(tag) =	ssettag s2;
	_ =	strace s9  }
0x27: {  	s1 =	sld [smem:$0x3FA7]  }
0x28: {  	s2 =	sld [smem:$0x3FA8]  }
0x29: {  	s4 =	sld [smem:$0x3FAA]  }
0x2a: {  	p0 =	seq.s32 s5, $0x0;
	s5 =	sld [smem:$0x3FAB]  }
0x2b: {  	s6 =	sld [smem:$0x3FAC]  }
0x2c: {  	s7 =	sld [smem:$0x3FAD]  }
0x2d: {  	s3 =	simm.s32 $0x108;
	s8 =	sld [smem:$0x3FAE]  }
0x2e: {  	s3 =	simm.s32 @!p0 $0x1082;
	s9 =	sld [smem:$0x3FAF]  }
0x2f: {  	lr =	sadd.s32 s0, s3;
	s0 =	sld [smem:$0x3FA6]  }
0x30: {  	s3 =	sld [smem:$0x3FA9]  }
0x31: {  	[smem:$0x3FB2] =	sst s10  }
0x32: {  	s10 =	sld [smem:$0x3FB0];
	_ =	sdelay $0x3  }
0x33: {  	p0 =	seq.s32 s10, $0x1;
	s10 =	sld [smem:$0x3FB2];
	_ =	sdelay $0x3  }
0x34: {  	[smem:$0x3FB2] =	sst s10  }
0x35: {  	s10 =	sld [smem:$0x3FB1];
	_ =	sdelay $0x3  }
0x36: {  	p1 =	seq.s32 s10, $0x1;
	s10 =	sld [smem:$0x3FB2];
	_ =	sdelay $0x3  }
0x37: {  	[smem:$0x3FB2] =	sst s10  }
0x38: {  	s10 =	sld [smem:$0x3FB3]  }
0x39: {  	_ = 	snop;
	(pc) =	sbr.ind lr, $3  }
0x3a: {  	_ = 	snop  }
0x3b: {  	_ = 	snop  }
0x3c: {  	p2 =	seq.s32 s10, $0x1;
	s10 =	sld [smem:$0x3FB2]  }
0x3d: {  	_ =	shalt  }
0x3e: {  	_ =	shalt  }
0x3f: {  	_ =	shalt  }
0x40: {  	_ =	shalt  }
0x41: {  	_ =	shalt  }
0x42: {  	_ =	shalt  }
0x43: {  	_ =	shalt  }
0x44: {  	_ =	shalt  }
0x45: {  	_ =	shalt  }
0x46: {  	_ =	shalt  }
0x47: {  	_ =	shalt  }
0x48: {  	_ =	shalt  }
0x49: {  	_ =	shalt  }
0x4a: {  	_ =	shalt  }
0x4b: {  	_ =	shalt  }
0x4c: {  	_ =	shalt  }
0x4d: {  	_ =	shalt  }
0x4e: {  	_ =	shalt  }
0x4f: {  	_ =	shalt  }
0x50: {  	_ =	shalt  }
0x51: {  	_ =	shalt  }
0x52: {  	_ =	shalt  }
0x53: {  	_ =	shalt  }
0x54: {  	_ =	shalt  }
0x55: {  	_ =	shalt  }
0x56: {  	_ =	shalt  }
0x57: {  	_ =	shalt  }
0x58: {  	_ =	shalt  }
0x59: {  	_ =	shalt  }
0x5a: {  	_ =	shalt  }
0x5b: {  	_ =	shalt  }
0x5c: {  	_ =	shalt  }
0x5d: {  	_ =	shalt  }
0x5e: {  	_ =	shalt  }
0x5f: {  	_ =	shalt  }
0x60: {  	_ =	shalt  }
0x61: {  	_ =	shalt  }
0x62: {  	_ =	shalt  }
0x63: {  	_ =	shalt  }
0x64: {  	_ =	shalt  }
0x65: {  	_ =	shalt  }
0x66: {  	_ =	shalt  }
0x67: {  	_ =	shalt  }
0x68: {  	_ =	shalt  }
0x69: {  	_ =	shalt  }
0x6a: {  	_ =	shalt  }
0x6b: {  	_ =	shalt  }
0x6c: {  	_ =	shalt  }
0x6d: {  	_ =	shalt  }
0x6e: {  	_ =	shalt  }
0x6f: {  	_ =	shalt  }
0x70: {  	_ =	shalt  }
0x71: {  	_ =	shalt  }
0x72: {  	_ =	shalt  }
0x73: {  	_ =	shalt  }
0x74: {  	_ =	shalt  }
0x75: {  	_ =	shalt  }
0x76: {  	_ =	shalt  }
0x77: {  	_ =	shalt  }
0x78: {  	_ =	shalt  }
0x79: {  	_ =	shalt  }
0x7a: {  	_ =	shalt  }
0x7b: {  	_ =	shalt  }
0x7c: {  	_ =	shalt  }
0x7d: {  	_ =	shalt  }
0x7e: {  	_ =	shalt  }
0x7f: {  	_ =	shalt  }
0x80: {  	_ =	shalt  }
0x81: {  	_ =	shalt  }
0x82: {  	_ =	shalt  }
0x83: {  	_ =	shalt  }
0x84: {  	_ =	shalt  }
0x85: {  	_ =	shalt  }
0x86: {  	_ =	shalt  }
0x87: {  	_ =	shalt  }
.Lfunc_end0:
.L_simem_size_0:
called_computation.2_lowered:
.L_overlay_start_0:
0x88: {  	s2 =	sld [smem:$0x3FD9]  }
0x89: {  	s3 =	sld [smem:$0x3FFE];
	_ =	sdelay $0x1  }
0x8a: {  	s1 =	srdreg.scid  }
0x8b: {  	s0 =	sand.u32 $0x1, s1  }
0x8c: {  	s17 =	sshll.u32 s0, $0xA;
	s2 =	sadd.s32 s3, s2  }
0x8d: {  	s2 =	sadd.s32 s2, s17  }
0x8e: {  	[smem:$0x3FBE] =	sst s2  }
0x8f: {  	_ = 	snop  }
0x90: {  	s2 =	sld [smem:$0x3FD0];
	(tm) =	ssettm $0x1  }
0x91: {  	s18 =	sld [smem:$0x3FFB];
	_ =	sdelay $0x3  }
0x92: {  	_ =	strace s18  }
0x93: {  	s3 =	sld [smem:$0x3FFC];
	_ =	sdelay $0x3  }
0x94: {  	_ =	strace s3  }
0x95: {  	s3 =	sld [smem:$0x3FFD];
	_ =	sdelay $0x3  }
0x96: {  	_ =	strace s3  }
0x97: {  	_ =	strace $0x8FFFFFFF  }
0x98: {  	s19 =	sld [smem:$0x3FDB];
	_ =	sdelay $0x1  }
0x99: {  	s4 =	simm.s32 $_scs_section_size  }
0x9a: {  	s5 =	simm.s32 $_size__tile_overlayer_lowered;
	s6 =	simm.s32 $_tile_overlayer_lowered  }
0x9b: {  	s22 =	simm.s32 $0x1BFF;
	s21 =	sshll.u32 s6, $0x1;
	s3 =	sadd.s32 s4, s19  }
0x9c: {  	s7 =	simm.s32 $0x0;
	s20 =	sshll.u32 s5, $0x1;
	s5 =	sadd.s32 s21, s3  }
0x9d: {  	[timem:s7], [sflag:s22] =	dma.local [hbm:s5], s20  }
0x9e: {  	_ =	swait.ge [sflag:s22], s20  }
0x9f: {  	s4 =	ssub.s32 $0x0, s20;
	[sflag:s22] =	ssyncset.done $0x0  }
0xa0: {  	[sflag:s22] =	ssyncadd.s32 s4;
	_ =	sdelay $0x1  }
0xa1: {  	s23 =	simm.s32 $0x1B8B  }
0xa2: {  	_ =	swait.ge [sflag:s23], $0x1  }
0xa3: {  	[sflag:s23] =	ssyncset.done $0x0  }
0xa4: {  	s25 =	simm.s32 $0x1B8E;
	s24 =	sld [smem:$0x3FFE];
	[sflag:s23] =	ssyncadd.s32 $0xFFFFFFFF  }
0xa5: {  	s26 =	simm.s32 $execute0_lowered;
	[smem:$0x3FD2] =	sst s25  }
0xa6: {  	s5 =	sshll.u32 s26, $0x1;
	_ =	strace $0x8000004C;
	[dreg:$0x1] =	wrdreg $0xFFFFFFFF  }
0xa7: {  	s28 =	simm.s32 $_size_execute0_lowered;
	s3 =	sadd.s32 s3, s5;
	[dreg:$0x0] =	wrdreg $0x0  }
0xa8: {  	s5 =	sshll.u32 s28, $0x1;
	[dreg:$0x2] =	wrdreg s3  }
0xa9: {  	[dreg:$0x3] =	wrdreg s5  }
0xaa: {  	[dreg:$0x4] =	wrdreg $0xC0  }
0xab: {  	_ =	task [dreg:s7], $0x5FFFF  }
0xac: {  	[dreg:$0x1] =	wrdreg $0xFFFFFFFF  }
0xad: {  	[dreg:$0x0] =	wrdreg $0x60  }
0xae: {  	[dreg:$0x2] =	wrdreg s2  }
0xaf: {  	[dreg:$0x3] =	wrdreg s24  }
0xb0: {  	[dreg:$0x4] =	wrdreg $0xA8000  }
0xb1: {  	[dreg:$0x5] =	wrdreg $0x9  }
0xb2: {  	_ =	task.clear_ibuf [dreg:s7], $0x6FFFF;
	_ =	strace $0x9000004C  }
0xb3: {  	s29 =	simm.s32 $0x9;
	_ =	strace $0x8000004E  }
0xb4: {  	_ =	swait.ge [sflag:s29], $0x1  }
0xb5: {  	[sflag:s29] =	ssyncadd.s32 $0xFFFFFFFF  }
0xb6: {  	_ =	strace $0x9000004E  }
0xb7: {  	_ =	sfence  }
0xb8: {  	s30 =	sld [smem:$0x0];
	_ =	sdelay $0x2  }
0xb9: {  	s31 =	sshll.u32 s1, $0xD;
	s1 =	sshrl.u32 s1, $0x2  }
0xba: {  	s3 =	sand.u32 $0x4000, s31;
	s1 =	sadd.s32 s1, s30  }
0xbb: {  	s0 =	sor.u32 s3, s0;
	s1 =	sshll.u32 s1, $0x11  }
0xbc: {  	s0 =	sor.u32 s1, s0  }
0xbd: {  	s0 =	sadd.s32 $0x8F2B, s0  }
0xbe: {  	[sflag:s0] =	ssyncadd.remote.s32 $0x1  }
0xbf: {  	_ =	sfence.sel $0xFFFF  }
0xc0: {  	[dreg:$0x0] =	wrdreg $0xFFFFFFFF;
	(pc) =	sbr.abs _section_cstart, $3  }
0xc1: {  	[dreg:$0x1] =	wrdreg $0xFFFFFFFF  }
0xc2: {  	_ =	task.clear_ibuf [dreg:s7], $0x2FFFF;
	_ =	strace $0x9FFFFFFF  }
0xc3: {  	(tm) =	ssettm $0x7FFFFFFF  }
tec
execute0_lowered:
.L_overlay_start_1:
0x0: {  	(tag) =	ssettag $0x1  }
0x1: {  	s0 =	rddreg [dreg:$0x0]  }
0x2: {  	s1 =	rddreg [dreg:$0x1]  }
0x3: {  	s2 =	srdreg.scid;
	s10 =	stileid.u32  }
0x4: {  	s3 =	rddreg [dreg:$0x2];
	s2 =	sand.u32 $0x1, s2;
	s6 =	smul.u32 $0x14000, s10  }
0x5: {  	s4 =	simm.s32 $0x0;
	s28 =	simm.s32 $0x6800;
	s5 =	smul.u32 $0x140000, s2  }
0x6: {  	s29 =	simm.s32 $0x180;
	s30 =	simm.s32 $0x8800;
	s8 =	smul.u32 $0x50000, s10  }
0x7: {  	s31 =	simm.s32 $0x1;
	s11 =	simm.s32 $0x2700;
	s6 =	sadd.s32 s6, s5  }
0x8: {  	s8 =	sshrl.u32 s8, $0x2;
	s5 =	sadd.s32 $0x69800, s1;
	s7 =	sshrl.u32 s6, $0x3  }
0x9: {  	s6 =	sadd.s32 $0x55800, s1;
	s1 =	sadd.s32 s7, s1;
	s7 =	sadd.s32 s8, s3  }
0xa: {  	s12 =	simm.s32 $0x2780;
	[smem:$0x7FF] =	sst s4;
	s8 =	sadd.s32 $0x2000, s7  }
0xb: {  	_ =	strace $0x8000004D;
	s19 =	sadd.s32 $0x4000, s7;
	[dreg:$0x4] =	wrdreg s8  }
0xc: {  	s18 =	ssub.s32 $0x2, s2;
	s20 =	sadd.s32 $0x6000, s7;
	[dreg:$0x5] =	wrdreg s19  }
0xd: {  	s2 =	sshll.u32 s2, $0x4;
	s21 =	sadd.s32 $0x8000, s7;
	[dreg:$0x6] =	wrdreg s20  }
0xe: {  	s9 =	sshrl.u32 s18, $0x1;
	s22 =	sadd.s32 $0xA000, s7;
	[dreg:$0x7] =	wrdreg s21  }
0xf: {  	s2 =	sor.u32 s10, s2;
	s23 =	sadd.s32 $0xC000, s7;
	[dreg:$0x8] =	wrdreg s22  }
0x10: {  	s10 =	simm.s32 $0x2680;
	s24 =	sadd.s32 $0xE000, s7;
	[dreg:$0x9] =	wrdreg s23  }
0x11: {  	s9 =	ssub.s32 s18, s9;
	s25 =	sadd.s32 $0x10000, s7;
	[dreg:$0xa] =	wrdreg s24  }
0x12: {  	s17 =	smul.u32 $0x5000, s2;
	s26 =	sadd.s32 $0x12000, s7;
	[dreg:$0xb] =	wrdreg s25  }
0x13: {  	s2 =	simm.s32 $0x3;
	s1 =	sadd.s32 $0x7D800, s1;
	[dreg:$0xc] =	wrdreg s26  }
0x14: {  	[dreg:$0xd] =	wrdreg s1;
	s19 =	smax.u32 s9, $0x1;
	s20 =	simm.s32 $0x2800  }
0x15: {  	s21 =	simm.s32 $0x5;
	s22 =	simm.s32 $0x1400;
	s23 =	simm.s32 $0x40  }
0x16: {  	s24 =	simm.s32 $0x80;
	s25 =	simm.s32 $0x4800;
	s26 =	simm.s32 $0x100  }
0x17: {  	v0 =	vimm.f32 $0.0e+00;
	s1 =	simm.s32 $0x2;
	s8 =	simm.s32 $0x4;
	s9 =	simm.s32 $0x2600  }
.LBB2_1:
0x18: {  	s13 =	simm.s32 $0x0;
	s14 =	simm.s32 $0x200  }
.LBB2_2:
0x19: {  	p0 =	sne.s32 s14, $0x7E00;
	[tilespmem:s13+$0x2870] =	vst v0  }
0x1a: {  	[tilespmem:s13+$0x2800] =	vst v0  }
0x1b: {  	[tilespmem:s13+$0x2810] =	vst v0  }
.Ltmp0:
0x1c: {  	[tilespmem:s13+$0x2820] =	vst v0;
	(pc) =	sbr.rel @p0 .LBB2_2-.Ltmp0, $4  }
0x1d: {  	[tilespmem:s13+$0x2830] =	vst v0  }
0x1e: {  	[tilespmem:s13+$0x2840] =	vst v0  }
0x1f: {  	[tilespmem:s13+$0x2850] =	vst v0  }
0x20: {  	[tilespmem:s13+$0x2860] =	vst v0;
	s13 =	sshra.s32 s14, $0x2;
	s14 =	sadd.s32 $0x200, s14  }
0x21: {  	[tilespmem:s13+$0x2870] =	vst v0  }
0x22: {  	[tilespmem:s13+$0x2800] =	vst v0  }
0x23: {  	[tilespmem:s13+$0x2810] =	vst v0  }
0x24: {  	[tilespmem:s13+$0x2820] =	vst v0  }
0x25: {  	[tilespmem:s13+$0x2830] =	vst v0  }
0x26: {  	[tilespmem:s13+$0x2840] =	vst v0  }
0x27: {  	[tilespmem:s13+$0x2850] =	vst v0  }
0x28: {  	[tilespmem:s13+$0x2860] =	vst v0  }
0x29: {  	[spmem:s7] =	stream.linear.scatter [tilespmem:s20], [sflag:$0x5], $0x2000, $0x38;
	[tilespmem:$0x1E800] =	vst v63  }
0x2a: {  	_ =	swait.ge [sflag:s21], $0x2000  }
0x2b: {  	[sflag:s21] =	ssyncset.done $0x0  }
0x2c: {  	s18 =	rddreg [dreg:$0x4];
	[sflag:s21] =	ssyncadd.s32 $0xFFFFE000  }
0x2d: {  	[spmem:s18] =	stream.linear.scatter [tilespmem:s20], [sflag:$0x5], $0x2000, $0x38;
	[tilespmem:$0x1E800] =	vst v63  }
0x2e: {  	_ =	swait.ge [sflag:s21], $0x2000  }
0x2f: {  	[sflag:s21] =	ssyncset.done $0x0  }
0x30: {  	s14 =	rddreg [dreg:$0x5];
	[sflag:s21] =	ssyncadd.s32 $0xFFFFE000  }
0x31: {  	[spmem:s14] =	stream.linear.scatter [tilespmem:s20], [sflag:$0x5], $0x2000, $0x38;
	[tilespmem:$0x1E800] =	vst v63  }
0x32: {  	_ =	swait.ge [sflag:s21], $0x2000  }
0x33: {  	[sflag:s21] =	ssyncset.done $0x0  }
0x34: {  	s15 =	rddreg [dreg:$0x6];
	[sflag:s21] =	ssyncadd.s32 $0xFFFFE000  }
0x35: {  	[spmem:s15] =	stream.linear.scatter [tilespmem:s20], [sflag:$0x5], $0x2000, $0x38;
	[tilespmem:$0x1E800] =	vst v63  }
0x36: {  	_ =	swait.ge [sflag:s21], $0x2000  }
0x37: {  	[sflag:s21] =	ssyncset.done $0x0  }
0x38: {  	s16 =	rddreg [dreg:$0x7];
	[sflag:s21] =	ssyncadd.s32 $0xFFFFE000  }
0x39: {  	[spmem:s16] =	stream.linear.scatter [tilespmem:s20], [sflag:$0x5], $0x2000, $0x38;
	[tilespmem:$0x1E800] =	vst v63  }
0x3a: {  	_ =	swait.ge [sflag:s21], $0x2000  }
0x3b: {  	[sflag:s21] =	ssyncset.done $0x0  }
0x3c: {  	s18 =	rddreg [dreg:$0x8];
	[sflag:s21] =	ssyncadd.s32 $0xFFFFE000  }
0x3d: {  	[spmem:s18] =	stream.linear.scatter [tilespmem:s20], [sflag:$0x5], $0x2000, $0x38;
	[tilespmem:$0x1E800] =	vst v63  }
0x3e: {  	_ =	swait.ge [sflag:s21], $0x2000  }
0x3f: {  	[sflag:s21] =	ssyncset.done $0x0  }
0x40: {  	s14 =	rddreg [dreg:$0x9];
	[sflag:s21] =	ssyncadd.s32 $0xFFFFE000  }
0x41: {  	[spmem:s14] =	stream.linear.scatter [tilespmem:s20], [sflag:$0x5], $0x2000, $0x38;
	[tilespmem:$0x1E800] =	vst v63  }
0x42: {  	_ =	swait.ge [sflag:s21], $0x2000  }
0x43: {  	[sflag:s21] =	ssyncset.done $0x0  }
0x44: {  	s15 =	rddreg [dreg:$0xa];
	[sflag:s21] =	ssyncadd.s32 $0xFFFFE000  }
0x45: {  	[spmem:s15] =	stream.linear.scatter [tilespmem:s20], [sflag:$0x5], $0x2000, $0x38;
	[tilespmem:$0x1E800] =	vst v63  }
0x46: {  	_ =	swait.ge [sflag:s21], $0x2000  }
0x47: {  	[sflag:s21] =	ssyncset.done $0x0  }
0x48: {  	s16 =	rddreg [dreg:$0xb];
	[sflag:s21] =	ssyncadd.s32 $0xFFFFE000  }
0x49: {  	[spmem:s16] =	stream.linear.scatter [tilespmem:s20], [sflag:$0x5], $0x2000, $0x38;
	[tilespmem:$0x1E800] =	vst v63  }
0x4a: {  	_ =	swait.ge [sflag:s21], $0x2000  }
0x4b: {  	[sflag:s21] =	ssyncset.done $0x0  }
0x4c: {  	s18 =	rddreg [dreg:$0xc];
	[sflag:s21] =	ssyncadd.s32 $0xFFFFE000  }
0x4d: {  	[spmem:s18] =	stream.linear.scatter [tilespmem:s20], [sflag:$0x5], $0x2000, $0x38;
	[tilespmem:$0x1E800] =	vst v63  }
0x4e: {  	_ =	swait.ge [sflag:s21], $0x2000  }
0x4f: {  	[sflag:s21] =	ssyncset.done $0x0  }
0x50: {  	[sflag:s21] =	ssyncadd.s32 $0xFFFFE000  }
0x51: {  	s13 =	simm.s32 $0x0;
	s14 =	simm.s32 $0x0;
	[bflag:$0x0] =	sbarrier.arrive $0xFFFF  }
.LBB2_4:
0x52: {  	s15 =	smul.u32 $0x1400, s14;
	_ =	sdelay $0x1  }
0x53: {  	s15 =	sadd.s32 s17, s15  }
0x54: {  	s15 =	sshrl.u32 s15, $0x3  }
0x55: {  	s16 =	sadd.s32 s5, s15  }
0x56: {  	[tilespmem:s13], [sflag:$0x5] =	stream.linear.gather [hbm4b:s16+s13], $0x1400, $0x38;
	[tilespmem:$0x1E800] =	vst v63  }
0x57: {  	_ =	swait.ge [sflag:s21], $0x1400  }
0x58: {  	[sflag:s21] =	ssyncset.done $0x0  }
0x59: {  	s15 =	sadd.s32 s6, s15;
	[sflag:s21] =	ssyncadd.s32 $0xFFFFEC00  }
0x5a: {  	[tilespmem:s22], [sflag:$0x5] =	stream.linear.gather [hbm4b:s15+s13], $0x1400, $0x38;
	[tilespmem:$0x1E800] =	vst v63  }
0x5b: {  	_ =	swait.ge [sflag:s21], $0x1400  }
0x5c: {  	[sflag:s21] =	ssyncset.done $0x0  }
0x5d: {  	[sflag:s21] =	ssyncadd.s32 $0xFFFFEC00  }
0x5e: {  	[tilespmem:s20], [sflag:$0x1] =	stream.indirect.gather [hbm4b:s0+s23], $0x80, s13, s23, $0xb8;
	[tilespmem:$0x1E800] =	vst v63  }
0x5f: {  	_ = 	snop  }
0x60: {  	[tilespmem:s25], [sflag:$0x2] =	stream.indirect.gather [hbm4b:s0+s23], $0x80, s24, s23, $0xb8;
	[tilespmem:$0x1E800] =	vst v63  }
0x61: {  	_ = 	snop  }
0x62: {  	[tilespmem:s28], [sflag:$0x3] =	stream.indirect.gather [hbm4b:s0+s23], $0x80, s26, s23, $0xb8;
	[tilespmem:$0x1E800] =	vst v63  }
0x63: {  	_ = 	snop  }
0x64: {  	[tilespmem:s30], [sflag:$0x4] =	stream.indirect.gather [hbm4b:s0+s23], $0x80, s29, s23, $0xb8;
	[tilespmem:$0x1E800] =	vst v63  }
0x65: {  	_ =	swait.ge [sflag:s31], $0x2000  }
0x66: {  	[sflag:s31] =	ssyncset.done $0x0  }
0x67: {  	s18 =	simm.s32 $0x1400;
	[sflag:s31] =	ssyncadd.s32 $0xFFFFE000  }
0x68: {  	[spmem:s3] =	stream.indirect.scatter.add.f32 [tilespmem:s20], [sflag:$0x5], $0x80, s18, s23, $0xb8;
	[tilespmem:$0x1E800] =	vst v63  }
0x69: {  	_ =	swait.ge [sflag:s21], $0x2000  }
0x6a: {  	[sflag:s21] =	ssyncset.done $0x0  }
0x6b: {  	s16 =	simm.s32 $0x200;
	[sflag:s21] =	ssyncadd.s32 $0xFFFFE000  }
0x6c: {  	[tilespmem:s20], [sflag:$0x1] =	stream.indirect.gather [hbm4b:s0+s23], $0x80, s16, s23, $0xb8;
	[tilespmem:$0x1E800] =	vst v63  }
0x6d: {  	_ =	swait.ge [sflag:s1], $0x2000  }
0x6e: {  	[sflag:s1] =	ssyncset.done $0x0  }
0x6f: {  	s18 =	simm.s32 $0x1480;
	[sflag:s1] =	ssyncadd.s32 $0xFFFFE000  }
0x70: {  	[spmem:s3] =	stream.indirect.scatter.add.f32 [tilespmem:s25], [sflag:$0x5], $0x80, s18, s23, $0xb8;
	[tilespmem:$0x1E800] =	vst v63  }
0x71: {  	_ =	swait.ge [sflag:s21], $0x2000  }
0x72: {  	[sflag:s21] =	ssyncset.done $0x0  }
0x73: {  	s16 =	simm.s32 $0x280;
	[sflag:s21] =	ssyncadd.s32 $0xFFFFE000  }
0x74: {  	[tilespmem:s25], [sflag:$0x2] =	stream.indirect.gather [hbm4b:s0+s23], $0x80, s16, s23, $0xb8;
	[tilespmem:$0x1E800] =	vst v63  }
0x75: {  	_ =	swait.ge [sflag:s2], $0x2000  }
0x76: {  	[sflag:s2] =	ssyncset.done $0x0  }
0x77: {  	s18 =	simm.s32 $0x1500;
	[sflag:s2] =	ssyncadd.s32 $0xFFFFE000  }
0x78: {  	[spmem:s3] =	stream.indirect.scatter.add.f32 [tilespmem:s28], [sflag:$0x5], $0x80, s18, s23, $0xb8;
	[tilespmem:$0x1E800] =	vst v63  }
0x79: {  	_ =	swait.ge [sflag:s21], $0x2000  }
0x7a: {  	[sflag:s21] =	ssyncset.done $0x0  }
0x7b: {  	s16 =	simm.s32 $0x300;
	[sflag:s21] =	ssyncadd.s32 $0xFFFFE000  }
0x7c: {  	[tilespmem:s28], [sflag:$0x3] =	stream.indirect.gather [hbm4b:s0+s23], $0x80, s16, s23, $0xb8;
	[tilespmem:$0x1E800] =	vst v63  }
0x7d: {  	_ =	swait.ge [sflag:s8], $0x2000  }
0x7e: {  	[sflag:s8] =	ssyncset.done $0x0  }
0x7f: {  	s18 =	simm.s32 $0x1580;
	[sflag:s8] =	ssyncadd.s32 $0xFFFFE000  }
0x80: {  	[spmem:s3] =	stream.indirect.scatter.add.f32 [tilespmem:s30], [sflag:$0x5], $0x80, s18, s23, $0xb8;
	[tilespmem:$0x1E800] =	vst v63  }
0x81: {  	_ =	swait.ge [sflag:s21], $0x2000  }
0x82: {  	[sflag:s21] =	ssyncset.done $0x0  }
0x83: {  	s15 =	simm.s32 $0x800;
	s16 =	simm.s32 $0x380;
	[sflag:s21] =	ssyncadd.s32 $0xFFFFE000  }
.LBB2_5:
0x84: {  	[tilespmem:s30], [sflag:$0x4] =	stream.indirect.gather [hbm4b:s0+s23], $0x80, s16, s23, $0xb8;
	[tilespmem:$0x1E800] =	vst v63  }
0x85: {  	s16 =	smov.u32 s15  }
0x86: {  	p0 =	sne.s32 s15, $0x4000;
	s15 =	sadd.s32 $0x800, s15;
	_ =	swait.ge [sflag:s31], $0x2000  }
0x87: {  	s16 =	sshra.s32 s16, $0x2;
	[sflag:s31] =	ssyncset.done $0x0  }
0x88: {  	s18 =	sadd.s32 $0x1400, s16;
	[sflag:s31] =	ssyncadd.s32 $0xFFFFE000  }
0x89: {  	[spmem:s3] =	stream.indirect.scatter.add.f32 [tilespmem:s20], [sflag:$0x5], $0x80, s18, s23, $0xb8;
	[tilespmem:$0x1E800] =	vst v63  }
0x8a: {  	_ =	swait.ge [sflag:s21], $0x2000  }
0x8b: {  	[sflag:s21] =	ssyncset.done $0x0  }
0x8c: {  	s18 =	sadd.s32 $0x200, s16;
	[sflag:s21] =	ssyncadd.s32 $0xFFFFE000  }
0x8d: {  	[tilespmem:s20], [sflag:$0x1] =	stream.indirect.gather [hbm4b:s0+s23], $0x80, s18, s23, $0xb8;
	[tilespmem:$0x1E800] =	vst v63  }
0x8e: {  	_ =	swait.ge [sflag:s1], $0x2000  }
0x8f: {  	[sflag:s1] =	ssyncset.done $0x0  }
0x90: {  	s18 =	sadd.s32 $0x1480, s16;
	[sflag:s1] =	ssyncadd.s32 $0xFFFFE000  }
0x91: {  	[spmem:s3] =	stream.indirect.scatter.add.f32 [tilespmem:s25], [sflag:$0x5], $0x80, s18, s23, $0xb8;
	[tilespmem:$0x1E800] =	vst v63  }
0x92: {  	_ =	swait.ge [sflag:s21], $0x2000  }
0x93: {  	[sflag:s21] =	ssyncset.done $0x0  }
0x94: {  	s18 =	sadd.s32 $0x280, s16;
	[sflag:s21] =	ssyncadd.s32 $0xFFFFE000  }
0x95: {  	[tilespmem:s25], [sflag:$0x2] =	stream.indirect.gather [hbm4b:s0+s23], $0x80, s18, s23, $0xb8;
	[tilespmem:$0x1E800] =	vst v63  }
0x96: {  	_ =	swait.ge [sflag:s2], $0x2000  }
0x97: {  	[sflag:s2] =	ssyncset.done $0x0  }
0x98: {  	s18 =	sadd.s32 $0x1500, s16;
	[sflag:s2] =	ssyncadd.s32 $0xFFFFE000  }
0x99: {  	[spmem:s3] =	stream.indirect.scatter.add.f32 [tilespmem:s28], [sflag:$0x5], $0x80, s18, s23, $0xb8;
	[tilespmem:$0x1E800] =	vst v63  }
0x9a: {  	_ =	swait.ge [sflag:s21], $0x2000  }
0x9b: {  	[sflag:s21] =	ssyncset.done $0x0  }
0x9c: {  	s18 =	sadd.s32 $0x300, s16;
	[sflag:s21] =	ssyncadd.s32 $0xFFFFE000  }
0x9d: {  	[tilespmem:s28], [sflag:$0x3] =	stream.indirect.gather [hbm4b:s0+s23], $0x80, s18, s23, $0xb8;
	[tilespmem:$0x1E800] =	vst v63  }
0x9e: {  	_ =	swait.ge [sflag:s8], $0x2000  }
0x9f: {  	[sflag:s8] =	ssyncset.done $0x0  }
.Ltmp1:
0xa0: {  	s18 =	sadd.s32 $0x1580, s16;
	[sflag:s8] =	ssyncadd.s32 $0xFFFFE000;
	(pc) =	sbr.rel @p0 .LBB2_5-.Ltmp1, $4  }
0xa1: {  	[spmem:s3] =	stream.indirect.scatter.add.f32 [tilespmem:s30], [sflag:$0x5], $0x80, s18, s23, $0xb8;
	[tilespmem:$0x1E800] =	vst v63  }
0xa2: {  	_ =	swait.ge [sflag:s21], $0x2000  }
0xa3: {  	[sflag:s21] =	ssyncset.done $0x0  }
0xa4: {  	s16 =	sadd.s32 $0x380, s16;
	[sflag:s21] =	ssyncadd.s32 $0xFFFFE000  }
0xa5: {  	[tilespmem:s30], [sflag:$0x4] =	stream.indirect.gather [hbm4b:s0+s23], $0x80, s16, s23, $0xb8;
	[tilespmem:$0x1E800] =	vst v63  }
0xa6: {  	_ =	swait.ge [sflag:s31], $0x2000  }
0xa7: {  	[sflag:s31] =	ssyncset.done $0x0  }
0xa8: {  	[sflag:s31] =	ssyncadd.s32 $0xFFFFE000  }
0xa9: {  	[spmem:s3] =	stream.indirect.scatter.add.f32 [tilespmem:s20], [sflag:$0x5], $0x80, s9, s23, $0xb8;
	[tilespmem:$0x1E800] =	vst v63  }
0xaa: {  	_ =	swait.ge [sflag:s21], $0x2000  }
0xab: {  	[sflag:s21] =	ssyncset.done $0x0  }
0xac: {  	[sflag:s21] =	ssyncadd.s32 $0xFFFFE000  }
0xad: {  	_ =	swait.ge [sflag:s1], $0x2000  }
0xae: {  	[sflag:s1] =	ssyncset.done $0x0  }
0xaf: {  	[sflag:s1] =	ssyncadd.s32 $0xFFFFE000  }
0xb0: {  	[spmem:s3] =	stream.indirect.scatter.add.f32 [tilespmem:s25], [sflag:$0x5], $0x80, s10, s23, $0xb8;
	[tilespmem:$0x1E800] =	vst v63  }
0xb1: {  	_ =	swait.ge [sflag:s21], $0x2000  }
0xb2: {  	[sflag:s21] =	ssyncset.done $0x0  }
0xb3: {  	[sflag:s21] =	ssyncadd.s32 $0xFFFFE000  }
0xb4: {  	_ =	swait.ge [sflag:s2], $0x2000  }
0xb5: {  	[sflag:s2] =	ssyncset.done $0x0  }
0xb6: {  	[sflag:s2] =	ssyncadd.s32 $0xFFFFE000  }
0xb7: {  	[spmem:s3] =	stream.indirect.scatter.add.f32 [tilespmem:s28], [sflag:$0x5], $0x80, s11, s23, $0xb8;
	[tilespmem:$0x1E800] =	vst v63  }
0xb8: {  	_ =	swait.ge [sflag:s21], $0x2000  }
0xb9: {  	[sflag:s21] =	ssyncset.done $0x0  }
0xba: {  	[sflag:s21] =	ssyncadd.s32 $0xFFFFE000  }
0xbb: {  	s14 =	sadd.s32 $0x1, s14;
	_ =	swait.ge [sflag:s8], $0x2000  }
0xbc: {  	p0 =	sne.s32 s14, $0x4;
	[sflag:s8] =	ssyncset.done $0x0  }
.Ltmp2:
0xbd: {  	[sflag:s8] =	ssyncadd.s32 $0xFFFFE000;
	(pc) =	sbr.rel @p0 .LBB2_4-.Ltmp2, $4  }
0xbe: {  	[spmem:s3] =	stream.indirect.scatter.add.f32 [tilespmem:s30], [sflag:$0x5], $0x80, s12, s23, $0xb8;
	[tilespmem:$0x1E800] =	vst v63  }
0xbf: {  	_ =	swait.ge [sflag:s21], $0x2000  }
0xc0: {  	[sflag:s21] =	ssyncset.done $0x0  }
0xc1: {  	[sflag:s21] =	ssyncadd.s32 $0xFFFFE000  }
0xc2: {  	s13 =	stileid.u32;
	[bflag:$0x0] =	sbarrier.arrive $0xFFFF;
	s4 =	sadd.s32 $0x1, s4  }
0xc3: {  	s14 =	sshrl.u32 s7, $0x3;
	s13 =	sshll.u32 s13, $0x6;
	p0 =	sne.s32 s4, s19  }
.Ltmp3:
0xc4: {  	s15 =	rddreg [dreg:$0xd];
	s13 =	sor.u32 $0x1C05, s13;
	(pc) =	sbr.rel @p0 .LBB2_1-.Ltmp3, $4  }
0xc5: {  	[hbm:s15], [sflag:s13] =	dma.local [spmem:s14], $0x2800  }
0xc6: {  	_ =	swait.ge [sflag:s21], $0x2800  }
0xc7: {  	[sflag:s21] =	ssyncset.done $0x0  }
0xc8: {  	[sflag:s21] =	ssyncadd.s32 $0xFFFFD800  }
0xc9: {  	_ =	sfence.sel $0x180000  }
0xca: {  	[bflag:$0x0] =	sbarrier.arrive $0xFFFF  }
0xcb: {  	_ =	strace $0x9000004D  }
0xcc: {  	s0 =	stileid.u32;
	[bflag:$0x2] =	sbarrier.arrive $0xFFFF  }
0xcd: {  	p0 =	sne.s32 s0, $0x0;
	s0 =	rddreg [dreg:$0x3]  }
0xce: {  	s0 =	sadd.s32 @!p0 $0x100000, s0  }
0xcf: {  	[sflag:s0] =	ssyncadd.tile.s32 @!p0 $0x1;
	_ =	shalt  }
.Lfunc_end2:
_tile_overlayer_lowered:
.L_overlay_start_2:
0xd0: {  	(tag) =	ssettag $0x2  }
0xd1: {  	s0 =	rddreg [dreg:$0x0];
	s2 =	stileid.u32  }
0xd2: {  	s1 =	rddreg [dreg:$0x1];
	p0 =	sne.s32 s2, $0x0  }
0xd3: {  	s3 =	rddreg [dreg:$0x2];
	[bflag:$0x3] =	sbarrier.arrive $0xFFFF;
	s2 =	simm.s32 @!p0 $0x1C05  }
0xd4: {  	[timem:s3], [sflag:s2] =	dma.local @!p0 [hbm:s0], s1  }
0xd5: {  	s0 =	simm.s32 @!p0 $0x5  }
0xd6: {  	_ =	swait.ge @!p0 [sflag:s0], s1  }
0xd7: {  	s1 =	ssub.s32 @!p0 $0x0, s1;
	[sflag:s0] =	ssyncset.done @!p0 $0x0  }
0xd8: {  	[sflag:s0] =	ssyncadd.s32 @!p0 s1  }
0xd9: {  	[bflag:$0x3] =	sbarrier.arrive $0xFFFF  }
0xda: {  	_ =	shalt  }

// kernel: kernel.22.cloned.1.call-start
scs
__scs_entry_jumppad:
0x0: {  	(pc) =	sbr.rel $0x88, $3  }
0x1: {  	(tag) =	ssettag $0x0;
	lr =	simm.s32 $0x1  }
0x2: {  	[smem:$0x3F97] =	sst lr;
	_ =	strace $0xD0000000  }
0x3: {  	_ = 	snop  }
0x4: {  	_ = 	snop  }
0x5: {  	_ = 	snop  }
0x6: {  	_ = 	snop  }
0x7: {  	_ = 	snop  }
__scs_overlays_trampoline_lowered:
0x8: {  	[smem:$0x3FA6] =	sst s0  }
0x9: {  	[smem:$0x3FA7] =	sst s1  }
0xa: {  	[smem:$0x3FA8] =	sst s2  }
0xb: {  	[smem:$0x3FA9] =	sst s3  }
0xc: {  	[smem:$0x3FAA] =	sst s4  }
0xd: {  	[smem:$0x3FAB] =	sst s5  }
0xe: {  	[smem:$0x3FAC] =	sst s6  }
0xf: {  	[smem:$0x3FAD] =	sst s7  }
0x10: {  	[smem:$0x3FAE] =	sst s8  }
0x11: {  	[smem:$0x3FAF] =	sst s9;
	s0 =	simm.s32 @!p0 $0x0  }
0x12: {  	s1 =	sld [smem:$0x3F95];
	s0 =	simm.s32 @p0 $0x1  }
0x13: {  	[smem:$0x3FB0] =	sst s0;
	s0 =	simm.s32 @!p1 $0x0  }
0x14: {  	s2 =	sld [smem:$0x3F94];
	s0 =	simm.s32 @p1 $0x1  }
0x15: {  	[smem:$0x3FB1] =	sst s0;
	s0 =	simm.s32 @!p2 $0x0  }
0x16: {  	s3 =	sld [smem:$0x3FDB];
	s0 =	simm.s32 @p2 $0x1  }
0x17: {  	s4 =	simm.s32 $0x1BF5;
	[smem:$0x3FB3] =	sst s0  }
0x18: {  	s0 =	sld [smem:$0x3F96];
	_ =	swait.ge [sflag:s4], $0x0  }
0x19: {  	s7 =	sld [smem:$0x3F97]  }
0x1a: {  	s8 =	sadd.s32 $0xFFFFE003, lr  }
0x1b: {  	s9 =	sadd.s32 $0xFFFFFEF7, lr;
	s5 =	simm.s32 $0xFFFFFFFF;
	p2 =	slt.u32 s8, $0xFFFFF086  }
0x1c: {  	p1 =	slt.u32 s9, $0xF7A;
	s5 =	simm.s32 @!p2 $0x0  }
0x1d: {  	s5 =	simm.s32 @p1 $0x1;
	p0 =	seq.s32 s7, s2  }
0x1e: {  	s7 =	smul.u32 @!p0 $0xF7A, s2;
	p2 =	seq.s32 @!p0 s5, $0x0  }
0x1f: {  	s9 =	smul.u32 $0xF7A, s1;
	s8 =	simm.s32 @!p0 $0x1BF5;
	p2 =	por !p2, p0  }
0x20: {  	[sflag:s8] =	ssyncset.s32 @!p0 $0xFFFFF086;
	s6 =	sadd.s32 @!p0 s3, s7;
	s7 =	simm.s32 @!p0 $0x108  }
0x21: {  	s3 =	sadd.s32 s3, s9;
	s6 =	sadd.s32 @!p0 $0x88, s6;
	s7 =	simm.s32 @p2 $0x1082  }
0x22: {  	[simem:s7], [sflag:s8] =	dma.local @!p0 [hbm:s6], $0xF7A  }
0x23: {  	s9 =	sor.u32 $0xD0000000, s2;
	s6 =	simm.s32 $0x108;
	_ =	swait.ge @!p0 [sflag:s8], $0x0  }
0x24: {  	s3 =	sadd.s32 $0x88, s3;
	s6 =	simm.s32 @!p1 $0x1082;
	[sflag:s4] =	ssyncset.s32 $0xFFFFF086  }
0x25: {  	[simem:s6], [sflag:s4] =	dma.local [hbm:s3], $0xF7A  }
0x26: {  	[smem:$0x3F97] =	sst s1;
	(tag) =	ssettag s2;
	_ =	strace s9  }
0x27: {  	s1 =	sld [smem:$0x3FA7]  }
0x28: {  	s2 =	sld [smem:$0x3FA8]  }
0x29: {  	s4 =	sld [smem:$0x3FAA]  }
0x2a: {  	p0 =	seq.s32 s5, $0x0;
	s5 =	sld [smem:$0x3FAB]  }
0x2b: {  	s6 =	sld [smem:$0x3FAC]  }
0x2c: {  	s7 =	sld [smem:$0x3FAD]  }
0x2d: {  	s3 =	simm.s32 $0x108;
	s8 =	sld [smem:$0x3FAE]  }
0x2e: {  	s3 =	simm.s32 @!p0 $0x1082;
	s9 =	sld [smem:$0x3FAF]  }
0x2f: {  	lr =	sadd.s32 s0, s3;
	s0 =	sld [smem:$0x3FA6]  }
0x30: {  	s3 =	sld [smem:$0x3FA9]  }
0x31: {  	[smem:$0x3FB2] =	sst s10  }
0x32: {  	s10 =	sld [smem:$0x3FB0];
	_ =	sdelay $0x3  }
0x33: {  	p0 =	seq.s32 s10, $0x1;
	s10 =	sld [smem:$0x3FB2];
	_ =	sdelay $0x3  }
0x34: {  	[smem:$0x3FB2] =	sst s10  }
0x35: {  	s10 =	sld [smem:$0x3FB1];
	_ =	sdelay $0x3  }
0x36: {  	p1 =	seq.s32 s10, $0x1;
	s10 =	sld [smem:$0x3FB2];
	_ =	sdelay $0x3  }
0x37: {  	[smem:$0x3FB2] =	sst s10  }
0x38: {  	s10 =	sld [smem:$0x3FB3]  }
0x39: {  	_ = 	snop;
	(pc) =	sbr.ind lr, $3  }
0x3a: {  	_ = 	snop  }
0x3b: {  	_ = 	snop  }
0x3c: {  	p2 =	seq.s32 s10, $0x1;
	s10 =	sld [smem:$0x3FB2]  }
0x3d: {  	_ =	shalt  }
0x3e: {  	_ =	shalt  }
0x3f: {  	_ =	shalt  }
0x40: {  	_ =	shalt  }
0x41: {  	_ =	shalt  }
0x42: {  	_ =	shalt  }
0x43: {  	_ =	shalt  }
0x44: {  	_ =	shalt  }
0x45: {  	_ =	shalt  }
0x46: {  	_ =	shalt  }
0x47: {  	_ =	shalt  }
0x48: {  	_ =	shalt  }
0x49: {  	_ =	shalt  }
0x4a: {  	_ =	shalt  }
0x4b: {  	_ =	shalt  }
0x4c: {  	_ =	shalt  }
0x4d: {  	_ =	shalt  }
0x4e: {  	_ =	shalt  }
0x4f: {  	_ =	shalt  }
0x50: {  	_ =	shalt  }
0x51: {  	_ =	shalt  }
0x52: {  	_ =	shalt  }
0x53: {  	_ =	shalt  }
0x54: {  	_ =	shalt  }
0x55: {  	_ =	shalt  }
0x56: {  	_ =	shalt  }
0x57: {  	_ =	shalt  }
0x58: {  	_ =	shalt  }
0x59: {  	_ =	shalt  }
0x5a: {  	_ =	shalt  }
0x5b: {  	_ =	shalt  }
0x5c: {  	_ =	shalt  }
0x5d: {  	_ =	shalt  }
0x5e: {  	_ =	shalt  }
0x5f: {  	_ =	shalt  }
0x60: {  	_ =	shalt  }
0x61: {  	_ =	shalt  }
0x62: {  	_ =	shalt  }
0x63: {  	_ =	shalt  }
0x64: {  	_ =	shalt  }
0x65: {  	_ =	shalt  }
0x66: {  	_ =	shalt  }
0x67: {  	_ =	shalt  }
0x68: {  	_ =	shalt  }
0x69: {  	_ =	shalt  }
0x6a: {  	_ =	shalt  }
0x6b: {  	_ =	shalt  }
0x6c: {  	_ =	shalt  }
0x6d: {  	_ =	shalt  }
0x6e: {  	_ =	shalt  }
0x6f: {  	_ =	shalt  }
0x70: {  	_ =	shalt  }
0x71: {  	_ =	shalt  }
0x72: {  	_ =	shalt  }
0x73: {  	_ =	shalt  }
0x74: {  	_ =	shalt  }
0x75: {  	_ =	shalt  }
0x76: {  	_ =	shalt  }
0x77: {  	_ =	shalt  }
0x78: {  	_ =	shalt  }
0x79: {  	_ =	shalt  }
0x7a: {  	_ =	shalt  }
0x7b: {  	_ =	shalt  }
0x7c: {  	_ =	shalt  }
0x7d: {  	_ =	shalt  }
0x7e: {  	_ =	shalt  }
0x7f: {  	_ =	shalt  }
0x80: {  	_ =	shalt  }
0x81: {  	_ =	shalt  }
0x82: {  	_ =	shalt  }
0x83: {  	_ =	shalt  }
0x84: {  	_ =	shalt  }
0x85: {  	_ =	shalt  }
0x86: {  	_ =	shalt  }
0x87: {  	_ =	shalt  }
.Lfunc_end0:
.L_simem_size_0:
called_computation.3_lowered:
.L_overlay_start_0:
0x88: {  	s2 =	sld [smem:$0x3FD9]  }
0x89: {  	s3 =	sld [smem:$0x3FFE];
	_ =	sdelay $0x1  }
0x8a: {  	s1 =	srdreg.scid  }
0x8b: {  	s0 =	sand.u32 $0x1, s1  }
0x8c: {  	s17 =	sshll.u32 s0, $0xA;
	s2 =	sadd.s32 s3, s2  }
0x8d: {  	s2 =	sadd.s32 s2, s17  }
0x8e: {  	[smem:$0x3FBE] =	sst s2  }
0x8f: {  	_ = 	snop  }
0x90: {  	s2 =	sld [smem:$0x3FD0];
	(tm) =	ssettm $0x1  }
0x91: {  	s18 =	sld [smem:$0x3FFB];
	_ =	sdelay $0x3  }
0x92: {  	_ =	strace s18  }
0x93: {  	s3 =	sld [smem:$0x3FFC];
	_ =	sdelay $0x3  }
0x94: {  	_ =	strace s3  }
0x95: {  	s3 =	sld [smem:$0x3FFD];
	_ =	sdelay $0x3  }
0x96: {  	_ =	strace s3  }
0x97: {  	_ =	strace $0x8FFFFFFF  }
0x98: {  	s19 =	sld [smem:$0x3FDB];
	_ =	sdelay $0x1  }
0x99: {  	s4 =	simm.s32 $_scs_section_size  }
0x9a: {  	s5 =	simm.s32 $_size__tile_overlayer_lowered;
	s6 =	simm.s32 $_tile_overlayer_lowered  }
0x9b: {  	s22 =	simm.s32 $0x1BFF;
	s21 =	sshll.u32 s6, $0x1;
	s3 =	sadd.s32 s4, s19  }
0x9c: {  	s7 =	simm.s32 $0x0;
	s20 =	sshll.u32 s5, $0x1;
	s5 =	sadd.s32 s21, s3  }
0x9d: {  	[timem:s7], [sflag:s22] =	dma.local [hbm:s5], s20  }
0x9e: {  	_ =	swait.ge [sflag:s22], s20  }
0x9f: {  	s4 =	ssub.s32 $0x0, s20;
	[sflag:s22] =	ssyncset.done $0x0  }
0xa0: {  	[sflag:s22] =	ssyncadd.s32 s4;
	_ =	sdelay $0x1  }
0xa1: {  	s23 =	simm.s32 $0x1B8B  }
0xa2: {  	_ =	swait.ge [sflag:s23], $0x1  }
0xa3: {  	[sflag:s23] =	ssyncset.done $0x0  }
0xa4: {  	s25 =	simm.s32 $0x1B8E;
	s24 =	sld [smem:$0x3FFE];
	[sflag:s23] =	ssyncadd.s32 $0xFFFFFFFF  }
0xa5: {  	s26 =	simm.s32 $execute0_lowered;
	[smem:$0x3FD2] =	sst s25  }
0xa6: {  	s5 =	sshll.u32 s26, $0x1;
	_ =	strace $0x8000004F;
	[dreg:$0x1] =	wrdreg $0xFFFFFFFF  }
0xa7: {  	s28 =	simm.s32 $_size_execute0_lowered;
	s3 =	sadd.s32 s3, s5;
	[dreg:$0x0] =	wrdreg $0x0  }
0xa8: {  	s5 =	sshll.u32 s28, $0x1;
	[dreg:$0x2] =	wrdreg s3  }
0xa9: {  	[dreg:$0x3] =	wrdreg s5  }
0xaa: {  	[dreg:$0x4] =	wrdreg $0xC0  }
0xab: {  	_ =	task [dreg:s7], $0x5FFFF  }
0xac: {  	[dreg:$0x1] =	wrdreg $0xFFFFFFFF  }
0xad: {  	[dreg:$0x0] =	wrdreg $0x60  }
0xae: {  	[dreg:$0x2] =	wrdreg s2  }
0xaf: {  	[dreg:$0x3] =	wrdreg s24  }
0xb0: {  	[dreg:$0x4] =	wrdreg $0xA8000  }
0xb1: {  	[dreg:$0x5] =	wrdreg $0x9  }
0xb2: {  	_ =	task.clear_ibuf [dreg:s7], $0x6FFFF;
	_ =	strace $0x9000004F  }
0xb3: {  	s29 =	simm.s32 $0x9;
	_ =	strace $0x80000051  }
0xb4: {  	_ =	swait.ge [sflag:s29], $0x1  }
0xb5: {  	[sflag:s29] =	ssyncadd.s32 $0xFFFFFFFF  }
0xb6: {  	_ =	strace $0x90000051  }
0xb7: {  	_ =	sfence  }
0xb8: {  	s30 =	sld [smem:$0x0];
	_ =	sdelay $0x2  }
0xb9: {  	s31 =	sshll.u32 s1, $0xD;
	s1 =	sshrl.u32 s1, $0x2  }
0xba: {  	s3 =	sand.u32 $0x4000, s31;
	s1 =	sadd.s32 s1, s30  }
0xbb: {  	s0 =	sor.u32 s3, s0;
	s1 =	sshll.u32 s1, $0x11  }
0xbc: {  	s0 =	sor.u32 s1, s0  }
0xbd: {  	s0 =	sadd.s32 $0x8F2B, s0  }
0xbe: {  	[sflag:s0] =	ssyncadd.remote.s32 $0x1  }
0xbf: {  	_ =	sfence.sel $0xFFFF  }
0xc0: {  	[dreg:$0x0] =	wrdreg $0xFFFFFFFF;
	(pc) =	sbr.abs _section_cstart, $3  }
0xc1: {  	[dreg:$0x1] =	wrdreg $0xFFFFFFFF  }
0xc2: {  	_ =	task.clear_ibuf [dreg:s7], $0x2FFFF;
	_ =	strace $0x9FFFFFFF  }
0xc3: {  	(tm) =	ssettm $0x7FFFFFFF  }
tec
execute0_lowered:
.L_overlay_start_1:
0x0: {  	(tag) =	ssettag $0x1  }
0x1: {  	s0 =	rddreg [dreg:$0x0]  }
0x2: {  	s1 =	rddreg [dreg:$0x1]  }
0x3: {  	s2 =	srdreg.scid;
	s10 =	stileid.u32  }
0x4: {  	s3 =	rddreg [dreg:$0x2];
	s2 =	sand.u32 $0x1, s2;
	s6 =	smul.u32 $0x14000, s10  }
0x5: {  	s4 =	simm.s32 $0x0;
	s28 =	simm.s32 $0x6800;
	s5 =	smul.u32 $0x140000, s2  }
0x6: {  	s29 =	simm.s32 $0x180;
	s30 =	simm.s32 $0x8800;
	s8 =	smul.u32 $0x50000, s10  }
0x7: {  	s31 =	simm.s32 $0x1;
	s11 =	simm.s32 $0x2700;
	s6 =	sadd.s32 s6, s5  }
0x8: {  	s8 =	sshrl.u32 s8, $0x2;
	s5 =	sadd.s32 $0x69800, s1;
	s7 =	sshrl.u32 s6, $0x3  }
0x9: {  	s6 =	sadd.s32 $0x55800, s1;
	s1 =	sadd.s32 s7, s1;
	s7 =	sadd.s32 s8, s3  }
0xa: {  	s12 =	simm.s32 $0x2780;
	[smem:$0x7FF] =	sst s4;
	s8 =	sadd.s32 $0x2000, s7  }
0xb: {  	_ =	strace $0x80000050;
	s19 =	sadd.s32 $0x4000, s7;
	[dreg:$0x4] =	wrdreg s8  }
0xc: {  	s18 =	ssub.s32 $0x2, s2;
	s20 =	sadd.s32 $0x6000, s7;
	[dreg:$0x5] =	wrdreg s19  }
0xd: {  	s2 =	sshll.u32 s2, $0x4;
	s21 =	sadd.s32 $0x8000, s7;
	[dreg:$0x6] =	wrdreg s20  }
0xe: {  	s9 =	sshrl.u32 s18, $0x1;
	s22 =	sadd.s32 $0xA000, s7;
	[dreg:$0x7] =	wrdreg s21  }
0xf: {  	s2 =	sor.u32 s10, s2;
	s23 =	sadd.s32 $0xC000, s7;
	[dreg:$0x8] =	wrdreg s22  }
0x10: {  	s10 =	simm.s32 $0x2680;
	s24 =	sadd.s32 $0xE000, s7;
	[dreg:$0x9] =	wrdreg s23  }
0x11: {  	s9 =	ssub.s32 s18, s9;
	s25 =	sadd.s32 $0x10000, s7;
	[dreg:$0xa] =	wrdreg s24  }
0x12: {  	s17 =	smul.u32 $0x5000, s2;
	s26 =	sadd.s32 $0x12000, s7;
	[dreg:$0xb] =	wrdreg s25  }
0x13: {  	s2 =	simm.s32 $0x3;
	s1 =	sadd.s32 $0x7D800, s1;
	[dreg:$0xc] =	wrdreg s26  }
0x14: {  	[dreg:$0xd] =	wrdreg s1;
	s19 =	smax.u32 s9, $0x1;
	s20 =	simm.s32 $0x2800  }
0x15: {  	s21 =	simm.s32 $0x5;
	s22 =	simm.s32 $0x1400;
	s23 =	simm.s32 $0x40  }
0x16: {  	s24 =	simm.s32 $0x80;
	s25 =	simm.s32 $0x4800;
	s26 =	simm.s32 $0x100  }
0x17: {  	v0 =	vimm.f32 $0.0e+00;
	s1 =	simm.s32 $0x2;
	s8 =	simm.s32 $0x4;
	s9 =	simm.s32 $0x2600  }
.LBB2_1:
0x18: {  	s13 =	simm.s32 $0x0;
	s14 =	simm.s32 $0x200  }
.LBB2_2:
0x19: {  	p0 =	sne.s32 s14, $0x7E00;
	[tilespmem:s13+$0x2870] =	vst v0  }
0x1a: {  	[tilespmem:s13+$0x2800] =	vst v0  }
0x1b: {  	[tilespmem:s13+$0x2810] =	vst v0  }
.Ltmp0:
0x1c: {  	[tilespmem:s13+$0x2820] =	vst v0;
	(pc) =	sbr.rel @p0 .LBB2_2-.Ltmp0, $4  }
0x1d: {  	[tilespmem:s13+$0x2830] =	vst v0  }
0x1e: {  	[tilespmem:s13+$0x2840] =	vst v0  }
0x1f: {  	[tilespmem:s13+$0x2850] =	vst v0  }
0x20: {  	[tilespmem:s13+$0x2860] =	vst v0;
	s13 =	sshra.s32 s14, $0x2;
	s14 =	sadd.s32 $0x200, s14  }
0x21: {  	[tilespmem:s13+$0x2870] =	vst v0  }
0x22: {  	[tilespmem:s13+$0x2800] =	vst v0  }
0x23: {  	[tilespmem:s13+$0x2810] =	vst v0  }
0x24: {  	[tilespmem:s13+$0x2820] =	vst v0  }
0x25: {  	[tilespmem:s13+$0x2830] =	vst v0  }
0x26: {  	[tilespmem:s13+$0x2840] =	vst v0  }
0x27: {  	[tilespmem:s13+$0x2850] =	vst v0  }
0x28: {  	[tilespmem:s13+$0x2860] =	vst v0  }
0x29: {  	[spmem:s7] =	stream.linear.scatter [tilespmem:s20], [sflag:$0x5], $0x2000, $0x38;
	[tilespmem:$0x1E800] =	vst v63  }
0x2a: {  	_ =	swait.ge [sflag:s21], $0x2000  }
0x2b: {  	[sflag:s21] =	ssyncset.done $0x0  }
0x2c: {  	s18 =	rddreg [dreg:$0x4];
	[sflag:s21] =	ssyncadd.s32 $0xFFFFE000  }
0x2d: {  	[spmem:s18] =	stream.linear.scatter [tilespmem:s20], [sflag:$0x5], $0x2000, $0x38;
	[tilespmem:$0x1E800] =	vst v63  }
0x2e: {  	_ =	swait.ge [sflag:s21], $0x2000  }
0x2f: {  	[sflag:s21] =	ssyncset.done $0x0  }
0x30: {  	s14 =	rddreg [dreg:$0x5];
	[sflag:s21] =	ssyncadd.s32 $0xFFFFE000  }
0x31: {  	[spmem:s14] =	stream.linear.scatter [tilespmem:s20], [sflag:$0x5], $0x2000, $0x38;
	[tilespmem:$0x1E800] =	vst v63  }
0x32: {  	_ =	swait.ge [sflag:s21], $0x2000  }
0x33: {  	[sflag:s21] =	ssyncset.done $0x0  }
0x34: {  	s15 =	rddreg [dreg:$0x6];
	[sflag:s21] =	ssyncadd.s32 $0xFFFFE000  }
0x35: {  	[spmem:s15] =	stream.linear.scatter [tilespmem:s20], [sflag:$0x5], $0x2000, $0x38;
	[tilespmem:$0x1E800] =	vst v63  }
0x36: {  	_ =	swait.ge [sflag:s21], $0x2000  }
0x37: {  	[sflag:s21] =	ssyncset.done $0x0  }
0x38: {  	s16 =	rddreg [dreg:$0x7];
	[sflag:s21] =	ssyncadd.s32 $0xFFFFE000  }
0x39: {  	[spmem:s16] =	stream.linear.scatter [tilespmem:s20], [sflag:$0x5], $0x2000, $0x38;
	[tilespmem:$0x1E800] =	vst v63  }
0x3a: {  	_ =	swait.ge [sflag:s21], $0x2000  }
0x3b: {  	[sflag:s21] =	ssyncset.done $0x0  }
0x3c: {  	s18 =	rddreg [dreg:$0x8];
	[sflag:s21] =	ssyncadd.s32 $0xFFFFE000  }
0x3d: {  	[spmem:s18] =	stream.linear.scatter [tilespmem:s20], [sflag:$0x5], $0x2000, $0x38;
	[tilespmem:$0x1E800] =	vst v63  }
0x3e: {  	_ =	swait.ge [sflag:s21], $0x2000  }
0x3f: {  	[sflag:s21] =	ssyncset.done $0x0  }
0x40: {  	s14 =	rddreg [dreg:$0x9];
	[sflag:s21] =	ssyncadd.s32 $0xFFFFE000  }
0x41: {  	[spmem:s14] =	stream.linear.scatter [tilespmem:s20], [sflag:$0x5], $0x2000, $0x38;
	[tilespmem:$0x1E800] =	vst v63  }
0x42: {  	_ =	swait.ge [sflag:s21], $0x2000  }
0x43: {  	[sflag:s21] =	ssyncset.done $0x0  }
0x44: {  	s15 =	rddreg [dreg:$0xa];
	[sflag:s21] =	ssyncadd.s32 $0xFFFFE000  }
0x45: {  	[spmem:s15] =	stream.linear.scatter [tilespmem:s20], [sflag:$0x5], $0x2000, $0x38;
	[tilespmem:$0x1E800] =	vst v63  }
0x46: {  	_ =	swait.ge [sflag:s21], $0x2000  }
0x47: {  	[sflag:s21] =	ssyncset.done $0x0  }
0x48: {  	s16 =	rddreg [dreg:$0xb];
	[sflag:s21] =	ssyncadd.s32 $0xFFFFE000  }
0x49: {  	[spmem:s16] =	stream.linear.scatter [tilespmem:s20], [sflag:$0x5], $0x2000, $0x38;
	[tilespmem:$0x1E800] =	vst v63  }
0x4a: {  	_ =	swait.ge [sflag:s21], $0x2000  }
0x4b: {  	[sflag:s21] =	ssyncset.done $0x0  }
0x4c: {  	s18 =	rddreg [dreg:$0xc];
	[sflag:s21] =	ssyncadd.s32 $0xFFFFE000  }
0x4d: {  	[spmem:s18] =	stream.linear.scatter [tilespmem:s20], [sflag:$0x5], $0x2000, $0x38;
	[tilespmem:$0x1E800] =	vst v63  }
0x4e: {  	_ =	swait.ge [sflag:s21], $0x2000  }
0x4f: {  	[sflag:s21] =	ssyncset.done $0x0  }
0x50: {  	[sflag:s21] =	ssyncadd.s32 $0xFFFFE000  }
0x51: {  	s13 =	simm.s32 $0x0;
	s14 =	simm.s32 $0x0;
	[bflag:$0x0] =	sbarrier.arrive $0xFFFF  }
.LBB2_4:
0x52: {  	s15 =	smul.u32 $0x1400, s14;
	_ =	sdelay $0x1  }
0x53: {  	s15 =	sadd.s32 s17, s15  }
0x54: {  	s15 =	sshrl.u32 s15, $0x3  }
0x55: {  	s16 =	sadd.s32 s5, s15  }
0x56: {  	[tilespmem:s13], [sflag:$0x5] =	stream.linear.gather [hbm4b:s16+s13], $0x1400, $0x38;
	[tilespmem:$0x1E800] =	vst v63  }
0x57: {  	_ =	swait.ge [sflag:s21], $0x1400  }
0x58: {  	[sflag:s21] =	ssyncset.done $0x0  }
0x59: {  	s15 =	sadd.s32 s6, s15;
	[sflag:s21] =	ssyncadd.s32 $0xFFFFEC00  }
0x5a: {  	[tilespmem:s22], [sflag:$0x5] =	stream.linear.gather [hbm4b:s15+s13], $0x1400, $0x38;
	[tilespmem:$0x1E800] =	vst v63  }
0x5b: {  	_ =	swait.ge [sflag:s21], $0x1400  }
0x5c: {  	[sflag:s21] =	ssyncset.done $0x0  }
0x5d: {  	[sflag:s21] =	ssyncadd.s32 $0xFFFFEC00  }
0x5e: {  	[tilespmem:s20], [sflag:$0x1] =	stream.indirect.gather [hbm4b:s0+s23], $0x80, s13, s23, $0xb8;
	[tilespmem:$0x1E800] =	vst v63  }
0x5f: {  	_ = 	snop  }
0x60: {  	[tilespmem:s25], [sflag:$0x2] =	stream.indirect.gather [hbm4b:s0+s23], $0x80, s24, s23, $0xb8;
	[tilespmem:$0x1E800] =	vst v63  }
0x61: {  	_ = 	snop  }
0x62: {  	[tilespmem:s28], [sflag:$0x3] =	stream.indirect.gather [hbm4b:s0+s23], $0x80, s26, s23, $0xb8;
	[tilespmem:$0x1E800] =	vst v63  }
0x63: {  	_ = 	snop  }
0x64: {  	[tilespmem:s30], [sflag:$0x4] =	stream.indirect.gather [hbm4b:s0+s23], $0x80, s29, s23, $0xb8;
	[tilespmem:$0x1E800] =	vst v63  }
0x65: {  	_ =	swait.ge [sflag:s31], $0x2000  }
0x66: {  	[sflag:s31] =	ssyncset.done $0x0  }
0x67: {  	s18 =	simm.s32 $0x1400;
	[sflag:s31] =	ssyncadd.s32 $0xFFFFE000  }
0x68: {  	[spmem:s3] =	stream.indirect.scatter.add.f32 [tilespmem:s20], [sflag:$0x5], $0x80, s18, s23, $0xb8;
	[tilespmem:$0x1E800] =	vst v63  }
0x69: {  	_ =	swait.ge [sflag:s21], $0x2000  }
0x6a: {  	[sflag:s21] =	ssyncset.done $0x0  }
0x6b: {  	s16 =	simm.s32 $0x200;
	[sflag:s21] =	ssyncadd.s32 $0xFFFFE000  }
0x6c: {  	[tilespmem:s20], [sflag:$0x1] =	stream.indirect.gather [hbm4b:s0+s23], $0x80, s16, s23, $0xb8;
	[tilespmem:$0x1E800] =	vst v63  }
0x6d: {  	_ =	swait.ge [sflag:s1], $0x2000  }
0x6e: {  	[sflag:s1] =	ssyncset.done $0x0  }
0x6f: {  	s18 =	simm.s32 $0x1480;
	[sflag:s1] =	ssyncadd.s32 $0xFFFFE000  }
0x70: {  	[spmem:s3] =	stream.indirect.scatter.add.f32 [tilespmem:s25], [sflag:$0x5], $0x80, s18, s23, $0xb8;
	[tilespmem:$0x1E800] =	vst v63  }
0x71: {  	_ =	swait.ge [sflag:s21], $0x2000  }
0x72: {  	[sflag:s21] =	ssyncset.done $0x0  }
0x73: {  	s16 =	simm.s32 $0x280;
	[sflag:s21] =	ssyncadd.s32 $0xFFFFE000  }
0x74: {  	[tilespmem:s25], [sflag:$0x2] =	stream.indirect.gather [hbm4b:s0+s23], $0x80, s16, s23, $0xb8;
	[tilespmem:$0x1E800] =	vst v63  }
0x75: {  	_ =	swait.ge [sflag:s2], $0x2000  }
0x76: {  	[sflag:s2] =	ssyncset.done $0x0  }
0x77: {  	s18 =	simm.s32 $0x1500;
	[sflag:s2] =	ssyncadd.s32 $0xFFFFE000  }
0x78: {  	[spmem:s3] =	stream.indirect.scatter.add.f32 [tilespmem:s28], [sflag:$0x5], $0x80, s18, s23, $0xb8;
	[tilespmem:$0x1E800] =	vst v63  }
0x79: {  	_ =	swait.ge [sflag:s21], $0x2000  }
0x7a: {  	[sflag:s21] =	ssyncset.done $0x0  }
0x7b: {  	s16 =	simm.s32 $0x300;
	[sflag:s21] =	ssyncadd.s32 $0xFFFFE000  }
0x7c: {  	[tilespmem:s28], [sflag:$0x3] =	stream.indirect.gather [hbm4b:s0+s23], $0x80, s16, s23, $0xb8;
	[tilespmem:$0x1E800] =	vst v63  }
0x7d: {  	_ =	swait.ge [sflag:s8], $0x2000  }
0x7e: {  	[sflag:s8] =	ssyncset.done $0x0  }
0x7f: {  	s18 =	simm.s32 $0x1580;
	[sflag:s8] =	ssyncadd.s32 $0xFFFFE000  }
0x80: {  	[spmem:s3] =	stream.indirect.scatter.add.f32 [tilespmem:s30], [sflag:$0x5], $0x80, s18, s23, $0xb8;
	[tilespmem:$0x1E800] =	vst v63  }
0x81: {  	_ =	swait.ge [sflag:s21], $0x2000  }
0x82: {  	[sflag:s21] =	ssyncset.done $0x0  }
0x83: {  	s15 =	simm.s32 $0x800;
	s16 =	simm.s32 $0x380;
	[sflag:s21] =	ssyncadd.s32 $0xFFFFE000  }
.LBB2_5:
0x84: {  	[tilespmem:s30], [sflag:$0x4] =	stream.indirect.gather [hbm4b:s0+s23], $0x80, s16, s23, $0xb8;
	[tilespmem:$0x1E800] =	vst v63  }
0x85: {  	s16 =	smov.u32 s15  }
0x86: {  	p0 =	sne.s32 s15, $0x4000;
	s15 =	sadd.s32 $0x800, s15;
	_ =	swait.ge [sflag:s31], $0x2000  }
0x87: {  	s16 =	sshra.s32 s16, $0x2;
	[sflag:s31] =	ssyncset.done $0x0  }
0x88: {  	s18 =	sadd.s32 $0x1400, s16;
	[sflag:s31] =	ssyncadd.s32 $0xFFFFE000  }
0x89: {  	[spmem:s3] =	stream.indirect.scatter.add.f32 [tilespmem:s20], [sflag:$0x5], $0x80, s18, s23, $0xb8;
	[tilespmem:$0x1E800] =	vst v63  }
0x8a: {  	_ =	swait.ge [sflag:s21], $0x2000  }
0x8b: {  	[sflag:s21] =	ssyncset.done $0x0  }
0x8c: {  	s18 =	sadd.s32 $0x200, s16;
	[sflag:s21] =	ssyncadd.s32 $0xFFFFE000  }
0x8d: {  	[tilespmem:s20], [sflag:$0x1] =	stream.indirect.gather [hbm4b:s0+s23], $0x80, s18, s23, $0xb8;
	[tilespmem:$0x1E800] =	vst v63  }
0x8e: {  	_ =	swait.ge [sflag:s1], $0x2000  }
0x8f: {  	[sflag:s1] =	ssyncset.done $0x0  }
0x90: {  	s18 =	sadd.s32 $0x1480, s16;
	[sflag:s1] =	ssyncadd.s32 $0xFFFFE000  }
0x91: {  	[spmem:s3] =	stream.indirect.scatter.add.f32 [tilespmem:s25], [sflag:$0x5], $0x80, s18, s23, $0xb8;
	[tilespmem:$0x1E800] =	vst v63  }
0x92: {  	_ =	swait.ge [sflag:s21], $0x2000  }
0x93: {  	[sflag:s21] =	ssyncset.done $0x0  }
0x94: {  	s18 =	sadd.s32 $0x280, s16;
	[sflag:s21] =	ssyncadd.s32 $0xFFFFE000  }
0x95: {  	[tilespmem:s25], [sflag:$0x2] =	stream.indirect.gather [hbm4b:s0+s23], $0x80, s18, s23, $0xb8;
	[tilespmem:$0x1E800] =	vst v63  }
0x96: {  	_ =	swait.ge [sflag:s2], $0x2000  }
0x97: {  	[sflag:s2] =	ssyncset.done $0x0  }
0x98: {  	s18 =	sadd.s32 $0x1500, s16;
	[sflag:s2] =	ssyncadd.s32 $0xFFFFE000  }
0x99: {  	[spmem:s3] =	stream.indirect.scatter.add.f32 [tilespmem:s28], [sflag:$0x5], $0x80, s18, s23, $0xb8;
	[tilespmem:$0x1E800] =	vst v63  }
0x9a: {  	_ =	swait.ge [sflag:s21], $0x2000  }
0x9b: {  	[sflag:s21] =	ssyncset.done $0x0  }
0x9c: {  	s18 =	sadd.s32 $0x300, s16;
	[sflag:s21] =	ssyncadd.s32 $0xFFFFE000  }
0x9d: {  	[tilespmem:s28], [sflag:$0x3] =	stream.indirect.gather [hbm4b:s0+s23], $0x80, s18, s23, $0xb8;
	[tilespmem:$0x1E800] =	vst v63  }
0x9e: {  	_ =	swait.ge [sflag:s8], $0x2000  }
0x9f: {  	[sflag:s8] =	ssyncset.done $0x0  }
.Ltmp1:
0xa0: {  	s18 =	sadd.s32 $0x1580, s16;
	[sflag:s8] =	ssyncadd.s32 $0xFFFFE000;
	(pc) =	sbr.rel @p0 .LBB2_5-.Ltmp1, $4  }
0xa1: {  	[spmem:s3] =	stream.indirect.scatter.add.f32 [tilespmem:s30], [sflag:$0x5], $0x80, s18, s23, $0xb8;
	[tilespmem:$0x1E800] =	vst v63  }
0xa2: {  	_ =	swait.ge [sflag:s21], $0x2000  }
0xa3: {  	[sflag:s21] =	ssyncset.done $0x0  }
0xa4: {  	s16 =	sadd.s32 $0x380, s16;
	[sflag:s21] =	ssyncadd.s32 $0xFFFFE000  }
0xa5: {  	[tilespmem:s30], [sflag:$0x4] =	stream.indirect.gather [hbm4b:s0+s23], $0x80, s16, s23, $0xb8;
	[tilespmem:$0x1E800] =	vst v63  }
0xa6: {  	_ =	swait.ge [sflag:s31], $0x2000  }
0xa7: {  	[sflag:s31] =	ssyncset.done $0x0  }
0xa8: {  	[sflag:s31] =	ssyncadd.s32 $0xFFFFE000  }
0xa9: {  	[spmem:s3] =	stream.indirect.scatter.add.f32 [tilespmem:s20], [sflag:$0x5], $0x80, s9, s23, $0xb8;
	[tilespmem:$0x1E800] =	vst v63  }
0xaa: {  	_ =	swait.ge [sflag:s21], $0x2000  }
0xab: {  	[sflag:s21] =	ssyncset.done $0x0  }
0xac: {  	[sflag:s21] =	ssyncadd.s32 $0xFFFFE000  }
0xad: {  	_ =	swait.ge [sflag:s1], $0x2000  }
0xae: {  	[sflag:s1] =	ssyncset.done $0x0  }
0xaf: {  	[sflag:s1] =	ssyncadd.s32 $0xFFFFE000  }
0xb0: {  	[spmem:s3] =	stream.indirect.scatter.add.f32 [tilespmem:s25], [sflag:$0x5], $0x80, s10, s23, $0xb8;
	[tilespmem:$0x1E800] =	vst v63  }
0xb1: {  	_ =	swait.ge [sflag:s21], $0x2000  }
0xb2: {  	[sflag:s21] =	ssyncset.done $0x0  }
0xb3: {  	[sflag:s21] =	ssyncadd.s32 $0xFFFFE000  }
0xb4: {  	_ =	swait.ge [sflag:s2], $0x2000  }
0xb5: {  	[sflag:s2] =	ssyncset.done $0x0  }
0xb6: {  	[sflag:s2] =	ssyncadd.s32 $0xFFFFE000  }
0xb7: {  	[spmem:s3] =	stream.indirect.scatter.add.f32 [tilespmem:s28], [sflag:$0x5], $0x80, s11, s23, $0xb8;
	[tilespmem:$0x1E800] =	vst v63  }
0xb8: {  	_ =	swait.ge [sflag:s21], $0x2000  }
0xb9: {  	[sflag:s21] =	ssyncset.done $0x0  }
0xba: {  	[sflag:s21] =	ssyncadd.s32 $0xFFFFE000  }
0xbb: {  	s14 =	sadd.s32 $0x1, s14;
	_ =	swait.ge [sflag:s8], $0x2000  }
0xbc: {  	p0 =	sne.s32 s14, $0x4;
	[sflag:s8] =	ssyncset.done $0x0  }
.Ltmp2:
0xbd: {  	[sflag:s8] =	ssyncadd.s32 $0xFFFFE000;
	(pc) =	sbr.rel @p0 .LBB2_4-.Ltmp2, $4  }
0xbe: {  	[spmem:s3] =	stream.indirect.scatter.add.f32 [tilespmem:s30], [sflag:$0x5], $0x80, s12, s23, $0xb8;
	[tilespmem:$0x1E800] =	vst v63  }
0xbf: {  	_ =	swait.ge [sflag:s21], $0x2000  }
0xc0: {  	[sflag:s21] =	ssyncset.done $0x0  }
0xc1: {  	[sflag:s21] =	ssyncadd.s32 $0xFFFFE000  }
0xc2: {  	s13 =	stileid.u32;
	[bflag:$0x0] =	sbarrier.arrive $0xFFFF;
	s4 =	sadd.s32 $0x1, s4  }
0xc3: {  	s14 =	sshrl.u32 s7, $0x3;
	s13 =	sshll.u32 s13, $0x6;
	p0 =	sne.s32 s4, s19  }
.Ltmp3:
0xc4: {  	s15 =	rddreg [dreg:$0xd];
	s13 =	sor.u32 $0x1C05, s13;
	(pc) =	sbr.rel @p0 .LBB2_1-.Ltmp3, $4  }
0xc5: {  	[hbm:s15], [sflag:s13] =	dma.local [spmem:s14], $0x2800  }
0xc6: {  	_ =	swait.ge [sflag:s21], $0x2800  }
0xc7: {  	[sflag:s21] =	ssyncset.done $0x0  }
0xc8: {  	[sflag:s21] =	ssyncadd.s32 $0xFFFFD800  }
0xc9: {  	_ =	sfence.sel $0x180000  }
0xca: {  	[bflag:$0x0] =	sbarrier.arrive $0xFFFF  }
0xcb: {  	_ =	strace $0x90000050  }
0xcc: {  	s0 =	stileid.u32;
	[bflag:$0x2] =	sbarrier.arrive $0xFFFF  }
0xcd: {  	p0 =	sne.s32 s0, $0x0;
	s0 =	rddreg [dreg:$0x3]  }
0xce: {  	s0 =	sadd.s32 @!p0 $0x100000, s0  }
0xcf: {  	[sflag:s0] =	ssyncadd.tile.s32 @!p0 $0x1;
	_ =	shalt  }
.Lfunc_end2:
_tile_overlayer_lowered:
.L_overlay_start_2:
0xd0: {  	(tag) =	ssettag $0x2  }
0xd1: {  	s0 =	rddreg [dreg:$0x0];
	s2 =	stileid.u32  }
0xd2: {  	s1 =	rddreg [dreg:$0x1];
	p0 =	sne.s32 s2, $0x0  }
0xd3: {  	s3 =	rddreg [dreg:$0x2];
	[bflag:$0x3] =	sbarrier.arrive $0xFFFF;
	s2 =	simm.s32 @!p0 $0x1C05  }
0xd4: {  	[timem:s3], [sflag:s2] =	dma.local @!p0 [hbm:s0], s1  }
0xd5: {  	s0 =	simm.s32 @!p0 $0x5  }
0xd6: {  	_ =	swait.ge @!p0 [sflag:s0], s1  }
0xd7: {  	s1 =	ssub.s32 @!p0 $0x0, s1;
	[sflag:s0] =	ssyncset.done @!p0 $0x0  }
0xd8: {  	[sflag:s0] =	ssyncadd.s32 @!p0 s1  }
0xd9: {  	[bflag:$0x3] =	sbarrier.arrive $0xFFFF  }
0xda: {  	_ =	shalt  }

</sc_bundles>
